<compile_context>
chip_gen: v7x
topology: tpu7x:2x2x1
jax: 0.10.2.dev20260603
libtpu: 0.0.44.dev20260713+nightly
codegen_flags: <defaults>
</compile_context>

<pallas_src>
import jax
import jax.numpy as jnp
from jax import lax
from jax.experimental import pallas as pl
from jax.experimental.pallas import tpu as pltpu
from jax.experimental.pallas import tpu_sc as plsc

D = 64
C = 128
NC = 2
NS = 16
NW = NC * NS
NBUF = 5
HIST = 50
BATCH = 16384
ITEMS = HIST * (BATCH // C)
IPW = ITEMS // NW
NG = IPW // NBUF
TP = C + 1


def _emb_body(idxt_hbm, tab_hbm, out_hbm, idx_v, g_v, t_v, gsems, osems):
    wid = lax.axis_index("s") * NC + lax.axis_index("c")
    base = wid * IPW
    pltpu.sync_copy(idxt_hbm.at[wid], idx_v)

    def gather(jl, b):
        return pltpu.make_async_copy(
            tab_hbm.at[idx_v.at[jl]], g_v.at[b], gsems.at[b])

    def outcopy(jl, b):
        t = base + jl
        h = t // C
        tb = t % C
        return pltpu.make_async_copy(
            t_v.at[b, pl.ds(0, 8), pl.ds(0, 8), pl.ds(0, C)],
            out_hbm.at[h, pl.ds(0, 8), tb], osems.at[b])

    iota16 = lax.iota(jnp.int32, 16)

    def transpose(b):
        t3 = t_v.at[b]

        @plsc.parallel_loop(0, C, step=1, unroll=4)
        def _(sb):
            sbvec = jnp.zeros((16,), jnp.int32) + sb
            for c in range(4):
                vec = g_v[b, sb, pl.ds(c * 16, 16)]
                plsc.store_scatter(
                    t3, [(iota16 + 16 * c) // 8, (iota16 + 16 * c) % 8,
                         sbvec], vec)

    for b in range(NBUF):
        gather(b, b).start()

    def group(g, carry):
        for b in range(NBUF):
            jl = g * NBUF + b
            gather(jl, b).wait()

            @pl.when(g > 0)
            def _():
                outcopy(jl - NBUF, b).wait()

            transpose(b)

            @pl.when(jl + NBUF < IPW)
            def _():
                gather(jl + NBUF, b).start()

            outcopy(jl, b).start()
        return carry

    lax.fori_loop(0, NG, group, 0)

    last = (NG - 1) * NBUF
    for b in range(NBUF):
        outcopy(last + b, b).wait()


def kernel(input_, weight):
    bsz, hist = input_.shape
    nb = bsz // C
    idxt = input_.T.astype(jnp.int32).reshape(NW, IPW, C)
    mesh = plsc.VectorSubcoreMesh(core_axis_name="c", subcore_axis_name="s")
    k = pl.kernel(
        _emb_body,
        mesh=mesh,
        out_type=jax.ShapeDtypeStruct((hist, 8, nb, 8, C), jnp.float32),
        scratch_types=[
            pltpu.VMEM((IPW, C), jnp.int32),
            pltpu.VMEM((NBUF, C, D), jnp.float32),
            pltpu.VMEM((NBUF, 8, 8, TP), jnp.float32),
            pltpu.SemaphoreType.DMA((NBUF,)),
            pltpu.SemaphoreType.DMA((NBUF,)),
        ],
        compiler_params=pltpu.CompilerParams(
            use_tc_tiling_on_sc=False, needs_layout_passes=False),
    )
    out = k(idxt, weight)
    return out.transpose(2, 4, 0, 1, 3).reshape(bsz, hist, D)

# --- scband reference (transcript-rebuilt; emitter-appended) ---
"""Pipeline reference for scband-vocab-parallel-embedding-89395449299592 (READ-ONLY COPY).

The authoritative reference and input builder live on the scoring server;
editing this copy changes nothing except your own understanding.
"""

import jax, jax.numpy as jnp
import numpy as np

NUM_EMBEDDINGS = 1000000
EMBEDDING_DIM = 64
BATCH = 16384
HIST = 50

def setup_inputs(seed: int = 0) -> dict:
    key = jax.random.key(seed)
    k_idx, k_w = jax.random.split(key)
    input_ = jax.random.randint(k_idx, (BATCH, HIST), 0, NUM_EMBEDDINGS, dtype=jnp.int64 if jax.config.jax_enable_x64 else jnp.int32)
    # xavier_normal_ on [num_embeddings, embedding_dim]
    std = float(np.sqrt(2.0 / (NUM_EMBEDDINGS + EMBEDDING_DIM)))
    weight = jax.random.normal(k_w, (NUM_EMBEDDINGS, EMBEDDING_DIM), dtype=jnp.float32) * std
    return {"input_": input_, "weight": weight}

def reference(input_, weight):
    # world_size == 1 path: plain embedding lookup (gather rows)
    output = jnp.take(weight, input_, axis=0)
    return output

if __name__ == "__main__":
    import jax
    _d = setup_inputs()
    print(jax.jit(kernel)(*tuple(_d.values())))

</pallas_src>

<mosaic_0001>
#map = affine_map<(d0, d1) -> (0, 0, 0)>
#map1 = affine_map<(d0, d1) -> (0, 0)>
#map2 = affine_map<(d0, d1) -> (0, 0, 0, 0, 0)>
module attributes {stable_mosaic.version = 14 : i64} {
  func.func @_emb_body(%arg0: i32, %arg1: i32, %arg2: memref<32x200x128xi32, #tpu.memory_space<hbm>>, %arg3: memref<1000000x64xf32, #tpu.memory_space<hbm>>, %arg4: memref<50x8x128x8x128xf32, #tpu.memory_space<hbm>>, %arg5: memref<200x128xi32, #tpu.memory_space<vmem>>, %arg6: memref<5x128x64xf32, #tpu.memory_space<vmem>>, %arg7: memref<5x8x8x129xf32, #tpu.memory_space<vmem>>, %arg8: memref<5x!tpu.dma_semaphore, #tpu.memory_space<semaphore_mem>>, %arg9: memref<5x!tpu.dma_semaphore, #tpu.memory_space<semaphore_mem>>) attributes {dimension_semantics = [#tpu.dimension_semantics<core_parallel>, #tpu.dimension_semantics<subcore_parallel>], iteration_bounds = array<i64: 2, 16>, scalar_prefetch = 0 : i64, scratch_operands = 5 : i64, tpu.core_type = #tpu.core_type<sc_vector_subcore>, window_params = [{transform_indices = #map}, {transform_indices = #map1}, {transform_indices = #map2}]} {
    %mul3A = arith.constant 2 : i32
    %mul3A_0 = arith.muli %arg1, %mul3A : i32
    %add3A = arith.addi %mul3A_0, %arg0 : i32
    %mul3A_1 = arith.constant 200 : i32
    %mul3A_2 = arith.muli %add3A, %mul3A_1 : i32
    "tpu.region"() ({
      %run_scoped3A = tpu.sem_alloc : memref<!tpu.dma_semaphore, #tpu.memory_space<semaphore_mem>>
      %dma_start3A_401 = arith.constant 0 : i32
      %dma_start3A_402 = arith.constant 0 : i32
      %dma_start3A_403 = tpu.memref_slice %arg2[%add3A, %dma_start3A_401, %dma_start3A_402] : memref<32x200x128xi32, #tpu.memory_space<hbm>> -> memref<1x200x128xi32, #tpu.memory_space<hbm>>
      %dma_start3A_404 = tpu.memref_squeeze %dma_start3A_403 : memref<1x200x128xi32, #tpu.memory_space<hbm>> -> memref<200x128xi32, #tpu.memory_space<hbm>>
      %dma_start3A_405 = arith.constant 0 : i32
      %dma_start3A_406 = arith.constant 0 : i32
      %dma_start3A_407 = tpu.memref_slice %arg2[%add3A, %dma_start3A_405, %dma_start3A_406] : memref<32x200x128xi32, #tpu.memory_space<hbm>> -> memref<1x200x128xi32, #tpu.memory_space<hbm>>
      %dma_start3A_408 = tpu.memref_squeeze %dma_start3A_407 : memref<1x200x128xi32, #tpu.memory_space<hbm>> -> memref<200x128xi32, #tpu.memory_space<hbm>>
      tpu.enqueue_dma source(%dma_start3A_408 : memref<200x128xi32, #tpu.memory_space<hbm>>) target(%arg5 : memref<200x128xi32, #tpu.memory_space<vmem>>) target_semaphore(%run_scoped3A : memref<!tpu.dma_semaphore, #tpu.memory_space<semaphore_mem>>)
      %dma_wait3A_409 = arith.constant 0 : i32
      %dma_wait3A_410 = arith.constant 0 : i32
      %dma_wait3A_411 = tpu.memref_slice %arg2[%add3A, %dma_wait3A_409, %dma_wait3A_410] : memref<32x200x128xi32, #tpu.memory_space<hbm>> -> memref<1x200x128xi32, #tpu.memory_space<hbm>>
      %dma_wait3A_412 = tpu.memref_squeeze %dma_wait3A_411 : memref<1x200x128xi32, #tpu.memory_space<hbm>> -> memref<200x128xi32, #tpu.memory_space<hbm>>
      %dma_wait3A_413 = arith.constant 0 : i32
      %dma_wait3A_414 = arith.constant 0 : i32
      %dma_wait3A_415 = tpu.memref_slice %arg2[%add3A, %dma_wait3A_413, %dma_wait3A_414] : memref<32x200x128xi32, #tpu.memory_space<hbm>> -> memref<1x200x128xi32, #tpu.memory_space<hbm>>
      %dma_wait3A_416 = tpu.memref_squeeze %dma_wait3A_415 : memref<1x200x128xi32, #tpu.memory_space<hbm>> -> memref<200x128xi32, #tpu.memory_space<hbm>>
      tpu.wait_dma2 semaphore(%run_scoped3A : memref<!tpu.dma_semaphore, #tpu.memory_space<semaphore_mem>>) src(%dma_wait3A_416 : memref<200x128xi32, #tpu.memory_space<hbm>>) dst(%arg5 : memref<200x128xi32, #tpu.memory_space<vmem>>)
      tpu.yield
    }) : () -> ()
    %iota3A = tpu.iota {dimensions = array<i32: 0>} : vector<16xi32>
    %dma_start3A = arith.constant 0 : i32
    %dma_start3A_3 = arith.constant 0 : i32
    %dma_start3A_4 = arith.constant 0 : i32
    %dma_start3A_5 = arith.constant 0 : i32
    %dma_start3A_6 = arith.constant 0 : i32
    %dma_start3A_7 = tpu.memref_slice %arg6[%dma_start3A_3, %dma_start3A_5, %dma_start3A_6] : memref<5x128x64xf32, #tpu.memory_space<vmem>> -> memref<1x128x64xf32, #tpu.memory_space<vmem>>
    %dma_start3A_8 = tpu.memref_squeeze %dma_start3A_7 : memref<1x128x64xf32, #tpu.memory_space<vmem>> -> memref<128x64xf32, #tpu.memory_space<vmem>>
    %dma_start3A_9 = arith.constant 0 : i32
    %dma_start3A_10 = tpu.memref_slice %arg5[%dma_start3A, %dma_start3A_9] : memref<200x128xi32, #tpu.memory_space<vmem>> -> memref<1x128xi32, #tpu.memory_space<vmem>>
    %dma_start3A_11 = tpu.memref_squeeze %dma_start3A_10 : memref<1x128xi32, #tpu.memory_space<vmem>> -> memref<128xi32, #tpu.memory_space<vmem>>
    %dma_start3A_12 = arith.constant 0 : i32
    %dma_start3A_13 = arith.constant 0 : i32
    %dma_start3A_14 = tpu.memref_slice %arg3[%dma_start3A_12, %dma_start3A_13] : memref<1000000x64xf32, #tpu.memory_space<hbm>> -> memref<1000000x64xf32, #tpu.memory_space<hbm>>
    %dma_start3A_15 = tpu.memref_slice %arg8[%dma_start3A_4] : memref<5x!tpu.dma_semaphore, #tpu.memory_space<semaphore_mem>> -> memref<1x!tpu.dma_semaphore, #tpu.memory_space<semaphore_mem>>
    %dma_start3A_16 = tpu.memref_squeeze %dma_start3A_15 : memref<1x!tpu.dma_semaphore, #tpu.memory_space<semaphore_mem>> -> memref<!tpu.dma_semaphore, #tpu.memory_space<semaphore_mem>>
    tpu.enqueue_indirect_dma source(%dma_start3A_14 : memref<1000000x64xf32, #tpu.memory_space<hbm>>) target(%dma_start3A_8 : memref<128x64xf32, #tpu.memory_space<vmem>>) offsets(%dma_start3A_11 : memref<128xi32, #tpu.memory_space<vmem>>) semaphore(%dma_start3A_16 : memref<!tpu.dma_semaphore, #tpu.memory_space<semaphore_mem>>)
    %dma_start3A_17 = arith.constant 1 : i32
    %dma_start3A_18 = arith.constant 1 : i32
    %dma_start3A_19 = arith.constant 1 : i32
    %dma_start3A_20 = arith.constant 0 : i32
    %dma_start3A_21 = arith.constant 0 : i32
    %dma_start3A_22 = tpu.memref_slice %arg6[%dma_start3A_18, %dma_start3A_20, %dma_start3A_21] : memref<5x128x64xf32, #tpu.memory_space<vmem>> -> memref<1x128x64xf32, #tpu.memory_space<vmem>>
    %dma_start3A_23 = tpu.memref_squeeze %dma_start3A_22 : memref<1x128x64xf32, #tpu.memory_space<vmem>> -> memref<128x64xf32, #tpu.memory_space<vmem>>
    %dma_start3A_24 = arith.constant 0 : i32
    %dma_start3A_25 = tpu.memref_slice %arg5[%dma_start3A_17, %dma_start3A_24] : memref<200x128xi32, #tpu.memory_space<vmem>> -> memref<1x128xi32, #tpu.memory_space<vmem>>
    %dma_start3A_26 = tpu.memref_squeeze %dma_start3A_25 : memref<1x128xi32, #tpu.memory_space<vmem>> -> memref<128xi32, #tpu.memory_space<vmem>>
    %dma_start3A_27 = arith.constant 0 : i32
    %dma_start3A_28 = arith.constant 0 : i32
    %dma_start3A_29 = tpu.memref_slice %arg3[%dma_start3A_27, %dma_start3A_28] : memref<1000000x64xf32, #tpu.memory_space<hbm>> -> memref<1000000x64xf32, #tpu.memory_space<hbm>>
    %dma_start3A_30 = tpu.memref_slice %arg8[%dma_start3A_19] : memref<5x!tpu.dma_semaphore, #tpu.memory_space<semaphore_mem>> -> memref<1x!tpu.dma_semaphore, #tpu.memory_space<semaphore_mem>>
    %dma_start3A_31 = tpu.memref_squeeze %dma_start3A_30 : memref<1x!tpu.dma_semaphore, #tpu.memory_space<semaphore_mem>> -> memref<!tpu.dma_semaphore, #tpu.memory_space<semaphore_mem>>
    tpu.enqueue_indirect_dma source(%dma_start3A_29 : memref<1000000x64xf32, #tpu.memory_space<hbm>>) target(%dma_start3A_23 : memref<128x64xf32, #tpu.memory_space<vmem>>) offsets(%dma_start3A_26 : memref<128xi32, #tpu.memory_space<vmem>>) semaphore(%dma_start3A_31 : memref<!tpu.dma_semaphore, #tpu.memory_space<semaphore_mem>>)
    %dma_start3A_32 = arith.constant 2 : i32
    %dma_start3A_33 = arith.constant 2 : i32
    %dma_start3A_34 = arith.constant 2 : i32
    %dma_start3A_35 = arith.constant 0 : i32
    %dma_start3A_36 = arith.constant 0 : i32
    %dma_start3A_37 = tpu.memref_slice %arg6[%dma_start3A_33, %dma_start3A_35, %dma_start3A_36] : memref<5x128x64xf32, #tpu.memory_space<vmem>> -> memref<1x128x64xf32, #tpu.memory_space<vmem>>
    %dma_start3A_38 = tpu.memref_squeeze %dma_start3A_37 : memref<1x128x64xf32, #tpu.memory_space<vmem>> -> memref<128x64xf32, #tpu.memory_space<vmem>>
    %dma_start3A_39 = arith.constant 0 : i32
    %dma_start3A_40 = tpu.memref_slice %arg5[%dma_start3A_32, %dma_start3A_39] : memref<200x128xi32, #tpu.memory_space<vmem>> -> memref<1x128xi32, #tpu.memory_space<vmem>>
    %dma_start3A_41 = tpu.memref_squeeze %dma_start3A_40 : memref<1x128xi32, #tpu.memory_space<vmem>> -> memref<128xi32, #tpu.memory_space<vmem>>
    %dma_start3A_42 = arith.constant 0 : i32
    %dma_start3A_43 = arith.constant 0 : i32
    %dma_start3A_44 = tpu.memref_slice %arg3[%dma_start3A_42, %dma_start3A_43] : memref<1000000x64xf32, #tpu.memory_space<hbm>> -> memref<1000000x64xf32, #tpu.memory_space<hbm>>
    %dma_start3A_45 = tpu.memref_slice %arg8[%dma_start3A_34] : memref<5x!tpu.dma_semaphore, #tpu.memory_space<semaphore_mem>> -> memref<1x!tpu.dma_semaphore, #tpu.memory_space<semaphore_mem>>
    %dma_start3A_46 = tpu.memref_squeeze %dma_start3A_45 : memref<1x!tpu.dma_semaphore, #tpu.memory_space<semaphore_mem>> -> memref<!tpu.dma_semaphore, #tpu.memory_space<semaphore_mem>>
    tpu.enqueue_indirect_dma source(%dma_start3A_44 : memref<1000000x64xf32, #tpu.memory_space<hbm>>) target(%dma_start3A_38 : memref<128x64xf32, #tpu.memory_space<vmem>>) offsets(%dma_start3A_41 : memref<128xi32, #tpu.memory_space<vmem>>) semaphore(%dma_start3A_46 : memref<!tpu.dma_semaphore, #tpu.memory_space<semaphore_mem>>)
    %dma_start3A_47 = arith.constant 3 : i32
    %dma_start3A_48 = arith.constant 3 : i32
    %dma_start3A_49 = arith.constant 3 : i32
    %dma_start3A_50 = arith.constant 0 : i32
    %dma_start3A_51 = arith.constant 0 : i32
    %dma_start3A_52 = tpu.memref_slice %arg6[%dma_start3A_48, %dma_start3A_50, %dma_start3A_51] : memref<5x128x64xf32, #tpu.memory_space<vmem>> -> memref<1x128x64xf32, #tpu.memory_space<vmem>>
    %dma_start3A_53 = tpu.memref_squeeze %dma_start3A_52 : memref<1x128x64xf32, #tpu.memory_space<vmem>> -> memref<128x64xf32, #tpu.memory_space<vmem>>
    %dma_start3A_54 = arith.constant 0 : i32
    %dma_start3A_55 = tpu.memref_slice %arg5[%dma_start3A_47, %dma_start3A_54] : memref<200x128xi32, #tpu.memory_space<vmem>> -> memref<1x128xi32, #tpu.memory_space<vmem>>
    %dma_start3A_56 = tpu.memref_squeeze %dma_start3A_55 : memref<1x128xi32, #tpu.memory_space<vmem>> -> memref<128xi32, #tpu.memory_space<vmem>>
    %dma_start3A_57 = arith.constant 0 : i32
    %dma_start3A_58 = arith.constant 0 : i32
    %dma_start3A_59 = tpu.memref_slice %arg3[%dma_start3A_57, %dma_start3A_58] : memref<1000000x64xf32, #tpu.memory_space<hbm>> -> memref<1000000x64xf32, #tpu.memory_space<hbm>>
    %dma_start3A_60 = tpu.memref_slice %arg8[%dma_start3A_49] : memref<5x!tpu.dma_semaphore, #tpu.memory_space<semaphore_mem>> -> memref<1x!tpu.dma_semaphore, #tpu.memory_space<semaphore_mem>>
    %dma_start3A_61 = tpu.memref_squeeze %dma_start3A_60 : memref<1x!tpu.dma_semaphore, #tpu.memory_space<semaphore_mem>> -> memref<!tpu.dma_semaphore, #tpu.memory_space<semaphore_mem>>
    tpu.enqueue_indirect_dma source(%dma_start3A_59 : memref<1000000x64xf32, #tpu.memory_space<hbm>>) target(%dma_start3A_53 : memref<128x64xf32, #tpu.memory_space<vmem>>) offsets(%dma_start3A_56 : memref<128xi32, #tpu.memory_space<vmem>>) semaphore(%dma_start3A_61 : memref<!tpu.dma_semaphore, #tpu.memory_space<semaphore_mem>>)
    %dma_start3A_62 = arith.constant 4 : i32
    %dma_start3A_63 = arith.constant 4 : i32
    %dma_start3A_64 = arith.constant 4 : i32
    %dma_start3A_65 = arith.constant 0 : i32
    %dma_start3A_66 = arith.constant 0 : i32
    %dma_start3A_67 = tpu.memref_slice %arg6[%dma_start3A_63, %dma_start3A_65, %dma_start3A_66] : memref<5x128x64xf32, #tpu.memory_space<vmem>> -> memref<1x128x64xf32, #tpu.memory_space<vmem>>
    %dma_start3A_68 = tpu.memref_squeeze %dma_start3A_67 : memref<1x128x64xf32, #tpu.memory_space<vmem>> -> memref<128x64xf32, #tpu.memory_space<vmem>>
    %dma_start3A_69 = arith.constant 0 : i32
    %dma_start3A_70 = tpu.memref_slice %arg5[%dma_start3A_62, %dma_start3A_69] : memref<200x128xi32, #tpu.memory_space<vmem>> -> memref<1x128xi32, #tpu.memory_space<vmem>>
    %dma_start3A_71 = tpu.memref_squeeze %dma_start3A_70 : memref<1x128xi32, #tpu.memory_space<vmem>> -> memref<128xi32, #tpu.memory_space<vmem>>
    %dma_start3A_72 = arith.constant 0 : i32
    %dma_start3A_73 = arith.constant 0 : i32
    %dma_start3A_74 = tpu.memref_slice %arg3[%dma_start3A_72, %dma_start3A_73] : memref<1000000x64xf32, #tpu.memory_space<hbm>> -> memref<1000000x64xf32, #tpu.memory_space<hbm>>
    %dma_start3A_75 = tpu.memref_slice %arg8[%dma_start3A_64] : memref<5x!tpu.dma_semaphore, #tpu.memory_space<semaphore_mem>> -> memref<1x!tpu.dma_semaphore, #tpu.memory_space<semaphore_mem>>
    %dma_start3A_76 = tpu.memref_squeeze %dma_start3A_75 : memref<1x!tpu.dma_semaphore, #tpu.memory_space<semaphore_mem>> -> memref<!tpu.dma_semaphore, #tpu.memory_space<semaphore_mem>>
    tpu.enqueue_indirect_dma source(%dma_start3A_74 : memref<1000000x64xf32, #tpu.memory_space<hbm>>) target(%dma_start3A_68 : memref<128x64xf32, #tpu.memory_space<vmem>>) offsets(%dma_start3A_71 : memref<128xi32, #tpu.memory_space<vmem>>) semaphore(%dma_start3A_76 : memref<!tpu.dma_semaphore, #tpu.memory_space<semaphore_mem>>)
    %scan3A = arith.constant 0 : i32
    %scan3A_77 = arith.constant 0 : i32
    %scan3A_78 = arith.constant 40 : i32
    %scan3A_79 = arith.addi %scan3A_77, %scan3A_78 : i32
    %scan3A_80 = arith.constant 1 : i32
    scf.for %scan3A_401 = %scan3A_77 to %scan3A_79 step %scan3A_80  : i32 {
      %mul3A_402 = arith.constant 5 : i32
      %mul3A_403 = arith.muli %scan3A_401, %mul3A_402 : i32
      %add3A_404 = arith.constant 0 : i32
      %add3A_405 = arith.addi %mul3A_403, %add3A_404 : i32
      %dma_wait3A_406 = arith.constant 0 : i32
      %dma_wait3A_407 = arith.constant 0 : i32
      %dma_wait3A_408 = arith.constant 0 : i32
      %dma_wait3A_409 = arith.constant 0 : i32
      %dma_wait3A_410 = tpu.memref_slice %arg6[%dma_wait3A_406, %dma_wait3A_408, %dma_wait3A_409] : memref<5x128x64xf32, #tpu.memory_space<vmem>> -> memref<1x128x64xf32, #tpu.memory_space<vmem>>
      %dma_wait3A_411 = tpu.memref_squeeze %dma_wait3A_410 : memref<1x128x64xf32, #tpu.memory_space<vmem>> -> memref<128x64xf32, #tpu.memory_space<vmem>>
      %dma_wait3A_412 = arith.constant 0 : i32
      %dma_wait3A_413 = tpu.memref_slice %arg5[%add3A_405, %dma_wait3A_412] : memref<200x128xi32, #tpu.memory_space<vmem>> -> memref<1x128xi32, #tpu.memory_space<vmem>>
      %dma_wait3A_414 = tpu.memref_squeeze %dma_wait3A_413 : memref<1x128xi32, #tpu.memory_space<vmem>> -> memref<128xi32, #tpu.memory_space<vmem>>
      %dma_wait3A_415 = arith.constant 0 : i32
      %dma_wait3A_416 = arith.constant 0 : i32
      %dma_wait3A_417 = tpu.memref_slice %arg3[%dma_wait3A_415, %dma_wait3A_416] : memref<1000000x64xf32, #tpu.memory_space<hbm>> -> memref<1000000x64xf32, #tpu.memory_space<hbm>>
      %dma_wait3A_418 = tpu.memref_slice %arg8[%dma_wait3A_407] : memref<5x!tpu.dma_semaphore, #tpu.memory_space<semaphore_mem>> -> memref<1x!tpu.dma_semaphore, #tpu.memory_space<semaphore_mem>>
      %dma_wait3A_419 = tpu.memref_squeeze %dma_wait3A_418 : memref<1x!tpu.dma_semaphore, #tpu.memory_space<semaphore_mem>> -> memref<!tpu.dma_semaphore, #tpu.memory_space<semaphore_mem>>
      tpu.wait_indirect_dma semaphore(%dma_wait3A_419 : memref<!tpu.dma_semaphore, #tpu.memory_space<semaphore_mem>>) src(%dma_wait3A_417 : memref<1000000x64xf32, #tpu.memory_space<hbm>>) dst(%dma_wait3A_411 : memref<128x64xf32, #tpu.memory_space<vmem>>)
      %gt3A = arith.constant 0 : i32
      %gt3A_420 = arith.cmpi sgt, %scan3A_401, %gt3A : i32
      %convert_element_type3A = arith.extui %gt3A_420 : i1 to i32
      %cond3A = arith.constant 0 : i32
      %cond3A_421 = arith.cmpi ne, %convert_element_type3A, %cond3A : i32
      scf.if %cond3A_421 {
        %sub3A_893 = arith.constant 5 : i32
        %sub3A_894 = arith.subi %add3A_405, %sub3A_893 : i32
        %add3A_895 = arith.addi %mul3A_2, %sub3A_894 : i32
        %jit3A_896 = arith.constant 128 : i32
        %div3A_897 = arith.divsi %add3A_895, %jit3A_896 : i32
        %sign3A_898 = arith.constant 0 : i32
        %sign3A_899 = arith.cmpi sgt, %add3A_895, %sign3A_898 : i32
        %sign3A_900 = arith.extui %sign3A_899 : i1 to i32
        %sign3A_901 = arith.constant 0 : i32
        %sign3A_902 = arith.cmpi slt, %add3A_895, %sign3A_901 : i32
        %sign3A_903 = arith.extui %sign3A_902 : i1 to i32
        %sign3A_904 = arith.subi %sign3A_900, %sign3A_903 : i32
        %sign3A_905 = arith.constant 0 : i32
        %sign3A_906 = arith.cmpi sgt, %jit3A_896, %sign3A_905 : i32
        %sign3A_907 = arith.extui %sign3A_906 : i1 to i32
        %sign3A_908 = arith.constant 0 : i32
        %sign3A_909 = arith.cmpi slt, %jit3A_896, %sign3A_908 : i32
        %sign3A_910 = arith.extui %sign3A_909 : i1 to i32
        %sign3A_911 = arith.subi %sign3A_907, %sign3A_910 : i32
        %ne3A_912 = arith.cmpi ne, %sign3A_904, %sign3A_911 : i32
        %rem3A_913 = arith.remsi %add3A_895, %jit3A_896 : i32
        %ne3A_914 = arith.constant 0 : i32
        %ne3A_915 = arith.cmpi ne, %rem3A_913, %ne3A_914 : i32
        %and3A_916 = arith.andi %ne3A_912, %ne3A_915 : i1
        %sub3A_917 = arith.constant 1 : i32
        %sub3A_918 = arith.subi %div3A_897, %sub3A_917 : i32
        %select_n3A_919 = arith.select %and3A_916, %sub3A_918, %div3A_897 : i32
        %jit3A_920 = arith.constant 128 : i32
        %eq3A_921 = arith.constant 0 : i32
        %eq3A_922 = arith.cmpi eq, %jit3A_920, %eq3A_921 : i32
        %jit3A_923 = arith.constant 1 : i32
        %select_n3A_924 = arith.select %eq3A_922, %jit3A_923, %jit3A_920 : i32
        %rem3A_925 = arith.remsi %add3A_895, %select_n3A_924 : i32
        %ne3A_926 = arith.constant 0 : i32
        %ne3A_927 = arith.cmpi ne, %rem3A_925, %ne3A_926 : i32
        %lt3A_928 = arith.constant 0 : i32
        %lt3A_929 = arith.cmpi slt, %rem3A_925, %lt3A_928 : i32
        %lt3A_930 = arith.constant 0 : i32
        %lt3A_931 = arith.cmpi slt, %select_n3A_924, %lt3A_930 : i32
        %ne3A_932 = arith.xori %lt3A_929, %lt3A_931 : i1
        %and3A_933 = arith.andi %ne3A_932, %ne3A_927 : i1
        %add3A_934 = arith.addi %rem3A_925, %select_n3A_924 : i32
        %select_n3A_935 = arith.select %and3A_933, %add3A_934, %rem3A_925 : i32
        %dma_wait3A_936 = arith.constant 0 : i32
        %dma_wait3A_937 = arith.constant 0 : i32
        %dma_wait3A_938 = arith.constant 0 : i32
        %dma_wait3A_939 = arith.constant 0 : i32
        %dma_wait3A_940 = arith.constant 0 : i32
        %dma_wait3A_941 = tpu.memref_slice %arg7[%dma_wait3A_936, %dma_wait3A_938, %dma_wait3A_939, %dma_wait3A_940] : memref<5x8x8x129xf32, #tpu.memory_space<vmem>> -> memref<1x8x8x128xf32, #tpu.memory_space<vmem>>
        %dma_wait3A_942 = tpu.memref_squeeze %dma_wait3A_941 : memref<1x8x8x128xf32, #tpu.memory_space<vmem>> -> memref<8x8x128xf32, #tpu.memory_space<vmem>>
        %dma_wait3A_943 = arith.constant 0 : i32
        %dma_wait3A_944 = arith.constant 0 : i32
        %dma_wait3A_945 = arith.constant 0 : i32
        %dma_wait3A_946 = tpu.memref_slice %arg4[%select_n3A_919, %dma_wait3A_943, %select_n3A_935, %dma_wait3A_944, %dma_wait3A_945] : memref<50x8x128x8x128xf32, #tpu.memory_space<hbm>> -> memref<1x8x1x8x128xf32, #tpu.memory_space<hbm>>
        %dma_wait3A_947 = tpu.memref_squeeze %dma_wait3A_946 : memref<1x8x1x8x128xf32, #tpu.memory_space<hbm>> -> memref<8x8x128xf32, #tpu.memory_space<hbm>>
        %dma_wait3A_948 = tpu.memref_slice %arg9[%dma_wait3A_937] : memref<5x!tpu.dma_semaphore, #tpu.memory_space<semaphore_mem>> -> memref<1x!tpu.dma_semaphore, #tpu.memory_space<semaphore_mem>>
        %dma_wait3A_949 = tpu.memref_squeeze %dma_wait3A_948 : memref<1x!tpu.dma_semaphore, #tpu.memory_space<semaphore_mem>> -> memref<!tpu.dma_semaphore, #tpu.memory_space<semaphore_mem>>
        %dma_wait3A_950 = arith.constant 0 : i32
        %dma_wait3A_951 = arith.constant 0 : i32
        %dma_wait3A_952 = arith.constant 0 : i32
        %dma_wait3A_953 = tpu.memref_slice %arg4[%select_n3A_919, %dma_wait3A_950, %select_n3A_935, %dma_wait3A_951, %dma_wait3A_952] : memref<50x8x128x8x128xf32, #tpu.memory_space<hbm>> -> memref<1x8x1x8x128xf32, #tpu.memory_space<hbm>>
        %dma_wait3A_954 = tpu.memref_squeeze %dma_wait3A_953 : memref<1x8x1x8x128xf32, #tpu.memory_space<hbm>> -> memref<8x8x128xf32, #tpu.memory_space<hbm>>
        %dma_wait3A_955 = arith.constant 0 : i32
        %dma_wait3A_956 = arith.constant 0 : i32
        %dma_wait3A_957 = arith.constant 0 : i32
        %dma_wait3A_958 = tpu.memref_slice %arg7[%dma_wait3A_936, %dma_wait3A_955, %dma_wait3A_956, %dma_wait3A_957] : memref<5x8x8x129xf32, #tpu.memory_space<vmem>> -> memref<1x8x8x128xf32, #tpu.memory_space<vmem>>
        %dma_wait3A_959 = tpu.memref_squeeze %dma_wait3A_958 : memref<1x8x8x128xf32, #tpu.memory_space<vmem>> -> memref<8x8x128xf32, #tpu.memory_space<vmem>>
        tpu.wait_dma2 semaphore(%dma_wait3A_949 : memref<!tpu.dma_semaphore, #tpu.memory_space<semaphore_mem>>) src(%dma_wait3A_959 : memref<8x8x128xf32, #tpu.memory_space<vmem>>) dst(%dma_wait3A_954 : memref<8x8x128xf32, #tpu.memory_space<hbm>>)
      } else {
      }
      %parallel_loop3A = arith.constant 0 : i32
      %parallel_loop3A_422 = arith.constant 128 : i32
      %parallel_loop3A_423 = arith.constant 1 : i32
      %parallel_loop3A_424 = arith.constant 0 : i32
      scf.for %parallel_loop3A_893 = %parallel_loop3A to %parallel_loop3A_422 step %parallel_loop3A_423  : i32 {
        %parallel_loop3A_894 = arith.constant 0 : i32
        %parallel_loop3A_895 = vector.broadcast %parallel_loop3A_894 : i32 to vector<16xi32>
        %parallel_loop3A_896 = vector.broadcast %parallel_loop3A_893 : i32 to vector<16xi32>
        %parallel_loop3A_897 = arith.addi %parallel_loop3A_895, %parallel_loop3A_896 : vector<16xi32>
        %parallel_loop3A_898 = arith.constant 0 : i32
        %parallel_loop3A_899 = arith.index_cast %parallel_loop3A_898 : i32 to index
        %parallel_loop3A_900 = arith.index_cast %parallel_loop3A_893 : i32 to index
        %parallel_loop3A_901 = arith.constant 0 : index
        %parallel_loop3A_902 = tpu.vector_load %arg6[%parallel_loop3A_899, %parallel_loop3A_900, %parallel_loop3A_901] {strides = array<i32>} : memref<5x128x64xf32, #tpu.memory_space<vmem>>, vector<16xf32>,
        %parallel_loop3A_903 = arith.constant 0 : i32
        %parallel_loop3A_904 = vector.broadcast %parallel_loop3A_903 : i32 to vector<16xi32>
        %parallel_loop3A_905 = arith.addi %iota3A, %parallel_loop3A_904 : vector<16xi32>
        %parallel_loop3A_906 = arith.constant 8 : i32
        %parallel_loop3A_907 = vector.broadcast %parallel_loop3A_906 : i32 to vector<16xi32>
        %parallel_loop3A_908 = arith.divsi %parallel_loop3A_905, %parallel_loop3A_907 : vector<16xi32>
        %parallel_loop3A_909 = arith.constant 0 : i32
        %parallel_loop3A_910 = vector.broadcast %parallel_loop3A_909 : i32 to vector<16xi32>
        %parallel_loop3A_911 = arith.cmpi sgt, %parallel_loop3A_905, %parallel_loop3A_910 : vector<16xi32>
        %parallel_loop3A_912 = arith.extui %parallel_loop3A_911 : vector<16xi1> to vector<16xi32>
        %parallel_loop3A_913 = arith.constant 0 : i32
        %parallel_loop3A_914 = vector.broadcast %parallel_loop3A_913 : i32 to vector<16xi32>
        %parallel_loop3A_915 = arith.cmpi slt, %parallel_loop3A_905, %parallel_loop3A_914 : vector<16xi32>
        %parallel_loop3A_916 = arith.extui %parallel_loop3A_915 : vector<16xi1> to vector<16xi32>
        %parallel_loop3A_917 = arith.subi %parallel_loop3A_912, %parallel_loop3A_916 : vector<16xi32>
        %parallel_loop3A_918 = arith.constant 0 : i32
        %parallel_loop3A_919 = arith.cmpi sgt, %parallel_loop3A_906, %parallel_loop3A_918 : i32
        %parallel_loop3A_920 = arith.extui %parallel_loop3A_919 : i1 to i32
        %parallel_loop3A_921 = arith.constant 0 : i32
        %parallel_loop3A_922 = arith.cmpi slt, %parallel_loop3A_906, %parallel_loop3A_921 : i32
        %parallel_loop3A_923 = arith.extui %parallel_loop3A_922 : i1 to i32
        %parallel_loop3A_924 = arith.subi %parallel_loop3A_920, %parallel_loop3A_923 : i32
        %parallel_loop3A_925 = vector.broadcast %parallel_loop3A_924 : i32 to vector<16xi32>
        %parallel_loop3A_926 = arith.cmpi ne, %parallel_loop3A_917, %parallel_loop3A_925 : vector<16xi32>
        %parallel_loop3A_927 = vector.broadcast %parallel_loop3A_906 : i32 to vector<16xi32>
        %parallel_loop3A_928 = arith.remsi %parallel_loop3A_905, %parallel_loop3A_927 : vector<16xi32>
        %parallel_loop3A_929 = arith.constant 0 : i32
        %parallel_loop3A_930 = vector.broadcast %parallel_loop3A_929 : i32 to vector<16xi32>
        %parallel_loop3A_931 = arith.cmpi ne, %parallel_loop3A_928, %parallel_loop3A_930 : vector<16xi32>
        %parallel_loop3A_932 = arith.andi %parallel_loop3A_926, %parallel_loop3A_931 : vector<16xi1>
        %parallel_loop3A_933 = arith.constant 1 : i32
        %parallel_loop3A_934 = vector.broadcast %parallel_loop3A_933 : i32 to vector<16xi32>
        %parallel_loop3A_935 = arith.subi %parallel_loop3A_908, %parallel_loop3A_934 : vector<16xi32>
        %parallel_loop3A_936 = arith.select %parallel_loop3A_932, %parallel_loop3A_935, %parallel_loop3A_908 : vector<16xi1>, vector<16xi32>
        %parallel_loop3A_937 = arith.constant 0 : i32
        %parallel_loop3A_938 = vector.broadcast %parallel_loop3A_937 : i32 to vector<16xi32>
        %parallel_loop3A_939 = arith.addi %iota3A, %parallel_loop3A_938 : vector<16xi32>
        %parallel_loop3A_940 = arith.constant 8 : i32
        %parallel_loop3A_941 = arith.constant 0 : i32
        %parallel_loop3A_942 = arith.cmpi eq, %parallel_loop3A_940, %parallel_loop3A_941 : i32
        %parallel_loop3A_943 = arith.constant 1 : i32
        %parallel_loop3A_944 = arith.select %parallel_loop3A_942, %parallel_loop3A_943, %parallel_loop3A_940 : i32
        %parallel_loop3A_945 = vector.broadcast %parallel_loop3A_944 : i32 to vector<16xi32>
        %parallel_loop3A_946 = arith.remsi %parallel_loop3A_939, %parallel_loop3A_945 : vector<16xi32>
        %parallel_loop3A_947 = arith.constant 0 : i32
        %parallel_loop3A_948 = vector.broadcast %parallel_loop3A_947 : i32 to vector<16xi32>
        %parallel_loop3A_949 = arith.cmpi ne, %parallel_loop3A_946, %parallel_loop3A_948 : vector<16xi32>
        %parallel_loop3A_950 = arith.constant 0 : i32
        %parallel_loop3A_951 = vector.broadcast %parallel_loop3A_950 : i32 to vector<16xi32>
        %parallel_loop3A_952 = arith.cmpi slt, %parallel_loop3A_946, %parallel_loop3A_951 : vector<16xi32>
        %parallel_loop3A_953 = arith.constant 0 : i32
        %parallel_loop3A_954 = arith.cmpi slt, %parallel_loop3A_944, %parallel_loop3A_953 : i32
        %parallel_loop3A_955 = vector.broadcast %parallel_loop3A_954 : i1 to vector<16xi1>
        %parallel_loop3A_956 = vector.broadcast %parallel_loop3A_955 : vector<16xi1> to vector<16xi1>
        %parallel_loop3A_957 = arith.xori %parallel_loop3A_952, %parallel_loop3A_956 : vector<16xi1>
        %parallel_loop3A_958 = arith.andi %parallel_loop3A_957, %parallel_loop3A_949 : vector<16xi1>
        %parallel_loop3A_959 = vector.broadcast %parallel_loop3A_944 : i32 to vector<16xi32>
        %parallel_loop3A_960 = arith.addi %parallel_loop3A_946, %parallel_loop3A_959 : vector<16xi32>
        %parallel_loop3A_961 = arith.select %parallel_loop3A_958, %parallel_loop3A_960, %parallel_loop3A_946 : vector<16xi1>, vector<16xi32>
        %parallel_loop3A_962 = arith.constant 0 : i32
        %parallel_loop3A_963 = arith.constant 0 : i32
        %parallel_loop3A_964 = arith.constant 0 : i32
        %parallel_loop3A_965 = tpu.memref_slice %arg7[%parallel_loop3A_424, %parallel_loop3A_962, %parallel_loop3A_963, %parallel_loop3A_964] : memref<5x8x8x129xf32, #tpu.memory_space<vmem>> -> memref<1x8x8x129xf32, #tpu.memory_space<vmem>>
        %parallel_loop3A_966 = tpu.memref_squeeze %parallel_loop3A_965 : memref<1x8x8x129xf32, #tpu.memory_space<vmem>> -> memref<8x8x129xf32, #tpu.memory_space<vmem>>
        tpu.vector_store_idx %parallel_loop3A_966[%parallel_loop3A_936, %parallel_loop3A_961, %parallel_loop3A_897], %parallel_loop3A_902 : memref<8x8x129xf32, #tpu.memory_space<vmem>>[vector<16xi32>, vector<16xi32>, vector<16xi32>], vector<16xf32>,
        %parallel_loop3A_967 = arith.constant 0 : i32
        %parallel_loop3A_968 = arith.index_cast %parallel_loop3A_967 : i32 to index
        %parallel_loop3A_969 = arith.index_cast %parallel_loop3A_893 : i32 to index
        %parallel_loop3A_970 = arith.constant 16 : index
        %parallel_loop3A_971 = tpu.vector_load %arg6[%parallel_loop3A_968, %parallel_loop3A_969, %parallel_loop3A_970] {strides = array<i32>} : memref<5x128x64xf32, #tpu.memory_space<vmem>>, vector<16xf32>,
        %parallel_loop3A_972 = arith.constant 16 : i32
        %parallel_loop3A_973 = vector.broadcast %parallel_loop3A_972 : i32 to vector<16xi32>
        %parallel_loop3A_974 = arith.addi %iota3A, %parallel_loop3A_973 : vector<16xi32>
        %parallel_loop3A_975 = arith.constant 8 : i32
        %parallel_loop3A_976 = vector.broadcast %parallel_loop3A_975 : i32 to vector<16xi32>
        %parallel_loop3A_977 = arith.divsi %parallel_loop3A_974, %parallel_loop3A_976 : vector<16xi32>
        %parallel_loop3A_978 = arith.constant 0 : i32
        %parallel_loop3A_979 = vector.broadcast %parallel_loop3A_978 : i32 to vector<16xi32>
        %parallel_loop3A_980 = arith.cmpi sgt, %parallel_loop3A_974, %parallel_loop3A_979 : vector<16xi32>
        %parallel_loop3A_981 = arith.extui %parallel_loop3A_980 : vector<16xi1> to vector<16xi32>
        %parallel_loop3A_982 = arith.constant 0 : i32
        %parallel_loop3A_983 = vector.broadcast %parallel_loop3A_982 : i32 to vector<16xi32>
        %parallel_loop3A_984 = arith.cmpi slt, %parallel_loop3A_974, %parallel_loop3A_983 : vector<16xi32>
        %parallel_loop3A_985 = arith.extui %parallel_loop3A_984 : vector<16xi1> to vector<16xi32>
        %parallel_loop3A_986 = arith.subi %parallel_loop3A_981, %parallel_loop3A_985 : vector<16xi32>
        %parallel_loop3A_987 = arith.constant 0 : i32
        %parallel_loop3A_988 = arith.cmpi sgt, %parallel_loop3A_975, %parallel_loop3A_987 : i32
        %parallel_loop3A_989 = arith.extui %parallel_loop3A_988 : i1 to i32
        %parallel_loop3A_990 = arith.constant 0 : i32
        %parallel_loop3A_991 = arith.cmpi slt, %parallel_loop3A_975, %parallel_loop3A_990 : i32
        %parallel_loop3A_992 = arith.extui %parallel_loop3A_991 : i1 to i32
        %parallel_loop3A_993 = arith.subi %parallel_loop3A_989, %parallel_loop3A_992 : i32
        %parallel_loop3A_994 = vector.broadcast %parallel_loop3A_993 : i32 to vector<16xi32>
        %parallel_loop3A_995 = arith.cmpi ne, %parallel_loop3A_986, %parallel_loop3A_994 : vector<16xi32>
        %parallel_loop3A_996 = vector.broadcast %parallel_loop3A_975 : i32 to vector<16xi32>
        %parallel_loop3A_997 = arith.remsi %parallel_loop3A_974, %parallel_loop3A_996 : vector<16xi32>
        %parallel_loop3A_998 = arith.constant 0 : i32
        %parallel_loop3A_999 = vector.broadcast %parallel_loop3A_998 : i32 to vector<16xi32>
        %parallel_loop3A_1000 = arith.cmpi ne, %parallel_loop3A_997, %parallel_loop3A_999 : vector<16xi32>
        %parallel_loop3A_1001 = arith.andi %parallel_loop3A_995, %parallel_loop3A_1000 : vector<16xi1>
        %parallel_loop3A_1002 = arith.constant 1 : i32
        %parallel_loop3A_1003 = vector.broadcast %parallel_loop3A_1002 : i32 to vector<16xi32>
        %parallel_loop3A_1004 = arith.subi %parallel_loop3A_977, %parallel_loop3A_1003 : vector<16xi32>
        %parallel_loop3A_1005 = arith.select %parallel_loop3A_1001, %parallel_loop3A_1004, %parallel_loop3A_977 : vector<16xi1>, vector<16xi32>
        %parallel_loop3A_1006 = arith.constant 16 : i32
        %parallel_loop3A_1007 = vector.broadcast %parallel_loop3A_1006 : i32 to vector<16xi32>
        %parallel_loop3A_1008 = arith.addi %iota3A, %parallel_loop3A_1007 : vector<16xi32>
        %parallel_loop3A_1009 = arith.constant 8 : i32
        %parallel_loop3A_1010 = arith.constant 0 : i32
        %parallel_loop3A_1011 = arith.cmpi eq, %parallel_loop3A_1009, %parallel_loop3A_1010 : i32
        %parallel_loop3A_1012 = arith.constant 1 : i32
        %parallel_loop3A_1013 = arith.select %parallel_loop3A_1011, %parallel_loop3A_1012, %parallel_loop3A_1009 : i32
        %parallel_loop3A_1014 = vector.broadcast %parallel_loop3A_1013 : i32 to vector<16xi32>
        %parallel_loop3A_1015 = arith.remsi %parallel_loop3A_1008, %parallel_loop3A_1014 : vector<16xi32>
        %parallel_loop3A_1016 = arith.constant 0 : i32
        %parallel_loop3A_1017 = vector.broadcast %parallel_loop3A_1016 : i32 to vector<16xi32>
        %parallel_loop3A_1018 = arith.cmpi ne, %parallel_loop3A_1015, %parallel_loop3A_1017 : vector<16xi32>
        %parallel_loop3A_1019 = arith.constant 0 : i32
        %parallel_loop3A_1020 = vector.broadcast %parallel_loop3A_1019 : i32 to vector<16xi32>
        %parallel_loop3A_1021 = arith.cmpi slt, %parallel_loop3A_1015, %parallel_loop3A_1020 : vector<16xi32>
        %parallel_loop3A_1022 = arith.constant 0 : i32
        %parallel_loop3A_1023 = arith.cmpi slt, %parallel_loop3A_1013, %parallel_loop3A_1022 : i32
        %parallel_loop3A_1024 = vector.broadcast %parallel_loop3A_1023 : i1 to vector<16xi1>
        %parallel_loop3A_1025 = vector.broadcast %parallel_loop3A_1024 : vector<16xi1> to vector<16xi1>
        %parallel_loop3A_1026 = arith.xori %parallel_loop3A_1021, %parallel_loop3A_1025 : vector<16xi1>
        %parallel_loop3A_1027 = arith.andi %parallel_loop3A_1026, %parallel_loop3A_1018 : vector<16xi1>
        %parallel_loop3A_1028 = vector.broadcast %parallel_loop3A_1013 : i32 to vector<16xi32>
        %parallel_loop3A_1029 = arith.addi %parallel_loop3A_1015, %parallel_loop3A_1028 : vector<16xi32>
        %parallel_loop3A_1030 = arith.select %parallel_loop3A_1027, %parallel_loop3A_1029, %parallel_loop3A_1015 : vector<16xi1>, vector<16xi32>
        %parallel_loop3A_1031 = arith.constant 0 : i32
        %parallel_loop3A_1032 = arith.constant 0 : i32
        %parallel_loop3A_1033 = arith.constant 0 : i32
        %parallel_loop3A_1034 = tpu.memref_slice %arg7[%parallel_loop3A_424, %parallel_loop3A_1031, %parallel_loop3A_1032, %parallel_loop3A_1033] : memref<5x8x8x129xf32, #tpu.memory_space<vmem>> -> memref<1x8x8x129xf32, #tpu.memory_space<vmem>>
        %parallel_loop3A_1035 = tpu.memref_squeeze %parallel_loop3A_1034 : memref<1x8x8x129xf32, #tpu.memory_space<vmem>> -> memref<8x8x129xf32, #tpu.memory_space<vmem>>
        tpu.vector_store_idx %parallel_loop3A_1035[%parallel_loop3A_1005, %parallel_loop3A_1030, %parallel_loop3A_897], %parallel_loop3A_971 : memref<8x8x129xf32, #tpu.memory_space<vmem>>[vector<16xi32>, vector<16xi32>, vector<16xi32>], vector<16xf32>,
        %parallel_loop3A_1036 = arith.constant 0 : i32
        %parallel_loop3A_1037 = arith.index_cast %parallel_loop3A_1036 : i32 to index
        %parallel_loop3A_1038 = arith.index_cast %parallel_loop3A_893 : i32 to index
        %parallel_loop3A_1039 = arith.constant 32 : index
        %parallel_loop3A_1040 = tpu.vector_load %arg6[%parallel_loop3A_1037, %parallel_loop3A_1038, %parallel_loop3A_1039] {strides = array<i32>} : memref<5x128x64xf32, #tpu.memory_space<vmem>>, vector<16xf32>,
        %parallel_loop3A_1041 = arith.constant 32 : i32
        %parallel_loop3A_1042 = vector.broadcast %parallel_loop3A_1041 : i32 to vector<16xi32>
        %parallel_loop3A_1043 = arith.addi %iota3A, %parallel_loop3A_1042 : vector<16xi32>
        %parallel_loop3A_1044 = arith.constant 8 : i32
        %parallel_loop3A_1045 = vector.broadcast %parallel_loop3A_1044 : i32 to vector<16xi32>
        %parallel_loop3A_1046 = arith.divsi %parallel_loop3A_1043, %parallel_loop3A_1045 : vector<16xi32>
        %parallel_loop3A_1047 = arith.constant 0 : i32
        %parallel_loop3A_1048 = vector.broadcast %parallel_loop3A_1047 : i32 to vector<16xi32>
        %parallel_loop3A_1049 = arith.cmpi sgt, %parallel_loop3A_1043, %parallel_loop3A_1048 : vector<16xi32>
        %parallel_loop3A_1050 = arith.extui %parallel_loop3A_1049 : vector<16xi1> to vector<16xi32>
        %parallel_loop3A_1051 = arith.constant 0 : i32
        %parallel_loop3A_1052 = vector.broadcast %parallel_loop3A_1051 : i32 to vector<16xi32>
        %parallel_loop3A_1053 = arith.cmpi slt, %parallel_loop3A_1043, %parallel_loop3A_1052 : vector<16xi32>
        %parallel_loop3A_1054 = arith.extui %parallel_loop3A_1053 : vector<16xi1> to vector<16xi32>
        %parallel_loop3A_1055 = arith.subi %parallel_loop3A_1050, %parallel_loop3A_1054 : vector<16xi32>
        %parallel_loop3A_1056 = arith.constant 0 : i32
        %parallel_loop3A_1057 = arith.cmpi sgt, %parallel_loop3A_1044, %parallel_loop3A_1056 : i32
        %parallel_loop3A_1058 = arith.extui %parallel_loop3A_1057 : i1 to i32
        %parallel_loop3A_1059 = arith.constant 0 : i32
        %parallel_loop3A_1060 = arith.cmpi slt, %parallel_loop3A_1044, %parallel_loop3A_1059 : i32
        %parallel_loop3A_1061 = arith.extui %parallel_loop3A_1060 : i1 to i32
        %parallel_loop3A_1062 = arith.subi %parallel_loop3A_1058, %parallel_loop3A_1061 : i32
        %parallel_loop3A_1063 = vector.broadcast %parallel_loop3A_1062 : i32 to vector<16xi32>
        %parallel_loop3A_1064 = arith.cmpi ne, %parallel_loop3A_1055, %parallel_loop3A_1063 : vector<16xi32>
        %parallel_loop3A_1065 = vector.broadcast %parallel_loop3A_1044 : i32 to vector<16xi32>
        %parallel_loop3A_1066 = arith.remsi %parallel_loop3A_1043, %parallel_loop3A_1065 : vector<16xi32>
        %parallel_loop3A_1067 = arith.constant 0 : i32
        %parallel_loop3A_1068 = vector.broadcast %parallel_loop3A_1067 : i32 to vector<16xi32>
        %parallel_loop3A_1069 = arith.cmpi ne, %parallel_loop3A_1066, %parallel_loop3A_1068 : vector<16xi32>
        %parallel_loop3A_1070 = arith.andi %parallel_loop3A_1064, %parallel_loop3A_1069 : vector<16xi1>
        %parallel_loop3A_1071 = arith.constant 1 : i32
        %parallel_loop3A_1072 = vector.broadcast %parallel_loop3A_1071 : i32 to vector<16xi32>
        %parallel_loop3A_1073 = arith.subi %parallel_loop3A_1046, %parallel_loop3A_1072 : vector<16xi32>
        %parallel_loop3A_1074 = arith.select %parallel_loop3A_1070, %parallel_loop3A_1073, %parallel_loop3A_1046 : vector<16xi1>, vector<16xi32>
        %parallel_loop3A_1075 = arith.constant 32 : i32
        %parallel_loop3A_1076 = vector.broadcast %parallel_loop3A_1075 : i32 to vector<16xi32>
        %parallel_loop3A_1077 = arith.addi %iota3A, %parallel_loop3A_1076 : vector<16xi32>
        %parallel_loop3A_1078 = arith.constant 8 : i32
        %parallel_loop3A_1079 = arith.constant 0 : i32
        %parallel_loop3A_1080 = arith.cmpi eq, %parallel_loop3A_1078, %parallel_loop3A_1079 : i32
        %parallel_loop3A_1081 = arith.constant 1 : i32
        %parallel_loop3A_1082 = arith.select %parallel_loop3A_1080, %parallel_loop3A_1081, %parallel_loop3A_1078 : i32
        %parallel_loop3A_1083 = vector.broadcast %parallel_loop3A_1082 : i32 to vector<16xi32>
        %parallel_loop3A_1084 = arith.remsi %parallel_loop3A_1077, %parallel_loop3A_1083 : vector<16xi32>
        %parallel_loop3A_1085 = arith.constant 0 : i32
        %parallel_loop3A_1086 = vector.broadcast %parallel_loop3A_1085 : i32 to vector<16xi32>
        %parallel_loop3A_1087 = arith.cmpi ne, %parallel_loop3A_1084, %parallel_loop3A_1086 : vector<16xi32>
        %parallel_loop3A_1088 = arith.constant 0 : i32
        %parallel_loop3A_1089 = vector.broadcast %parallel_loop3A_1088 : i32 to vector<16xi32>
        %parallel_loop3A_1090 = arith.cmpi slt, %parallel_loop3A_1084, %parallel_loop3A_1089 : vector<16xi32>
        %parallel_loop3A_1091 = arith.constant 0 : i32
        %parallel_loop3A_1092 = arith.cmpi slt, %parallel_loop3A_1082, %parallel_loop3A_1091 : i32
        %parallel_loop3A_1093 = vector.broadcast %parallel_loop3A_1092 : i1 to vector<16xi1>
        %parallel_loop3A_1094 = vector.broadcast %parallel_loop3A_1093 : vector<16xi1> to vector<16xi1>
        %parallel_loop3A_1095 = arith.xori %parallel_loop3A_1090, %parallel_loop3A_1094 : vector<16xi1>
        %parallel_loop3A_1096 = arith.andi %parallel_loop3A_1095, %parallel_loop3A_1087 : vector<16xi1>
        %parallel_loop3A_1097 = vector.broadcast %parallel_loop3A_1082 : i32 to vector<16xi32>
        %parallel_loop3A_1098 = arith.addi %parallel_loop3A_1084, %parallel_loop3A_1097 : vector<16xi32>
        %parallel_loop3A_1099 = arith.select %parallel_loop3A_1096, %parallel_loop3A_1098, %parallel_loop3A_1084 : vector<16xi1>, vector<16xi32>
        %parallel_loop3A_1100 = arith.constant 0 : i32
        %parallel_loop3A_1101 = arith.constant 0 : i32
        %parallel_loop3A_1102 = arith.constant 0 : i32
        %parallel_loop3A_1103 = tpu.memref_slice %arg7[%parallel_loop3A_424, %parallel_loop3A_1100, %parallel_loop3A_1101, %parallel_loop3A_1102] : memref<5x8x8x129xf32, #tpu.memory_space<vmem>> -> memref<1x8x8x129xf32, #tpu.memory_space<vmem>>
        %parallel_loop3A_1104 = tpu.memref_squeeze %parallel_loop3A_1103 : memref<1x8x8x129xf32, #tpu.memory_space<vmem>> -> memref<8x8x129xf32, #tpu.memory_space<vmem>>
        tpu.vector_store_idx %parallel_loop3A_1104[%parallel_loop3A_1074, %parallel_loop3A_1099, %parallel_loop3A_897], %parallel_loop3A_1040 : memref<8x8x129xf32, #tpu.memory_space<vmem>>[vector<16xi32>, vector<16xi32>, vector<16xi32>], vector<16xf32>,
        %parallel_loop3A_1105 = arith.constant 0 : i32
        %parallel_loop3A_1106 = arith.index_cast %parallel_loop3A_1105 : i32 to index
        %parallel_loop3A_1107 = arith.index_cast %parallel_loop3A_893 : i32 to index
        %parallel_loop3A_1108 = arith.constant 48 : index
        %parallel_loop3A_1109 = tpu.vector_load %arg6[%parallel_loop3A_1106, %parallel_loop3A_1107, %parallel_loop3A_1108] {strides = array<i32>} : memref<5x128x64xf32, #tpu.memory_space<vmem>>, vector<16xf32>,
        %parallel_loop3A_1110 = arith.constant 48 : i32
        %parallel_loop3A_1111 = vector.broadcast %parallel_loop3A_1110 : i32 to vector<16xi32>
        %parallel_loop3A_1112 = arith.addi %iota3A, %parallel_loop3A_1111 : vector<16xi32>
        %parallel_loop3A_1113 = arith.constant 8 : i32
        %parallel_loop3A_1114 = vector.broadcast %parallel_loop3A_1113 : i32 to vector<16xi32>
        %parallel_loop3A_1115 = arith.divsi %parallel_loop3A_1112, %parallel_loop3A_1114 : vector<16xi32>
        %parallel_loop3A_1116 = arith.constant 0 : i32
        %parallel_loop3A_1117 = vector.broadcast %parallel_loop3A_1116 : i32 to vector<16xi32>
        %parallel_loop3A_1118 = arith.cmpi sgt, %parallel_loop3A_1112, %parallel_loop3A_1117 : vector<16xi32>
        %parallel_loop3A_1119 = arith.extui %parallel_loop3A_1118 : vector<16xi1> to vector<16xi32>
        %parallel_loop3A_1120 = arith.constant 0 : i32
        %parallel_loop3A_1121 = vector.broadcast %parallel_loop3A_1120 : i32 to vector<16xi32>
        %parallel_loop3A_1122 = arith.cmpi slt, %parallel_loop3A_1112, %parallel_loop3A_1121 : vector<16xi32>
        %parallel_loop3A_1123 = arith.extui %parallel_loop3A_1122 : vector<16xi1> to vector<16xi32>
        %parallel_loop3A_1124 = arith.subi %parallel_loop3A_1119, %parallel_loop3A_1123 : vector<16xi32>
        %parallel_loop3A_1125 = arith.constant 0 : i32
        %parallel_loop3A_1126 = arith.cmpi sgt, %parallel_loop3A_1113, %parallel_loop3A_1125 : i32
        %parallel_loop3A_1127 = arith.extui %parallel_loop3A_1126 : i1 to i32
        %parallel_loop3A_1128 = arith.constant 0 : i32
        %parallel_loop3A_1129 = arith.cmpi slt, %parallel_loop3A_1113, %parallel_loop3A_1128 : i32
        %parallel_loop3A_1130 = arith.extui %parallel_loop3A_1129 : i1 to i32
        %parallel_loop3A_1131 = arith.subi %parallel_loop3A_1127, %parallel_loop3A_1130 : i32
        %parallel_loop3A_1132 = vector.broadcast %parallel_loop3A_1131 : i32 to vector<16xi32>
        %parallel_loop3A_1133 = arith.cmpi ne, %parallel_loop3A_1124, %parallel_loop3A_1132 : vector<16xi32>
        %parallel_loop3A_1134 = vector.broadcast %parallel_loop3A_1113 : i32 to vector<16xi32>
        %parallel_loop3A_1135 = arith.remsi %parallel_loop3A_1112, %parallel_loop3A_1134 : vector<16xi32>
        %parallel_loop3A_1136 = arith.constant 0 : i32
        %parallel_loop3A_1137 = vector.broadcast %parallel_loop3A_1136 : i32 to vector<16xi32>
        %parallel_loop3A_1138 = arith.cmpi ne, %parallel_loop3A_1135, %parallel_loop3A_1137 : vector<16xi32>
        %parallel_loop3A_1139 = arith.andi %parallel_loop3A_1133, %parallel_loop3A_1138 : vector<16xi1>
        %parallel_loop3A_1140 = arith.constant 1 : i32
        %parallel_loop3A_1141 = vector.broadcast %parallel_loop3A_1140 : i32 to vector<16xi32>
        %parallel_loop3A_1142 = arith.subi %parallel_loop3A_1115, %parallel_loop3A_1141 : vector<16xi32>
        %parallel_loop3A_1143 = arith.select %parallel_loop3A_1139, %parallel_loop3A_1142, %parallel_loop3A_1115 : vector<16xi1>, vector<16xi32>
        %parallel_loop3A_1144 = arith.constant 48 : i32
        %parallel_loop3A_1145 = vector.broadcast %parallel_loop3A_1144 : i32 to vector<16xi32>
        %parallel_loop3A_1146 = arith.addi %iota3A, %parallel_loop3A_1145 : vector<16xi32>
        %parallel_loop3A_1147 = arith.constant 8 : i32
        %parallel_loop3A_1148 = arith.constant 0 : i32
        %parallel_loop3A_1149 = arith.cmpi eq, %parallel_loop3A_1147, %parallel_loop3A_1148 : i32
        %parallel_loop3A_1150 = arith.constant 1 : i32
        %parallel_loop3A_1151 = arith.select %parallel_loop3A_1149, %parallel_loop3A_1150, %parallel_loop3A_1147 : i32
        %parallel_loop3A_1152 = vector.broadcast %parallel_loop3A_1151 : i32 to vector<16xi32>
        %parallel_loop3A_1153 = arith.remsi %parallel_loop3A_1146, %parallel_loop3A_1152 : vector<16xi32>
        %parallel_loop3A_1154 = arith.constant 0 : i32
        %parallel_loop3A_1155 = vector.broadcast %parallel_loop3A_1154 : i32 to vector<16xi32>
        %parallel_loop3A_1156 = arith.cmpi ne, %parallel_loop3A_1153, %parallel_loop3A_1155 : vector<16xi32>
        %parallel_loop3A_1157 = arith.constant 0 : i32
        %parallel_loop3A_1158 = vector.broadcast %parallel_loop3A_1157 : i32 to vector<16xi32>
        %parallel_loop3A_1159 = arith.cmpi slt, %parallel_loop3A_1153, %parallel_loop3A_1158 : vector<16xi32>
        %parallel_loop3A_1160 = arith.constant 0 : i32
        %parallel_loop3A_1161 = arith.cmpi slt, %parallel_loop3A_1151, %parallel_loop3A_1160 : i32
        %parallel_loop3A_1162 = vector.broadcast %parallel_loop3A_1161 : i1 to vector<16xi1>
        %parallel_loop3A_1163 = vector.broadcast %parallel_loop3A_1162 : vector<16xi1> to vector<16xi1>
        %parallel_loop3A_1164 = arith.xori %parallel_loop3A_1159, %parallel_loop3A_1163 : vector<16xi1>
        %parallel_loop3A_1165 = arith.andi %parallel_loop3A_1164, %parallel_loop3A_1156 : vector<16xi1>
        %parallel_loop3A_1166 = vector.broadcast %parallel_loop3A_1151 : i32 to vector<16xi32>
        %parallel_loop3A_1167 = arith.addi %parallel_loop3A_1153, %parallel_loop3A_1166 : vector<16xi32>
        %parallel_loop3A_1168 = arith.select %parallel_loop3A_1165, %parallel_loop3A_1167, %parallel_loop3A_1153 : vector<16xi1>, vector<16xi32>
        %parallel_loop3A_1169 = arith.constant 0 : i32
        %parallel_loop3A_1170 = arith.constant 0 : i32
        %parallel_loop3A_1171 = arith.constant 0 : i32
        %parallel_loop3A_1172 = tpu.memref_slice %arg7[%parallel_loop3A_424, %parallel_loop3A_1169, %parallel_loop3A_1170, %parallel_loop3A_1171] : memref<5x8x8x129xf32, #tpu.memory_space<vmem>> -> memref<1x8x8x129xf32, #tpu.memory_space<vmem>>
        %parallel_loop3A_1173 = tpu.memref_squeeze %parallel_loop3A_1172 : memref<1x8x8x129xf32, #tpu.memory_space<vmem>> -> memref<8x8x129xf32, #tpu.memory_space<vmem>>
        tpu.vector_store_idx %parallel_loop3A_1173[%parallel_loop3A_1143, %parallel_loop3A_1168, %parallel_loop3A_897], %parallel_loop3A_1109 : memref<8x8x129xf32, #tpu.memory_space<vmem>>[vector<16xi32>, vector<16xi32>, vector<16xi32>], vector<16xf32>,
      } {sc.loop_unroll_factor = 4 : i64, sc.parallel_access}
      %add3A_425 = arith.constant 5 : i32
      %add3A_426 = arith.addi %add3A_405, %add3A_425 : i32
      %lt3A_427 = arith.constant 200 : i32
      %lt3A_428 = arith.cmpi slt, %add3A_426, %lt3A_427 : i32
      %convert_element_type3A_429 = arith.extui %lt3A_428 : i1 to i32
      %cond3A_430 = arith.constant 0 : i32
      %cond3A_431 = arith.cmpi ne, %convert_element_type3A_429, %cond3A_430 : i32
      scf.if %cond3A_431 {
        %add3A_893 = arith.constant 5 : i32
        %add3A_894 = arith.addi %add3A_405, %add3A_893 : i32
        %dma_start3A_895 = arith.constant 0 : i32
        %dma_start3A_896 = arith.constant 0 : i32
        %dma_start3A_897 = arith.constant 0 : i32
        %dma_start3A_898 = arith.constant 0 : i32
        %dma_start3A_899 = tpu.memref_slice %arg6[%dma_start3A_895, %dma_start3A_897, %dma_start3A_898] : memref<5x128x64xf32, #tpu.memory_space<vmem>> -> memref<1x128x64xf32, #tpu.memory_space<vmem>>
        %dma_start3A_900 = tpu.memref_squeeze %dma_start3A_899 : memref<1x128x64xf32, #tpu.memory_space<vmem>> -> memref<128x64xf32, #tpu.memory_space<vmem>>
        %dma_start3A_901 = arith.constant 0 : i32
        %dma_start3A_902 = tpu.memref_slice %arg5[%add3A_894, %dma_start3A_901] : memref<200x128xi32, #tpu.memory_space<vmem>> -> memref<1x128xi32, #tpu.memory_space<vmem>>
        %dma_start3A_903 = tpu.memref_squeeze %dma_start3A_902 : memref<1x128xi32, #tpu.memory_space<vmem>> -> memref<128xi32, #tpu.memory_space<vmem>>
        %dma_start3A_904 = arith.constant 0 : i32
        %dma_start3A_905 = arith.constant 0 : i32
        %dma_start3A_906 = tpu.memref_slice %arg3[%dma_start3A_904, %dma_start3A_905] : memref<1000000x64xf32, #tpu.memory_space<hbm>> -> memref<1000000x64xf32, #tpu.memory_space<hbm>>
        %dma_start3A_907 = tpu.memref_slice %arg8[%dma_start3A_896] : memref<5x!tpu.dma_semaphore, #tpu.memory_space<semaphore_mem>> -> memref<1x!tpu.dma_semaphore, #tpu.memory_space<semaphore_mem>>
        %dma_start3A_908 = tpu.memref_squeeze %dma_start3A_907 : memref<1x!tpu.dma_semaphore, #tpu.memory_space<semaphore_mem>> -> memref<!tpu.dma_semaphore, #tpu.memory_space<semaphore_mem>>
        tpu.enqueue_indirect_dma source(%dma_start3A_906 : memref<1000000x64xf32, #tpu.memory_space<hbm>>) target(%dma_start3A_900 : memref<128x64xf32, #tpu.memory_space<vmem>>) offsets(%dma_start3A_903 : memref<128xi32, #tpu.memory_space<vmem>>) semaphore(%dma_start3A_908 : memref<!tpu.dma_semaphore, #tpu.memory_space<semaphore_mem>>)
      } else {
      }
      %add3A_432 = arith.addi %mul3A_2, %add3A_405 : i32
      %jit3A_433 = arith.constant 128 : i32
      %div3A_434 = arith.divsi %add3A_432, %jit3A_433 : i32
      %sign3A_435 = arith.constant 0 : i32
      %sign3A_436 = arith.cmpi sgt, %add3A_432, %sign3A_435 : i32
      %sign3A_437 = arith.extui %sign3A_436 : i1 to i32
      %sign3A_438 = arith.constant 0 : i32
      %sign3A_439 = arith.cmpi slt, %add3A_432, %sign3A_438 : i32
      %sign3A_440 = arith.extui %sign3A_439 : i1 to i32
      %sign3A_441 = arith.subi %sign3A_437, %sign3A_440 : i32
      %sign3A_442 = arith.constant 0 : i32
      %sign3A_443 = arith.cmpi sgt, %jit3A_433, %sign3A_442 : i32
      %sign3A_444 = arith.extui %sign3A_443 : i1 to i32
      %sign3A_445 = arith.constant 0 : i32
      %sign3A_446 = arith.cmpi slt, %jit3A_433, %sign3A_445 : i32
      %sign3A_447 = arith.extui %sign3A_446 : i1 to i32
      %sign3A_448 = arith.subi %sign3A_444, %sign3A_447 : i32
      %ne3A_449 = arith.cmpi ne, %sign3A_441, %sign3A_448 : i32
      %rem3A_450 = arith.remsi %add3A_432, %jit3A_433 : i32
      %ne3A_451 = arith.constant 0 : i32
      %ne3A_452 = arith.cmpi ne, %rem3A_450, %ne3A_451 : i32
      %and3A_453 = arith.andi %ne3A_449, %ne3A_452 : i1
      %sub3A_454 = arith.constant 1 : i32
      %sub3A_455 = arith.subi %div3A_434, %sub3A_454 : i32
      %select_n3A_456 = arith.select %and3A_453, %sub3A_455, %div3A_434 : i32
      %jit3A_457 = arith.constant 128 : i32
      %eq3A_458 = arith.constant 0 : i32
      %eq3A_459 = arith.cmpi eq, %jit3A_457, %eq3A_458 : i32
      %jit3A_460 = arith.constant 1 : i32
      %select_n3A_461 = arith.select %eq3A_459, %jit3A_460, %jit3A_457 : i32
      %rem3A_462 = arith.remsi %add3A_432, %select_n3A_461 : i32
      %ne3A_463 = arith.constant 0 : i32
      %ne3A_464 = arith.cmpi ne, %rem3A_462, %ne3A_463 : i32
      %lt3A_465 = arith.constant 0 : i32
      %lt3A_466 = arith.cmpi slt, %rem3A_462, %lt3A_465 : i32
      %lt3A_467 = arith.constant 0 : i32
      %lt3A_468 = arith.cmpi slt, %select_n3A_461, %lt3A_467 : i32
      %ne3A_469 = arith.xori %lt3A_466, %lt3A_468 : i1
      %and3A_470 = arith.andi %ne3A_469, %ne3A_464 : i1
      %add3A_471 = arith.addi %rem3A_462, %select_n3A_461 : i32
      %select_n3A_472 = arith.select %and3A_470, %add3A_471, %rem3A_462 : i32
      %dma_start3A_473 = arith.constant 0 : i32
      %dma_start3A_474 = arith.constant 0 : i32
      %dma_start3A_475 = arith.constant 0 : i32
      %dma_start3A_476 = arith.constant 0 : i32
      %dma_start3A_477 = arith.constant 0 : i32
      %dma_start3A_478 = tpu.memref_slice %arg7[%dma_start3A_473, %dma_start3A_475, %dma_start3A_476, %dma_start3A_477] : memref<5x8x8x129xf32, #tpu.memory_space<vmem>> -> memref<1x8x8x128xf32, #tpu.memory_space<vmem>>
      %dma_start3A_479 = tpu.memref_squeeze %dma_start3A_478 : memref<1x8x8x128xf32, #tpu.memory_space<vmem>> -> memref<8x8x128xf32, #tpu.memory_space<vmem>>
      %dma_start3A_480 = arith.constant 0 : i32
      %dma_start3A_481 = arith.constant 0 : i32
      %dma_start3A_482 = arith.constant 0 : i32
      %dma_start3A_483 = tpu.memref_slice %arg4[%select_n3A_456, %dma_start3A_480, %select_n3A_472, %dma_start3A_481, %dma_start3A_482] : memref<50x8x128x8x128xf32, #tpu.memory_space<hbm>> -> memref<1x8x1x8x128xf32, #tpu.memory_space<hbm>>
      %dma_start3A_484 = tpu.memref_squeeze %dma_start3A_483 : memref<1x8x1x8x128xf32, #tpu.memory_space<hbm>> -> memref<8x8x128xf32, #tpu.memory_space<hbm>>
      %dma_start3A_485 = tpu.memref_slice %arg9[%dma_start3A_474] : memref<5x!tpu.dma_semaphore, #tpu.memory_space<semaphore_mem>> -> memref<1x!tpu.dma_semaphore, #tpu.memory_space<semaphore_mem>>
      %dma_start3A_486 = tpu.memref_squeeze %dma_start3A_485 : memref<1x!tpu.dma_semaphore, #tpu.memory_space<semaphore_mem>> -> memref<!tpu.dma_semaphore, #tpu.memory_space<semaphore_mem>>
      %dma_start3A_487 = arith.constant 0 : i32
      %dma_start3A_488 = arith.constant 0 : i32
      %dma_start3A_489 = arith.constant 0 : i32
      %dma_start3A_490 = tpu.memref_slice %arg4[%select_n3A_456, %dma_start3A_487, %select_n3A_472, %dma_start3A_488, %dma_start3A_489] : memref<50x8x128x8x128xf32, #tpu.memory_space<hbm>> -> memref<1x8x1x8x128xf32, #tpu.memory_space<hbm>>
      %dma_start3A_491 = tpu.memref_squeeze %dma_start3A_490 : memref<1x8x1x8x128xf32, #tpu.memory_space<hbm>> -> memref<8x8x128xf32, #tpu.memory_space<hbm>>
      %dma_start3A_492 = arith.constant 0 : i32
      %dma_start3A_493 = arith.constant 0 : i32
      %dma_start3A_494 = arith.constant 0 : i32
      %dma_start3A_495 = tpu.memref_slice %arg7[%dma_start3A_473, %dma_start3A_492, %dma_start3A_493, %dma_start3A_494] : memref<5x8x8x129xf32, #tpu.memory_space<vmem>> -> memref<1x8x8x128xf32, #tpu.memory_space<vmem>>
      %dma_start3A_496 = tpu.memref_squeeze %dma_start3A_495 : memref<1x8x8x128xf32, #tpu.memory_space<vmem>> -> memref<8x8x128xf32, #tpu.memory_space<vmem>>
      tpu.enqueue_dma source(%dma_start3A_496 : memref<8x8x128xf32, #tpu.memory_space<vmem>>) target(%dma_start3A_491 : memref<8x8x128xf32, #tpu.memory_space<hbm>>) target_semaphore(%dma_start3A_486 : memref<!tpu.dma_semaphore, #tpu.memory_space<semaphore_mem>>)
      %mul3A_497 = arith.constant 5 : i32
      %mul3A_498 = arith.muli %scan3A_401, %mul3A_497 : i32
      %add3A_499 = arith.constant 1 : i32
      %add3A_500 = arith.addi %mul3A_498, %add3A_499 : i32
      %dma_wait3A_501 = arith.constant 1 : i32
      %dma_wait3A_502 = arith.constant 1 : i32
      %dma_wait3A_503 = arith.constant 0 : i32
      %dma_wait3A_504 = arith.constant 0 : i32
      %dma_wait3A_505 = tpu.memref_slice %arg6[%dma_wait3A_501, %dma_wait3A_503, %dma_wait3A_504] : memref<5x128x64xf32, #tpu.memory_space<vmem>> -> memref<1x128x64xf32, #tpu.memory_space<vmem>>
      %dma_wait3A_506 = tpu.memref_squeeze %dma_wait3A_505 : memref<1x128x64xf32, #tpu.memory_space<vmem>> -> memref<128x64xf32, #tpu.memory_space<vmem>>
      %dma_wait3A_507 = arith.constant 0 : i32
      %dma_wait3A_508 = tpu.memref_slice %arg5[%add3A_500, %dma_wait3A_507] : memref<200x128xi32, #tpu.memory_space<vmem>> -> memref<1x128xi32, #tpu.memory_space<vmem>>
      %dma_wait3A_509 = tpu.memref_squeeze %dma_wait3A_508 : memref<1x128xi32, #tpu.memory_space<vmem>> -> memref<128xi32, #tpu.memory_space<vmem>>
      %dma_wait3A_510 = arith.constant 0 : i32
      %dma_wait3A_511 = arith.constant 0 : i32
      %dma_wait3A_512 = tpu.memref_slice %arg3[%dma_wait3A_510, %dma_wait3A_511] : memref<1000000x64xf32, #tpu.memory_space<hbm>> -> memref<1000000x64xf32, #tpu.memory_space<hbm>>
      %dma_wait3A_513 = tpu.memref_slice %arg8[%dma_wait3A_502] : memref<5x!tpu.dma_semaphore, #tpu.memory_space<semaphore_mem>> -> memref<1x!tpu.dma_semaphore, #tpu.memory_space<semaphore_mem>>
      %dma_wait3A_514 = tpu.memref_squeeze %dma_wait3A_513 : memref<1x!tpu.dma_semaphore, #tpu.memory_space<semaphore_mem>> -> memref<!tpu.dma_semaphore, #tpu.memory_space<semaphore_mem>>
      tpu.wait_indirect_dma semaphore(%dma_wait3A_514 : memref<!tpu.dma_semaphore, #tpu.memory_space<semaphore_mem>>) src(%dma_wait3A_512 : memref<1000000x64xf32, #tpu.memory_space<hbm>>) dst(%dma_wait3A_506 : memref<128x64xf32, #tpu.memory_space<vmem>>)
      %gt3A_515 = arith.constant 0 : i32
      %gt3A_516 = arith.cmpi sgt, %scan3A_401, %gt3A_515 : i32
      %convert_element_type3A_517 = arith.extui %gt3A_516 : i1 to i32
      %cond3A_518 = arith.constant 0 : i32
      %cond3A_519 = arith.cmpi ne, %convert_element_type3A_517, %cond3A_518 : i32
      scf.if %cond3A_519 {
        %sub3A_893 = arith.constant 5 : i32
        %sub3A_894 = arith.subi %add3A_500, %sub3A_893 : i32
        %add3A_895 = arith.addi %mul3A_2, %sub3A_894 : i32
        %jit3A_896 = arith.constant 128 : i32
        %div3A_897 = arith.divsi %add3A_895, %jit3A_896 : i32
        %sign3A_898 = arith.constant 0 : i32
        %sign3A_899 = arith.cmpi sgt, %add3A_895, %sign3A_898 : i32
        %sign3A_900 = arith.extui %sign3A_899 : i1 to i32
        %sign3A_901 = arith.constant 0 : i32
        %sign3A_902 = arith.cmpi slt, %add3A_895, %sign3A_901 : i32
        %sign3A_903 = arith.extui %sign3A_902 : i1 to i32
        %sign3A_904 = arith.subi %sign3A_900, %sign3A_903 : i32
        %sign3A_905 = arith.constant 0 : i32
        %sign3A_906 = arith.cmpi sgt, %jit3A_896, %sign3A_905 : i32
        %sign3A_907 = arith.extui %sign3A_906 : i1 to i32
        %sign3A_908 = arith.constant 0 : i32
        %sign3A_909 = arith.cmpi slt, %jit3A_896, %sign3A_908 : i32
        %sign3A_910 = arith.extui %sign3A_909 : i1 to i32
        %sign3A_911 = arith.subi %sign3A_907, %sign3A_910 : i32
        %ne3A_912 = arith.cmpi ne, %sign3A_904, %sign3A_911 : i32
        %rem3A_913 = arith.remsi %add3A_895, %jit3A_896 : i32
        %ne3A_914 = arith.constant 0 : i32
        %ne3A_915 = arith.cmpi ne, %rem3A_913, %ne3A_914 : i32
        %and3A_916 = arith.andi %ne3A_912, %ne3A_915 : i1
        %sub3A_917 = arith.constant 1 : i32
        %sub3A_918 = arith.subi %div3A_897, %sub3A_917 : i32
        %select_n3A_919 = arith.select %and3A_916, %sub3A_918, %div3A_897 : i32
        %jit3A_920 = arith.constant 128 : i32
        %eq3A_921 = arith.constant 0 : i32
        %eq3A_922 = arith.cmpi eq, %jit3A_920, %eq3A_921 : i32
        %jit3A_923 = arith.constant 1 : i32
        %select_n3A_924 = arith.select %eq3A_922, %jit3A_923, %jit3A_920 : i32
        %rem3A_925 = arith.remsi %add3A_895, %select_n3A_924 : i32
        %ne3A_926 = arith.constant 0 : i32
        %ne3A_927 = arith.cmpi ne, %rem3A_925, %ne3A_926 : i32
        %lt3A_928 = arith.constant 0 : i32
        %lt3A_929 = arith.cmpi slt, %rem3A_925, %lt3A_928 : i32
        %lt3A_930 = arith.constant 0 : i32
        %lt3A_931 = arith.cmpi slt, %select_n3A_924, %lt3A_930 : i32
        %ne3A_932 = arith.xori %lt3A_929, %lt3A_931 : i1
        %and3A_933 = arith.andi %ne3A_932, %ne3A_927 : i1
        %add3A_934 = arith.addi %rem3A_925, %select_n3A_924 : i32
        %select_n3A_935 = arith.select %and3A_933, %add3A_934, %rem3A_925 : i32
        %dma_wait3A_936 = arith.constant 1 : i32
        %dma_wait3A_937 = arith.constant 1 : i32
        %dma_wait3A_938 = arith.constant 0 : i32
        %dma_wait3A_939 = arith.constant 0 : i32
        %dma_wait3A_940 = arith.constant 0 : i32
        %dma_wait3A_941 = tpu.memref_slice %arg7[%dma_wait3A_936, %dma_wait3A_938, %dma_wait3A_939, %dma_wait3A_940] : memref<5x8x8x129xf32, #tpu.memory_space<vmem>> -> memref<1x8x8x128xf32, #tpu.memory_space<vmem>>
        %dma_wait3A_942 = tpu.memref_squeeze %dma_wait3A_941 : memref<1x8x8x128xf32, #tpu.memory_space<vmem>> -> memref<8x8x128xf32, #tpu.memory_space<vmem>>
        %dma_wait3A_943 = arith.constant 0 : i32
        %dma_wait3A_944 = arith.constant 0 : i32
        %dma_wait3A_945 = arith.constant 0 : i32
        %dma_wait3A_946 = tpu.memref_slice %arg4[%select_n3A_919, %dma_wait3A_943, %select_n3A_935, %dma_wait3A_944, %dma_wait3A_945] : memref<50x8x128x8x128xf32, #tpu.memory_space<hbm>> -> memref<1x8x1x8x128xf32, #tpu.memory_space<hbm>>
        %dma_wait3A_947 = tpu.memref_squeeze %dma_wait3A_946 : memref<1x8x1x8x128xf32, #tpu.memory_space<hbm>> -> memref<8x8x128xf32, #tpu.memory_space<hbm>>
        %dma_wait3A_948 = tpu.memref_slice %arg9[%dma_wait3A_937] : memref<5x!tpu.dma_semaphore, #tpu.memory_space<semaphore_mem>> -> memref<1x!tpu.dma_semaphore, #tpu.memory_space<semaphore_mem>>
        %dma_wait3A_949 = tpu.memref_squeeze %dma_wait3A_948 : memref<1x!tpu.dma_semaphore, #tpu.memory_space<semaphore_mem>> -> memref<!tpu.dma_semaphore, #tpu.memory_space<semaphore_mem>>
        %dma_wait3A_950 = arith.constant 0 : i32
        %dma_wait3A_951 = arith.constant 0 : i32
        %dma_wait3A_952 = arith.constant 0 : i32
        %dma_wait3A_953 = tpu.memref_slice %arg4[%select_n3A_919, %dma_wait3A_950, %select_n3A_935, %dma_wait3A_951, %dma_wait3A_952] : memref<50x8x128x8x128xf32, #tpu.memory_space<hbm>> -> memref<1x8x1x8x128xf32, #tpu.memory_space<hbm>>
        %dma_wait3A_954 = tpu.memref_squeeze %dma_wait3A_953 : memref<1x8x1x8x128xf32, #tpu.memory_space<hbm>> -> memref<8x8x128xf32, #tpu.memory_space<hbm>>
        %dma_wait3A_955 = arith.constant 0 : i32
        %dma_wait3A_956 = arith.constant 0 : i32
        %dma_wait3A_957 = arith.constant 0 : i32
        %dma_wait3A_958 = tpu.memref_slice %arg7[%dma_wait3A_936, %dma_wait3A_955, %dma_wait3A_956, %dma_wait3A_957] : memref<5x8x8x129xf32, #tpu.memory_space<vmem>> -> memref<1x8x8x128xf32, #tpu.memory_space<vmem>>
        %dma_wait3A_959 = tpu.memref_squeeze %dma_wait3A_958 : memref<1x8x8x128xf32, #tpu.memory_space<vmem>> -> memref<8x8x128xf32, #tpu.memory_space<vmem>>
        tpu.wait_dma2 semaphore(%dma_wait3A_949 : memref<!tpu.dma_semaphore, #tpu.memory_space<semaphore_mem>>) src(%dma_wait3A_959 : memref<8x8x128xf32, #tpu.memory_space<vmem>>) dst(%dma_wait3A_954 : memref<8x8x128xf32, #tpu.memory_space<hbm>>)
      } else {
      }
      %parallel_loop3A_520 = arith.constant 0 : i32
      %parallel_loop3A_521 = arith.constant 128 : i32
      %parallel_loop3A_522 = arith.constant 1 : i32
      %parallel_loop3A_523 = arith.constant 1 : i32
      scf.for %parallel_loop3A_893 = %parallel_loop3A_520 to %parallel_loop3A_521 step %parallel_loop3A_522  : i32 {
        %parallel_loop3A_894 = arith.constant 0 : i32
        %parallel_loop3A_895 = vector.broadcast %parallel_loop3A_894 : i32 to vector<16xi32>
        %parallel_loop3A_896 = vector.broadcast %parallel_loop3A_893 : i32 to vector<16xi32>
        %parallel_loop3A_897 = arith.addi %parallel_loop3A_895, %parallel_loop3A_896 : vector<16xi32>
        %parallel_loop3A_898 = arith.constant 1 : i32
        %parallel_loop3A_899 = arith.index_cast %parallel_loop3A_898 : i32 to index
        %parallel_loop3A_900 = arith.index_cast %parallel_loop3A_893 : i32 to index
        %parallel_loop3A_901 = arith.constant 0 : index
        %parallel_loop3A_902 = tpu.vector_load %arg6[%parallel_loop3A_899, %parallel_loop3A_900, %parallel_loop3A_901] {strides = array<i32>} : memref<5x128x64xf32, #tpu.memory_space<vmem>>, vector<16xf32>,
        %parallel_loop3A_903 = arith.constant 0 : i32
        %parallel_loop3A_904 = vector.broadcast %parallel_loop3A_903 : i32 to vector<16xi32>
        %parallel_loop3A_905 = arith.addi %iota3A, %parallel_loop3A_904 : vector<16xi32>
        %parallel_loop3A_906 = arith.constant 8 : i32
        %parallel_loop3A_907 = vector.broadcast %parallel_loop3A_906 : i32 to vector<16xi32>
        %parallel_loop3A_908 = arith.divsi %parallel_loop3A_905, %parallel_loop3A_907 : vector<16xi32>
        %parallel_loop3A_909 = arith.constant 0 : i32
        %parallel_loop3A_910 = vector.broadcast %parallel_loop3A_909 : i32 to vector<16xi32>
        %parallel_loop3A_911 = arith.cmpi sgt, %parallel_loop3A_905, %parallel_loop3A_910 : vector<16xi32>
        %parallel_loop3A_912 = arith.extui %parallel_loop3A_911 : vector<16xi1> to vector<16xi32>
        %parallel_loop3A_913 = arith.constant 0 : i32
        %parallel_loop3A_914 = vector.broadcast %parallel_loop3A_913 : i32 to vector<16xi32>
        %parallel_loop3A_915 = arith.cmpi slt, %parallel_loop3A_905, %parallel_loop3A_914 : vector<16xi32>
        %parallel_loop3A_916 = arith.extui %parallel_loop3A_915 : vector<16xi1> to vector<16xi32>
        %parallel_loop3A_917 = arith.subi %parallel_loop3A_912, %parallel_loop3A_916 : vector<16xi32>
        %parallel_loop3A_918 = arith.constant 0 : i32
        %parallel_loop3A_919 = arith.cmpi sgt, %parallel_loop3A_906, %parallel_loop3A_918 : i32
        %parallel_loop3A_920 = arith.extui %parallel_loop3A_919 : i1 to i32
        %parallel_loop3A_921 = arith.constant 0 : i32
        %parallel_loop3A_922 = arith.cmpi slt, %parallel_loop3A_906, %parallel_loop3A_921 : i32
        %parallel_loop3A_923 = arith.extui %parallel_loop3A_922 : i1 to i32
        %parallel_loop3A_924 = arith.subi %parallel_loop3A_920, %parallel_loop3A_923 : i32
        %parallel_loop3A_925 = vector.broadcast %parallel_loop3A_924 : i32 to vector<16xi32>
        %parallel_loop3A_926 = arith.cmpi ne, %parallel_loop3A_917, %parallel_loop3A_925 : vector<16xi32>
        %parallel_loop3A_927 = vector.broadcast %parallel_loop3A_906 : i32 to vector<16xi32>
        %parallel_loop3A_928 = arith.remsi %parallel_loop3A_905, %parallel_loop3A_927 : vector<16xi32>
        %parallel_loop3A_929 = arith.constant 0 : i32
        %parallel_loop3A_930 = vector.broadcast %parallel_loop3A_929 : i32 to vector<16xi32>
        %parallel_loop3A_931 = arith.cmpi ne, %parallel_loop3A_928, %parallel_loop3A_930 : vector<16xi32>
        %parallel_loop3A_932 = arith.andi %parallel_loop3A_926, %parallel_loop3A_931 : vector<16xi1>
        %parallel_loop3A_933 = arith.constant 1 : i32
        %parallel_loop3A_934 = vector.broadcast %parallel_loop3A_933 : i32 to vector<16xi32>
        %parallel_loop3A_935 = arith.subi %parallel_loop3A_908, %parallel_loop3A_934 : vector<16xi32>
        %parallel_loop3A_936 = arith.select %parallel_loop3A_932, %parallel_loop3A_935, %parallel_loop3A_908 : vector<16xi1>, vector<16xi32>
        %parallel_loop3A_937 = arith.constant 0 : i32
        %parallel_loop3A_938 = vector.broadcast %parallel_loop3A_937 : i32 to vector<16xi32>
        %parallel_loop3A_939 = arith.addi %iota3A, %parallel_loop3A_938 : vector<16xi32>
        %parallel_loop3A_940 = arith.constant 8 : i32
        %parallel_loop3A_941 = arith.constant 0 : i32
        %parallel_loop3A_942 = arith.cmpi eq, %parallel_loop3A_940, %parallel_loop3A_941 : i32
        %parallel_loop3A_943 = arith.constant 1 : i32
        %parallel_loop3A_944 = arith.select %parallel_loop3A_942, %parallel_loop3A_943, %parallel_loop3A_940 : i32
        %parallel_loop3A_945 = vector.broadcast %parallel_loop3A_944 : i32 to vector<16xi32>
        %parallel_loop3A_946 = arith.remsi %parallel_loop3A_939, %parallel_loop3A_945 : vector<16xi32>
        %parallel_loop3A_947 = arith.constant 0 : i32
        %parallel_loop3A_948 = vector.broadcast %parallel_loop3A_947 : i32 to vector<16xi32>
        %parallel_loop3A_949 = arith.cmpi ne, %parallel_loop3A_946, %parallel_loop3A_948 : vector<16xi32>
        %parallel_loop3A_950 = arith.constant 0 : i32
        %parallel_loop3A_951 = vector.broadcast %parallel_loop3A_950 : i32 to vector<16xi32>
        %parallel_loop3A_952 = arith.cmpi slt, %parallel_loop3A_946, %parallel_loop3A_951 : vector<16xi32>
        %parallel_loop3A_953 = arith.constant 0 : i32
        %parallel_loop3A_954 = arith.cmpi slt, %parallel_loop3A_944, %parallel_loop3A_953 : i32
        %parallel_loop3A_955 = vector.broadcast %parallel_loop3A_954 : i1 to vector<16xi1>
        %parallel_loop3A_956 = vector.broadcast %parallel_loop3A_955 : vector<16xi1> to vector<16xi1>
        %parallel_loop3A_957 = arith.xori %parallel_loop3A_952, %parallel_loop3A_956 : vector<16xi1>
        %parallel_loop3A_958 = arith.andi %parallel_loop3A_957, %parallel_loop3A_949 : vector<16xi1>
        %parallel_loop3A_959 = vector.broadcast %parallel_loop3A_944 : i32 to vector<16xi32>
        %parallel_loop3A_960 = arith.addi %parallel_loop3A_946, %parallel_loop3A_959 : vector<16xi32>
        %parallel_loop3A_961 = arith.select %parallel_loop3A_958, %parallel_loop3A_960, %parallel_loop3A_946 : vector<16xi1>, vector<16xi32>
        %parallel_loop3A_962 = arith.constant 0 : i32
        %parallel_loop3A_963 = arith.constant 0 : i32
        %parallel_loop3A_964 = arith.constant 0 : i32
        %parallel_loop3A_965 = tpu.memref_slice %arg7[%parallel_loop3A_523, %parallel_loop3A_962, %parallel_loop3A_963, %parallel_loop3A_964] : memref<5x8x8x129xf32, #tpu.memory_space<vmem>> -> memref<1x8x8x129xf32, #tpu.memory_space<vmem>>
        %parallel_loop3A_966 = tpu.memref_squeeze %parallel_loop3A_965 : memref<1x8x8x129xf32, #tpu.memory_space<vmem>> -> memref<8x8x129xf32, #tpu.memory_space<vmem>>
        tpu.vector_store_idx %parallel_loop3A_966[%parallel_loop3A_936, %parallel_loop3A_961, %parallel_loop3A_897], %parallel_loop3A_902 : memref<8x8x129xf32, #tpu.memory_space<vmem>>[vector<16xi32>, vector<16xi32>, vector<16xi32>], vector<16xf32>,
        %parallel_loop3A_967 = arith.constant 1 : i32
        %parallel_loop3A_968 = arith.index_cast %parallel_loop3A_967 : i32 to index
        %parallel_loop3A_969 = arith.index_cast %parallel_loop3A_893 : i32 to index
        %parallel_loop3A_970 = arith.constant 16 : index
        %parallel_loop3A_971 = tpu.vector_load %arg6[%parallel_loop3A_968, %parallel_loop3A_969, %parallel_loop3A_970] {strides = array<i32>} : memref<5x128x64xf32, #tpu.memory_space<vmem>>, vector<16xf32>,
        %parallel_loop3A_972 = arith.constant 16 : i32
        %parallel_loop3A_973 = vector.broadcast %parallel_loop3A_972 : i32 to vector<16xi32>
        %parallel_loop3A_974 = arith.addi %iota3A, %parallel_loop3A_973 : vector<16xi32>
        %parallel_loop3A_975 = arith.constant 8 : i32
        %parallel_loop3A_976 = vector.broadcast %parallel_loop3A_975 : i32 to vector<16xi32>
        %parallel_loop3A_977 = arith.divsi %parallel_loop3A_974, %parallel_loop3A_976 : vector<16xi32>
        %parallel_loop3A_978 = arith.constant 0 : i32
        %parallel_loop3A_979 = vector.broadcast %parallel_loop3A_978 : i32 to vector<16xi32>
        %parallel_loop3A_980 = arith.cmpi sgt, %parallel_loop3A_974, %parallel_loop3A_979 : vector<16xi32>
        %parallel_loop3A_981 = arith.extui %parallel_loop3A_980 : vector<16xi1> to vector<16xi32>
        %parallel_loop3A_982 = arith.constant 0 : i32
        %parallel_loop3A_983 = vector.broadcast %parallel_loop3A_982 : i32 to vector<16xi32>
        %parallel_loop3A_984 = arith.cmpi slt, %parallel_loop3A_974, %parallel_loop3A_983 : vector<16xi32>
        %parallel_loop3A_985 = arith.extui %parallel_loop3A_984 : vector<16xi1> to vector<16xi32>
        %parallel_loop3A_986 = arith.subi %parallel_loop3A_981, %parallel_loop3A_985 : vector<16xi32>
        %parallel_loop3A_987 = arith.constant 0 : i32
        %parallel_loop3A_988 = arith.cmpi sgt, %parallel_loop3A_975, %parallel_loop3A_987 : i32
        %parallel_loop3A_989 = arith.extui %parallel_loop3A_988 : i1 to i32
        %parallel_loop3A_990 = arith.constant 0 : i32
        %parallel_loop3A_991 = arith.cmpi slt, %parallel_loop3A_975, %parallel_loop3A_990 : i32
        %parallel_loop3A_992 = arith.extui %parallel_loop3A_991 : i1 to i32
        %parallel_loop3A_993 = arith.subi %parallel_loop3A_989, %parallel_loop3A_992 : i32
        %parallel_loop3A_994 = vector.broadcast %parallel_loop3A_993 : i32 to vector<16xi32>
        %parallel_loop3A_995 = arith.cmpi ne, %parallel_loop3A_986, %parallel_loop3A_994 : vector<16xi32>
        %parallel_loop3A_996 = vector.broadcast %parallel_loop3A_975 : i32 to vector<16xi32>
        %parallel_loop3A_997 = arith.remsi %parallel_loop3A_974, %parallel_loop3A_996 : vector<16xi32>
        %parallel_loop3A_998 = arith.constant 0 : i32
        %parallel_loop3A_999 = vector.broadcast %parallel_loop3A_998 : i32 to vector<16xi32>
        %parallel_loop3A_1000 = arith.cmpi ne, %parallel_loop3A_997, %parallel_loop3A_999 : vector<16xi32>
        %parallel_loop3A_1001 = arith.andi %parallel_loop3A_995, %parallel_loop3A_1000 : vector<16xi1>
        %parallel_loop3A_1002 = arith.constant 1 : i32
        %parallel_loop3A_1003 = vector.broadcast %parallel_loop3A_1002 : i32 to vector<16xi32>
        %parallel_loop3A_1004 = arith.subi %parallel_loop3A_977, %parallel_loop3A_1003 : vector<16xi32>
        %parallel_loop3A_1005 = arith.select %parallel_loop3A_1001, %parallel_loop3A_1004, %parallel_loop3A_977 : vector<16xi1>, vector<16xi32>
        %parallel_loop3A_1006 = arith.constant 16 : i32
        %parallel_loop3A_1007 = vector.broadcast %parallel_loop3A_1006 : i32 to vector<16xi32>
        %parallel_loop3A_1008 = arith.addi %iota3A, %parallel_loop3A_1007 : vector<16xi32>
        %parallel_loop3A_1009 = arith.constant 8 : i32
        %parallel_loop3A_1010 = arith.constant 0 : i32
        %parallel_loop3A_1011 = arith.cmpi eq, %parallel_loop3A_1009, %parallel_loop3A_1010 : i32
        %parallel_loop3A_1012 = arith.constant 1 : i32
        %parallel_loop3A_1013 = arith.select %parallel_loop3A_1011, %parallel_loop3A_1012, %parallel_loop3A_1009 : i32
        %parallel_loop3A_1014 = vector.broadcast %parallel_loop3A_1013 : i32 to vector<16xi32>
        %parallel_loop3A_1015 = arith.remsi %parallel_loop3A_1008, %parallel_loop3A_1014 : vector<16xi32>
        %parallel_loop3A_1016 = arith.constant 0 : i32
        %parallel_loop3A_1017 = vector.broadcast %parallel_loop3A_1016 : i32 to vector<16xi32>
        %parallel_loop3A_1018 = arith.cmpi ne, %parallel_loop3A_1015, %parallel_loop3A_1017 : vector<16xi32>
        %parallel_loop3A_1019 = arith.constant 0 : i32
        %parallel_loop3A_1020 = vector.broadcast %parallel_loop3A_1019 : i32 to vector<16xi32>
        %parallel_loop3A_1021 = arith.cmpi slt, %parallel_loop3A_1015, %parallel_loop3A_1020 : vector<16xi32>
        %parallel_loop3A_1022 = arith.constant 0 : i32
        %parallel_loop3A_1023 = arith.cmpi slt, %parallel_loop3A_1013, %parallel_loop3A_1022 : i32
        %parallel_loop3A_1024 = vector.broadcast %parallel_loop3A_1023 : i1 to vector<16xi1>
        %parallel_loop3A_1025 = vector.broadcast %parallel_loop3A_1024 : vector<16xi1> to vector<16xi1>
        %parallel_loop3A_1026 = arith.xori %parallel_loop3A_1021, %parallel_loop3A_1025 : vector<16xi1>
        %parallel_loop3A_1027 = arith.andi %parallel_loop3A_1026, %parallel_loop3A_1018 : vector<16xi1>
        %parallel_loop3A_1028 = vector.broadcast %parallel_loop3A_1013 : i32 to vector<16xi32>
        %parallel_loop3A_1029 = arith.addi %parallel_loop3A_1015, %parallel_loop3A_1028 : vector<16xi32>
        %parallel_loop3A_1030 = arith.select %parallel_loop3A_1027, %parallel_loop3A_1029, %parallel_loop3A_1015 : vector<16xi1>, vector<16xi32>
        %parallel_loop3A_1031 = arith.constant 0 : i32
        %parallel_loop3A_1032 = arith.constant 0 : i32
        %parallel_loop3A_1033 = arith.constant 0 : i32
        %parallel_loop3A_1034 = tpu.memref_slice %arg7[%parallel_loop3A_523, %parallel_loop3A_1031, %parallel_loop3A_1032, %parallel_loop3A_1033] : memref<5x8x8x129xf32, #tpu.memory_space<vmem>> -> memref<1x8x8x129xf32, #tpu.memory_space<vmem>>
        %parallel_loop3A_1035 = tpu.memref_squeeze %parallel_loop3A_1034 : memref<1x8x8x129xf32, #tpu.memory_space<vmem>> -> memref<8x8x129xf32, #tpu.memory_space<vmem>>
        tpu.vector_store_idx %parallel_loop3A_1035[%parallel_loop3A_1005, %parallel_loop3A_1030, %parallel_loop3A_897], %parallel_loop3A_971 : memref<8x8x129xf32, #tpu.memory_space<vmem>>[vector<16xi32>, vector<16xi32>, vector<16xi32>], vector<16xf32>,
        %parallel_loop3A_1036 = arith.constant 1 : i32
        %parallel_loop3A_1037 = arith.index_cast %parallel_loop3A_1036 : i32 to index
        %parallel_loop3A_1038 = arith.index_cast %parallel_loop3A_893 : i32 to index
        %parallel_loop3A_1039 = arith.constant 32 : index
        %parallel_loop3A_1040 = tpu.vector_load %arg6[%parallel_loop3A_1037, %parallel_loop3A_1038, %parallel_loop3A_1039] {strides = array<i32>} : memref<5x128x64xf32, #tpu.memory_space<vmem>>, vector<16xf32>,
        %parallel_loop3A_1041 = arith.constant 32 : i32
        %parallel_loop3A_1042 = vector.broadcast %parallel_loop3A_1041 : i32 to vector<16xi32>
        %parallel_loop3A_1043 = arith.addi %iota3A, %parallel_loop3A_1042 : vector<16xi32>
        %parallel_loop3A_1044 = arith.constant 8 : i32
        %parallel_loop3A_1045 = vector.broadcast %parallel_loop3A_1044 : i32 to vector<16xi32>
        %parallel_loop3A_1046 = arith.divsi %parallel_loop3A_1043, %parallel_loop3A_1045 : vector<16xi32>
        %parallel_loop3A_1047 = arith.constant 0 : i32
        %parallel_loop3A_1048 = vector.broadcast %parallel_loop3A_1047 : i32 to vector<16xi32>
        %parallel_loop3A_1049 = arith.cmpi sgt, %parallel_loop3A_1043, %parallel_loop3A_1048 : vector<16xi32>
        %parallel_loop3A_1050 = arith.extui %parallel_loop3A_1049 : vector<16xi1> to vector<16xi32>
        %parallel_loop3A_1051 = arith.constant 0 : i32
        %parallel_loop3A_1052 = vector.broadcast %parallel_loop3A_1051 : i32 to vector<16xi32>
        %parallel_loop3A_1053 = arith.cmpi slt, %parallel_loop3A_1043, %parallel_loop3A_1052 : vector<16xi32>
        %parallel_loop3A_1054 = arith.extui %parallel_loop3A_1053 : vector<16xi1> to vector<16xi32>
        %parallel_loop3A_1055 = arith.subi %parallel_loop3A_1050, %parallel_loop3A_1054 : vector<16xi32>
        %parallel_loop3A_1056 = arith.constant 0 : i32
        %parallel_loop3A_1057 = arith.cmpi sgt, %parallel_loop3A_1044, %parallel_loop3A_1056 : i32
        %parallel_loop3A_1058 = arith.extui %parallel_loop3A_1057 : i1 to i32
        %parallel_loop3A_1059 = arith.constant 0 : i32
        %parallel_loop3A_1060 = arith.cmpi slt, %parallel_loop3A_1044, %parallel_loop3A_1059 : i32
        %parallel_loop3A_1061 = arith.extui %parallel_loop3A_1060 : i1 to i32
        %parallel_loop3A_1062 = arith.subi %parallel_loop3A_1058, %parallel_loop3A_1061 : i32
        %parallel_loop3A_1063 = vector.broadcast %parallel_loop3A_1062 : i32 to vector<16xi32>
        %parallel_loop3A_1064 = arith.cmpi ne, %parallel_loop3A_1055, %parallel_loop3A_1063 : vector<16xi32>
        %parallel_loop3A_1065 = vector.broadcast %parallel_loop3A_1044 : i32 to vector<16xi32>
        %parallel_loop3A_1066 = arith.remsi %parallel_loop3A_1043, %parallel_loop3A_1065 : vector<16xi32>
        %parallel_loop3A_1067 = arith.constant 0 : i32
        %parallel_loop3A_1068 = vector.broadcast %parallel_loop3A_1067 : i32 to vector<16xi32>
        %parallel_loop3A_1069 = arith.cmpi ne, %parallel_loop3A_1066, %parallel_loop3A_1068 : vector<16xi32>
        %parallel_loop3A_1070 = arith.andi %parallel_loop3A_1064, %parallel_loop3A_1069 : vector<16xi1>
        %parallel_loop3A_1071 = arith.constant 1 : i32
        %parallel_loop3A_1072 = vector.broadcast %parallel_loop3A_1071 : i32 to vector<16xi32>
        %parallel_loop3A_1073 = arith.subi %parallel_loop3A_1046, %parallel_loop3A_1072 : vector<16xi32>
        %parallel_loop3A_1074 = arith.select %parallel_loop3A_1070, %parallel_loop3A_1073, %parallel_loop3A_1046 : vector<16xi1>, vector<16xi32>
        %parallel_loop3A_1075 = arith.constant 32 : i32
        %parallel_loop3A_1076 = vector.broadcast %parallel_loop3A_1075 : i32 to vector<16xi32>
        %parallel_loop3A_1077 = arith.addi %iota3A, %parallel_loop3A_1076 : vector<16xi32>
        %parallel_loop3A_1078 = arith.constant 8 : i32
        %parallel_loop3A_1079 = arith.constant 0 : i32
        %parallel_loop3A_1080 = arith.cmpi eq, %parallel_loop3A_1078, %parallel_loop3A_1079 : i32
        %parallel_loop3A_1081 = arith.constant 1 : i32
        %parallel_loop3A_1082 = arith.select %parallel_loop3A_1080, %parallel_loop3A_1081, %parallel_loop3A_1078 : i32
        %parallel_loop3A_1083 = vector.broadcast %parallel_loop3A_1082 : i32 to vector<16xi32>
        %parallel_loop3A_1084 = arith.remsi %parallel_loop3A_1077, %parallel_loop3A_1083 : vector<16xi32>
        %parallel_loop3A_1085 = arith.constant 0 : i32
        %parallel_loop3A_1086 = vector.broadcast %parallel_loop3A_1085 : i32 to vector<16xi32>
        %parallel_loop3A_1087 = arith.cmpi ne, %parallel_loop3A_1084, %parallel_loop3A_1086 : vector<16xi32>
        %parallel_loop3A_1088 = arith.constant 0 : i32
        %parallel_loop3A_1089 = vector.broadcast %parallel_loop3A_1088 : i32 to vector<16xi32>
        %parallel_loop3A_1090 = arith.cmpi slt, %parallel_loop3A_1084, %parallel_loop3A_1089 : vector<16xi32>
        %parallel_loop3A_1091 = arith.constant 0 : i32
        %parallel_loop3A_1092 = arith.cmpi slt, %parallel_loop3A_1082, %parallel_loop3A_1091 : i32
        %parallel_loop3A_1093 = vector.broadcast %parallel_loop3A_1092 : i1 to vector<16xi1>
        %parallel_loop3A_1094 = vector.broadcast %parallel_loop3A_1093 : vector<16xi1> to vector<16xi1>
        %parallel_loop3A_1095 = arith.xori %parallel_loop3A_1090, %parallel_loop3A_1094 : vector<16xi1>
        %parallel_loop3A_1096 = arith.andi %parallel_loop3A_1095, %parallel_loop3A_1087 : vector<16xi1>
        %parallel_loop3A_1097 = vector.broadcast %parallel_loop3A_1082 : i32 to vector<16xi32>
        %parallel_loop3A_1098 = arith.addi %parallel_loop3A_1084, %parallel_loop3A_1097 : vector<16xi32>
        %parallel_loop3A_1099 = arith.select %parallel_loop3A_1096, %parallel_loop3A_1098, %parallel_loop3A_1084 : vector<16xi1>, vector<16xi32>
        %parallel_loop3A_1100 = arith.constant 0 : i32
        %parallel_loop3A_1101 = arith.constant 0 : i32
        %parallel_loop3A_1102 = arith.constant 0 : i32
        %parallel_loop3A_1103 = tpu.memref_slice %arg7[%parallel_loop3A_523, %parallel_loop3A_1100, %parallel_loop3A_1101, %parallel_loop3A_1102] : memref<5x8x8x129xf32, #tpu.memory_space<vmem>> -> memref<1x8x8x129xf32, #tpu.memory_space<vmem>>
        %parallel_loop3A_1104 = tpu.memref_squeeze %parallel_loop3A_1103 : memref<1x8x8x129xf32, #tpu.memory_space<vmem>> -> memref<8x8x129xf32, #tpu.memory_space<vmem>>
        tpu.vector_store_idx %parallel_loop3A_1104[%parallel_loop3A_1074, %parallel_loop3A_1099, %parallel_loop3A_897], %parallel_loop3A_1040 : memref<8x8x129xf32, #tpu.memory_space<vmem>>[vector<16xi32>, vector<16xi32>, vector<16xi32>], vector<16xf32>,
        %parallel_loop3A_1105 = arith.constant 1 : i32
        %parallel_loop3A_1106 = arith.index_cast %parallel_loop3A_1105 : i32 to index
        %parallel_loop3A_1107 = arith.index_cast %parallel_loop3A_893 : i32 to index
        %parallel_loop3A_1108 = arith.constant 48 : index
        %parallel_loop3A_1109 = tpu.vector_load %arg6[%parallel_loop3A_1106, %parallel_loop3A_1107, %parallel_loop3A_1108] {strides = array<i32>} : memref<5x128x64xf32, #tpu.memory_space<vmem>>, vector<16xf32>,
        %parallel_loop3A_1110 = arith.constant 48 : i32
        %parallel_loop3A_1111 = vector.broadcast %parallel_loop3A_1110 : i32 to vector<16xi32>
        %parallel_loop3A_1112 = arith.addi %iota3A, %parallel_loop3A_1111 : vector<16xi32>
        %parallel_loop3A_1113 = arith.constant 8 : i32
        %parallel_loop3A_1114 = vector.broadcast %parallel_loop3A_1113 : i32 to vector<16xi32>
        %parallel_loop3A_1115 = arith.divsi %parallel_loop3A_1112, %parallel_loop3A_1114 : vector<16xi32>
        %parallel_loop3A_1116 = arith.constant 0 : i32
        %parallel_loop3A_1117 = vector.broadcast %parallel_loop3A_1116 : i32 to vector<16xi32>
        %parallel_loop3A_1118 = arith.cmpi sgt, %parallel_loop3A_1112, %parallel_loop3A_1117 : vector<16xi32>
        %parallel_loop3A_1119 = arith.extui %parallel_loop3A_1118 : vector<16xi1> to vector<16xi32>
        %parallel_loop3A_1120 = arith.constant 0 : i32
        %parallel_loop3A_1121 = vector.broadcast %parallel_loop3A_1120 : i32 to vector<16xi32>
        %parallel_loop3A_1122 = arith.cmpi slt, %parallel_loop3A_1112, %parallel_loop3A_1121 : vector<16xi32>
        %parallel_loop3A_1123 = arith.extui %parallel_loop3A_1122 : vector<16xi1> to vector<16xi32>
        %parallel_loop3A_1124 = arith.subi %parallel_loop3A_1119, %parallel_loop3A_1123 : vector<16xi32>
        %parallel_loop3A_1125 = arith.constant 0 : i32
        %parallel_loop3A_1126 = arith.cmpi sgt, %parallel_loop3A_1113, %parallel_loop3A_1125 : i32
        %parallel_loop3A_1127 = arith.extui %parallel_loop3A_1126 : i1 to i32
        %parallel_loop3A_1128 = arith.constant 0 : i32
        %parallel_loop3A_1129 = arith.cmpi slt, %parallel_loop3A_1113, %parallel_loop3A_1128 : i32
        %parallel_loop3A_1130 = arith.extui %parallel_loop3A_1129 : i1 to i32
        %parallel_loop3A_1131 = arith.subi %parallel_loop3A_1127, %parallel_loop3A_1130 : i32
        %parallel_loop3A_1132 = vector.broadcast %parallel_loop3A_1131 : i32 to vector<16xi32>
        %parallel_loop3A_1133 = arith.cmpi ne, %parallel_loop3A_1124, %parallel_loop3A_1132 : vector<16xi32>
        %parallel_loop3A_1134 = vector.broadcast %parallel_loop3A_1113 : i32 to vector<16xi32>
        %parallel_loop3A_1135 = arith.remsi %parallel_loop3A_1112, %parallel_loop3A_1134 : vector<16xi32>
        %parallel_loop3A_1136 = arith.constant 0 : i32
        %parallel_loop3A_1137 = vector.broadcast %parallel_loop3A_1136 : i32 to vector<16xi32>
        %parallel_loop3A_1138 = arith.cmpi ne, %parallel_loop3A_1135, %parallel_loop3A_1137 : vector<16xi32>
        %parallel_loop3A_1139 = arith.andi %parallel_loop3A_1133, %parallel_loop3A_1138 : vector<16xi1>
        %parallel_loop3A_1140 = arith.constant 1 : i32
        %parallel_loop3A_1141 = vector.broadcast %parallel_loop3A_1140 : i32 to vector<16xi32>
        %parallel_loop3A_1142 = arith.subi %parallel_loop3A_1115, %parallel_loop3A_1141 : vector<16xi32>
        %parallel_loop3A_1143 = arith.select %parallel_loop3A_1139, %parallel_loop3A_1142, %parallel_loop3A_1115 : vector<16xi1>, vector<16xi32>
        %parallel_loop3A_1144 = arith.constant 48 : i32
        %parallel_loop3A_1145 = vector.broadcast %parallel_loop3A_1144 : i32 to vector<16xi32>
        %parallel_loop3A_1146 = arith.addi %iota3A, %parallel_loop3A_1145 : vector<16xi32>
        %parallel_loop3A_1147 = arith.constant 8 : i32
        %parallel_loop3A_1148 = arith.constant 0 : i32
        %parallel_loop3A_1149 = arith.cmpi eq, %parallel_loop3A_1147, %parallel_loop3A_1148 : i32
        %parallel_loop3A_1150 = arith.constant 1 : i32
        %parallel_loop3A_1151 = arith.select %parallel_loop3A_1149, %parallel_loop3A_1150, %parallel_loop3A_1147 : i32
        %parallel_loop3A_1152 = vector.broadcast %parallel_loop3A_1151 : i32 to vector<16xi32>
        %parallel_loop3A_1153 = arith.remsi %parallel_loop3A_1146, %parallel_loop3A_1152 : vector<16xi32>
        %parallel_loop3A_1154 = arith.constant 0 : i32
        %parallel_loop3A_1155 = vector.broadcast %parallel_loop3A_1154 : i32 to vector<16xi32>
        %parallel_loop3A_1156 = arith.cmpi ne, %parallel_loop3A_1153, %parallel_loop3A_1155 : vector<16xi32>
        %parallel_loop3A_1157 = arith.constant 0 : i32
        %parallel_loop3A_1158 = vector.broadcast %parallel_loop3A_1157 : i32 to vector<16xi32>
        %parallel_loop3A_1159 = arith.cmpi slt, %parallel_loop3A_1153, %parallel_loop3A_1158 : vector<16xi32>
        %parallel_loop3A_1160 = arith.constant 0 : i32
        %parallel_loop3A_1161 = arith.cmpi slt, %parallel_loop3A_1151, %parallel_loop3A_1160 : i32
        %parallel_loop3A_1162 = vector.broadcast %parallel_loop3A_1161 : i1 to vector<16xi1>
        %parallel_loop3A_1163 = vector.broadcast %parallel_loop3A_1162 : vector<16xi1> to vector<16xi1>
        %parallel_loop3A_1164 = arith.xori %parallel_loop3A_1159, %parallel_loop3A_1163 : vector<16xi1>
        %parallel_loop3A_1165 = arith.andi %parallel_loop3A_1164, %parallel_loop3A_1156 : vector<16xi1>
        %parallel_loop3A_1166 = vector.broadcast %parallel_loop3A_1151 : i32 to vector<16xi32>
        %parallel_loop3A_1167 = arith.addi %parallel_loop3A_1153, %parallel_loop3A_1166 : vector<16xi32>
        %parallel_loop3A_1168 = arith.select %parallel_loop3A_1165, %parallel_loop3A_1167, %parallel_loop3A_1153 : vector<16xi1>, vector<16xi32>
        %parallel_loop3A_1169 = arith.constant 0 : i32
        %parallel_loop3A_1170 = arith.constant 0 : i32
        %parallel_loop3A_1171 = arith.constant 0 : i32
        %parallel_loop3A_1172 = tpu.memref_slice %arg7[%parallel_loop3A_523, %parallel_loop3A_1169, %parallel_loop3A_1170, %parallel_loop3A_1171] : memref<5x8x8x129xf32, #tpu.memory_space<vmem>> -> memref<1x8x8x129xf32, #tpu.memory_space<vmem>>
        %parallel_loop3A_1173 = tpu.memref_squeeze %parallel_loop3A_1172 : memref<1x8x8x129xf32, #tpu.memory_space<vmem>> -> memref<8x8x129xf32, #tpu.memory_space<vmem>>
        tpu.vector_store_idx %parallel_loop3A_1173[%parallel_loop3A_1143, %parallel_loop3A_1168, %parallel_loop3A_897], %parallel_loop3A_1109 : memref<8x8x129xf32, #tpu.memory_space<vmem>>[vector<16xi32>, vector<16xi32>, vector<16xi32>], vector<16xf32>,
      } {sc.loop_unroll_factor = 4 : i64, sc.parallel_access}
      %add3A_524 = arith.constant 5 : i32
      %add3A_525 = arith.addi %add3A_500, %add3A_524 : i32
      %lt3A_526 = arith.constant 200 : i32
      %lt3A_527 = arith.cmpi slt, %add3A_525, %lt3A_526 : i32
      %convert_element_type3A_528 = arith.extui %lt3A_527 : i1 to i32
      %cond3A_529 = arith.constant 0 : i32
      %cond3A_530 = arith.cmpi ne, %convert_element_type3A_528, %cond3A_529 : i32
      scf.if %cond3A_530 {
        %add3A_893 = arith.constant 5 : i32
        %add3A_894 = arith.addi %add3A_500, %add3A_893 : i32
        %dma_start3A_895 = arith.constant 1 : i32
        %dma_start3A_896 = arith.constant 1 : i32
        %dma_start3A_897 = arith.constant 0 : i32
        %dma_start3A_898 = arith.constant 0 : i32
        %dma_start3A_899 = tpu.memref_slice %arg6[%dma_start3A_895, %dma_start3A_897, %dma_start3A_898] : memref<5x128x64xf32, #tpu.memory_space<vmem>> -> memref<1x128x64xf32, #tpu.memory_space<vmem>>
        %dma_start3A_900 = tpu.memref_squeeze %dma_start3A_899 : memref<1x128x64xf32, #tpu.memory_space<vmem>> -> memref<128x64xf32, #tpu.memory_space<vmem>>
        %dma_start3A_901 = arith.constant 0 : i32
        %dma_start3A_902 = tpu.memref_slice %arg5[%add3A_894, %dma_start3A_901] : memref<200x128xi32, #tpu.memory_space<vmem>> -> memref<1x128xi32, #tpu.memory_space<vmem>>
        %dma_start3A_903 = tpu.memref_squeeze %dma_start3A_902 : memref<1x128xi32, #tpu.memory_space<vmem>> -> memref<128xi32, #tpu.memory_space<vmem>>
        %dma_start3A_904 = arith.constant 0 : i32
        %dma_start3A_905 = arith.constant 0 : i32
        %dma_start3A_906 = tpu.memref_slice %arg3[%dma_start3A_904, %dma_start3A_905] : memref<1000000x64xf32, #tpu.memory_space<hbm>> -> memref<1000000x64xf32, #tpu.memory_space<hbm>>
        %dma_start3A_907 = tpu.memref_slice %arg8[%dma_start3A_896] : memref<5x!tpu.dma_semaphore, #tpu.memory_space<semaphore_mem>> -> memref<1x!tpu.dma_semaphore, #tpu.memory_space<semaphore_mem>>
        %dma_start3A_908 = tpu.memref_squeeze %dma_start3A_907 : memref<1x!tpu.dma_semaphore, #tpu.memory_space<semaphore_mem>> -> memref<!tpu.dma_semaphore, #tpu.memory_space<semaphore_mem>>
        tpu.enqueue_indirect_dma source(%dma_start3A_906 : memref<1000000x64xf32, #tpu.memory_space<hbm>>) target(%dma_start3A_900 : memref<128x64xf32, #tpu.memory_space<vmem>>) offsets(%dma_start3A_903 : memref<128xi32, #tpu.memory_space<vmem>>) semaphore(%dma_start3A_908 : memref<!tpu.dma_semaphore, #tpu.memory_space<semaphore_mem>>)
      } else {
      }
      %add3A_531 = arith.addi %mul3A_2, %add3A_500 : i32
      %jit3A_532 = arith.constant 128 : i32
      %div3A_533 = arith.divsi %add3A_531, %jit3A_532 : i32
      %sign3A_534 = arith.constant 0 : i32
      %sign3A_535 = arith.cmpi sgt, %add3A_531, %sign3A_534 : i32
      %sign3A_536 = arith.extui %sign3A_535 : i1 to i32
      %sign3A_537 = arith.constant 0 : i32
      %sign3A_538 = arith.cmpi slt, %add3A_531, %sign3A_537 : i32
      %sign3A_539 = arith.extui %sign3A_538 : i1 to i32
      %sign3A_540 = arith.subi %sign3A_536, %sign3A_539 : i32
      %sign3A_541 = arith.constant 0 : i32
      %sign3A_542 = arith.cmpi sgt, %jit3A_532, %sign3A_541 : i32
      %sign3A_543 = arith.extui %sign3A_542 : i1 to i32
      %sign3A_544 = arith.constant 0 : i32
      %sign3A_545 = arith.cmpi slt, %jit3A_532, %sign3A_544 : i32
      %sign3A_546 = arith.extui %sign3A_545 : i1 to i32
      %sign3A_547 = arith.subi %sign3A_543, %sign3A_546 : i32
      %ne3A_548 = arith.cmpi ne, %sign3A_540, %sign3A_547 : i32
      %rem3A_549 = arith.remsi %add3A_531, %jit3A_532 : i32
      %ne3A_550 = arith.constant 0 : i32
      %ne3A_551 = arith.cmpi ne, %rem3A_549, %ne3A_550 : i32
      %and3A_552 = arith.andi %ne3A_548, %ne3A_551 : i1
      %sub3A_553 = arith.constant 1 : i32
      %sub3A_554 = arith.subi %div3A_533, %sub3A_553 : i32
      %select_n3A_555 = arith.select %and3A_552, %sub3A_554, %div3A_533 : i32
      %jit3A_556 = arith.constant 128 : i32
      %eq3A_557 = arith.constant 0 : i32
      %eq3A_558 = arith.cmpi eq, %jit3A_556, %eq3A_557 : i32
      %jit3A_559 = arith.constant 1 : i32
      %select_n3A_560 = arith.select %eq3A_558, %jit3A_559, %jit3A_556 : i32
      %rem3A_561 = arith.remsi %add3A_531, %select_n3A_560 : i32
      %ne3A_562 = arith.constant 0 : i32
      %ne3A_563 = arith.cmpi ne, %rem3A_561, %ne3A_562 : i32
      %lt3A_564 = arith.constant 0 : i32
      %lt3A_565 = arith.cmpi slt, %rem3A_561, %lt3A_564 : i32
      %lt3A_566 = arith.constant 0 : i32
      %lt3A_567 = arith.cmpi slt, %select_n3A_560, %lt3A_566 : i32
      %ne3A_568 = arith.xori %lt3A_565, %lt3A_567 : i1
      %and3A_569 = arith.andi %ne3A_568, %ne3A_563 : i1
      %add3A_570 = arith.addi %rem3A_561, %select_n3A_560 : i32
      %select_n3A_571 = arith.select %and3A_569, %add3A_570, %rem3A_561 : i32
      %dma_start3A_572 = arith.constant 1 : i32
      %dma_start3A_573 = arith.constant 1 : i32
      %dma_start3A_574 = arith.constant 0 : i32
      %dma_start3A_575 = arith.constant 0 : i32
      %dma_start3A_576 = arith.constant 0 : i32
      %dma_start3A_577 = tpu.memref_slice %arg7[%dma_start3A_572, %dma_start3A_574, %dma_start3A_575, %dma_start3A_576] : memref<5x8x8x129xf32, #tpu.memory_space<vmem>> -> memref<1x8x8x128xf32, #tpu.memory_space<vmem>>
      %dma_start3A_578 = tpu.memref_squeeze %dma_start3A_577 : memref<1x8x8x128xf32, #tpu.memory_space<vmem>> -> memref<8x8x128xf32, #tpu.memory_space<vmem>>
      %dma_start3A_579 = arith.constant 0 : i32
      %dma_start3A_580 = arith.constant 0 : i32
      %dma_start3A_581 = arith.constant 0 : i32
      %dma_start3A_582 = tpu.memref_slice %arg4[%select_n3A_555, %dma_start3A_579, %select_n3A_571, %dma_start3A_580, %dma_start3A_581] : memref<50x8x128x8x128xf32, #tpu.memory_space<hbm>> -> memref<1x8x1x8x128xf32, #tpu.memory_space<hbm>>
      %dma_start3A_583 = tpu.memref_squeeze %dma_start3A_582 : memref<1x8x1x8x128xf32, #tpu.memory_space<hbm>> -> memref<8x8x128xf32, #tpu.memory_space<hbm>>
      %dma_start3A_584 = tpu.memref_slice %arg9[%dma_start3A_573] : memref<5x!tpu.dma_semaphore, #tpu.memory_space<semaphore_mem>> -> memref<1x!tpu.dma_semaphore, #tpu.memory_space<semaphore_mem>>
      %dma_start3A_585 = tpu.memref_squeeze %dma_start3A_584 : memref<1x!tpu.dma_semaphore, #tpu.memory_space<semaphore_mem>> -> memref<!tpu.dma_semaphore, #tpu.memory_space<semaphore_mem>>
      %dma_start3A_586 = arith.constant 0 : i32
      %dma_start3A_587 = arith.constant 0 : i32
      %dma_start3A_588 = arith.constant 0 : i32
      %dma_start3A_589 = tpu.memref_slice %arg4[%select_n3A_555, %dma_start3A_586, %select_n3A_571, %dma_start3A_587, %dma_start3A_588] : memref<50x8x128x8x128xf32, #tpu.memory_space<hbm>> -> memref<1x8x1x8x128xf32, #tpu.memory_space<hbm>>
      %dma_start3A_590 = tpu.memref_squeeze %dma_start3A_589 : memref<1x8x1x8x128xf32, #tpu.memory_space<hbm>> -> memref<8x8x128xf32, #tpu.memory_space<hbm>>
      %dma_start3A_591 = arith.constant 0 : i32
      %dma_start3A_592 = arith.constant 0 : i32
      %dma_start3A_593 = arith.constant 0 : i32
      %dma_start3A_594 = tpu.memref_slice %arg7[%dma_start3A_572, %dma_start3A_591, %dma_start3A_592, %dma_start3A_593] : memref<5x8x8x129xf32, #tpu.memory_space<vmem>> -> memref<1x8x8x128xf32, #tpu.memory_space<vmem>>
      %dma_start3A_595 = tpu.memref_squeeze %dma_start3A_594 : memref<1x8x8x128xf32, #tpu.memory_space<vmem>> -> memref<8x8x128xf32, #tpu.memory_space<vmem>>
      tpu.enqueue_dma source(%dma_start3A_595 : memref<8x8x128xf32, #tpu.memory_space<vmem>>) target(%dma_start3A_590 : memref<8x8x128xf32, #tpu.memory_space<hbm>>) target_semaphore(%dma_start3A_585 : memref<!tpu.dma_semaphore, #tpu.memory_space<semaphore_mem>>)
      %mul3A_596 = arith.constant 5 : i32
      %mul3A_597 = arith.muli %scan3A_401, %mul3A_596 : i32
      %add3A_598 = arith.constant 2 : i32
      %add3A_599 = arith.addi %mul3A_597, %add3A_598 : i32
      %dma_wait3A_600 = arith.constant 2 : i32
      %dma_wait3A_601 = arith.constant 2 : i32
      %dma_wait3A_602 = arith.constant 0 : i32
      %dma_wait3A_603 = arith.constant 0 : i32
      %dma_wait3A_604 = tpu.memref_slice %arg6[%dma_wait3A_600, %dma_wait3A_602, %dma_wait3A_603] : memref<5x128x64xf32, #tpu.memory_space<vmem>> -> memref<1x128x64xf32, #tpu.memory_space<vmem>>
      %dma_wait3A_605 = tpu.memref_squeeze %dma_wait3A_604 : memref<1x128x64xf32, #tpu.memory_space<vmem>> -> memref<128x64xf32, #tpu.memory_space<vmem>>
      %dma_wait3A_606 = arith.constant 0 : i32
      %dma_wait3A_607 = tpu.memref_slice %arg5[%add3A_599, %dma_wait3A_606] : memref<200x128xi32, #tpu.memory_space<vmem>> -> memref<1x128xi32, #tpu.memory_space<vmem>>
      %dma_wait3A_608 = tpu.memref_squeeze %dma_wait3A_607 : memref<1x128xi32, #tpu.memory_space<vmem>> -> memref<128xi32, #tpu.memory_space<vmem>>
      %dma_wait3A_609 = arith.constant 0 : i32
      %dma_wait3A_610 = arith.constant 0 : i32
      %dma_wait3A_611 = tpu.memref_slice %arg3[%dma_wait3A_609, %dma_wait3A_610] : memref<1000000x64xf32, #tpu.memory_space<hbm>> -> memref<1000000x64xf32, #tpu.memory_space<hbm>>
      %dma_wait3A_612 = tpu.memref_slice %arg8[%dma_wait3A_601] : memref<5x!tpu.dma_semaphore, #tpu.memory_space<semaphore_mem>> -> memref<1x!tpu.dma_semaphore, #tpu.memory_space<semaphore_mem>>
      %dma_wait3A_613 = tpu.memref_squeeze %dma_wait3A_612 : memref<1x!tpu.dma_semaphore, #tpu.memory_space<semaphore_mem>> -> memref<!tpu.dma_semaphore, #tpu.memory_space<semaphore_mem>>
      tpu.wait_indirect_dma semaphore(%dma_wait3A_613 : memref<!tpu.dma_semaphore, #tpu.memory_space<semaphore_mem>>) src(%dma_wait3A_611 : memref<1000000x64xf32, #tpu.memory_space<hbm>>) dst(%dma_wait3A_605 : memref<128x64xf32, #tpu.memory_space<vmem>>)
      %gt3A_614 = arith.constant 0 : i32
      %gt3A_615 = arith.cmpi sgt, %scan3A_401, %gt3A_614 : i32
      %convert_element_type3A_616 = arith.extui %gt3A_615 : i1 to i32
      %cond3A_617 = arith.constant 0 : i32
      %cond3A_618 = arith.cmpi ne, %convert_element_type3A_616, %cond3A_617 : i32
      scf.if %cond3A_618 {
        %sub3A_893 = arith.constant 5 : i32
        %sub3A_894 = arith.subi %add3A_599, %sub3A_893 : i32
        %add3A_895 = arith.addi %mul3A_2, %sub3A_894 : i32
        %jit3A_896 = arith.constant 128 : i32
        %div3A_897 = arith.divsi %add3A_895, %jit3A_896 : i32
        %sign3A_898 = arith.constant 0 : i32
        %sign3A_899 = arith.cmpi sgt, %add3A_895, %sign3A_898 : i32
        %sign3A_900 = arith.extui %sign3A_899 : i1 to i32
        %sign3A_901 = arith.constant 0 : i32
        %sign3A_902 = arith.cmpi slt, %add3A_895, %sign3A_901 : i32
        %sign3A_903 = arith.extui %sign3A_902 : i1 to i32
        %sign3A_904 = arith.subi %sign3A_900, %sign3A_903 : i32
        %sign3A_905 = arith.constant 0 : i32
        %sign3A_906 = arith.cmpi sgt, %jit3A_896, %sign3A_905 : i32
        %sign3A_907 = arith.extui %sign3A_906 : i1 to i32
        %sign3A_908 = arith.constant 0 : i32
        %sign3A_909 = arith.cmpi slt, %jit3A_896, %sign3A_908 : i32
        %sign3A_910 = arith.extui %sign3A_909 : i1 to i32
        %sign3A_911 = arith.subi %sign3A_907, %sign3A_910 : i32
        %ne3A_912 = arith.cmpi ne, %sign3A_904, %sign3A_911 : i32
        %rem3A_913 = arith.remsi %add3A_895, %jit3A_896 : i32
        %ne3A_914 = arith.constant 0 : i32
        %ne3A_915 = arith.cmpi ne, %rem3A_913, %ne3A_914 : i32
        %and3A_916 = arith.andi %ne3A_912, %ne3A_915 : i1
        %sub3A_917 = arith.constant 1 : i32
        %sub3A_918 = arith.subi %div3A_897, %sub3A_917 : i32
        %select_n3A_919 = arith.select %and3A_916, %sub3A_918, %div3A_897 : i32
        %jit3A_920 = arith.constant 128 : i32
        %eq3A_921 = arith.constant 0 : i32
        %eq3A_922 = arith.cmpi eq, %jit3A_920, %eq3A_921 : i32
        %jit3A_923 = arith.constant 1 : i32
        %select_n3A_924 = arith.select %eq3A_922, %jit3A_923, %jit3A_920 : i32
        %rem3A_925 = arith.remsi %add3A_895, %select_n3A_924 : i32
        %ne3A_926 = arith.constant 0 : i32
        %ne3A_927 = arith.cmpi ne, %rem3A_925, %ne3A_926 : i32
        %lt3A_928 = arith.constant 0 : i32
        %lt3A_929 = arith.cmpi slt, %rem3A_925, %lt3A_928 : i32
        %lt3A_930 = arith.constant 0 : i32
        %lt3A_931 = arith.cmpi slt, %select_n3A_924, %lt3A_930 : i32
        %ne3A_932 = arith.xori %lt3A_929, %lt3A_931 : i1
        %and3A_933 = arith.andi %ne3A_932, %ne3A_927 : i1
        %add3A_934 = arith.addi %rem3A_925, %select_n3A_924 : i32
        %select_n3A_935 = arith.select %and3A_933, %add3A_934, %rem3A_925 : i32
        %dma_wait3A_936 = arith.constant 2 : i32
        %dma_wait3A_937 = arith.constant 2 : i32
        %dma_wait3A_938 = arith.constant 0 : i32
        %dma_wait3A_939 = arith.constant 0 : i32
        %dma_wait3A_940 = arith.constant 0 : i32
        %dma_wait3A_941 = tpu.memref_slice %arg7[%dma_wait3A_936, %dma_wait3A_938, %dma_wait3A_939, %dma_wait3A_940] : memref<5x8x8x129xf32, #tpu.memory_space<vmem>> -> memref<1x8x8x128xf32, #tpu.memory_space<vmem>>
        %dma_wait3A_942 = tpu.memref_squeeze %dma_wait3A_941 : memref<1x8x8x128xf32, #tpu.memory_space<vmem>> -> memref<8x8x128xf32, #tpu.memory_space<vmem>>
        %dma_wait3A_943 = arith.constant 0 : i32
        %dma_wait3A_944 = arith.constant 0 : i32
        %dma_wait3A_945 = arith.constant 0 : i32
        %dma_wait3A_946 = tpu.memref_slice %arg4[%select_n3A_919, %dma_wait3A_943, %select_n3A_935, %dma_wait3A_944, %dma_wait3A_945] : memref<50x8x128x8x128xf32, #tpu.memory_space<hbm>> -> memref<1x8x1x8x128xf32, #tpu.memory_space<hbm>>
        %dma_wait3A_947 = tpu.memref_squeeze %dma_wait3A_946 : memref<1x8x1x8x128xf32, #tpu.memory_space<hbm>> -> memref<8x8x128xf32, #tpu.memory_space<hbm>>
        %dma_wait3A_948 = tpu.memref_slice %arg9[%dma_wait3A_937] : memref<5x!tpu.dma_semaphore, #tpu.memory_space<semaphore_mem>> -> memref<1x!tpu.dma_semaphore, #tpu.memory_space<semaphore_mem>>
        %dma_wait3A_949 = tpu.memref_squeeze %dma_wait3A_948 : memref<1x!tpu.dma_semaphore, #tpu.memory_space<semaphore_mem>> -> memref<!tpu.dma_semaphore, #tpu.memory_space<semaphore_mem>>
        %dma_wait3A_950 = arith.constant 0 : i32
        %dma_wait3A_951 = arith.constant 0 : i32
        %dma_wait3A_952 = arith.constant 0 : i32
        %dma_wait3A_953 = tpu.memref_slice %arg4[%select_n3A_919, %dma_wait3A_950, %select_n3A_935, %dma_wait3A_951, %dma_wait3A_952] : memref<50x8x128x8x128xf32, #tpu.memory_space<hbm>> -> memref<1x8x1x8x128xf32, #tpu.memory_space<hbm>>
        %dma_wait3A_954 = tpu.memref_squeeze %dma_wait3A_953 : memref<1x8x1x8x128xf32, #tpu.memory_space<hbm>> -> memref<8x8x128xf32, #tpu.memory_space<hbm>>
        %dma_wait3A_955 = arith.constant 0 : i32
        %dma_wait3A_956 = arith.constant 0 : i32
        %dma_wait3A_957 = arith.constant 0 : i32
        %dma_wait3A_958 = tpu.memref_slice %arg7[%dma_wait3A_936, %dma_wait3A_955, %dma_wait3A_956, %dma_wait3A_957] : memref<5x8x8x129xf32, #tpu.memory_space<vmem>> -> memref<1x8x8x128xf32, #tpu.memory_space<vmem>>
        %dma_wait3A_959 = tpu.memref_squeeze %dma_wait3A_958 : memref<1x8x8x128xf32, #tpu.memory_space<vmem>> -> memref<8x8x128xf32, #tpu.memory_space<vmem>>
        tpu.wait_dma2 semaphore(%dma_wait3A_949 : memref<!tpu.dma_semaphore, #tpu.memory_space<semaphore_mem>>) src(%dma_wait3A_959 : memref<8x8x128xf32, #tpu.memory_space<vmem>>) dst(%dma_wait3A_954 : memref<8x8x128xf32, #tpu.memory_space<hbm>>)
      } else {
      }
      %parallel_loop3A_619 = arith.constant 0 : i32
      %parallel_loop3A_620 = arith.constant 128 : i32
      %parallel_loop3A_621 = arith.constant 1 : i32
      %parallel_loop3A_622 = arith.constant 2 : i32
      scf.for %parallel_loop3A_893 = %parallel_loop3A_619 to %parallel_loop3A_620 step %parallel_loop3A_621  : i32 {
        %parallel_loop3A_894 = arith.constant 0 : i32
        %parallel_loop3A_895 = vector.broadcast %parallel_loop3A_894 : i32 to vector<16xi32>
        %parallel_loop3A_896 = vector.broadcast %parallel_loop3A_893 : i32 to vector<16xi32>
        %parallel_loop3A_897 = arith.addi %parallel_loop3A_895, %parallel_loop3A_896 : vector<16xi32>
        %parallel_loop3A_898 = arith.constant 2 : i32
        %parallel_loop3A_899 = arith.index_cast %parallel_loop3A_898 : i32 to index
        %parallel_loop3A_900 = arith.index_cast %parallel_loop3A_893 : i32 to index
        %parallel_loop3A_901 = arith.constant 0 : index
        %parallel_loop3A_902 = tpu.vector_load %arg6[%parallel_loop3A_899, %parallel_loop3A_900, %parallel_loop3A_901] {strides = array<i32>} : memref<5x128x64xf32, #tpu.memory_space<vmem>>, vector<16xf32>,
        %parallel_loop3A_903 = arith.constant 0 : i32
        %parallel_loop3A_904 = vector.broadcast %parallel_loop3A_903 : i32 to vector<16xi32>
        %parallel_loop3A_905 = arith.addi %iota3A, %parallel_loop3A_904 : vector<16xi32>
        %parallel_loop3A_906 = arith.constant 8 : i32
        %parallel_loop3A_907 = vector.broadcast %parallel_loop3A_906 : i32 to vector<16xi32>
        %parallel_loop3A_908 = arith.divsi %parallel_loop3A_905, %parallel_loop3A_907 : vector<16xi32>
        %parallel_loop3A_909 = arith.constant 0 : i32
        %parallel_loop3A_910 = vector.broadcast %parallel_loop3A_909 : i32 to vector<16xi32>
        %parallel_loop3A_911 = arith.cmpi sgt, %parallel_loop3A_905, %parallel_loop3A_910 : vector<16xi32>
        %parallel_loop3A_912 = arith.extui %parallel_loop3A_911 : vector<16xi1> to vector<16xi32>
        %parallel_loop3A_913 = arith.constant 0 : i32
        %parallel_loop3A_914 = vector.broadcast %parallel_loop3A_913 : i32 to vector<16xi32>
        %parallel_loop3A_915 = arith.cmpi slt, %parallel_loop3A_905, %parallel_loop3A_914 : vector<16xi32>
        %parallel_loop3A_916 = arith.extui %parallel_loop3A_915 : vector<16xi1> to vector<16xi32>
        %parallel_loop3A_917 = arith.subi %parallel_loop3A_912, %parallel_loop3A_916 : vector<16xi32>
        %parallel_loop3A_918 = arith.constant 0 : i32
        %parallel_loop3A_919 = arith.cmpi sgt, %parallel_loop3A_906, %parallel_loop3A_918 : i32
        %parallel_loop3A_920 = arith.extui %parallel_loop3A_919 : i1 to i32
        %parallel_loop3A_921 = arith.constant 0 : i32
        %parallel_loop3A_922 = arith.cmpi slt, %parallel_loop3A_906, %parallel_loop3A_921 : i32
        %parallel_loop3A_923 = arith.extui %parallel_loop3A_922 : i1 to i32
        %parallel_loop3A_924 = arith.subi %parallel_loop3A_920, %parallel_loop3A_923 : i32
        %parallel_loop3A_925 = vector.broadcast %parallel_loop3A_924 : i32 to vector<16xi32>
        %parallel_loop3A_926 = arith.cmpi ne, %parallel_loop3A_917, %parallel_loop3A_925 : vector<16xi32>
        %parallel_loop3A_927 = vector.broadcast %parallel_loop3A_906 : i32 to vector<16xi32>
        %parallel_loop3A_928 = arith.remsi %parallel_loop3A_905, %parallel_loop3A_927 : vector<16xi32>
        %parallel_loop3A_929 = arith.constant 0 : i32
        %parallel_loop3A_930 = vector.broadcast %parallel_loop3A_929 : i32 to vector<16xi32>
        %parallel_loop3A_931 = arith.cmpi ne, %parallel_loop3A_928, %parallel_loop3A_930 : vector<16xi32>
        %parallel_loop3A_932 = arith.andi %parallel_loop3A_926, %parallel_loop3A_931 : vector<16xi1>
        %parallel_loop3A_933 = arith.constant 1 : i32
        %parallel_loop3A_934 = vector.broadcast %parallel_loop3A_933 : i32 to vector<16xi32>
        %parallel_loop3A_935 = arith.subi %parallel_loop3A_908, %parallel_loop3A_934 : vector<16xi32>
        %parallel_loop3A_936 = arith.select %parallel_loop3A_932, %parallel_loop3A_935, %parallel_loop3A_908 : vector<16xi1>, vector<16xi32>
        %parallel_loop3A_937 = arith.constant 0 : i32
        %parallel_loop3A_938 = vector.broadcast %parallel_loop3A_937 : i32 to vector<16xi32>
        %parallel_loop3A_939 = arith.addi %iota3A, %parallel_loop3A_938 : vector<16xi32>
        %parallel_loop3A_940 = arith.constant 8 : i32
        %parallel_loop3A_941 = arith.constant 0 : i32
        %parallel_loop3A_942 = arith.cmpi eq, %parallel_loop3A_940, %parallel_loop3A_941 : i32
        %parallel_loop3A_943 = arith.constant 1 : i32
        %parallel_loop3A_944 = arith.select %parallel_loop3A_942, %parallel_loop3A_943, %parallel_loop3A_940 : i32
        %parallel_loop3A_945 = vector.broadcast %parallel_loop3A_944 : i32 to vector<16xi32>
        %parallel_loop3A_946 = arith.remsi %parallel_loop3A_939, %parallel_loop3A_945 : vector<16xi32>
        %parallel_loop3A_947 = arith.constant 0 : i32
        %parallel_loop3A_948 = vector.broadcast %parallel_loop3A_947 : i32 to vector<16xi32>
        %parallel_loop3A_949 = arith.cmpi ne, %parallel_loop3A_946, %parallel_loop3A_948 : vector<16xi32>
        %parallel_loop3A_950 = arith.constant 0 : i32
        %parallel_loop3A_951 = vector.broadcast %parallel_loop3A_950 : i32 to vector<16xi32>
        %parallel_loop3A_952 = arith.cmpi slt, %parallel_loop3A_946, %parallel_loop3A_951 : vector<16xi32>
        %parallel_loop3A_953 = arith.constant 0 : i32
        %parallel_loop3A_954 = arith.cmpi slt, %parallel_loop3A_944, %parallel_loop3A_953 : i32
        %parallel_loop3A_955 = vector.broadcast %parallel_loop3A_954 : i1 to vector<16xi1>
        %parallel_loop3A_956 = vector.broadcast %parallel_loop3A_955 : vector<16xi1> to vector<16xi1>
        %parallel_loop3A_957 = arith.xori %parallel_loop3A_952, %parallel_loop3A_956 : vector<16xi1>
        %parallel_loop3A_958 = arith.andi %parallel_loop3A_957, %parallel_loop3A_949 : vector<16xi1>
        %parallel_loop3A_959 = vector.broadcast %parallel_loop3A_944 : i32 to vector<16xi32>
        %parallel_loop3A_960 = arith.addi %parallel_loop3A_946, %parallel_loop3A_959 : vector<16xi32>
        %parallel_loop3A_961 = arith.select %parallel_loop3A_958, %parallel_loop3A_960, %parallel_loop3A_946 : vector<16xi1>, vector<16xi32>
        %parallel_loop3A_962 = arith.constant 0 : i32
        %parallel_loop3A_963 = arith.constant 0 : i32
        %parallel_loop3A_964 = arith.constant 0 : i32
        %parallel_loop3A_965 = tpu.memref_slice %arg7[%parallel_loop3A_622, %parallel_loop3A_962, %parallel_loop3A_963, %parallel_loop3A_964] : memref<5x8x8x129xf32, #tpu.memory_space<vmem>> -> memref<1x8x8x129xf32, #tpu.memory_space<vmem>>
        %parallel_loop3A_966 = tpu.memref_squeeze %parallel_loop3A_965 : memref<1x8x8x129xf32, #tpu.memory_space<vmem>> -> memref<8x8x129xf32, #tpu.memory_space<vmem>>
        tpu.vector_store_idx %parallel_loop3A_966[%parallel_loop3A_936, %parallel_loop3A_961, %parallel_loop3A_897], %parallel_loop3A_902 : memref<8x8x129xf32, #tpu.memory_space<vmem>>[vector<16xi32>, vector<16xi32>, vector<16xi32>], vector<16xf32>,
        %parallel_loop3A_967 = arith.constant 2 : i32
        %parallel_loop3A_968 = arith.index_cast %parallel_loop3A_967 : i32 to index
        %parallel_loop3A_969 = arith.index_cast %parallel_loop3A_893 : i32 to index
        %parallel_loop3A_970 = arith.constant 16 : index
        %parallel_loop3A_971 = tpu.vector_load %arg6[%parallel_loop3A_968, %parallel_loop3A_969, %parallel_loop3A_970] {strides = array<i32>} : memref<5x128x64xf32, #tpu.memory_space<vmem>>, vector<16xf32>,
        %parallel_loop3A_972 = arith.constant 16 : i32
        %parallel_loop3A_973 = vector.broadcast %parallel_loop3A_972 : i32 to vector<16xi32>
        %parallel_loop3A_974 = arith.addi %iota3A, %parallel_loop3A_973 : vector<16xi32>
        %parallel_loop3A_975 = arith.constant 8 : i32
        %parallel_loop3A_976 = vector.broadcast %parallel_loop3A_975 : i32 to vector<16xi32>
        %parallel_loop3A_977 = arith.divsi %parallel_loop3A_974, %parallel_loop3A_976 : vector<16xi32>
        %parallel_loop3A_978 = arith.constant 0 : i32
        %parallel_loop3A_979 = vector.broadcast %parallel_loop3A_978 : i32 to vector<16xi32>
        %parallel_loop3A_980 = arith.cmpi sgt, %parallel_loop3A_974, %parallel_loop3A_979 : vector<16xi32>
        %parallel_loop3A_981 = arith.extui %parallel_loop3A_980 : vector<16xi1> to vector<16xi32>
        %parallel_loop3A_982 = arith.constant 0 : i32
        %parallel_loop3A_983 = vector.broadcast %parallel_loop3A_982 : i32 to vector<16xi32>
        %parallel_loop3A_984 = arith.cmpi slt, %parallel_loop3A_974, %parallel_loop3A_983 : vector<16xi32>
        %parallel_loop3A_985 = arith.extui %parallel_loop3A_984 : vector<16xi1> to vector<16xi32>
        %parallel_loop3A_986 = arith.subi %parallel_loop3A_981, %parallel_loop3A_985 : vector<16xi32>
        %parallel_loop3A_987 = arith.constant 0 : i32
        %parallel_loop3A_988 = arith.cmpi sgt, %parallel_loop3A_975, %parallel_loop3A_987 : i32
        %parallel_loop3A_989 = arith.extui %parallel_loop3A_988 : i1 to i32
        %parallel_loop3A_990 = arith.constant 0 : i32
        %parallel_loop3A_991 = arith.cmpi slt, %parallel_loop3A_975, %parallel_loop3A_990 : i32
        %parallel_loop3A_992 = arith.extui %parallel_loop3A_991 : i1 to i32
        %parallel_loop3A_993 = arith.subi %parallel_loop3A_989, %parallel_loop3A_992 : i32
        %parallel_loop3A_994 = vector.broadcast %parallel_loop3A_993 : i32 to vector<16xi32>
        %parallel_loop3A_995 = arith.cmpi ne, %parallel_loop3A_986, %parallel_loop3A_994 : vector<16xi32>
        %parallel_loop3A_996 = vector.broadcast %parallel_loop3A_975 : i32 to vector<16xi32>
        %parallel_loop3A_997 = arith.remsi %parallel_loop3A_974, %parallel_loop3A_996 : vector<16xi32>
        %parallel_loop3A_998 = arith.constant 0 : i32
        %parallel_loop3A_999 = vector.broadcast %parallel_loop3A_998 : i32 to vector<16xi32>
        %parallel_loop3A_1000 = arith.cmpi ne, %parallel_loop3A_997, %parallel_loop3A_999 : vector<16xi32>
        %parallel_loop3A_1001 = arith.andi %parallel_loop3A_995, %parallel_loop3A_1000 : vector<16xi1>
        %parallel_loop3A_1002 = arith.constant 1 : i32
        %parallel_loop3A_1003 = vector.broadcast %parallel_loop3A_1002 : i32 to vector<16xi32>
        %parallel_loop3A_1004 = arith.subi %parallel_loop3A_977, %parallel_loop3A_1003 : vector<16xi32>
        %parallel_loop3A_1005 = arith.select %parallel_loop3A_1001, %parallel_loop3A_1004, %parallel_loop3A_977 : vector<16xi1>, vector<16xi32>
        %parallel_loop3A_1006 = arith.constant 16 : i32
        %parallel_loop3A_1007 = vector.broadcast %parallel_loop3A_1006 : i32 to vector<16xi32>
        %parallel_loop3A_1008 = arith.addi %iota3A, %parallel_loop3A_1007 : vector<16xi32>
        %parallel_loop3A_1009 = arith.constant 8 : i32
        %parallel_loop3A_1010 = arith.constant 0 : i32
        %parallel_loop3A_1011 = arith.cmpi eq, %parallel_loop3A_1009, %parallel_loop3A_1010 : i32
        %parallel_loop3A_1012 = arith.constant 1 : i32
        %parallel_loop3A_1013 = arith.select %parallel_loop3A_1011, %parallel_loop3A_1012, %parallel_loop3A_1009 : i32
        %parallel_loop3A_1014 = vector.broadcast %parallel_loop3A_1013 : i32 to vector<16xi32>
        %parallel_loop3A_1015 = arith.remsi %parallel_loop3A_1008, %parallel_loop3A_1014 : vector<16xi32>
        %parallel_loop3A_1016 = arith.constant 0 : i32
        %parallel_loop3A_1017 = vector.broadcast %parallel_loop3A_1016 : i32 to vector<16xi32>
        %parallel_loop3A_1018 = arith.cmpi ne, %parallel_loop3A_1015, %parallel_loop3A_1017 : vector<16xi32>
        %parallel_loop3A_1019 = arith.constant 0 : i32
        %parallel_loop3A_1020 = vector.broadcast %parallel_loop3A_1019 : i32 to vector<16xi32>
        %parallel_loop3A_1021 = arith.cmpi slt, %parallel_loop3A_1015, %parallel_loop3A_1020 : vector<16xi32>
        %parallel_loop3A_1022 = arith.constant 0 : i32
        %parallel_loop3A_1023 = arith.cmpi slt, %parallel_loop3A_1013, %parallel_loop3A_1022 : i32
        %parallel_loop3A_1024 = vector.broadcast %parallel_loop3A_1023 : i1 to vector<16xi1>
        %parallel_loop3A_1025 = vector.broadcast %parallel_loop3A_1024 : vector<16xi1> to vector<16xi1>
        %parallel_loop3A_1026 = arith.xori %parallel_loop3A_1021, %parallel_loop3A_1025 : vector<16xi1>
        %parallel_loop3A_1027 = arith.andi %parallel_loop3A_1026, %parallel_loop3A_1018 : vector<16xi1>
        %parallel_loop3A_1028 = vector.broadcast %parallel_loop3A_1013 : i32 to vector<16xi32>
        %parallel_loop3A_1029 = arith.addi %parallel_loop3A_1015, %parallel_loop3A_1028 : vector<16xi32>
        %parallel_loop3A_1030 = arith.select %parallel_loop3A_1027, %parallel_loop3A_1029, %parallel_loop3A_1015 : vector<16xi1>, vector<16xi32>
        %parallel_loop3A_1031 = arith.constant 0 : i32
        %parallel_loop3A_1032 = arith.constant 0 : i32
        %parallel_loop3A_1033 = arith.constant 0 : i32
        %parallel_loop3A_1034 = tpu.memref_slice %arg7[%parallel_loop3A_622, %parallel_loop3A_1031, %parallel_loop3A_1032, %parallel_loop3A_1033] : memref<5x8x8x129xf32, #tpu.memory_space<vmem>> -> memref<1x8x8x129xf32, #tpu.memory_space<vmem>>
        %parallel_loop3A_1035 = tpu.memref_squeeze %parallel_loop3A_1034 : memref<1x8x8x129xf32, #tpu.memory_space<vmem>> -> memref<8x8x129xf32, #tpu.memory_space<vmem>>
        tpu.vector_store_idx %parallel_loop3A_1035[%parallel_loop3A_1005, %parallel_loop3A_1030, %parallel_loop3A_897], %parallel_loop3A_971 : memref<8x8x129xf32, #tpu.memory_space<vmem>>[vector<16xi32>, vector<16xi32>, vector<16xi32>], vector<16xf32>,
        %parallel_loop3A_1036 = arith.constant 2 : i32
        %parallel_loop3A_1037 = arith.index_cast %parallel_loop3A_1036 : i32 to index
        %parallel_loop3A_1038 = arith.index_cast %parallel_loop3A_893 : i32 to index
        %parallel_loop3A_1039 = arith.constant 32 : index
        %parallel_loop3A_1040 = tpu.vector_load %arg6[%parallel_loop3A_1037, %parallel_loop3A_1038, %parallel_loop3A_1039] {strides = array<i32>} : memref<5x128x64xf32, #tpu.memory_space<vmem>>, vector<16xf32>,
        %parallel_loop3A_1041 = arith.constant 32 : i32
        %parallel_loop3A_1042 = vector.broadcast %parallel_loop3A_1041 : i32 to vector<16xi32>
        %parallel_loop3A_1043 = arith.addi %iota3A, %parallel_loop3A_1042 : vector<16xi32>
        %parallel_loop3A_1044 = arith.constant 8 : i32
        %parallel_loop3A_1045 = vector.broadcast %parallel_loop3A_1044 : i32 to vector<16xi32>
        %parallel_loop3A_1046 = arith.divsi %parallel_loop3A_1043, %parallel_loop3A_1045 : vector<16xi32>
        %parallel_loop3A_1047 = arith.constant 0 : i32
        %parallel_loop3A_1048 = vector.broadcast %parallel_loop3A_1047 : i32 to vector<16xi32>
        %parallel_loop3A_1049 = arith.cmpi sgt, %parallel_loop3A_1043, %parallel_loop3A_1048 : vector<16xi32>
        %parallel_loop3A_1050 = arith.extui %parallel_loop3A_1049 : vector<16xi1> to vector<16xi32>
        %parallel_loop3A_1051 = arith.constant 0 : i32
        %parallel_loop3A_1052 = vector.broadcast %parallel_loop3A_1051 : i32 to vector<16xi32>
        %parallel_loop3A_1053 = arith.cmpi slt, %parallel_loop3A_1043, %parallel_loop3A_1052 : vector<16xi32>
        %parallel_loop3A_1054 = arith.extui %parallel_loop3A_1053 : vector<16xi1> to vector<16xi32>
        %parallel_loop3A_1055 = arith.subi %parallel_loop3A_1050, %parallel_loop3A_1054 : vector<16xi32>
        %parallel_loop3A_1056 = arith.constant 0 : i32
        %parallel_loop3A_1057 = arith.cmpi sgt, %parallel_loop3A_1044, %parallel_loop3A_1056 : i32
        %parallel_loop3A_1058 = arith.extui %parallel_loop3A_1057 : i1 to i32
        %parallel_loop3A_1059 = arith.constant 0 : i32
        %parallel_loop3A_1060 = arith.cmpi slt, %parallel_loop3A_1044, %parallel_loop3A_1059 : i32
        %parallel_loop3A_1061 = arith.extui %parallel_loop3A_1060 : i1 to i32
        %parallel_loop3A_1062 = arith.subi %parallel_loop3A_1058, %parallel_loop3A_1061 : i32
        %parallel_loop3A_1063 = vector.broadcast %parallel_loop3A_1062 : i32 to vector<16xi32>
        %parallel_loop3A_1064 = arith.cmpi ne, %parallel_loop3A_1055, %parallel_loop3A_1063 : vector<16xi32>
        %parallel_loop3A_1065 = vector.broadcast %parallel_loop3A_1044 : i32 to vector<16xi32>
        %parallel_loop3A_1066 = arith.remsi %parallel_loop3A_1043, %parallel_loop3A_1065 : vector<16xi32>
        %parallel_loop3A_1067 = arith.constant 0 : i32
        %parallel_loop3A_1068 = vector.broadcast %parallel_loop3A_1067 : i32 to vector<16xi32>
        %parallel_loop3A_1069 = arith.cmpi ne, %parallel_loop3A_1066, %parallel_loop3A_1068 : vector<16xi32>
        %parallel_loop3A_1070 = arith.andi %parallel_loop3A_1064, %parallel_loop3A_1069 : vector<16xi1>
        %parallel_loop3A_1071 = arith.constant 1 : i32
        %parallel_loop3A_1072 = vector.broadcast %parallel_loop3A_1071 : i32 to vector<16xi32>
        %parallel_loop3A_1073 = arith.subi %parallel_loop3A_1046, %parallel_loop3A_1072 : vector<16xi32>
        %parallel_loop3A_1074 = arith.select %parallel_loop3A_1070, %parallel_loop3A_1073, %parallel_loop3A_1046 : vector<16xi1>, vector<16xi32>
        %parallel_loop3A_1075 = arith.constant 32 : i32
        %parallel_loop3A_1076 = vector.broadcast %parallel_loop3A_1075 : i32 to vector<16xi32>
        %parallel_loop3A_1077 = arith.addi %iota3A, %parallel_loop3A_1076 : vector<16xi32>
        %parallel_loop3A_1078 = arith.constant 8 : i32
        %parallel_loop3A_1079 = arith.constant 0 : i32
        %parallel_loop3A_1080 = arith.cmpi eq, %parallel_loop3A_1078, %parallel_loop3A_1079 : i32
        %parallel_loop3A_1081 = arith.constant 1 : i32
        %parallel_loop3A_1082 = arith.select %parallel_loop3A_1080, %parallel_loop3A_1081, %parallel_loop3A_1078 : i32
        %parallel_loop3A_1083 = vector.broadcast %parallel_loop3A_1082 : i32 to vector<16xi32>
        %parallel_loop3A_1084 = arith.remsi %parallel_loop3A_1077, %parallel_loop3A_1083 : vector<16xi32>
        %parallel_loop3A_1085 = arith.constant 0 : i32
        %parallel_loop3A_1086 = vector.broadcast %parallel_loop3A_1085 : i32 to vector<16xi32>
        %parallel_loop3A_1087 = arith.cmpi ne, %parallel_loop3A_1084, %parallel_loop3A_1086 : vector<16xi32>
        %parallel_loop3A_1088 = arith.constant 0 : i32
        %parallel_loop3A_1089 = vector.broadcast %parallel_loop3A_1088 : i32 to vector<16xi32>
        %parallel_loop3A_1090 = arith.cmpi slt, %parallel_loop3A_1084, %parallel_loop3A_1089 : vector<16xi32>
        %parallel_loop3A_1091 = arith.constant 0 : i32
        %parallel_loop3A_1092 = arith.cmpi slt, %parallel_loop3A_1082, %parallel_loop3A_1091 : i32
        %parallel_loop3A_1093 = vector.broadcast %parallel_loop3A_1092 : i1 to vector<16xi1>
        %parallel_loop3A_1094 = vector.broadcast %parallel_loop3A_1093 : vector<16xi1> to vector<16xi1>
        %parallel_loop3A_1095 = arith.xori %parallel_loop3A_1090, %parallel_loop3A_1094 : vector<16xi1>
        %parallel_loop3A_1096 = arith.andi %parallel_loop3A_1095, %parallel_loop3A_1087 : vector<16xi1>
        %parallel_loop3A_1097 = vector.broadcast %parallel_loop3A_1082 : i32 to vector<16xi32>
        %parallel_loop3A_1098 = arith.addi %parallel_loop3A_1084, %parallel_loop3A_1097 : vector<16xi32>
        %parallel_loop3A_1099 = arith.select %parallel_loop3A_1096, %parallel_loop3A_1098, %parallel_loop3A_1084 : vector<16xi1>, vector<16xi32>
        %parallel_loop3A_1100 = arith.constant 0 : i32
        %parallel_loop3A_1101 = arith.constant 0 : i32
        %parallel_loop3A_1102 = arith.constant 0 : i32
        %parallel_loop3A_1103 = tpu.memref_slice %arg7[%parallel_loop3A_622, %parallel_loop3A_1100, %parallel_loop3A_1101, %parallel_loop3A_1102] : memref<5x8x8x129xf32, #tpu.memory_space<vmem>> -> memref<1x8x8x129xf32, #tpu.memory_space<vmem>>
        %parallel_loop3A_1104 = tpu.memref_squeeze %parallel_loop3A_1103 : memref<1x8x8x129xf32, #tpu.memory_space<vmem>> -> memref<8x8x129xf32, #tpu.memory_space<vmem>>
        tpu.vector_store_idx %parallel_loop3A_1104[%parallel_loop3A_1074, %parallel_loop3A_1099, %parallel_loop3A_897], %parallel_loop3A_1040 : memref<8x8x129xf32, #tpu.memory_space<vmem>>[vector<16xi32>, vector<16xi32>, vector<16xi32>], vector<16xf32>,
        %parallel_loop3A_1105 = arith.constant 2 : i32
        %parallel_loop3A_1106 = arith.index_cast %parallel_loop3A_1105 : i32 to index
        %parallel_loop3A_1107 = arith.index_cast %parallel_loop3A_893 : i32 to index
        %parallel_loop3A_1108 = arith.constant 48 : index
        %parallel_loop3A_1109 = tpu.vector_load %arg6[%parallel_loop3A_1106, %parallel_loop3A_1107, %parallel_loop3A_1108] {strides = array<i32>} : memref<5x128x64xf32, #tpu.memory_space<vmem>>, vector<16xf32>,
        %parallel_loop3A_1110 = arith.constant 48 : i32
        %parallel_loop3A_1111 = vector.broadcast %parallel_loop3A_1110 : i32 to vector<16xi32>
        %parallel_loop3A_1112 = arith.addi %iota3A, %parallel_loop3A_1111 : vector<16xi32>
        %parallel_loop3A_1113 = arith.constant 8 : i32
        %parallel_loop3A_1114 = vector.broadcast %parallel_loop3A_1113 : i32 to vector<16xi32>
        %parallel_loop3A_1115 = arith.divsi %parallel_loop3A_1112, %parallel_loop3A_1114 : vector<16xi32>
        %parallel_loop3A_1116 = arith.constant 0 : i32
        %parallel_loop3A_1117 = vector.broadcast %parallel_loop3A_1116 : i32 to vector<16xi32>
        %parallel_loop3A_1118 = arith.cmpi sgt, %parallel_loop3A_1112, %parallel_loop3A_1117 : vector<16xi32>
        %parallel_loop3A_1119 = arith.extui %parallel_loop3A_1118 : vector<16xi1> to vector<16xi32>
        %parallel_loop3A_1120 = arith.constant 0 : i32
        %parallel_loop3A_1121 = vector.broadcast %parallel_loop3A_1120 : i32 to vector<16xi32>
        %parallel_loop3A_1122 = arith.cmpi slt, %parallel_loop3A_1112, %parallel_loop3A_1121 : vector<16xi32>
        %parallel_loop3A_1123 = arith.extui %parallel_loop3A_1122 : vector<16xi1> to vector<16xi32>
        %parallel_loop3A_1124 = arith.subi %parallel_loop3A_1119, %parallel_loop3A_1123 : vector<16xi32>
        %parallel_loop3A_1125 = arith.constant 0 : i32
        %parallel_loop3A_1126 = arith.cmpi sgt, %parallel_loop3A_1113, %parallel_loop3A_1125 : i32
        %parallel_loop3A_1127 = arith.extui %parallel_loop3A_1126 : i1 to i32
        %parallel_loop3A_1128 = arith.constant 0 : i32
        %parallel_loop3A_1129 = arith.cmpi slt, %parallel_loop3A_1113, %parallel_loop3A_1128 : i32
        %parallel_loop3A_1130 = arith.extui %parallel_loop3A_1129 : i1 to i32
        %parallel_loop3A_1131 = arith.subi %parallel_loop3A_1127, %parallel_loop3A_1130 : i32
        %parallel_loop3A_1132 = vector.broadcast %parallel_loop3A_1131 : i32 to vector<16xi32>
        %parallel_loop3A_1133 = arith.cmpi ne, %parallel_loop3A_1124, %parallel_loop3A_1132 : vector<16xi32>
        %parallel_loop3A_1134 = vector.broadcast %parallel_loop3A_1113 : i32 to vector<16xi32>
        %parallel_loop3A_1135 = arith.remsi %parallel_loop3A_1112, %parallel_loop3A_1134 : vector<16xi32>
        %parallel_loop3A_1136 = arith.constant 0 : i32
        %parallel_loop3A_1137 = vector.broadcast %parallel_loop3A_1136 : i32 to vector<16xi32>
        %parallel_loop3A_1138 = arith.cmpi ne, %parallel_loop3A_1135, %parallel_loop3A_1137 : vector<16xi32>
        %parallel_loop3A_1139 = arith.andi %parallel_loop3A_1133, %parallel_loop3A_1138 : vector<16xi1>
        %parallel_loop3A_1140 = arith.constant 1 : i32
        %parallel_loop3A_1141 = vector.broadcast %parallel_loop3A_1140 : i32 to vector<16xi32>
        %parallel_loop3A_1142 = arith.subi %parallel_loop3A_1115, %parallel_loop3A_1141 : vector<16xi32>
        %parallel_loop3A_1143 = arith.select %parallel_loop3A_1139, %parallel_loop3A_1142, %parallel_loop3A_1115 : vector<16xi1>, vector<16xi32>
        %parallel_loop3A_1144 = arith.constant 48 : i32
        %parallel_loop3A_1145 = vector.broadcast %parallel_loop3A_1144 : i32 to vector<16xi32>
        %parallel_loop3A_1146 = arith.addi %iota3A, %parallel_loop3A_1145 : vector<16xi32>
        %parallel_loop3A_1147 = arith.constant 8 : i32
        %parallel_loop3A_1148 = arith.constant 0 : i32
        %parallel_loop3A_1149 = arith.cmpi eq, %parallel_loop3A_1147, %parallel_loop3A_1148 : i32
        %parallel_loop3A_1150 = arith.constant 1 : i32
        %parallel_loop3A_1151 = arith.select %parallel_loop3A_1149, %parallel_loop3A_1150, %parallel_loop3A_1147 : i32
        %parallel_loop3A_1152 = vector.broadcast %parallel_loop3A_1151 : i32 to vector<16xi32>
        %parallel_loop3A_1153 = arith.remsi %parallel_loop3A_1146, %parallel_loop3A_1152 : vector<16xi32>
        %parallel_loop3A_1154 = arith.constant 0 : i32
        %parallel_loop3A_1155 = vector.broadcast %parallel_loop3A_1154 : i32 to vector<16xi32>
        %parallel_loop3A_1156 = arith.cmpi ne, %parallel_loop3A_1153, %parallel_loop3A_1155 : vector<16xi32>
        %parallel_loop3A_1157 = arith.constant 0 : i32
        %parallel_loop3A_1158 = vector.broadcast %parallel_loop3A_1157 : i32 to vector<16xi32>
        %parallel_loop3A_1159 = arith.cmpi slt, %parallel_loop3A_1153, %parallel_loop3A_1158 : vector<16xi32>
        %parallel_loop3A_1160 = arith.constant 0 : i32
        %parallel_loop3A_1161 = arith.cmpi slt, %parallel_loop3A_1151, %parallel_loop3A_1160 : i32
        %parallel_loop3A_1162 = vector.broadcast %parallel_loop3A_1161 : i1 to vector<16xi1>
        %parallel_loop3A_1163 = vector.broadcast %parallel_loop3A_1162 : vector<16xi1> to vector<16xi1>
        %parallel_loop3A_1164 = arith.xori %parallel_loop3A_1159, %parallel_loop3A_1163 : vector<16xi1>
        %parallel_loop3A_1165 = arith.andi %parallel_loop3A_1164, %parallel_loop3A_1156 : vector<16xi1>
        %parallel_loop3A_1166 = vector.broadcast %parallel_loop3A_1151 : i32 to vector<16xi32>
        %parallel_loop3A_1167 = arith.addi %parallel_loop3A_1153, %parallel_loop3A_1166 : vector<16xi32>
        %parallel_loop3A_1168 = arith.select %parallel_loop3A_1165, %parallel_loop3A_1167, %parallel_loop3A_1153 : vector<16xi1>, vector<16xi32>
        %parallel_loop3A_1169 = arith.constant 0 : i32
        %parallel_loop3A_1170 = arith.constant 0 : i32
        %parallel_loop3A_1171 = arith.constant 0 : i32
        %parallel_loop3A_1172 = tpu.memref_slice %arg7[%parallel_loop3A_622, %parallel_loop3A_1169, %parallel_loop3A_1170, %parallel_loop3A_1171] : memref<5x8x8x129xf32, #tpu.memory_space<vmem>> -> memref<1x8x8x129xf32, #tpu.memory_space<vmem>>
        %parallel_loop3A_1173 = tpu.memref_squeeze %parallel_loop3A_1172 : memref<1x8x8x129xf32, #tpu.memory_space<vmem>> -> memref<8x8x129xf32, #tpu.memory_space<vmem>>
        tpu.vector_store_idx %parallel_loop3A_1173[%parallel_loop3A_1143, %parallel_loop3A_1168, %parallel_loop3A_897], %parallel_loop3A_1109 : memref<8x8x129xf32, #tpu.memory_space<vmem>>[vector<16xi32>, vector<16xi32>, vector<16xi32>], vector<16xf32>,
      } {sc.loop_unroll_factor = 4 : i64, sc.parallel_access}
      %add3A_623 = arith.constant 5 : i32
      %add3A_624 = arith.addi %add3A_599, %add3A_623 : i32
      %lt3A_625 = arith.constant 200 : i32
      %lt3A_626 = arith.cmpi slt, %add3A_624, %lt3A_625 : i32
      %convert_element_type3A_627 = arith.extui %lt3A_626 : i1 to i32
      %cond3A_628 = arith.constant 0 : i32
      %cond3A_629 = arith.cmpi ne, %convert_element_type3A_627, %cond3A_628 : i32
      scf.if %cond3A_629 {
        %add3A_893 = arith.constant 5 : i32
        %add3A_894 = arith.addi %add3A_599, %add3A_893 : i32
        %dma_start3A_895 = arith.constant 2 : i32
        %dma_start3A_896 = arith.constant 2 : i32
        %dma_start3A_897 = arith.constant 0 : i32
        %dma_start3A_898 = arith.constant 0 : i32
        %dma_start3A_899 = tpu.memref_slice %arg6[%dma_start3A_895, %dma_start3A_897, %dma_start3A_898] : memref<5x128x64xf32, #tpu.memory_space<vmem>> -> memref<1x128x64xf32, #tpu.memory_space<vmem>>
        %dma_start3A_900 = tpu.memref_squeeze %dma_start3A_899 : memref<1x128x64xf32, #tpu.memory_space<vmem>> -> memref<128x64xf32, #tpu.memory_space<vmem>>
        %dma_start3A_901 = arith.constant 0 : i32
        %dma_start3A_902 = tpu.memref_slice %arg5[%add3A_894, %dma_start3A_901] : memref<200x128xi32, #tpu.memory_space<vmem>> -> memref<1x128xi32, #tpu.memory_space<vmem>>
        %dma_start3A_903 = tpu.memref_squeeze %dma_start3A_902 : memref<1x128xi32, #tpu.memory_space<vmem>> -> memref<128xi32, #tpu.memory_space<vmem>>
        %dma_start3A_904 = arith.constant 0 : i32
        %dma_start3A_905 = arith.constant 0 : i32
        %dma_start3A_906 = tpu.memref_slice %arg3[%dma_start3A_904, %dma_start3A_905] : memref<1000000x64xf32, #tpu.memory_space<hbm>> -> memref<1000000x64xf32, #tpu.memory_space<hbm>>
        %dma_start3A_907 = tpu.memref_slice %arg8[%dma_start3A_896] : memref<5x!tpu.dma_semaphore, #tpu.memory_space<semaphore_mem>> -> memref<1x!tpu.dma_semaphore, #tpu.memory_space<semaphore_mem>>
        %dma_start3A_908 = tpu.memref_squeeze %dma_start3A_907 : memref<1x!tpu.dma_semaphore, #tpu.memory_space<semaphore_mem>> -> memref<!tpu.dma_semaphore, #tpu.memory_space<semaphore_mem>>
        tpu.enqueue_indirect_dma source(%dma_start3A_906 : memref<1000000x64xf32, #tpu.memory_space<hbm>>) target(%dma_start3A_900 : memref<128x64xf32, #tpu.memory_space<vmem>>) offsets(%dma_start3A_903 : memref<128xi32, #tpu.memory_space<vmem>>) semaphore(%dma_start3A_908 : memref<!tpu.dma_semaphore, #tpu.memory_space<semaphore_mem>>)
      } else {
      }
      %add3A_630 = arith.addi %mul3A_2, %add3A_599 : i32
      %jit3A_631 = arith.constant 128 : i32
      %div3A_632 = arith.divsi %add3A_630, %jit3A_631 : i32
      %sign3A_633 = arith.constant 0 : i32
      %sign3A_634 = arith.cmpi sgt, %add3A_630, %sign3A_633 : i32
      %sign3A_635 = arith.extui %sign3A_634 : i1 to i32
      %sign3A_636 = arith.constant 0 : i32
      %sign3A_637 = arith.cmpi slt, %add3A_630, %sign3A_636 : i32
      %sign3A_638 = arith.extui %sign3A_637 : i1 to i32
      %sign3A_639 = arith.subi %sign3A_635, %sign3A_638 : i32
      %sign3A_640 = arith.constant 0 : i32
      %sign3A_641 = arith.cmpi sgt, %jit3A_631, %sign3A_640 : i32
      %sign3A_642 = arith.extui %sign3A_641 : i1 to i32
      %sign3A_643 = arith.constant 0 : i32
      %sign3A_644 = arith.cmpi slt, %jit3A_631, %sign3A_643 : i32
      %sign3A_645 = arith.extui %sign3A_644 : i1 to i32
      %sign3A_646 = arith.subi %sign3A_642, %sign3A_645 : i32
      %ne3A_647 = arith.cmpi ne, %sign3A_639, %sign3A_646 : i32
      %rem3A_648 = arith.remsi %add3A_630, %jit3A_631 : i32
      %ne3A_649 = arith.constant 0 : i32
      %ne3A_650 = arith.cmpi ne, %rem3A_648, %ne3A_649 : i32
      %and3A_651 = arith.andi %ne3A_647, %ne3A_650 : i1
      %sub3A_652 = arith.constant 1 : i32
      %sub3A_653 = arith.subi %div3A_632, %sub3A_652 : i32
      %select_n3A_654 = arith.select %and3A_651, %sub3A_653, %div3A_632 : i32
      %jit3A_655 = arith.constant 128 : i32
      %eq3A_656 = arith.constant 0 : i32
      %eq3A_657 = arith.cmpi eq, %jit3A_655, %eq3A_656 : i32
      %jit3A_658 = arith.constant 1 : i32
      %select_n3A_659 = arith.select %eq3A_657, %jit3A_658, %jit3A_655 : i32
      %rem3A_660 = arith.remsi %add3A_630, %select_n3A_659 : i32
      %ne3A_661 = arith.constant 0 : i32
      %ne3A_662 = arith.cmpi ne, %rem3A_660, %ne3A_661 : i32
      %lt3A_663 = arith.constant 0 : i32
      %lt3A_664 = arith.cmpi slt, %rem3A_660, %lt3A_663 : i32
      %lt3A_665 = arith.constant 0 : i32
      %lt3A_666 = arith.cmpi slt, %select_n3A_659, %lt3A_665 : i32
      %ne3A_667 = arith.xori %lt3A_664, %lt3A_666 : i1
      %and3A_668 = arith.andi %ne3A_667, %ne3A_662 : i1
      %add3A_669 = arith.addi %rem3A_660, %select_n3A_659 : i32
      %select_n3A_670 = arith.select %and3A_668, %add3A_669, %rem3A_660 : i32
      %dma_start3A_671 = arith.constant 2 : i32
      %dma_start3A_672 = arith.constant 2 : i32
      %dma_start3A_673 = arith.constant 0 : i32
      %dma_start3A_674 = arith.constant 0 : i32
      %dma_start3A_675 = arith.constant 0 : i32
      %dma_start3A_676 = tpu.memref_slice %arg7[%dma_start3A_671, %dma_start3A_673, %dma_start3A_674, %dma_start3A_675] : memref<5x8x8x129xf32, #tpu.memory_space<vmem>> -> memref<1x8x8x128xf32, #tpu.memory_space<vmem>>
      %dma_start3A_677 = tpu.memref_squeeze %dma_start3A_676 : memref<1x8x8x128xf32, #tpu.memory_space<vmem>> -> memref<8x8x128xf32, #tpu.memory_space<vmem>>
      %dma_start3A_678 = arith.constant 0 : i32
      %dma_start3A_679 = arith.constant 0 : i32
      %dma_start3A_680 = arith.constant 0 : i32
      %dma_start3A_681 = tpu.memref_slice %arg4[%select_n3A_654, %dma_start3A_678, %select_n3A_670, %dma_start3A_679, %dma_start3A_680] : memref<50x8x128x8x128xf32, #tpu.memory_space<hbm>> -> memref<1x8x1x8x128xf32, #tpu.memory_space<hbm>>
      %dma_start3A_682 = tpu.memref_squeeze %dma_start3A_681 : memref<1x8x1x8x128xf32, #tpu.memory_space<hbm>> -> memref<8x8x128xf32, #tpu.memory_space<hbm>>
      %dma_start3A_683 = tpu.memref_slice %arg9[%dma_start3A_672] : memref<5x!tpu.dma_semaphore, #tpu.memory_space<semaphore_mem>> -> memref<1x!tpu.dma_semaphore, #tpu.memory_space<semaphore_mem>>
      %dma_start3A_684 = tpu.memref_squeeze %dma_start3A_683 : memref<1x!tpu.dma_semaphore, #tpu.memory_space<semaphore_mem>> -> memref<!tpu.dma_semaphore, #tpu.memory_space<semaphore_mem>>
      %dma_start3A_685 = arith.constant 0 : i32
      %dma_start3A_686 = arith.constant 0 : i32
      %dma_start3A_687 = arith.constant 0 : i32
      %dma_start3A_688 = tpu.memref_slice %arg4[%select_n3A_654, %dma_start3A_685, %select_n3A_670, %dma_start3A_686, %dma_start3A_687] : memref<50x8x128x8x128xf32, #tpu.memory_space<hbm>> -> memref<1x8x1x8x128xf32, #tpu.memory_space<hbm>>
      %dma_start3A_689 = tpu.memref_squeeze %dma_start3A_688 : memref<1x8x1x8x128xf32, #tpu.memory_space<hbm>> -> memref<8x8x128xf32, #tpu.memory_space<hbm>>
      %dma_start3A_690 = arith.constant 0 : i32
      %dma_start3A_691 = arith.constant 0 : i32
      %dma_start3A_692 = arith.constant 0 : i32
      %dma_start3A_693 = tpu.memref_slice %arg7[%dma_start3A_671, %dma_start3A_690, %dma_start3A_691, %dma_start3A_692] : memref<5x8x8x129xf32, #tpu.memory_space<vmem>> -> memref<1x8x8x128xf32, #tpu.memory_space<vmem>>
      %dma_start3A_694 = tpu.memref_squeeze %dma_start3A_693 : memref<1x8x8x128xf32, #tpu.memory_space<vmem>> -> memref<8x8x128xf32, #tpu.memory_space<vmem>>
      tpu.enqueue_dma source(%dma_start3A_694 : memref<8x8x128xf32, #tpu.memory_space<vmem>>) target(%dma_start3A_689 : memref<8x8x128xf32, #tpu.memory_space<hbm>>) target_semaphore(%dma_start3A_684 : memref<!tpu.dma_semaphore, #tpu.memory_space<semaphore_mem>>)
      %mul3A_695 = arith.constant 5 : i32
      %mul3A_696 = arith.muli %scan3A_401, %mul3A_695 : i32
      %add3A_697 = arith.constant 3 : i32
      %add3A_698 = arith.addi %mul3A_696, %add3A_697 : i32
      %dma_wait3A_699 = arith.constant 3 : i32
      %dma_wait3A_700 = arith.constant 3 : i32
      %dma_wait3A_701 = arith.constant 0 : i32
      %dma_wait3A_702 = arith.constant 0 : i32
      %dma_wait3A_703 = tpu.memref_slice %arg6[%dma_wait3A_699, %dma_wait3A_701, %dma_wait3A_702] : memref<5x128x64xf32, #tpu.memory_space<vmem>> -> memref<1x128x64xf32, #tpu.memory_space<vmem>>
      %dma_wait3A_704 = tpu.memref_squeeze %dma_wait3A_703 : memref<1x128x64xf32, #tpu.memory_space<vmem>> -> memref<128x64xf32, #tpu.memory_space<vmem>>
      %dma_wait3A_705 = arith.constant 0 : i32
      %dma_wait3A_706 = tpu.memref_slice %arg5[%add3A_698, %dma_wait3A_705] : memref<200x128xi32, #tpu.memory_space<vmem>> -> memref<1x128xi32, #tpu.memory_space<vmem>>
      %dma_wait3A_707 = tpu.memref_squeeze %dma_wait3A_706 : memref<1x128xi32, #tpu.memory_space<vmem>> -> memref<128xi32, #tpu.memory_space<vmem>>
      %dma_wait3A_708 = arith.constant 0 : i32
      %dma_wait3A_709 = arith.constant 0 : i32
      %dma_wait3A_710 = tpu.memref_slice %arg3[%dma_wait3A_708, %dma_wait3A_709] : memref<1000000x64xf32, #tpu.memory_space<hbm>> -> memref<1000000x64xf32, #tpu.memory_space<hbm>>
      %dma_wait3A_711 = tpu.memref_slice %arg8[%dma_wait3A_700] : memref<5x!tpu.dma_semaphore, #tpu.memory_space<semaphore_mem>> -> memref<1x!tpu.dma_semaphore, #tpu.memory_space<semaphore_mem>>
      %dma_wait3A_712 = tpu.memref_squeeze %dma_wait3A_711 : memref<1x!tpu.dma_semaphore, #tpu.memory_space<semaphore_mem>> -> memref<!tpu.dma_semaphore, #tpu.memory_space<semaphore_mem>>
      tpu.wait_indirect_dma semaphore(%dma_wait3A_712 : memref<!tpu.dma_semaphore, #tpu.memory_space<semaphore_mem>>) src(%dma_wait3A_710 : memref<1000000x64xf32, #tpu.memory_space<hbm>>) dst(%dma_wait3A_704 : memref<128x64xf32, #tpu.memory_space<vmem>>)
      %gt3A_713 = arith.constant 0 : i32
      %gt3A_714 = arith.cmpi sgt, %scan3A_401, %gt3A_713 : i32
      %convert_element_type3A_715 = arith.extui %gt3A_714 : i1 to i32
      %cond3A_716 = arith.constant 0 : i32
      %cond3A_717 = arith.cmpi ne, %convert_element_type3A_715, %cond3A_716 : i32
      scf.if %cond3A_717 {
        %sub3A_893 = arith.constant 5 : i32
        %sub3A_894 = arith.subi %add3A_698, %sub3A_893 : i32
        %add3A_895 = arith.addi %mul3A_2, %sub3A_894 : i32
        %jit3A_896 = arith.constant 128 : i32
        %div3A_897 = arith.divsi %add3A_895, %jit3A_896 : i32
        %sign3A_898 = arith.constant 0 : i32
        %sign3A_899 = arith.cmpi sgt, %add3A_895, %sign3A_898 : i32
        %sign3A_900 = arith.extui %sign3A_899 : i1 to i32
        %sign3A_901 = arith.constant 0 : i32
        %sign3A_902 = arith.cmpi slt, %add3A_895, %sign3A_901 : i32
        %sign3A_903 = arith.extui %sign3A_902 : i1 to i32
        %sign3A_904 = arith.subi %sign3A_900, %sign3A_903 : i32
        %sign3A_905 = arith.constant 0 : i32
        %sign3A_906 = arith.cmpi sgt, %jit3A_896, %sign3A_905 : i32
        %sign3A_907 = arith.extui %sign3A_906 : i1 to i32
        %sign3A_908 = arith.constant 0 : i32
        %sign3A_909 = arith.cmpi slt, %jit3A_896, %sign3A_908 : i32
        %sign3A_910 = arith.extui %sign3A_909 : i1 to i32
        %sign3A_911 = arith.subi %sign3A_907, %sign3A_910 : i32
        %ne3A_912 = arith.cmpi ne, %sign3A_904, %sign3A_911 : i32
        %rem3A_913 = arith.remsi %add3A_895, %jit3A_896 : i32
        %ne3A_914 = arith.constant 0 : i32
        %ne3A_915 = arith.cmpi ne, %rem3A_913, %ne3A_914 : i32
        %and3A_916 = arith.andi %ne3A_912, %ne3A_915 : i1
        %sub3A_917 = arith.constant 1 : i32
        %sub3A_918 = arith.subi %div3A_897, %sub3A_917 : i32
        %select_n3A_919 = arith.select %and3A_916, %sub3A_918, %div3A_897 : i32
        %jit3A_920 = arith.constant 128 : i32
        %eq3A_921 = arith.constant 0 : i32
        %eq3A_922 = arith.cmpi eq, %jit3A_920, %eq3A_921 : i32
        %jit3A_923 = arith.constant 1 : i32
        %select_n3A_924 = arith.select %eq3A_922, %jit3A_923, %jit3A_920 : i32
        %rem3A_925 = arith.remsi %add3A_895, %select_n3A_924 : i32
        %ne3A_926 = arith.constant 0 : i32
        %ne3A_927 = arith.cmpi ne, %rem3A_925, %ne3A_926 : i32
        %lt3A_928 = arith.constant 0 : i32
        %lt3A_929 = arith.cmpi slt, %rem3A_925, %lt3A_928 : i32
        %lt3A_930 = arith.constant 0 : i32
        %lt3A_931 = arith.cmpi slt, %select_n3A_924, %lt3A_930 : i32
        %ne3A_932 = arith.xori %lt3A_929, %lt3A_931 : i1
        %and3A_933 = arith.andi %ne3A_932, %ne3A_927 : i1
        %add3A_934 = arith.addi %rem3A_925, %select_n3A_924 : i32
        %select_n3A_935 = arith.select %and3A_933, %add3A_934, %rem3A_925 : i32
        %dma_wait3A_936 = arith.constant 3 : i32
        %dma_wait3A_937 = arith.constant 3 : i32
        %dma_wait3A_938 = arith.constant 0 : i32
        %dma_wait3A_939 = arith.constant 0 : i32
        %dma_wait3A_940 = arith.constant 0 : i32
        %dma_wait3A_941 = tpu.memref_slice %arg7[%dma_wait3A_936, %dma_wait3A_938, %dma_wait3A_939, %dma_wait3A_940] : memref<5x8x8x129xf32, #tpu.memory_space<vmem>> -> memref<1x8x8x128xf32, #tpu.memory_space<vmem>>
        %dma_wait3A_942 = tpu.memref_squeeze %dma_wait3A_941 : memref<1x8x8x128xf32, #tpu.memory_space<vmem>> -> memref<8x8x128xf32, #tpu.memory_space<vmem>>
        %dma_wait3A_943 = arith.constant 0 : i32
        %dma_wait3A_944 = arith.constant 0 : i32
        %dma_wait3A_945 = arith.constant 0 : i32
        %dma_wait3A_946 = tpu.memref_slice %arg4[%select_n3A_919, %dma_wait3A_943, %select_n3A_935, %dma_wait3A_944, %dma_wait3A_945] : memref<50x8x128x8x128xf32, #tpu.memory_space<hbm>> -> memref<1x8x1x8x128xf32, #tpu.memory_space<hbm>>
        %dma_wait3A_947 = tpu.memref_squeeze %dma_wait3A_946 : memref<1x8x1x8x128xf32, #tpu.memory_space<hbm>> -> memref<8x8x128xf32, #tpu.memory_space<hbm>>
        %dma_wait3A_948 = tpu.memref_slice %arg9[%dma_wait3A_937] : memref<5x!tpu.dma_semaphore, #tpu.memory_space<semaphore_mem>> -> memref<1x!tpu.dma_semaphore, #tpu.memory_space<semaphore_mem>>
        %dma_wait3A_949 = tpu.memref_squeeze %dma_wait3A_948 : memref<1x!tpu.dma_semaphore, #tpu.memory_space<semaphore_mem>> -> memref<!tpu.dma_semaphore, #tpu.memory_space<semaphore_mem>>
        %dma_wait3A_950 = arith.constant 0 : i32
        %dma_wait3A_951 = arith.constant 0 : i32
        %dma_wait3A_952 = arith.constant 0 : i32
        %dma_wait3A_953 = tpu.memref_slice %arg4[%select_n3A_919, %dma_wait3A_950, %select_n3A_935, %dma_wait3A_951, %dma_wait3A_952] : memref<50x8x128x8x128xf32, #tpu.memory_space<hbm>> -> memref<1x8x1x8x128xf32, #tpu.memory_space<hbm>>
        %dma_wait3A_954 = tpu.memref_squeeze %dma_wait3A_953 : memref<1x8x1x8x128xf32, #tpu.memory_space<hbm>> -> memref<8x8x128xf32, #tpu.memory_space<hbm>>
        %dma_wait3A_955 = arith.constant 0 : i32
        %dma_wait3A_956 = arith.constant 0 : i32
        %dma_wait3A_957 = arith.constant 0 : i32
        %dma_wait3A_958 = tpu.memref_slice %arg7[%dma_wait3A_936, %dma_wait3A_955, %dma_wait3A_956, %dma_wait3A_957] : memref<5x8x8x129xf32, #tpu.memory_space<vmem>> -> memref<1x8x8x128xf32, #tpu.memory_space<vmem>>
        %dma_wait3A_959 = tpu.memref_squeeze %dma_wait3A_958 : memref<1x8x8x128xf32, #tpu.memory_space<vmem>> -> memref<8x8x128xf32, #tpu.memory_space<vmem>>
        tpu.wait_dma2 semaphore(%dma_wait3A_949 : memref<!tpu.dma_semaphore, #tpu.memory_space<semaphore_mem>>) src(%dma_wait3A_959 : memref<8x8x128xf32, #tpu.memory_space<vmem>>) dst(%dma_wait3A_954 : memref<8x8x128xf32, #tpu.memory_space<hbm>>)
      } else {
      }
      %parallel_loop3A_718 = arith.constant 0 : i32
      %parallel_loop3A_719 = arith.constant 128 : i32
      %parallel_loop3A_720 = arith.constant 1 : i32
      %parallel_loop3A_721 = arith.constant 3 : i32
      scf.for %parallel_loop3A_893 = %parallel_loop3A_718 to %parallel_loop3A_719 step %parallel_loop3A_720  : i32 {
        %parallel_loop3A_894 = arith.constant 0 : i32
        %parallel_loop3A_895 = vector.broadcast %parallel_loop3A_894 : i32 to vector<16xi32>
        %parallel_loop3A_896 = vector.broadcast %parallel_loop3A_893 : i32 to vector<16xi32>
        %parallel_loop3A_897 = arith.addi %parallel_loop3A_895, %parallel_loop3A_896 : vector<16xi32>
        %parallel_loop3A_898 = arith.constant 3 : i32
        %parallel_loop3A_899 = arith.index_cast %parallel_loop3A_898 : i32 to index
        %parallel_loop3A_900 = arith.index_cast %parallel_loop3A_893 : i32 to index
        %parallel_loop3A_901 = arith.constant 0 : index
        %parallel_loop3A_902 = tpu.vector_load %arg6[%parallel_loop3A_899, %parallel_loop3A_900, %parallel_loop3A_901] {strides = array<i32>} : memref<5x128x64xf32, #tpu.memory_space<vmem>>, vector<16xf32>,
        %parallel_loop3A_903 = arith.constant 0 : i32
        %parallel_loop3A_904 = vector.broadcast %parallel_loop3A_903 : i32 to vector<16xi32>
        %parallel_loop3A_905 = arith.addi %iota3A, %parallel_loop3A_904 : vector<16xi32>
        %parallel_loop3A_906 = arith.constant 8 : i32
        %parallel_loop3A_907 = vector.broadcast %parallel_loop3A_906 : i32 to vector<16xi32>
        %parallel_loop3A_908 = arith.divsi %parallel_loop3A_905, %parallel_loop3A_907 : vector<16xi32>
        %parallel_loop3A_909 = arith.constant 0 : i32
        %parallel_loop3A_910 = vector.broadcast %parallel_loop3A_909 : i32 to vector<16xi32>
        %parallel_loop3A_911 = arith.cmpi sgt, %parallel_loop3A_905, %parallel_loop3A_910 : vector<16xi32>
        %parallel_loop3A_912 = arith.extui %parallel_loop3A_911 : vector<16xi1> to vector<16xi32>
        %parallel_loop3A_913 = arith.constant 0 : i32
        %parallel_loop3A_914 = vector.broadcast %parallel_loop3A_913 : i32 to vector<16xi32>
        %parallel_loop3A_915 = arith.cmpi slt, %parallel_loop3A_905, %parallel_loop3A_914 : vector<16xi32>
        %parallel_loop3A_916 = arith.extui %parallel_loop3A_915 : vector<16xi1> to vector<16xi32>
        %parallel_loop3A_917 = arith.subi %parallel_loop3A_912, %parallel_loop3A_916 : vector<16xi32>
        %parallel_loop3A_918 = arith.constant 0 : i32
        %parallel_loop3A_919 = arith.cmpi sgt, %parallel_loop3A_906, %parallel_loop3A_918 : i32
        %parallel_loop3A_920 = arith.extui %parallel_loop3A_919 : i1 to i32
        %parallel_loop3A_921 = arith.constant 0 : i32
        %parallel_loop3A_922 = arith.cmpi slt, %parallel_loop3A_906, %parallel_loop3A_921 : i32
        %parallel_loop3A_923 = arith.extui %parallel_loop3A_922 : i1 to i32
        %parallel_loop3A_924 = arith.subi %parallel_loop3A_920, %parallel_loop3A_923 : i32
        %parallel_loop3A_925 = vector.broadcast %parallel_loop3A_924 : i32 to vector<16xi32>
        %parallel_loop3A_926 = arith.cmpi ne, %parallel_loop3A_917, %parallel_loop3A_925 : vector<16xi32>
        %parallel_loop3A_927 = vector.broadcast %parallel_loop3A_906 : i32 to vector<16xi32>
        %parallel_loop3A_928 = arith.remsi %parallel_loop3A_905, %parallel_loop3A_927 : vector<16xi32>
        %parallel_loop3A_929 = arith.constant 0 : i32
        %parallel_loop3A_930 = vector.broadcast %parallel_loop3A_929 : i32 to vector<16xi32>
        %parallel_loop3A_931 = arith.cmpi ne, %parallel_loop3A_928, %parallel_loop3A_930 : vector<16xi32>
        %parallel_loop3A_932 = arith.andi %parallel_loop3A_926, %parallel_loop3A_931 : vector<16xi1>
        %parallel_loop3A_933 = arith.constant 1 : i32
        %parallel_loop3A_934 = vector.broadcast %parallel_loop3A_933 : i32 to vector<16xi32>
        %parallel_loop3A_935 = arith.subi %parallel_loop3A_908, %parallel_loop3A_934 : vector<16xi32>
        %parallel_loop3A_936 = arith.select %parallel_loop3A_932, %parallel_loop3A_935, %parallel_loop3A_908 : vector<16xi1>, vector<16xi32>
        %parallel_loop3A_937 = arith.constant 0 : i32
        %parallel_loop3A_938 = vector.broadcast %parallel_loop3A_937 : i32 to vector<16xi32>
        %parallel_loop3A_939 = arith.addi %iota3A, %parallel_loop3A_938 : vector<16xi32>
        %parallel_loop3A_940 = arith.constant 8 : i32
        %parallel_loop3A_941 = arith.constant 0 : i32
        %parallel_loop3A_942 = arith.cmpi eq, %parallel_loop3A_940, %parallel_loop3A_941 : i32
        %parallel_loop3A_943 = arith.constant 1 : i32
        %parallel_loop3A_944 = arith.select %parallel_loop3A_942, %parallel_loop3A_943, %parallel_loop3A_940 : i32
        %parallel_loop3A_945 = vector.broadcast %parallel_loop3A_944 : i32 to vector<16xi32>
        %parallel_loop3A_946 = arith.remsi %parallel_loop3A_939, %parallel_loop3A_945 : vector<16xi32>
        %parallel_loop3A_947 = arith.constant 0 : i32
        %parallel_loop3A_948 = vector.broadcast %parallel_loop3A_947 : i32 to vector<16xi32>
        %parallel_loop3A_949 = arith.cmpi ne, %parallel_loop3A_946, %parallel_loop3A_948 : vector<16xi32>
        %parallel_loop3A_950 = arith.constant 0 : i32
        %parallel_loop3A_951 = vector.broadcast %parallel_loop3A_950 : i32 to vector<16xi32>
        %parallel_loop3A_952 = arith.cmpi slt, %parallel_loop3A_946, %parallel_loop3A_951 : vector<16xi32>
        %parallel_loop3A_953 = arith.constant 0 : i32
        %parallel_loop3A_954 = arith.cmpi slt, %parallel_loop3A_944, %parallel_loop3A_953 : i32
        %parallel_loop3A_955 = vector.broadcast %parallel_loop3A_954 : i1 to vector<16xi1>
        %parallel_loop3A_956 = vector.broadcast %parallel_loop3A_955 : vector<16xi1> to vector<16xi1>
        %parallel_loop3A_957 = arith.xori %parallel_loop3A_952, %parallel_loop3A_956 : vector<16xi1>
        %parallel_loop3A_958 = arith.andi %parallel_loop3A_957, %parallel_loop3A_949 : vector<16xi1>
        %parallel_loop3A_959 = vector.broadcast %parallel_loop3A_944 : i32 to vector<16xi32>
        %parallel_loop3A_960 = arith.addi %parallel_loop3A_946, %parallel_loop3A_959 : vector<16xi32>
        %parallel_loop3A_961 = arith.select %parallel_loop3A_958, %parallel_loop3A_960, %parallel_loop3A_946 : vector<16xi1>, vector<16xi32>
        %parallel_loop3A_962 = arith.constant 0 : i32
        %parallel_loop3A_963 = arith.constant 0 : i32
        %parallel_loop3A_964 = arith.constant 0 : i32
        %parallel_loop3A_965 = tpu.memref_slice %arg7[%parallel_loop3A_721, %parallel_loop3A_962, %parallel_loop3A_963, %parallel_loop3A_964] : memref<5x8x8x129xf32, #tpu.memory_space<vmem>> -> memref<1x8x8x129xf32, #tpu.memory_space<vmem>>
        %parallel_loop3A_966 = tpu.memref_squeeze %parallel_loop3A_965 : memref<1x8x8x129xf32, #tpu.memory_space<vmem>> -> memref<8x8x129xf32, #tpu.memory_space<vmem>>
        tpu.vector_store_idx %parallel_loop3A_966[%parallel_loop3A_936, %parallel_loop3A_961, %parallel_loop3A_897], %parallel_loop3A_902 : memref<8x8x129xf32, #tpu.memory_space<vmem>>[vector<16xi32>, vector<16xi32>, vector<16xi32>], vector<16xf32>,
        %parallel_loop3A_967 = arith.constant 3 : i32
        %parallel_loop3A_968 = arith.index_cast %parallel_loop3A_967 : i32 to index
        %parallel_loop3A_969 = arith.index_cast %parallel_loop3A_893 : i32 to index
        %parallel_loop3A_970 = arith.constant 16 : index
        %parallel_loop3A_971 = tpu.vector_load %arg6[%parallel_loop3A_968, %parallel_loop3A_969, %parallel_loop3A_970] {strides = array<i32>} : memref<5x128x64xf32, #tpu.memory_space<vmem>>, vector<16xf32>,
        %parallel_loop3A_972 = arith.constant 16 : i32
        %parallel_loop3A_973 = vector.broadcast %parallel_loop3A_972 : i32 to vector<16xi32>
        %parallel_loop3A_974 = arith.addi %iota3A, %parallel_loop3A_973 : vector<16xi32>
        %parallel_loop3A_975 = arith.constant 8 : i32
        %parallel_loop3A_976 = vector.broadcast %parallel_loop3A_975 : i32 to vector<16xi32>
        %parallel_loop3A_977 = arith.divsi %parallel_loop3A_974, %parallel_loop3A_976 : vector<16xi32>
        %parallel_loop3A_978 = arith.constant 0 : i32
        %parallel_loop3A_979 = vector.broadcast %parallel_loop3A_978 : i32 to vector<16xi32>
        %parallel_loop3A_980 = arith.cmpi sgt, %parallel_loop3A_974, %parallel_loop3A_979 : vector<16xi32>
        %parallel_loop3A_981 = arith.extui %parallel_loop3A_980 : vector<16xi1> to vector<16xi32>
        %parallel_loop3A_982 = arith.constant 0 : i32
        %parallel_loop3A_983 = vector.broadcast %parallel_loop3A_982 : i32 to vector<16xi32>
        %parallel_loop3A_984 = arith.cmpi slt, %parallel_loop3A_974, %parallel_loop3A_983 : vector<16xi32>
        %parallel_loop3A_985 = arith.extui %parallel_loop3A_984 : vector<16xi1> to vector<16xi32>
        %parallel_loop3A_986 = arith.subi %parallel_loop3A_981, %parallel_loop3A_985 : vector<16xi32>
        %parallel_loop3A_987 = arith.constant 0 : i32
        %parallel_loop3A_988 = arith.cmpi sgt, %parallel_loop3A_975, %parallel_loop3A_987 : i32
        %parallel_loop3A_989 = arith.extui %parallel_loop3A_988 : i1 to i32
        %parallel_loop3A_990 = arith.constant 0 : i32
        %parallel_loop3A_991 = arith.cmpi slt, %parallel_loop3A_975, %parallel_loop3A_990 : i32
        %parallel_loop3A_992 = arith.extui %parallel_loop3A_991 : i1 to i32
        %parallel_loop3A_993 = arith.subi %parallel_loop3A_989, %parallel_loop3A_992 : i32
        %parallel_loop3A_994 = vector.broadcast %parallel_loop3A_993 : i32 to vector<16xi32>
        %parallel_loop3A_995 = arith.cmpi ne, %parallel_loop3A_986, %parallel_loop3A_994 : vector<16xi32>
        %parallel_loop3A_996 = vector.broadcast %parallel_loop3A_975 : i32 to vector<16xi32>
        %parallel_loop3A_997 = arith.remsi %parallel_loop3A_974, %parallel_loop3A_996 : vector<16xi32>
        %parallel_loop3A_998 = arith.constant 0 : i32
        %parallel_loop3A_999 = vector.broadcast %parallel_loop3A_998 : i32 to vector<16xi32>
        %parallel_loop3A_1000 = arith.cmpi ne, %parallel_loop3A_997, %parallel_loop3A_999 : vector<16xi32>
        %parallel_loop3A_1001 = arith.andi %parallel_loop3A_995, %parallel_loop3A_1000 : vector<16xi1>
        %parallel_loop3A_1002 = arith.constant 1 : i32
        %parallel_loop3A_1003 = vector.broadcast %parallel_loop3A_1002 : i32 to vector<16xi32>
        %parallel_loop3A_1004 = arith.subi %parallel_loop3A_977, %parallel_loop3A_1003 : vector<16xi32>
        %parallel_loop3A_1005 = arith.select %parallel_loop3A_1001, %parallel_loop3A_1004, %parallel_loop3A_977 : vector<16xi1>, vector<16xi32>
        %parallel_loop3A_1006 = arith.constant 16 : i32
        %parallel_loop3A_1007 = vector.broadcast %parallel_loop3A_1006 : i32 to vector<16xi32>
        %parallel_loop3A_1008 = arith.addi %iota3A, %parallel_loop3A_1007 : vector<16xi32>
        %parallel_loop3A_1009 = arith.constant 8 : i32
        %parallel_loop3A_1010 = arith.constant 0 : i32
        %parallel_loop3A_1011 = arith.cmpi eq, %parallel_loop3A_1009, %parallel_loop3A_1010 : i32
        %parallel_loop3A_1012 = arith.constant 1 : i32
        %parallel_loop3A_1013 = arith.select %parallel_loop3A_1011, %parallel_loop3A_1012, %parallel_loop3A_1009 : i32
        %parallel_loop3A_1014 = vector.broadcast %parallel_loop3A_1013 : i32 to vector<16xi32>
        %parallel_loop3A_1015 = arith.remsi %parallel_loop3A_1008, %parallel_loop3A_1014 : vector<16xi32>
        %parallel_loop3A_1016 = arith.constant 0 : i32
        %parallel_loop3A_1017 = vector.broadcast %parallel_loop3A_1016 : i32 to vector<16xi32>
        %parallel_loop3A_1018 = arith.cmpi ne, %parallel_loop3A_1015, %parallel_loop3A_1017 : vector<16xi32>
        %parallel_loop3A_1019 = arith.constant 0 : i32
        %parallel_loop3A_1020 = vector.broadcast %parallel_loop3A_1019 : i32 to vector<16xi32>
        %parallel_loop3A_1021 = arith.cmpi slt, %parallel_loop3A_1015, %parallel_loop3A_1020 : vector<16xi32>
        %parallel_loop3A_1022 = arith.constant 0 : i32
        %parallel_loop3A_1023 = arith.cmpi slt, %parallel_loop3A_1013, %parallel_loop3A_1022 : i32
        %parallel_loop3A_1024 = vector.broadcast %parallel_loop3A_1023 : i1 to vector<16xi1>
        %parallel_loop3A_1025 = vector.broadcast %parallel_loop3A_1024 : vector<16xi1> to vector<16xi1>
        %parallel_loop3A_1026 = arith.xori %parallel_loop3A_1021, %parallel_loop3A_1025 : vector<16xi1>
        %parallel_loop3A_1027 = arith.andi %parallel_loop3A_1026, %parallel_loop3A_1018 : vector<16xi1>
        %parallel_loop3A_1028 = vector.broadcast %parallel_loop3A_1013 : i32 to vector<16xi32>
        %parallel_loop3A_1029 = arith.addi %parallel_loop3A_1015, %parallel_loop3A_1028 : vector<16xi32>
        %parallel_loop3A_1030 = arith.select %parallel_loop3A_1027, %parallel_loop3A_1029, %parallel_loop3A_1015 : vector<16xi1>, vector<16xi32>
        %parallel_loop3A_1031 = arith.constant 0 : i32
        %parallel_loop3A_1032 = arith.constant 0 : i32
        %parallel_loop3A_1033 = arith.constant 0 : i32
        %parallel_loop3A_1034 = tpu.memref_slice %arg7[%parallel_loop3A_721, %parallel_loop3A_1031, %parallel_loop3A_1032, %parallel_loop3A_1033] : memref<5x8x8x129xf32, #tpu.memory_space<vmem>> -> memref<1x8x8x129xf32, #tpu.memory_space<vmem>>
        %parallel_loop3A_1035 = tpu.memref_squeeze %parallel_loop3A_1034 : memref<1x8x8x129xf32, #tpu.memory_space<vmem>> -> memref<8x8x129xf32, #tpu.memory_space<vmem>>
        tpu.vector_store_idx %parallel_loop3A_1035[%parallel_loop3A_1005, %parallel_loop3A_1030, %parallel_loop3A_897], %parallel_loop3A_971 : memref<8x8x129xf32, #tpu.memory_space<vmem>>[vector<16xi32>, vector<16xi32>, vector<16xi32>], vector<16xf32>,
        %parallel_loop3A_1036 = arith.constant 3 : i32
        %parallel_loop3A_1037 = arith.index_cast %parallel_loop3A_1036 : i32 to index
        %parallel_loop3A_1038 = arith.index_cast %parallel_loop3A_893 : i32 to index
        %parallel_loop3A_1039 = arith.constant 32 : index
        %parallel_loop3A_1040 = tpu.vector_load %arg6[%parallel_loop3A_1037, %parallel_loop3A_1038, %parallel_loop3A_1039] {strides = array<i32>} : memref<5x128x64xf32, #tpu.memory_space<vmem>>, vector<16xf32>,
        %parallel_loop3A_1041 = arith.constant 32 : i32
        %parallel_loop3A_1042 = vector.broadcast %parallel_loop3A_1041 : i32 to vector<16xi32>
        %parallel_loop3A_1043 = arith.addi %iota3A, %parallel_loop3A_1042 : vector<16xi32>
        %parallel_loop3A_1044 = arith.constant 8 : i32
        %parallel_loop3A_1045 = vector.broadcast %parallel_loop3A_1044 : i32 to vector<16xi32>
        %parallel_loop3A_1046 = arith.divsi %parallel_loop3A_1043, %parallel_loop3A_1045 : vector<16xi32>
        %parallel_loop3A_1047 = arith.constant 0 : i32
        %parallel_loop3A_1048 = vector.broadcast %parallel_loop3A_1047 : i32 to vector<16xi32>
        %parallel_loop3A_1049 = arith.cmpi sgt, %parallel_loop3A_1043, %parallel_loop3A_1048 : vector<16xi32>
        %parallel_loop3A_1050 = arith.extui %parallel_loop3A_1049 : vector<16xi1> to vector<16xi32>
        %parallel_loop3A_1051 = arith.constant 0 : i32
        %parallel_loop3A_1052 = vector.broadcast %parallel_loop3A_1051 : i32 to vector<16xi32>
        %parallel_loop3A_1053 = arith.cmpi slt, %parallel_loop3A_1043, %parallel_loop3A_1052 : vector<16xi32>
        %parallel_loop3A_1054 = arith.extui %parallel_loop3A_1053 : vector<16xi1> to vector<16xi32>
        %parallel_loop3A_1055 = arith.subi %parallel_loop3A_1050, %parallel_loop3A_1054 : vector<16xi32>
        %parallel_loop3A_1056 = arith.constant 0 : i32
        %parallel_loop3A_1057 = arith.cmpi sgt, %parallel_loop3A_1044, %parallel_loop3A_1056 : i32
        %parallel_loop3A_1058 = arith.extui %parallel_loop3A_1057 : i1 to i32
        %parallel_loop3A_1059 = arith.constant 0 : i32
        %parallel_loop3A_1060 = arith.cmpi slt, %parallel_loop3A_1044, %parallel_loop3A_1059 : i32
        %parallel_loop3A_1061 = arith.extui %parallel_loop3A_1060 : i1 to i32
        %parallel_loop3A_1062 = arith.subi %parallel_loop3A_1058, %parallel_loop3A_1061 : i32
        %parallel_loop3A_1063 = vector.broadcast %parallel_loop3A_1062 : i32 to vector<16xi32>
        %parallel_loop3A_1064 = arith.cmpi ne, %parallel_loop3A_1055, %parallel_loop3A_1063 : vector<16xi32>
        %parallel_loop3A_1065 = vector.broadcast %parallel_loop3A_1044 : i32 to vector<16xi32>
        %parallel_loop3A_1066 = arith.remsi %parallel_loop3A_1043, %parallel_loop3A_1065 : vector<16xi32>
        %parallel_loop3A_1067 = arith.constant 0 : i32
        %parallel_loop3A_1068 = vector.broadcast %parallel_loop3A_1067 : i32 to vector<16xi32>
        %parallel_loop3A_1069 = arith.cmpi ne, %parallel_loop3A_1066, %parallel_loop3A_1068 : vector<16xi32>
        %parallel_loop3A_1070 = arith.andi %parallel_loop3A_1064, %parallel_loop3A_1069 : vector<16xi1>
        %parallel_loop3A_1071 = arith.constant 1 : i32
        %parallel_loop3A_1072 = vector.broadcast %parallel_loop3A_1071 : i32 to vector<16xi32>
        %parallel_loop3A_1073 = arith.subi %parallel_loop3A_1046, %parallel_loop3A_1072 : vector<16xi32>
        %parallel_loop3A_1074 = arith.select %parallel_loop3A_1070, %parallel_loop3A_1073, %parallel_loop3A_1046 : vector<16xi1>, vector<16xi32>
        %parallel_loop3A_1075 = arith.constant 32 : i32
        %parallel_loop3A_1076 = vector.broadcast %parallel_loop3A_1075 : i32 to vector<16xi32>
        %parallel_loop3A_1077 = arith.addi %iota3A, %parallel_loop3A_1076 : vector<16xi32>
        %parallel_loop3A_1078 = arith.constant 8 : i32
        %parallel_loop3A_1079 = arith.constant 0 : i32
        %parallel_loop3A_1080 = arith.cmpi eq, %parallel_loop3A_1078, %parallel_loop3A_1079 : i32
        %parallel_loop3A_1081 = arith.constant 1 : i32
        %parallel_loop3A_1082 = arith.select %parallel_loop3A_1080, %parallel_loop3A_1081, %parallel_loop3A_1078 : i32
        %parallel_loop3A_1083 = vector.broadcast %parallel_loop3A_1082 : i32 to vector<16xi32>
        %parallel_loop3A_1084 = arith.remsi %parallel_loop3A_1077, %parallel_loop3A_1083 : vector<16xi32>
        %parallel_loop3A_1085 = arith.constant 0 : i32
        %parallel_loop3A_1086 = vector.broadcast %parallel_loop3A_1085 : i32 to vector<16xi32>
        %parallel_loop3A_1087 = arith.cmpi ne, %parallel_loop3A_1084, %parallel_loop3A_1086 : vector<16xi32>
        %parallel_loop3A_1088 = arith.constant 0 : i32
        %parallel_loop3A_1089 = vector.broadcast %parallel_loop3A_1088 : i32 to vector<16xi32>
        %parallel_loop3A_1090 = arith.cmpi slt, %parallel_loop3A_1084, %parallel_loop3A_1089 : vector<16xi32>
        %parallel_loop3A_1091 = arith.constant 0 : i32
        %parallel_loop3A_1092 = arith.cmpi slt, %parallel_loop3A_1082, %parallel_loop3A_1091 : i32
        %parallel_loop3A_1093 = vector.broadcast %parallel_loop3A_1092 : i1 to vector<16xi1>
        %parallel_loop3A_1094 = vector.broadcast %parallel_loop3A_1093 : vector<16xi1> to vector<16xi1>
        %parallel_loop3A_1095 = arith.xori %parallel_loop3A_1090, %parallel_loop3A_1094 : vector<16xi1>
        %parallel_loop3A_1096 = arith.andi %parallel_loop3A_1095, %parallel_loop3A_1087 : vector<16xi1>
        %parallel_loop3A_1097 = vector.broadcast %parallel_loop3A_1082 : i32 to vector<16xi32>
        %parallel_loop3A_1098 = arith.addi %parallel_loop3A_1084, %parallel_loop3A_1097 : vector<16xi32>
        %parallel_loop3A_1099 = arith.select %parallel_loop3A_1096, %parallel_loop3A_1098, %parallel_loop3A_1084 : vector<16xi1>, vector<16xi32>
        %parallel_loop3A_1100 = arith.constant 0 : i32
        %parallel_loop3A_1101 = arith.constant 0 : i32
        %parallel_loop3A_1102 = arith.constant 0 : i32
        %parallel_loop3A_1103 = tpu.memref_slice %arg7[%parallel_loop3A_721, %parallel_loop3A_1100, %parallel_loop3A_1101, %parallel_loop3A_1102] : memref<5x8x8x129xf32, #tpu.memory_space<vmem>> -> memref<1x8x8x129xf32, #tpu.memory_space<vmem>>
        %parallel_loop3A_1104 = tpu.memref_squeeze %parallel_loop3A_1103 : memref<1x8x8x129xf32, #tpu.memory_space<vmem>> -> memref<8x8x129xf32, #tpu.memory_space<vmem>>
        tpu.vector_store_idx %parallel_loop3A_1104[%parallel_loop3A_1074, %parallel_loop3A_1099, %parallel_loop3A_897], %parallel_loop3A_1040 : memref<8x8x129xf32, #tpu.memory_space<vmem>>[vector<16xi32>, vector<16xi32>, vector<16xi32>], vector<16xf32>,
        %parallel_loop3A_1105 = arith.constant 3 : i32
        %parallel_loop3A_1106 = arith.index_cast %parallel_loop3A_1105 : i32 to index
        %parallel_loop3A_1107 = arith.index_cast %parallel_loop3A_893 : i32 to index
        %parallel_loop3A_1108 = arith.constant 48 : index
        %parallel_loop3A_1109 = tpu.vector_load %arg6[%parallel_loop3A_1106, %parallel_loop3A_1107, %parallel_loop3A_1108] {strides = array<i32>} : memref<5x128x64xf32, #tpu.memory_space<vmem>>, vector<16xf32>,
        %parallel_loop3A_1110 = arith.constant 48 : i32
        %parallel_loop3A_1111 = vector.broadcast %parallel_loop3A_1110 : i32 to vector<16xi32>
        %parallel_loop3A_1112 = arith.addi %iota3A, %parallel_loop3A_1111 : vector<16xi32>
        %parallel_loop3A_1113 = arith.constant 8 : i32
        %parallel_loop3A_1114 = vector.broadcast %parallel_loop3A_1113 : i32 to vector<16xi32>
        %parallel_loop3A_1115 = arith.divsi %parallel_loop3A_1112, %parallel_loop3A_1114 : vector<16xi32>
        %parallel_loop3A_1116 = arith.constant 0 : i32
        %parallel_loop3A_1117 = vector.broadcast %parallel_loop3A_1116 : i32 to vector<16xi32>
        %parallel_loop3A_1118 = arith.cmpi sgt, %parallel_loop3A_1112, %parallel_loop3A_1117 : vector<16xi32>
        %parallel_loop3A_1119 = arith.extui %parallel_loop3A_1118 : vector<16xi1> to vector<16xi32>
        %parallel_loop3A_1120 = arith.constant 0 : i32
        %parallel_loop3A_1121 = vector.broadcast %parallel_loop3A_1120 : i32 to vector<16xi32>
        %parallel_loop3A_1122 = arith.cmpi slt, %parallel_loop3A_1112, %parallel_loop3A_1121 : vector<16xi32>
        %parallel_loop3A_1123 = arith.extui %parallel_loop3A_1122 : vector<16xi1> to vector<16xi32>
        %parallel_loop3A_1124 = arith.subi %parallel_loop3A_1119, %parallel_loop3A_1123 : vector<16xi32>
        %parallel_loop3A_1125 = arith.constant 0 : i32
        %parallel_loop3A_1126 = arith.cmpi sgt, %parallel_loop3A_1113, %parallel_loop3A_1125 : i32
        %parallel_loop3A_1127 = arith.extui %parallel_loop3A_1126 : i1 to i32
        %parallel_loop3A_1128 = arith.constant 0 : i32
        %parallel_loop3A_1129 = arith.cmpi slt, %parallel_loop3A_1113, %parallel_loop3A_1128 : i32
        %parallel_loop3A_1130 = arith.extui %parallel_loop3A_1129 : i1 to i32
        %parallel_loop3A_1131 = arith.subi %parallel_loop3A_1127, %parallel_loop3A_1130 : i32
        %parallel_loop3A_1132 = vector.broadcast %parallel_loop3A_1131 : i32 to vector<16xi32>
        %parallel_loop3A_1133 = arith.cmpi ne, %parallel_loop3A_1124, %parallel_loop3A_1132 : vector<16xi32>
        %parallel_loop3A_1134 = vector.broadcast %parallel_loop3A_1113 : i32 to vector<16xi32>
        %parallel_loop3A_1135 = arith.remsi %parallel_loop3A_1112, %parallel_loop3A_1134 : vector<16xi32>
        %parallel_loop3A_1136 = arith.constant 0 : i32
        %parallel_loop3A_1137 = vector.broadcast %parallel_loop3A_1136 : i32 to vector<16xi32>
        %parallel_loop3A_1138 = arith.cmpi ne, %parallel_loop3A_1135, %parallel_loop3A_1137 : vector<16xi32>
        %parallel_loop3A_1139 = arith.andi %parallel_loop3A_1133, %parallel_loop3A_1138 : vector<16xi1>
        %parallel_loop3A_1140 = arith.constant 1 : i32
        %parallel_loop3A_1141 = vector.broadcast %parallel_loop3A_1140 : i32 to vector<16xi32>
        %parallel_loop3A_1142 = arith.subi %parallel_loop3A_1115, %parallel_loop3A_1141 : vector<16xi32>
        %parallel_loop3A_1143 = arith.select %parallel_loop3A_1139, %parallel_loop3A_1142, %parallel_loop3A_1115 : vector<16xi1>, vector<16xi32>
        %parallel_loop3A_1144 = arith.constant 48 : i32
        %parallel_loop3A_1145 = vector.broadcast %parallel_loop3A_1144 : i32 to vector<16xi32>
        %parallel_loop3A_1146 = arith.addi %iota3A, %parallel_loop3A_1145 : vector<16xi32>
        %parallel_loop3A_1147 = arith.constant 8 : i32
        %parallel_loop3A_1148 = arith.constant 0 : i32
        %parallel_loop3A_1149 = arith.cmpi eq, %parallel_loop3A_1147, %parallel_loop3A_1148 : i32
        %parallel_loop3A_1150 = arith.constant 1 : i32
        %parallel_loop3A_1151 = arith.select %parallel_loop3A_1149, %parallel_loop3A_1150, %parallel_loop3A_1147 : i32
        %parallel_loop3A_1152 = vector.broadcast %parallel_loop3A_1151 : i32 to vector<16xi32>
        %parallel_loop3A_1153 = arith.remsi %parallel_loop3A_1146, %parallel_loop3A_1152 : vector<16xi32>
        %parallel_loop3A_1154 = arith.constant 0 : i32
        %parallel_loop3A_1155 = vector.broadcast %parallel_loop3A_1154 : i32 to vector<16xi32>
        %parallel_loop3A_1156 = arith.cmpi ne, %parallel_loop3A_1153, %parallel_loop3A_1155 : vector<16xi32>
        %parallel_loop3A_1157 = arith.constant 0 : i32
        %parallel_loop3A_1158 = vector.broadcast %parallel_loop3A_1157 : i32 to vector<16xi32>
        %parallel_loop3A_1159 = arith.cmpi slt, %parallel_loop3A_1153, %parallel_loop3A_1158 : vector<16xi32>
        %parallel_loop3A_1160 = arith.constant 0 : i32
        %parallel_loop3A_1161 = arith.cmpi slt, %parallel_loop3A_1151, %parallel_loop3A_1160 : i32
        %parallel_loop3A_1162 = vector.broadcast %parallel_loop3A_1161 : i1 to vector<16xi1>
        %parallel_loop3A_1163 = vector.broadcast %parallel_loop3A_1162 : vector<16xi1> to vector<16xi1>
        %parallel_loop3A_1164 = arith.xori %parallel_loop3A_1159, %parallel_loop3A_1163 : vector<16xi1>
        %parallel_loop3A_1165 = arith.andi %parallel_loop3A_1164, %parallel_loop3A_1156 : vector<16xi1>
        %parallel_loop3A_1166 = vector.broadcast %parallel_loop3A_1151 : i32 to vector<16xi32>
        %parallel_loop3A_1167 = arith.addi %parallel_loop3A_1153, %parallel_loop3A_1166 : vector<16xi32>
        %parallel_loop3A_1168 = arith.select %parallel_loop3A_1165, %parallel_loop3A_1167, %parallel_loop3A_1153 : vector<16xi1>, vector<16xi32>
        %parallel_loop3A_1169 = arith.constant 0 : i32
        %parallel_loop3A_1170 = arith.constant 0 : i32
        %parallel_loop3A_1171 = arith.constant 0 : i32
        %parallel_loop3A_1172 = tpu.memref_slice %arg7[%parallel_loop3A_721, %parallel_loop3A_1169, %parallel_loop3A_1170, %parallel_loop3A_1171] : memref<5x8x8x129xf32, #tpu.memory_space<vmem>> -> memref<1x8x8x129xf32, #tpu.memory_space<vmem>>
        %parallel_loop3A_1173 = tpu.memref_squeeze %parallel_loop3A_1172 : memref<1x8x8x129xf32, #tpu.memory_space<vmem>> -> memref<8x8x129xf32, #tpu.memory_space<vmem>>
        tpu.vector_store_idx %parallel_loop3A_1173[%parallel_loop3A_1143, %parallel_loop3A_1168, %parallel_loop3A_897], %parallel_loop3A_1109 : memref<8x8x129xf32, #tpu.memory_space<vmem>>[vector<16xi32>, vector<16xi32>, vector<16xi32>], vector<16xf32>,
      } {sc.loop_unroll_factor = 4 : i64, sc.parallel_access}
      %add3A_722 = arith.constant 5 : i32
      %add3A_723 = arith.addi %add3A_698, %add3A_722 : i32
      %lt3A_724 = arith.constant 200 : i32
      %lt3A_725 = arith.cmpi slt, %add3A_723, %lt3A_724 : i32
      %convert_element_type3A_726 = arith.extui %lt3A_725 : i1 to i32
      %cond3A_727 = arith.constant 0 : i32
      %cond3A_728 = arith.cmpi ne, %convert_element_type3A_726, %cond3A_727 : i32
      scf.if %cond3A_728 {
        %add3A_893 = arith.constant 5 : i32
        %add3A_894 = arith.addi %add3A_698, %add3A_893 : i32
        %dma_start3A_895 = arith.constant 3 : i32
        %dma_start3A_896 = arith.constant 3 : i32
        %dma_start3A_897 = arith.constant 0 : i32
        %dma_start3A_898 = arith.constant 0 : i32
        %dma_start3A_899 = tpu.memref_slice %arg6[%dma_start3A_895, %dma_start3A_897, %dma_start3A_898] : memref<5x128x64xf32, #tpu.memory_space<vmem>> -> memref<1x128x64xf32, #tpu.memory_space<vmem>>
        %dma_start3A_900 = tpu.memref_squeeze %dma_start3A_899 : memref<1x128x64xf32, #tpu.memory_space<vmem>> -> memref<128x64xf32, #tpu.memory_space<vmem>>
        %dma_start3A_901 = arith.constant 0 : i32
        %dma_start3A_902 = tpu.memref_slice %arg5[%add3A_894, %dma_start3A_901] : memref<200x128xi32, #tpu.memory_space<vmem>> -> memref<1x128xi32, #tpu.memory_space<vmem>>
        %dma_start3A_903 = tpu.memref_squeeze %dma_start3A_902 : memref<1x128xi32, #tpu.memory_space<vmem>> -> memref<128xi32, #tpu.memory_space<vmem>>
        %dma_start3A_904 = arith.constant 0 : i32
        %dma_start3A_905 = arith.constant 0 : i32
        %dma_start3A_906 = tpu.memref_slice %arg3[%dma_start3A_904, %dma_start3A_905] : memref<1000000x64xf32, #tpu.memory_space<hbm>> -> memref<1000000x64xf32, #tpu.memory_space<hbm>>
        %dma_start3A_907 = tpu.memref_slice %arg8[%dma_start3A_896] : memref<5x!tpu.dma_semaphore, #tpu.memory_space<semaphore_mem>> -> memref<1x!tpu.dma_semaphore, #tpu.memory_space<semaphore_mem>>
        %dma_start3A_908 = tpu.memref_squeeze %dma_start3A_907 : memref<1x!tpu.dma_semaphore, #tpu.memory_space<semaphore_mem>> -> memref<!tpu.dma_semaphore, #tpu.memory_space<semaphore_mem>>
        tpu.enqueue_indirect_dma source(%dma_start3A_906 : memref<1000000x64xf32, #tpu.memory_space<hbm>>) target(%dma_start3A_900 : memref<128x64xf32, #tpu.memory_space<vmem>>) offsets(%dma_start3A_903 : memref<128xi32, #tpu.memory_space<vmem>>) semaphore(%dma_start3A_908 : memref<!tpu.dma_semaphore, #tpu.memory_space<semaphore_mem>>)
      } else {
      }
      %add3A_729 = arith.addi %mul3A_2, %add3A_698 : i32
      %jit3A_730 = arith.constant 128 : i32
      %div3A_731 = arith.divsi %add3A_729, %jit3A_730 : i32
      %sign3A_732 = arith.constant 0 : i32
      %sign3A_733 = arith.cmpi sgt, %add3A_729, %sign3A_732 : i32
      %sign3A_734 = arith.extui %sign3A_733 : i1 to i32
      %sign3A_735 = arith.constant 0 : i32
      %sign3A_736 = arith.cmpi slt, %add3A_729, %sign3A_735 : i32
      %sign3A_737 = arith.extui %sign3A_736 : i1 to i32
      %sign3A_738 = arith.subi %sign3A_734, %sign3A_737 : i32
      %sign3A_739 = arith.constant 0 : i32
      %sign3A_740 = arith.cmpi sgt, %jit3A_730, %sign3A_739 : i32
      %sign3A_741 = arith.extui %sign3A_740 : i1 to i32
      %sign3A_742 = arith.constant 0 : i32
      %sign3A_743 = arith.cmpi slt, %jit3A_730, %sign3A_742 : i32
      %sign3A_744 = arith.extui %sign3A_743 : i1 to i32
      %sign3A_745 = arith.subi %sign3A_741, %sign3A_744 : i32
      %ne3A_746 = arith.cmpi ne, %sign3A_738, %sign3A_745 : i32
      %rem3A_747 = arith.remsi %add3A_729, %jit3A_730 : i32
      %ne3A_748 = arith.constant 0 : i32
      %ne3A_749 = arith.cmpi ne, %rem3A_747, %ne3A_748 : i32
      %and3A_750 = arith.andi %ne3A_746, %ne3A_749 : i1
      %sub3A_751 = arith.constant 1 : i32
      %sub3A_752 = arith.subi %div3A_731, %sub3A_751 : i32
      %select_n3A_753 = arith.select %and3A_750, %sub3A_752, %div3A_731 : i32
      %jit3A_754 = arith.constant 128 : i32
      %eq3A_755 = arith.constant 0 : i32
      %eq3A_756 = arith.cmpi eq, %jit3A_754, %eq3A_755 : i32
      %jit3A_757 = arith.constant 1 : i32
      %select_n3A_758 = arith.select %eq3A_756, %jit3A_757, %jit3A_754 : i32
      %rem3A_759 = arith.remsi %add3A_729, %select_n3A_758 : i32
      %ne3A_760 = arith.constant 0 : i32
      %ne3A_761 = arith.cmpi ne, %rem3A_759, %ne3A_760 : i32
      %lt3A_762 = arith.constant 0 : i32
      %lt3A_763 = arith.cmpi slt, %rem3A_759, %lt3A_762 : i32
      %lt3A_764 = arith.constant 0 : i32
      %lt3A_765 = arith.cmpi slt, %select_n3A_758, %lt3A_764 : i32
      %ne3A_766 = arith.xori %lt3A_763, %lt3A_765 : i1
      %and3A_767 = arith.andi %ne3A_766, %ne3A_761 : i1
      %add3A_768 = arith.addi %rem3A_759, %select_n3A_758 : i32
      %select_n3A_769 = arith.select %and3A_767, %add3A_768, %rem3A_759 : i32
      %dma_start3A_770 = arith.constant 3 : i32
      %dma_start3A_771 = arith.constant 3 : i32
      %dma_start3A_772 = arith.constant 0 : i32
      %dma_start3A_773 = arith.constant 0 : i32
      %dma_start3A_774 = arith.constant 0 : i32
      %dma_start3A_775 = tpu.memref_slice %arg7[%dma_start3A_770, %dma_start3A_772, %dma_start3A_773, %dma_start3A_774] : memref<5x8x8x129xf32, #tpu.memory_space<vmem>> -> memref<1x8x8x128xf32, #tpu.memory_space<vmem>>
      %dma_start3A_776 = tpu.memref_squeeze %dma_start3A_775 : memref<1x8x8x128xf32, #tpu.memory_space<vmem>> -> memref<8x8x128xf32, #tpu.memory_space<vmem>>
      %dma_start3A_777 = arith.constant 0 : i32
      %dma_start3A_778 = arith.constant 0 : i32
      %dma_start3A_779 = arith.constant 0 : i32
      %dma_start3A_780 = tpu.memref_slice %arg4[%select_n3A_753, %dma_start3A_777, %select_n3A_769, %dma_start3A_778, %dma_start3A_779] : memref<50x8x128x8x128xf32, #tpu.memory_space<hbm>> -> memref<1x8x1x8x128xf32, #tpu.memory_space<hbm>>
      %dma_start3A_781 = tpu.memref_squeeze %dma_start3A_780 : memref<1x8x1x8x128xf32, #tpu.memory_space<hbm>> -> memref<8x8x128xf32, #tpu.memory_space<hbm>>
      %dma_start3A_782 = tpu.memref_slice %arg9[%dma_start3A_771] : memref<5x!tpu.dma_semaphore, #tpu.memory_space<semaphore_mem>> -> memref<1x!tpu.dma_semaphore, #tpu.memory_space<semaphore_mem>>
      %dma_start3A_783 = tpu.memref_squeeze %dma_start3A_782 : memref<1x!tpu.dma_semaphore, #tpu.memory_space<semaphore_mem>> -> memref<!tpu.dma_semaphore, #tpu.memory_space<semaphore_mem>>
      %dma_start3A_784 = arith.constant 0 : i32
      %dma_start3A_785 = arith.constant 0 : i32
      %dma_start3A_786 = arith.constant 0 : i32
      %dma_start3A_787 = tpu.memref_slice %arg4[%select_n3A_753, %dma_start3A_784, %select_n3A_769, %dma_start3A_785, %dma_start3A_786] : memref<50x8x128x8x128xf32, #tpu.memory_space<hbm>> -> memref<1x8x1x8x128xf32, #tpu.memory_space<hbm>>
      %dma_start3A_788 = tpu.memref_squeeze %dma_start3A_787 : memref<1x8x1x8x128xf32, #tpu.memory_space<hbm>> -> memref<8x8x128xf32, #tpu.memory_space<hbm>>
      %dma_start3A_789 = arith.constant 0 : i32
      %dma_start3A_790 = arith.constant 0 : i32
      %dma_start3A_791 = arith.constant 0 : i32
      %dma_start3A_792 = tpu.memref_slice %arg7[%dma_start3A_770, %dma_start3A_789, %dma_start3A_790, %dma_start3A_791] : memref<5x8x8x129xf32, #tpu.memory_space<vmem>> -> memref<1x8x8x128xf32, #tpu.memory_space<vmem>>
      %dma_start3A_793 = tpu.memref_squeeze %dma_start3A_792 : memref<1x8x8x128xf32, #tpu.memory_space<vmem>> -> memref<8x8x128xf32, #tpu.memory_space<vmem>>
      tpu.enqueue_dma source(%dma_start3A_793 : memref<8x8x128xf32, #tpu.memory_space<vmem>>) target(%dma_start3A_788 : memref<8x8x128xf32, #tpu.memory_space<hbm>>) target_semaphore(%dma_start3A_783 : memref<!tpu.dma_semaphore, #tpu.memory_space<semaphore_mem>>)
      %mul3A_794 = arith.constant 5 : i32
      %mul3A_795 = arith.muli %scan3A_401, %mul3A_794 : i32
      %add3A_796 = arith.constant 4 : i32
      %add3A_797 = arith.addi %mul3A_795, %add3A_796 : i32
      %dma_wait3A_798 = arith.constant 4 : i32
      %dma_wait3A_799 = arith.constant 4 : i32
      %dma_wait3A_800 = arith.constant 0 : i32
      %dma_wait3A_801 = arith.constant 0 : i32
      %dma_wait3A_802 = tpu.memref_slice %arg6[%dma_wait3A_798, %dma_wait3A_800, %dma_wait3A_801] : memref<5x128x64xf32, #tpu.memory_space<vmem>> -> memref<1x128x64xf32, #tpu.memory_space<vmem>>
      %dma_wait3A_803 = tpu.memref_squeeze %dma_wait3A_802 : memref<1x128x64xf32, #tpu.memory_space<vmem>> -> memref<128x64xf32, #tpu.memory_space<vmem>>
      %dma_wait3A_804 = arith.constant 0 : i32
      %dma_wait3A_805 = tpu.memref_slice %arg5[%add3A_797, %dma_wait3A_804] : memref<200x128xi32, #tpu.memory_space<vmem>> -> memref<1x128xi32, #tpu.memory_space<vmem>>
      %dma_wait3A_806 = tpu.memref_squeeze %dma_wait3A_805 : memref<1x128xi32, #tpu.memory_space<vmem>> -> memref<128xi32, #tpu.memory_space<vmem>>
      %dma_wait3A_807 = arith.constant 0 : i32
      %dma_wait3A_808 = arith.constant 0 : i32
      %dma_wait3A_809 = tpu.memref_slice %arg3[%dma_wait3A_807, %dma_wait3A_808] : memref<1000000x64xf32, #tpu.memory_space<hbm>> -> memref<1000000x64xf32, #tpu.memory_space<hbm>>
      %dma_wait3A_810 = tpu.memref_slice %arg8[%dma_wait3A_799] : memref<5x!tpu.dma_semaphore, #tpu.memory_space<semaphore_mem>> -> memref<1x!tpu.dma_semaphore, #tpu.memory_space<semaphore_mem>>
      %dma_wait3A_811 = tpu.memref_squeeze %dma_wait3A_810 : memref<1x!tpu.dma_semaphore, #tpu.memory_space<semaphore_mem>> -> memref<!tpu.dma_semaphore, #tpu.memory_space<semaphore_mem>>
      tpu.wait_indirect_dma semaphore(%dma_wait3A_811 : memref<!tpu.dma_semaphore, #tpu.memory_space<semaphore_mem>>) src(%dma_wait3A_809 : memref<1000000x64xf32, #tpu.memory_space<hbm>>) dst(%dma_wait3A_803 : memref<128x64xf32, #tpu.memory_space<vmem>>)
      %gt3A_812 = arith.constant 0 : i32
      %gt3A_813 = arith.cmpi sgt, %scan3A_401, %gt3A_812 : i32
      %convert_element_type3A_814 = arith.extui %gt3A_813 : i1 to i32
      %cond3A_815 = arith.constant 0 : i32
      %cond3A_816 = arith.cmpi ne, %convert_element_type3A_814, %cond3A_815 : i32
      scf.if %cond3A_816 {
        %sub3A_893 = arith.constant 5 : i32
        %sub3A_894 = arith.subi %add3A_797, %sub3A_893 : i32
        %add3A_895 = arith.addi %mul3A_2, %sub3A_894 : i32
        %jit3A_896 = arith.constant 128 : i32
        %div3A_897 = arith.divsi %add3A_895, %jit3A_896 : i32
        %sign3A_898 = arith.constant 0 : i32
        %sign3A_899 = arith.cmpi sgt, %add3A_895, %sign3A_898 : i32
        %sign3A_900 = arith.extui %sign3A_899 : i1 to i32
        %sign3A_901 = arith.constant 0 : i32
        %sign3A_902 = arith.cmpi slt, %add3A_895, %sign3A_901 : i32
        %sign3A_903 = arith.extui %sign3A_902 : i1 to i32
        %sign3A_904 = arith.subi %sign3A_900, %sign3A_903 : i32
        %sign3A_905 = arith.constant 0 : i32
        %sign3A_906 = arith.cmpi sgt, %jit3A_896, %sign3A_905 : i32
        %sign3A_907 = arith.extui %sign3A_906 : i1 to i32
        %sign3A_908 = arith.constant 0 : i32
        %sign3A_909 = arith.cmpi slt, %jit3A_896, %sign3A_908 : i32
        %sign3A_910 = arith.extui %sign3A_909 : i1 to i32
        %sign3A_911 = arith.subi %sign3A_907, %sign3A_910 : i32
        %ne3A_912 = arith.cmpi ne, %sign3A_904, %sign3A_911 : i32
        %rem3A_913 = arith.remsi %add3A_895, %jit3A_896 : i32
        %ne3A_914 = arith.constant 0 : i32
        %ne3A_915 = arith.cmpi ne, %rem3A_913, %ne3A_914 : i32
        %and3A_916 = arith.andi %ne3A_912, %ne3A_915 : i1
        %sub3A_917 = arith.constant 1 : i32
        %sub3A_918 = arith.subi %div3A_897, %sub3A_917 : i32
        %select_n3A_919 = arith.select %and3A_916, %sub3A_918, %div3A_897 : i32
        %jit3A_920 = arith.constant 128 : i32
        %eq3A_921 = arith.constant 0 : i32
        %eq3A_922 = arith.cmpi eq, %jit3A_920, %eq3A_921 : i32
        %jit3A_923 = arith.constant 1 : i32
        %select_n3A_924 = arith.select %eq3A_922, %jit3A_923, %jit3A_920 : i32
        %rem3A_925 = arith.remsi %add3A_895, %select_n3A_924 : i32
        %ne3A_926 = arith.constant 0 : i32
        %ne3A_927 = arith.cmpi ne, %rem3A_925, %ne3A_926 : i32
        %lt3A_928 = arith.constant 0 : i32
        %lt3A_929 = arith.cmpi slt, %rem3A_925, %lt3A_928 : i32
        %lt3A_930 = arith.constant 0 : i32
        %lt3A_931 = arith.cmpi slt, %select_n3A_924, %lt3A_930 : i32
        %ne3A_932 = arith.xori %lt3A_929, %lt3A_931 : i1
        %and3A_933 = arith.andi %ne3A_932, %ne3A_927 : i1
        %add3A_934 = arith.addi %rem3A_925, %select_n3A_924 : i32
        %select_n3A_935 = arith.select %and3A_933, %add3A_934, %rem3A_925 : i32
        %dma_wait3A_936 = arith.constant 4 : i32
        %dma_wait3A_937 = arith.constant 4 : i32
        %dma_wait3A_938 = arith.constant 0 : i32
        %dma_wait3A_939 = arith.constant 0 : i32
        %dma_wait3A_940 = arith.constant 0 : i32
        %dma_wait3A_941 = tpu.memref_slice %arg7[%dma_wait3A_936, %dma_wait3A_938, %dma_wait3A_939, %dma_wait3A_940] : memref<5x8x8x129xf32, #tpu.memory_space<vmem>> -> memref<1x8x8x128xf32, #tpu.memory_space<vmem>>
        %dma_wait3A_942 = tpu.memref_squeeze %dma_wait3A_941 : memref<1x8x8x128xf32, #tpu.memory_space<vmem>> -> memref<8x8x128xf32, #tpu.memory_space<vmem>>
        %dma_wait3A_943 = arith.constant 0 : i32
        %dma_wait3A_944 = arith.constant 0 : i32
        %dma_wait3A_945 = arith.constant 0 : i32
        %dma_wait3A_946 = tpu.memref_slice %arg4[%select_n3A_919, %dma_wait3A_943, %select_n3A_935, %dma_wait3A_944, %dma_wait3A_945] : memref<50x8x128x8x128xf32, #tpu.memory_space<hbm>> -> memref<1x8x1x8x128xf32, #tpu.memory_space<hbm>>
        %dma_wait3A_947 = tpu.memref_squeeze %dma_wait3A_946 : memref<1x8x1x8x128xf32, #tpu.memory_space<hbm>> -> memref<8x8x128xf32, #tpu.memory_space<hbm>>
        %dma_wait3A_948 = tpu.memref_slice %arg9[%dma_wait3A_937] : memref<5x!tpu.dma_semaphore, #tpu.memory_space<semaphore_mem>> -> memref<1x!tpu.dma_semaphore, #tpu.memory_space<semaphore_mem>>
        %dma_wait3A_949 = tpu.memref_squeeze %dma_wait3A_948 : memref<1x!tpu.dma_semaphore, #tpu.memory_space<semaphore_mem>> -> memref<!tpu.dma_semaphore, #tpu.memory_space<semaphore_mem>>
        %dma_wait3A_950 = arith.constant 0 : i32
        %dma_wait3A_951 = arith.constant 0 : i32
        %dma_wait3A_952 = arith.constant 0 : i32
        %dma_wait3A_953 = tpu.memref_slice %arg4[%select_n3A_919, %dma_wait3A_950, %select_n3A_935, %dma_wait3A_951, %dma_wait3A_952] : memref<50x8x128x8x128xf32, #tpu.memory_space<hbm>> -> memref<1x8x1x8x128xf32, #tpu.memory_space<hbm>>
        %dma_wait3A_954 = tpu.memref_squeeze %dma_wait3A_953 : memref<1x8x1x8x128xf32, #tpu.memory_space<hbm>> -> memref<8x8x128xf32, #tpu.memory_space<hbm>>
        %dma_wait3A_955 = arith.constant 0 : i32
        %dma_wait3A_956 = arith.constant 0 : i32
        %dma_wait3A_957 = arith.constant 0 : i32
        %dma_wait3A_958 = tpu.memref_slice %arg7[%dma_wait3A_936, %dma_wait3A_955, %dma_wait3A_956, %dma_wait3A_957] : memref<5x8x8x129xf32, #tpu.memory_space<vmem>> -> memref<1x8x8x128xf32, #tpu.memory_space<vmem>>
        %dma_wait3A_959 = tpu.memref_squeeze %dma_wait3A_958 : memref<1x8x8x128xf32, #tpu.memory_space<vmem>> -> memref<8x8x128xf32, #tpu.memory_space<vmem>>
        tpu.wait_dma2 semaphore(%dma_wait3A_949 : memref<!tpu.dma_semaphore, #tpu.memory_space<semaphore_mem>>) src(%dma_wait3A_959 : memref<8x8x128xf32, #tpu.memory_space<vmem>>) dst(%dma_wait3A_954 : memref<8x8x128xf32, #tpu.memory_space<hbm>>)
      } else {
      }
      %parallel_loop3A_817 = arith.constant 0 : i32
      %parallel_loop3A_818 = arith.constant 128 : i32
      %parallel_loop3A_819 = arith.constant 1 : i32
      %parallel_loop3A_820 = arith.constant 4 : i32
      scf.for %parallel_loop3A_893 = %parallel_loop3A_817 to %parallel_loop3A_818 step %parallel_loop3A_819  : i32 {
        %parallel_loop3A_894 = arith.constant 0 : i32
        %parallel_loop3A_895 = vector.broadcast %parallel_loop3A_894 : i32 to vector<16xi32>
        %parallel_loop3A_896 = vector.broadcast %parallel_loop3A_893 : i32 to vector<16xi32>
        %parallel_loop3A_897 = arith.addi %parallel_loop3A_895, %parallel_loop3A_896 : vector<16xi32>
        %parallel_loop3A_898 = arith.constant 4 : i32
        %parallel_loop3A_899 = arith.index_cast %parallel_loop3A_898 : i32 to index
        %parallel_loop3A_900 = arith.index_cast %parallel_loop3A_893 : i32 to index
        %parallel_loop3A_901 = arith.constant 0 : index
        %parallel_loop3A_902 = tpu.vector_load %arg6[%parallel_loop3A_899, %parallel_loop3A_900, %parallel_loop3A_901] {strides = array<i32>} : memref<5x128x64xf32, #tpu.memory_space<vmem>>, vector<16xf32>,
        %parallel_loop3A_903 = arith.constant 0 : i32
        %parallel_loop3A_904 = vector.broadcast %parallel_loop3A_903 : i32 to vector<16xi32>
        %parallel_loop3A_905 = arith.addi %iota3A, %parallel_loop3A_904 : vector<16xi32>
        %parallel_loop3A_906 = arith.constant 8 : i32
        %parallel_loop3A_907 = vector.broadcast %parallel_loop3A_906 : i32 to vector<16xi32>
        %parallel_loop3A_908 = arith.divsi %parallel_loop3A_905, %parallel_loop3A_907 : vector<16xi32>
        %parallel_loop3A_909 = arith.constant 0 : i32
        %parallel_loop3A_910 = vector.broadcast %parallel_loop3A_909 : i32 to vector<16xi32>
        %parallel_loop3A_911 = arith.cmpi sgt, %parallel_loop3A_905, %parallel_loop3A_910 : vector<16xi32>
        %parallel_loop3A_912 = arith.extui %parallel_loop3A_911 : vector<16xi1> to vector<16xi32>
        %parallel_loop3A_913 = arith.constant 0 : i32
        %parallel_loop3A_914 = vector.broadcast %parallel_loop3A_913 : i32 to vector<16xi32>
        %parallel_loop3A_915 = arith.cmpi slt, %parallel_loop3A_905, %parallel_loop3A_914 : vector<16xi32>
        %parallel_loop3A_916 = arith.extui %parallel_loop3A_915 : vector<16xi1> to vector<16xi32>
        %parallel_loop3A_917 = arith.subi %parallel_loop3A_912, %parallel_loop3A_916 : vector<16xi32>
        %parallel_loop3A_918 = arith.constant 0 : i32
        %parallel_loop3A_919 = arith.cmpi sgt, %parallel_loop3A_906, %parallel_loop3A_918 : i32
        %parallel_loop3A_920 = arith.extui %parallel_loop3A_919 : i1 to i32
        %parallel_loop3A_921 = arith.constant 0 : i32
        %parallel_loop3A_922 = arith.cmpi slt, %parallel_loop3A_906, %parallel_loop3A_921 : i32
        %parallel_loop3A_923 = arith.extui %parallel_loop3A_922 : i1 to i32
        %parallel_loop3A_924 = arith.subi %parallel_loop3A_920, %parallel_loop3A_923 : i32
        %parallel_loop3A_925 = vector.broadcast %parallel_loop3A_924 : i32 to vector<16xi32>
        %parallel_loop3A_926 = arith.cmpi ne, %parallel_loop3A_917, %parallel_loop3A_925 : vector<16xi32>
        %parallel_loop3A_927 = vector.broadcast %parallel_loop3A_906 : i32 to vector<16xi32>
        %parallel_loop3A_928 = arith.remsi %parallel_loop3A_905, %parallel_loop3A_927 : vector<16xi32>
        %parallel_loop3A_929 = arith.constant 0 : i32
        %parallel_loop3A_930 = vector.broadcast %parallel_loop3A_929 : i32 to vector<16xi32>
        %parallel_loop3A_931 = arith.cmpi ne, %parallel_loop3A_928, %parallel_loop3A_930 : vector<16xi32>
        %parallel_loop3A_932 = arith.andi %parallel_loop3A_926, %parallel_loop3A_931 : vector<16xi1>
        %parallel_loop3A_933 = arith.constant 1 : i32
        %parallel_loop3A_934 = vector.broadcast %parallel_loop3A_933 : i32 to vector<16xi32>
        %parallel_loop3A_935 = arith.subi %parallel_loop3A_908, %parallel_loop3A_934 : vector<16xi32>
        %parallel_loop3A_936 = arith.select %parallel_loop3A_932, %parallel_loop3A_935, %parallel_loop3A_908 : vector<16xi1>, vector<16xi32>
        %parallel_loop3A_937 = arith.constant 0 : i32
        %parallel_loop3A_938 = vector.broadcast %parallel_loop3A_937 : i32 to vector<16xi32>
        %parallel_loop3A_939 = arith.addi %iota3A, %parallel_loop3A_938 : vector<16xi32>
        %parallel_loop3A_940 = arith.constant 8 : i32
        %parallel_loop3A_941 = arith.constant 0 : i32
        %parallel_loop3A_942 = arith.cmpi eq, %parallel_loop3A_940, %parallel_loop3A_941 : i32
        %parallel_loop3A_943 = arith.constant 1 : i32
        %parallel_loop3A_944 = arith.select %parallel_loop3A_942, %parallel_loop3A_943, %parallel_loop3A_940 : i32
        %parallel_loop3A_945 = vector.broadcast %parallel_loop3A_944 : i32 to vector<16xi32>
        %parallel_loop3A_946 = arith.remsi %parallel_loop3A_939, %parallel_loop3A_945 : vector<16xi32>
        %parallel_loop3A_947 = arith.constant 0 : i32
        %parallel_loop3A_948 = vector.broadcast %parallel_loop3A_947 : i32 to vector<16xi32>
        %parallel_loop3A_949 = arith.cmpi ne, %parallel_loop3A_946, %parallel_loop3A_948 : vector<16xi32>
        %parallel_loop3A_950 = arith.constant 0 : i32
        %parallel_loop3A_951 = vector.broadcast %parallel_loop3A_950 : i32 to vector<16xi32>
        %parallel_loop3A_952 = arith.cmpi slt, %parallel_loop3A_946, %parallel_loop3A_951 : vector<16xi32>
        %parallel_loop3A_953 = arith.constant 0 : i32
        %parallel_loop3A_954 = arith.cmpi slt, %parallel_loop3A_944, %parallel_loop3A_953 : i32
        %parallel_loop3A_955 = vector.broadcast %parallel_loop3A_954 : i1 to vector<16xi1>
        %parallel_loop3A_956 = vector.broadcast %parallel_loop3A_955 : vector<16xi1> to vector<16xi1>
        %parallel_loop3A_957 = arith.xori %parallel_loop3A_952, %parallel_loop3A_956 : vector<16xi1>
        %parallel_loop3A_958 = arith.andi %parallel_loop3A_957, %parallel_loop3A_949 : vector<16xi1>
        %parallel_loop3A_959 = vector.broadcast %parallel_loop3A_944 : i32 to vector<16xi32>
        %parallel_loop3A_960 = arith.addi %parallel_loop3A_946, %parallel_loop3A_959 : vector<16xi32>
        %parallel_loop3A_961 = arith.select %parallel_loop3A_958, %parallel_loop3A_960, %parallel_loop3A_946 : vector<16xi1>, vector<16xi32>
        %parallel_loop3A_962 = arith.constant 0 : i32
        %parallel_loop3A_963 = arith.constant 0 : i32
        %parallel_loop3A_964 = arith.constant 0 : i32
        %parallel_loop3A_965 = tpu.memref_slice %arg7[%parallel_loop3A_820, %parallel_loop3A_962, %parallel_loop3A_963, %parallel_loop3A_964] : memref<5x8x8x129xf32, #tpu.memory_space<vmem>> -> memref<1x8x8x129xf32, #tpu.memory_space<vmem>>
        %parallel_loop3A_966 = tpu.memref_squeeze %parallel_loop3A_965 : memref<1x8x8x129xf32, #tpu.memory_space<vmem>> -> memref<8x8x129xf32, #tpu.memory_space<vmem>>
        tpu.vector_store_idx %parallel_loop3A_966[%parallel_loop3A_936, %parallel_loop3A_961, %parallel_loop3A_897], %parallel_loop3A_902 : memref<8x8x129xf32, #tpu.memory_space<vmem>>[vector<16xi32>, vector<16xi32>, vector<16xi32>], vector<16xf32>,
        %parallel_loop3A_967 = arith.constant 4 : i32
        %parallel_loop3A_968 = arith.index_cast %parallel_loop3A_967 : i32 to index
        %parallel_loop3A_969 = arith.index_cast %parallel_loop3A_893 : i32 to index
        %parallel_loop3A_970 = arith.constant 16 : index
        %parallel_loop3A_971 = tpu.vector_load %arg6[%parallel_loop3A_968, %parallel_loop3A_969, %parallel_loop3A_970] {strides = array<i32>} : memref<5x128x64xf32, #tpu.memory_space<vmem>>, vector<16xf32>,
        %parallel_loop3A_972 = arith.constant 16 : i32
        %parallel_loop3A_973 = vector.broadcast %parallel_loop3A_972 : i32 to vector<16xi32>
        %parallel_loop3A_974 = arith.addi %iota3A, %parallel_loop3A_973 : vector<16xi32>
        %parallel_loop3A_975 = arith.constant 8 : i32
        %parallel_loop3A_976 = vector.broadcast %parallel_loop3A_975 : i32 to vector<16xi32>
        %parallel_loop3A_977 = arith.divsi %parallel_loop3A_974, %parallel_loop3A_976 : vector<16xi32>
        %parallel_loop3A_978 = arith.constant 0 : i32
        %parallel_loop3A_979 = vector.broadcast %parallel_loop3A_978 : i32 to vector<16xi32>
        %parallel_loop3A_980 = arith.cmpi sgt, %parallel_loop3A_974, %parallel_loop3A_979 : vector<16xi32>
        %parallel_loop3A_981 = arith.extui %parallel_loop3A_980 : vector<16xi1> to vector<16xi32>
        %parallel_loop3A_982 = arith.constant 0 : i32
        %parallel_loop3A_983 = vector.broadcast %parallel_loop3A_982 : i32 to vector<16xi32>
        %parallel_loop3A_984 = arith.cmpi slt, %parallel_loop3A_974, %parallel_loop3A_983 : vector<16xi32>
        %parallel_loop3A_985 = arith.extui %parallel_loop3A_984 : vector<16xi1> to vector<16xi32>
        %parallel_loop3A_986 = arith.subi %parallel_loop3A_981, %parallel_loop3A_985 : vector<16xi32>
        %parallel_loop3A_987 = arith.constant 0 : i32
        %parallel_loop3A_988 = arith.cmpi sgt, %parallel_loop3A_975, %parallel_loop3A_987 : i32
        %parallel_loop3A_989 = arith.extui %parallel_loop3A_988 : i1 to i32
        %parallel_loop3A_990 = arith.constant 0 : i32
        %parallel_loop3A_991 = arith.cmpi slt, %parallel_loop3A_975, %parallel_loop3A_990 : i32
        %parallel_loop3A_992 = arith.extui %parallel_loop3A_991 : i1 to i32
        %parallel_loop3A_993 = arith.subi %parallel_loop3A_989, %parallel_loop3A_992 : i32
        %parallel_loop3A_994 = vector.broadcast %parallel_loop3A_993 : i32 to vector<16xi32>
        %parallel_loop3A_995 = arith.cmpi ne, %parallel_loop3A_986, %parallel_loop3A_994 : vector<16xi32>
        %parallel_loop3A_996 = vector.broadcast %parallel_loop3A_975 : i32 to vector<16xi32>
        %parallel_loop3A_997 = arith.remsi %parallel_loop3A_974, %parallel_loop3A_996 : vector<16xi32>
        %parallel_loop3A_998 = arith.constant 0 : i32
        %parallel_loop3A_999 = vector.broadcast %parallel_loop3A_998 : i32 to vector<16xi32>
        %parallel_loop3A_1000 = arith.cmpi ne, %parallel_loop3A_997, %parallel_loop3A_999 : vector<16xi32>
        %parallel_loop3A_1001 = arith.andi %parallel_loop3A_995, %parallel_loop3A_1000 : vector<16xi1>
        %parallel_loop3A_1002 = arith.constant 1 : i32
        %parallel_loop3A_1003 = vector.broadcast %parallel_loop3A_1002 : i32 to vector<16xi32>
        %parallel_loop3A_1004 = arith.subi %parallel_loop3A_977, %parallel_loop3A_1003 : vector<16xi32>
        %parallel_loop3A_1005 = arith.select %parallel_loop3A_1001, %parallel_loop3A_1004, %parallel_loop3A_977 : vector<16xi1>, vector<16xi32>
        %parallel_loop3A_1006 = arith.constant 16 : i32
        %parallel_loop3A_1007 = vector.broadcast %parallel_loop3A_1006 : i32 to vector<16xi32>
        %parallel_loop3A_1008 = arith.addi %iota3A, %parallel_loop3A_1007 : vector<16xi32>
        %parallel_loop3A_1009 = arith.constant 8 : i32
        %parallel_loop3A_1010 = arith.constant 0 : i32
        %parallel_loop3A_1011 = arith.cmpi eq, %parallel_loop3A_1009, %parallel_loop3A_1010 : i32
        %parallel_loop3A_1012 = arith.constant 1 : i32
        %parallel_loop3A_1013 = arith.select %parallel_loop3A_1011, %parallel_loop3A_1012, %parallel_loop3A_1009 : i32
        %parallel_loop3A_1014 = vector.broadcast %parallel_loop3A_1013 : i32 to vector<16xi32>
        %parallel_loop3A_1015 = arith.remsi %parallel_loop3A_1008, %parallel_loop3A_1014 : vector<16xi32>
        %parallel_loop3A_1016 = arith.constant 0 : i32
        %parallel_loop3A_1017 = vector.broadcast %parallel_loop3A_1016 : i32 to vector<16xi32>
        %parallel_loop3A_1018 = arith.cmpi ne, %parallel_loop3A_1015, %parallel_loop3A_1017 : vector<16xi32>
        %parallel_loop3A_1019 = arith.constant 0 : i32
        %parallel_loop3A_1020 = vector.broadcast %parallel_loop3A_1019 : i32 to vector<16xi32>
        %parallel_loop3A_1021 = arith.cmpi slt, %parallel_loop3A_1015, %parallel_loop3A_1020 : vector<16xi32>
        %parallel_loop3A_1022 = arith.constant 0 : i32
        %parallel_loop3A_1023 = arith.cmpi slt, %parallel_loop3A_1013, %parallel_loop3A_1022 : i32
        %parallel_loop3A_1024 = vector.broadcast %parallel_loop3A_1023 : i1 to vector<16xi1>
        %parallel_loop3A_1025 = vector.broadcast %parallel_loop3A_1024 : vector<16xi1> to vector<16xi1>
        %parallel_loop3A_1026 = arith.xori %parallel_loop3A_1021, %parallel_loop3A_1025 : vector<16xi1>
        %parallel_loop3A_1027 = arith.andi %parallel_loop3A_1026, %parallel_loop3A_1018 : vector<16xi1>
        %parallel_loop3A_1028 = vector.broadcast %parallel_loop3A_1013 : i32 to vector<16xi32>
        %parallel_loop3A_1029 = arith.addi %parallel_loop3A_1015, %parallel_loop3A_1028 : vector<16xi32>
        %parallel_loop3A_1030 = arith.select %parallel_loop3A_1027, %parallel_loop3A_1029, %parallel_loop3A_1015 : vector<16xi1>, vector<16xi32>
        %parallel_loop3A_1031 = arith.constant 0 : i32
        %parallel_loop3A_1032 = arith.constant 0 : i32
        %parallel_loop3A_1033 = arith.constant 0 : i32
        %parallel_loop3A_1034 = tpu.memref_slice %arg7[%parallel_loop3A_820, %parallel_loop3A_1031, %parallel_loop3A_1032, %parallel_loop3A_1033] : memref<5x8x8x129xf32, #tpu.memory_space<vmem>> -> memref<1x8x8x129xf32, #tpu.memory_space<vmem>>
        %parallel_loop3A_1035 = tpu.memref_squeeze %parallel_loop3A_1034 : memref<1x8x8x129xf32, #tpu.memory_space<vmem>> -> memref<8x8x129xf32, #tpu.memory_space<vmem>>
        tpu.vector_store_idx %parallel_loop3A_1035[%parallel_loop3A_1005, %parallel_loop3A_1030, %parallel_loop3A_897], %parallel_loop3A_971 : memref<8x8x129xf32, #tpu.memory_space<vmem>>[vector<16xi32>, vector<16xi32>, vector<16xi32>], vector<16xf32>,
        %parallel_loop3A_1036 = arith.constant 4 : i32
        %parallel_loop3A_1037 = arith.index_cast %parallel_loop3A_1036 : i32 to index
        %parallel_loop3A_1038 = arith.index_cast %parallel_loop3A_893 : i32 to index
        %parallel_loop3A_1039 = arith.constant 32 : index
        %parallel_loop3A_1040 = tpu.vector_load %arg6[%parallel_loop3A_1037, %parallel_loop3A_1038, %parallel_loop3A_1039] {strides = array<i32>} : memref<5x128x64xf32, #tpu.memory_space<vmem>>, vector<16xf32>,
        %parallel_loop3A_1041 = arith.constant 32 : i32
        %parallel_loop3A_1042 = vector.broadcast %parallel_loop3A_1041 : i32 to vector<16xi32>
        %parallel_loop3A_1043 = arith.addi %iota3A, %parallel_loop3A_1042 : vector<16xi32>
        %parallel_loop3A_1044 = arith.constant 8 : i32
        %parallel_loop3A_1045 = vector.broadcast %parallel_loop3A_1044 : i32 to vector<16xi32>
        %parallel_loop3A_1046 = arith.divsi %parallel_loop3A_1043, %parallel_loop3A_1045 : vector<16xi32>
        %parallel_loop3A_1047 = arith.constant 0 : i32
        %parallel_loop3A_1048 = vector.broadcast %parallel_loop3A_1047 : i32 to vector<16xi32>
        %parallel_loop3A_1049 = arith.cmpi sgt, %parallel_loop3A_1043, %parallel_loop3A_1048 : vector<16xi32>
        %parallel_loop3A_1050 = arith.extui %parallel_loop3A_1049 : vector<16xi1> to vector<16xi32>
        %parallel_loop3A_1051 = arith.constant 0 : i32
        %parallel_loop3A_1052 = vector.broadcast %parallel_loop3A_1051 : i32 to vector<16xi32>
        %parallel_loop3A_1053 = arith.cmpi slt, %parallel_loop3A_1043, %parallel_loop3A_1052 : vector<16xi32>
        %parallel_loop3A_1054 = arith.extui %parallel_loop3A_1053 : vector<16xi1> to vector<16xi32>
        %parallel_loop3A_1055 = arith.subi %parallel_loop3A_1050, %parallel_loop3A_1054 : vector<16xi32>
        %parallel_loop3A_1056 = arith.constant 0 : i32
        %parallel_loop3A_1057 = arith.cmpi sgt, %parallel_loop3A_1044, %parallel_loop3A_1056 : i32
        %parallel_loop3A_1058 = arith.extui %parallel_loop3A_1057 : i1 to i32
        %parallel_loop3A_1059 = arith.constant 0 : i32
        %parallel_loop3A_1060 = arith.cmpi slt, %parallel_loop3A_1044, %parallel_loop3A_1059 : i32
        %parallel_loop3A_1061 = arith.extui %parallel_loop3A_1060 : i1 to i32
        %parallel_loop3A_1062 = arith.subi %parallel_loop3A_1058, %parallel_loop3A_1061 : i32
        %parallel_loop3A_1063 = vector.broadcast %parallel_loop3A_1062 : i32 to vector<16xi32>
        %parallel_loop3A_1064 = arith.cmpi ne, %parallel_loop3A_1055, %parallel_loop3A_1063 : vector<16xi32>
        %parallel_loop3A_1065 = vector.broadcast %parallel_loop3A_1044 : i32 to vector<16xi32>
        %parallel_loop3A_1066 = arith.remsi %parallel_loop3A_1043, %parallel_loop3A_1065 : vector<16xi32>
        %parallel_loop3A_1067 = arith.constant 0 : i32
        %parallel_loop3A_1068 = vector.broadcast %parallel_loop3A_1067 : i32 to vector<16xi32>
        %parallel_loop3A_1069 = arith.cmpi ne, %parallel_loop3A_1066, %parallel_loop3A_1068 : vector<16xi32>
        %parallel_loop3A_1070 = arith.andi %parallel_loop3A_1064, %parallel_loop3A_1069 : vector<16xi1>
        %parallel_loop3A_1071 = arith.constant 1 : i32
        %parallel_loop3A_1072 = vector.broadcast %parallel_loop3A_1071 : i32 to vector<16xi32>
        %parallel_loop3A_1073 = arith.subi %parallel_loop3A_1046, %parallel_loop3A_1072 : vector<16xi32>
        %parallel_loop3A_1074 = arith.select %parallel_loop3A_1070, %parallel_loop3A_1073, %parallel_loop3A_1046 : vector<16xi1>, vector<16xi32>
        %parallel_loop3A_1075 = arith.constant 32 : i32
        %parallel_loop3A_1076 = vector.broadcast %parallel_loop3A_1075 : i32 to vector<16xi32>
        %parallel_loop3A_1077 = arith.addi %iota3A, %parallel_loop3A_1076 : vector<16xi32>
        %parallel_loop3A_1078 = arith.constant 8 : i32
        %parallel_loop3A_1079 = arith.constant 0 : i32
        %parallel_loop3A_1080 = arith.cmpi eq, %parallel_loop3A_1078, %parallel_loop3A_1079 : i32
        %parallel_loop3A_1081 = arith.constant 1 : i32
        %parallel_loop3A_1082 = arith.select %parallel_loop3A_1080, %parallel_loop3A_1081, %parallel_loop3A_1078 : i32
        %parallel_loop3A_1083 = vector.broadcast %parallel_loop3A_1082 : i32 to vector<16xi32>
        %parallel_loop3A_1084 = arith.remsi %parallel_loop3A_1077, %parallel_loop3A_1083 : vector<16xi32>
        %parallel_loop3A_1085 = arith.constant 0 : i32
        %parallel_loop3A_1086 = vector.broadcast %parallel_loop3A_1085 : i32 to vector<16xi32>
        %parallel_loop3A_1087 = arith.cmpi ne, %parallel_loop3A_1084, %parallel_loop3A_1086 : vector<16xi32>
        %parallel_loop3A_1088 = arith.constant 0 : i32
        %parallel_loop3A_1089 = vector.broadcast %parallel_loop3A_1088 : i32 to vector<16xi32>
        %parallel_loop3A_1090 = arith.cmpi slt, %parallel_loop3A_1084, %parallel_loop3A_1089 : vector<16xi32>
        %parallel_loop3A_1091 = arith.constant 0 : i32
        %parallel_loop3A_1092 = arith.cmpi slt, %parallel_loop3A_1082, %parallel_loop3A_1091 : i32
        %parallel_loop3A_1093 = vector.broadcast %parallel_loop3A_1092 : i1 to vector<16xi1>
        %parallel_loop3A_1094 = vector.broadcast %parallel_loop3A_1093 : vector<16xi1> to vector<16xi1>
        %parallel_loop3A_1095 = arith.xori %parallel_loop3A_1090, %parallel_loop3A_1094 : vector<16xi1>
        %parallel_loop3A_1096 = arith.andi %parallel_loop3A_1095, %parallel_loop3A_1087 : vector<16xi1>
        %parallel_loop3A_1097 = vector.broadcast %parallel_loop3A_1082 : i32 to vector<16xi32>
        %parallel_loop3A_1098 = arith.addi %parallel_loop3A_1084, %parallel_loop3A_1097 : vector<16xi32>
        %parallel_loop3A_1099 = arith.select %parallel_loop3A_1096, %parallel_loop3A_1098, %parallel_loop3A_1084 : vector<16xi1>, vector<16xi32>
        %parallel_loop3A_1100 = arith.constant 0 : i32
        %parallel_loop3A_1101 = arith.constant 0 : i32
        %parallel_loop3A_1102 = arith.constant 0 : i32
        %parallel_loop3A_1103 = tpu.memref_slice %arg7[%parallel_loop3A_820, %parallel_loop3A_1100, %parallel_loop3A_1101, %parallel_loop3A_1102] : memref<5x8x8x129xf32, #tpu.memory_space<vmem>> -> memref<1x8x8x129xf32, #tpu.memory_space<vmem>>
        %parallel_loop3A_1104 = tpu.memref_squeeze %parallel_loop3A_1103 : memref<1x8x8x129xf32, #tpu.memory_space<vmem>> -> memref<8x8x129xf32, #tpu.memory_space<vmem>>
        tpu.vector_store_idx %parallel_loop3A_1104[%parallel_loop3A_1074, %parallel_loop3A_1099, %parallel_loop3A_897], %parallel_loop3A_1040 : memref<8x8x129xf32, #tpu.memory_space<vmem>>[vector<16xi32>, vector<16xi32>, vector<16xi32>], vector<16xf32>,
        %parallel_loop3A_1105 = arith.constant 4 : i32
        %parallel_loop3A_1106 = arith.index_cast %parallel_loop3A_1105 : i32 to index
        %parallel_loop3A_1107 = arith.index_cast %parallel_loop3A_893 : i32 to index
        %parallel_loop3A_1108 = arith.constant 48 : index
        %parallel_loop3A_1109 = tpu.vector_load %arg6[%parallel_loop3A_1106, %parallel_loop3A_1107, %parallel_loop3A_1108] {strides = array<i32>} : memref<5x128x64xf32, #tpu.memory_space<vmem>>, vector<16xf32>,
        %parallel_loop3A_1110 = arith.constant 48 : i32
        %parallel_loop3A_1111 = vector.broadcast %parallel_loop3A_1110 : i32 to vector<16xi32>
        %parallel_loop3A_1112 = arith.addi %iota3A, %parallel_loop3A_1111 : vector<16xi32>
        %parallel_loop3A_1113 = arith.constant 8 : i32
        %parallel_loop3A_1114 = vector.broadcast %parallel_loop3A_1113 : i32 to vector<16xi32>
        %parallel_loop3A_1115 = arith.divsi %parallel_loop3A_1112, %parallel_loop3A_1114 : vector<16xi32>
        %parallel_loop3A_1116 = arith.constant 0 : i32
        %parallel_loop3A_1117 = vector.broadcast %parallel_loop3A_1116 : i32 to vector<16xi32>
        %parallel_loop3A_1118 = arith.cmpi sgt, %parallel_loop3A_1112, %parallel_loop3A_1117 : vector<16xi32>
        %parallel_loop3A_1119 = arith.extui %parallel_loop3A_1118 : vector<16xi1> to vector<16xi32>
        %parallel_loop3A_1120 = arith.constant 0 : i32
        %parallel_loop3A_1121 = vector.broadcast %parallel_loop3A_1120 : i32 to vector<16xi32>
        %parallel_loop3A_1122 = arith.cmpi slt, %parallel_loop3A_1112, %parallel_loop3A_1121 : vector<16xi32>
        %parallel_loop3A_1123 = arith.extui %parallel_loop3A_1122 : vector<16xi1> to vector<16xi32>
        %parallel_loop3A_1124 = arith.subi %parallel_loop3A_1119, %parallel_loop3A_1123 : vector<16xi32>
        %parallel_loop3A_1125 = arith.constant 0 : i32
        %parallel_loop3A_1126 = arith.cmpi sgt, %parallel_loop3A_1113, %parallel_loop3A_1125 : i32
        %parallel_loop3A_1127 = arith.extui %parallel_loop3A_1126 : i1 to i32
        %parallel_loop3A_1128 = arith.constant 0 : i32
        %parallel_loop3A_1129 = arith.cmpi slt, %parallel_loop3A_1113, %parallel_loop3A_1128 : i32
        %parallel_loop3A_1130 = arith.extui %parallel_loop3A_1129 : i1 to i32
        %parallel_loop3A_1131 = arith.subi %parallel_loop3A_1127, %parallel_loop3A_1130 : i32
        %parallel_loop3A_1132 = vector.broadcast %parallel_loop3A_1131 : i32 to vector<16xi32>
        %parallel_loop3A_1133 = arith.cmpi ne, %parallel_loop3A_1124, %parallel_loop3A_1132 : vector<16xi32>
        %parallel_loop3A_1134 = vector.broadcast %parallel_loop3A_1113 : i32 to vector<16xi32>
        %parallel_loop3A_1135 = arith.remsi %parallel_loop3A_1112, %parallel_loop3A_1134 : vector<16xi32>
        %parallel_loop3A_1136 = arith.constant 0 : i32
        %parallel_loop3A_1137 = vector.broadcast %parallel_loop3A_1136 : i32 to vector<16xi32>
        %parallel_loop3A_1138 = arith.cmpi ne, %parallel_loop3A_1135, %parallel_loop3A_1137 : vector<16xi32>
        %parallel_loop3A_1139 = arith.andi %parallel_loop3A_1133, %parallel_loop3A_1138 : vector<16xi1>
        %parallel_loop3A_1140 = arith.constant 1 : i32
        %parallel_loop3A_1141 = vector.broadcast %parallel_loop3A_1140 : i32 to vector<16xi32>
        %parallel_loop3A_1142 = arith.subi %parallel_loop3A_1115, %parallel_loop3A_1141 : vector<16xi32>
        %parallel_loop3A_1143 = arith.select %parallel_loop3A_1139, %parallel_loop3A_1142, %parallel_loop3A_1115 : vector<16xi1>, vector<16xi32>
        %parallel_loop3A_1144 = arith.constant 48 : i32
        %parallel_loop3A_1145 = vector.broadcast %parallel_loop3A_1144 : i32 to vector<16xi32>
        %parallel_loop3A_1146 = arith.addi %iota3A, %parallel_loop3A_1145 : vector<16xi32>
        %parallel_loop3A_1147 = arith.constant 8 : i32
        %parallel_loop3A_1148 = arith.constant 0 : i32
        %parallel_loop3A_1149 = arith.cmpi eq, %parallel_loop3A_1147, %parallel_loop3A_1148 : i32
        %parallel_loop3A_1150 = arith.constant 1 : i32
        %parallel_loop3A_1151 = arith.select %parallel_loop3A_1149, %parallel_loop3A_1150, %parallel_loop3A_1147 : i32
        %parallel_loop3A_1152 = vector.broadcast %parallel_loop3A_1151 : i32 to vector<16xi32>
        %parallel_loop3A_1153 = arith.remsi %parallel_loop3A_1146, %parallel_loop3A_1152 : vector<16xi32>
        %parallel_loop3A_1154 = arith.constant 0 : i32
        %parallel_loop3A_1155 = vector.broadcast %parallel_loop3A_1154 : i32 to vector<16xi32>
        %parallel_loop3A_1156 = arith.cmpi ne, %parallel_loop3A_1153, %parallel_loop3A_1155 : vector<16xi32>
        %parallel_loop3A_1157 = arith.constant 0 : i32
        %parallel_loop3A_1158 = vector.broadcast %parallel_loop3A_1157 : i32 to vector<16xi32>
        %parallel_loop3A_1159 = arith.cmpi slt, %parallel_loop3A_1153, %parallel_loop3A_1158 : vector<16xi32>
        %parallel_loop3A_1160 = arith.constant 0 : i32
        %parallel_loop3A_1161 = arith.cmpi slt, %parallel_loop3A_1151, %parallel_loop3A_1160 : i32
        %parallel_loop3A_1162 = vector.broadcast %parallel_loop3A_1161 : i1 to vector<16xi1>
        %parallel_loop3A_1163 = vector.broadcast %parallel_loop3A_1162 : vector<16xi1> to vector<16xi1>
        %parallel_loop3A_1164 = arith.xori %parallel_loop3A_1159, %parallel_loop3A_1163 : vector<16xi1>
        %parallel_loop3A_1165 = arith.andi %parallel_loop3A_1164, %parallel_loop3A_1156 : vector<16xi1>
        %parallel_loop3A_1166 = vector.broadcast %parallel_loop3A_1151 : i32 to vector<16xi32>
        %parallel_loop3A_1167 = arith.addi %parallel_loop3A_1153, %parallel_loop3A_1166 : vector<16xi32>
        %parallel_loop3A_1168 = arith.select %parallel_loop3A_1165, %parallel_loop3A_1167, %parallel_loop3A_1153 : vector<16xi1>, vector<16xi32>
        %parallel_loop3A_1169 = arith.constant 0 : i32
        %parallel_loop3A_1170 = arith.constant 0 : i32
        %parallel_loop3A_1171 = arith.constant 0 : i32
        %parallel_loop3A_1172 = tpu.memref_slice %arg7[%parallel_loop3A_820, %parallel_loop3A_1169, %parallel_loop3A_1170, %parallel_loop3A_1171] : memref<5x8x8x129xf32, #tpu.memory_space<vmem>> -> memref<1x8x8x129xf32, #tpu.memory_space<vmem>>
        %parallel_loop3A_1173 = tpu.memref_squeeze %parallel_loop3A_1172 : memref<1x8x8x129xf32, #tpu.memory_space<vmem>> -> memref<8x8x129xf32, #tpu.memory_space<vmem>>
        tpu.vector_store_idx %parallel_loop3A_1173[%parallel_loop3A_1143, %parallel_loop3A_1168, %parallel_loop3A_897], %parallel_loop3A_1109 : memref<8x8x129xf32, #tpu.memory_space<vmem>>[vector<16xi32>, vector<16xi32>, vector<16xi32>], vector<16xf32>,
      } {sc.loop_unroll_factor = 4 : i64, sc.parallel_access}
      %add3A_821 = arith.constant 5 : i32
      %add3A_822 = arith.addi %add3A_797, %add3A_821 : i32
      %lt3A_823 = arith.constant 200 : i32
      %lt3A_824 = arith.cmpi slt, %add3A_822, %lt3A_823 : i32
      %convert_element_type3A_825 = arith.extui %lt3A_824 : i1 to i32
      %cond3A_826 = arith.constant 0 : i32
      %cond3A_827 = arith.cmpi ne, %convert_element_type3A_825, %cond3A_826 : i32
      scf.if %cond3A_827 {
        %add3A_893 = arith.constant 5 : i32
        %add3A_894 = arith.addi %add3A_797, %add3A_893 : i32
        %dma_start3A_895 = arith.constant 4 : i32
        %dma_start3A_896 = arith.constant 4 : i32
        %dma_start3A_897 = arith.constant 0 : i32
        %dma_start3A_898 = arith.constant 0 : i32
        %dma_start3A_899 = tpu.memref_slice %arg6[%dma_start3A_895, %dma_start3A_897, %dma_start3A_898] : memref<5x128x64xf32, #tpu.memory_space<vmem>> -> memref<1x128x64xf32, #tpu.memory_space<vmem>>
        %dma_start3A_900 = tpu.memref_squeeze %dma_start3A_899 : memref<1x128x64xf32, #tpu.memory_space<vmem>> -> memref<128x64xf32, #tpu.memory_space<vmem>>
        %dma_start3A_901 = arith.constant 0 : i32
        %dma_start3A_902 = tpu.memref_slice %arg5[%add3A_894, %dma_start3A_901] : memref<200x128xi32, #tpu.memory_space<vmem>> -> memref<1x128xi32, #tpu.memory_space<vmem>>
        %dma_start3A_903 = tpu.memref_squeeze %dma_start3A_902 : memref<1x128xi32, #tpu.memory_space<vmem>> -> memref<128xi32, #tpu.memory_space<vmem>>
        %dma_start3A_904 = arith.constant 0 : i32
        %dma_start3A_905 = arith.constant 0 : i32
        %dma_start3A_906 = tpu.memref_slice %arg3[%dma_start3A_904, %dma_start3A_905] : memref<1000000x64xf32, #tpu.memory_space<hbm>> -> memref<1000000x64xf32, #tpu.memory_space<hbm>>
        %dma_start3A_907 = tpu.memref_slice %arg8[%dma_start3A_896] : memref<5x!tpu.dma_semaphore, #tpu.memory_space<semaphore_mem>> -> memref<1x!tpu.dma_semaphore, #tpu.memory_space<semaphore_mem>>
        %dma_start3A_908 = tpu.memref_squeeze %dma_start3A_907 : memref<1x!tpu.dma_semaphore, #tpu.memory_space<semaphore_mem>> -> memref<!tpu.dma_semaphore, #tpu.memory_space<semaphore_mem>>
        tpu.enqueue_indirect_dma source(%dma_start3A_906 : memref<1000000x64xf32, #tpu.memory_space<hbm>>) target(%dma_start3A_900 : memref<128x64xf32, #tpu.memory_space<vmem>>) offsets(%dma_start3A_903 : memref<128xi32, #tpu.memory_space<vmem>>) semaphore(%dma_start3A_908 : memref<!tpu.dma_semaphore, #tpu.memory_space<semaphore_mem>>)
      } else {
      }
      %add3A_828 = arith.addi %mul3A_2, %add3A_797 : i32
      %jit3A_829 = arith.constant 128 : i32
      %div3A_830 = arith.divsi %add3A_828, %jit3A_829 : i32
      %sign3A_831 = arith.constant 0 : i32
      %sign3A_832 = arith.cmpi sgt, %add3A_828, %sign3A_831 : i32
      %sign3A_833 = arith.extui %sign3A_832 : i1 to i32
      %sign3A_834 = arith.constant 0 : i32
      %sign3A_835 = arith.cmpi slt, %add3A_828, %sign3A_834 : i32
      %sign3A_836 = arith.extui %sign3A_835 : i1 to i32
      %sign3A_837 = arith.subi %sign3A_833, %sign3A_836 : i32
      %sign3A_838 = arith.constant 0 : i32
      %sign3A_839 = arith.cmpi sgt, %jit3A_829, %sign3A_838 : i32
      %sign3A_840 = arith.extui %sign3A_839 : i1 to i32
      %sign3A_841 = arith.constant 0 : i32
      %sign3A_842 = arith.cmpi slt, %jit3A_829, %sign3A_841 : i32
      %sign3A_843 = arith.extui %sign3A_842 : i1 to i32
      %sign3A_844 = arith.subi %sign3A_840, %sign3A_843 : i32
      %ne3A_845 = arith.cmpi ne, %sign3A_837, %sign3A_844 : i32
      %rem3A_846 = arith.remsi %add3A_828, %jit3A_829 : i32
      %ne3A_847 = arith.constant 0 : i32
      %ne3A_848 = arith.cmpi ne, %rem3A_846, %ne3A_847 : i32
      %and3A_849 = arith.andi %ne3A_845, %ne3A_848 : i1
      %sub3A_850 = arith.constant 1 : i32
      %sub3A_851 = arith.subi %div3A_830, %sub3A_850 : i32
      %select_n3A_852 = arith.select %and3A_849, %sub3A_851, %div3A_830 : i32
      %jit3A_853 = arith.constant 128 : i32
      %eq3A_854 = arith.constant 0 : i32
      %eq3A_855 = arith.cmpi eq, %jit3A_853, %eq3A_854 : i32
      %jit3A_856 = arith.constant 1 : i32
      %select_n3A_857 = arith.select %eq3A_855, %jit3A_856, %jit3A_853 : i32
      %rem3A_858 = arith.remsi %add3A_828, %select_n3A_857 : i32
      %ne3A_859 = arith.constant 0 : i32
      %ne3A_860 = arith.cmpi ne, %rem3A_858, %ne3A_859 : i32
      %lt3A_861 = arith.constant 0 : i32
      %lt3A_862 = arith.cmpi slt, %rem3A_858, %lt3A_861 : i32
      %lt3A_863 = arith.constant 0 : i32
      %lt3A_864 = arith.cmpi slt, %select_n3A_857, %lt3A_863 : i32
      %ne3A_865 = arith.xori %lt3A_862, %lt3A_864 : i1
      %and3A_866 = arith.andi %ne3A_865, %ne3A_860 : i1
      %add3A_867 = arith.addi %rem3A_858, %select_n3A_857 : i32
      %select_n3A_868 = arith.select %and3A_866, %add3A_867, %rem3A_858 : i32
      %dma_start3A_869 = arith.constant 4 : i32
      %dma_start3A_870 = arith.constant 4 : i32
      %dma_start3A_871 = arith.constant 0 : i32
      %dma_start3A_872 = arith.constant 0 : i32
      %dma_start3A_873 = arith.constant 0 : i32
      %dma_start3A_874 = tpu.memref_slice %arg7[%dma_start3A_869, %dma_start3A_871, %dma_start3A_872, %dma_start3A_873] : memref<5x8x8x129xf32, #tpu.memory_space<vmem>> -> memref<1x8x8x128xf32, #tpu.memory_space<vmem>>
      %dma_start3A_875 = tpu.memref_squeeze %dma_start3A_874 : memref<1x8x8x128xf32, #tpu.memory_space<vmem>> -> memref<8x8x128xf32, #tpu.memory_space<vmem>>
      %dma_start3A_876 = arith.constant 0 : i32
      %dma_start3A_877 = arith.constant 0 : i32
      %dma_start3A_878 = arith.constant 0 : i32
      %dma_start3A_879 = tpu.memref_slice %arg4[%select_n3A_852, %dma_start3A_876, %select_n3A_868, %dma_start3A_877, %dma_start3A_878] : memref<50x8x128x8x128xf32, #tpu.memory_space<hbm>> -> memref<1x8x1x8x128xf32, #tpu.memory_space<hbm>>
      %dma_start3A_880 = tpu.memref_squeeze %dma_start3A_879 : memref<1x8x1x8x128xf32, #tpu.memory_space<hbm>> -> memref<8x8x128xf32, #tpu.memory_space<hbm>>
      %dma_start3A_881 = tpu.memref_slice %arg9[%dma_start3A_870] : memref<5x!tpu.dma_semaphore, #tpu.memory_space<semaphore_mem>> -> memref<1x!tpu.dma_semaphore, #tpu.memory_space<semaphore_mem>>
      %dma_start3A_882 = tpu.memref_squeeze %dma_start3A_881 : memref<1x!tpu.dma_semaphore, #tpu.memory_space<semaphore_mem>> -> memref<!tpu.dma_semaphore, #tpu.memory_space<semaphore_mem>>
      %dma_start3A_883 = arith.constant 0 : i32
      %dma_start3A_884 = arith.constant 0 : i32
      %dma_start3A_885 = arith.constant 0 : i32
      %dma_start3A_886 = tpu.memref_slice %arg4[%select_n3A_852, %dma_start3A_883, %select_n3A_868, %dma_start3A_884, %dma_start3A_885] : memref<50x8x128x8x128xf32, #tpu.memory_space<hbm>> -> memref<1x8x1x8x128xf32, #tpu.memory_space<hbm>>
      %dma_start3A_887 = tpu.memref_squeeze %dma_start3A_886 : memref<1x8x1x8x128xf32, #tpu.memory_space<hbm>> -> memref<8x8x128xf32, #tpu.memory_space<hbm>>
      %dma_start3A_888 = arith.constant 0 : i32
      %dma_start3A_889 = arith.constant 0 : i32
      %dma_start3A_890 = arith.constant 0 : i32
      %dma_start3A_891 = tpu.memref_slice %arg7[%dma_start3A_869, %dma_start3A_888, %dma_start3A_889, %dma_start3A_890] : memref<5x8x8x129xf32, #tpu.memory_space<vmem>> -> memref<1x8x8x128xf32, #tpu.memory_space<vmem>>
      %dma_start3A_892 = tpu.memref_squeeze %dma_start3A_891 : memref<1x8x8x128xf32, #tpu.memory_space<vmem>> -> memref<8x8x128xf32, #tpu.memory_space<vmem>>
      tpu.enqueue_dma source(%dma_start3A_892 : memref<8x8x128xf32, #tpu.memory_space<vmem>>) target(%dma_start3A_887 : memref<8x8x128xf32, #tpu.memory_space<hbm>>) target_semaphore(%dma_start3A_882 : memref<!tpu.dma_semaphore, #tpu.memory_space<semaphore_mem>>)
    }
    %scan3A_81 = arith.constant 40 : i32
    %add3A_82 = arith.constant 195 : i32
    %add3A_83 = arith.addi %mul3A_2, %add3A_82 : i32
    %jit3A = arith.constant 128 : i32
    %div3A = arith.divsi %add3A_83, %jit3A : i32
    %sign3A = arith.constant 0 : i32
    %sign3A_84 = arith.cmpi sgt, %add3A_83, %sign3A : i32
    %sign3A_85 = arith.extui %sign3A_84 : i1 to i32
    %sign3A_86 = arith.constant 0 : i32
    %sign3A_87 = arith.cmpi slt, %add3A_83, %sign3A_86 : i32
    %sign3A_88 = arith.extui %sign3A_87 : i1 to i32
    %sign3A_89 = arith.subi %sign3A_85, %sign3A_88 : i32
    %sign3A_90 = arith.constant 0 : i32
    %sign3A_91 = arith.cmpi sgt, %jit3A, %sign3A_90 : i32
    %sign3A_92 = arith.extui %sign3A_91 : i1 to i32
    %sign3A_93 = arith.constant 0 : i32
    %sign3A_94 = arith.cmpi slt, %jit3A, %sign3A_93 : i32
    %sign3A_95 = arith.extui %sign3A_94 : i1 to i32
    %sign3A_96 = arith.subi %sign3A_92, %sign3A_95 : i32
    %ne3A = arith.cmpi ne, %sign3A_89, %sign3A_96 : i32
    %rem3A = arith.remsi %add3A_83, %jit3A : i32
    %ne3A_97 = arith.constant 0 : i32
    %ne3A_98 = arith.cmpi ne, %rem3A, %ne3A_97 : i32
    %and3A = arith.andi %ne3A, %ne3A_98 : i1
    %sub3A = arith.constant 1 : i32
    %sub3A_99 = arith.subi %div3A, %sub3A : i32
    %select_n3A = arith.select %and3A, %sub3A_99, %div3A : i32
    %jit3A_100 = arith.constant 128 : i32
    %eq3A = arith.constant 0 : i32
    %eq3A_101 = arith.cmpi eq, %jit3A_100, %eq3A : i32
    %jit3A_102 = arith.constant 1 : i32
    %select_n3A_103 = arith.select %eq3A_101, %jit3A_102, %jit3A_100 : i32
    %rem3A_104 = arith.remsi %add3A_83, %select_n3A_103 : i32
    %ne3A_105 = arith.constant 0 : i32
    %ne3A_106 = arith.cmpi ne, %rem3A_104, %ne3A_105 : i32
    %lt3A = arith.constant 0 : i32
    %lt3A_107 = arith.cmpi slt, %rem3A_104, %lt3A : i32
    %lt3A_108 = arith.constant 0 : i32
    %lt3A_109 = arith.cmpi slt, %select_n3A_103, %lt3A_108 : i32
    %ne3A_110 = arith.xori %lt3A_107, %lt3A_109 : i1
    %and3A_111 = arith.andi %ne3A_110, %ne3A_106 : i1
    %add3A_112 = arith.addi %rem3A_104, %select_n3A_103 : i32
    %select_n3A_113 = arith.select %and3A_111, %add3A_112, %rem3A_104 : i32
    %dma_wait3A = arith.constant 0 : i32
    %dma_wait3A_114 = arith.constant 0 : i32
    %dma_wait3A_115 = arith.constant 0 : i32
    %dma_wait3A_116 = arith.constant 0 : i32
    %dma_wait3A_117 = arith.constant 0 : i32
    %dma_wait3A_118 = tpu.memref_slice %arg7[%dma_wait3A, %dma_wait3A_115, %dma_wait3A_116, %dma_wait3A_117] : memref<5x8x8x129xf32, #tpu.memory_space<vmem>> -> memref<1x8x8x128xf32, #tpu.memory_space<vmem>>
    %dma_wait3A_119 = tpu.memref_squeeze %dma_wait3A_118 : memref<1x8x8x128xf32, #tpu.memory_space<vmem>> -> memref<8x8x128xf32, #tpu.memory_space<vmem>>
    %dma_wait3A_120 = arith.constant 0 : i32
    %dma_wait3A_121 = arith.constant 0 : i32
    %dma_wait3A_122 = arith.constant 0 : i32
    %dma_wait3A_123 = tpu.memref_slice %arg4[%select_n3A, %dma_wait3A_120, %select_n3A_113, %dma_wait3A_121, %dma_wait3A_122] : memref<50x8x128x8x128xf32, #tpu.memory_space<hbm>> -> memref<1x8x1x8x128xf32, #tpu.memory_space<hbm>>
    %dma_wait3A_124 = tpu.memref_squeeze %dma_wait3A_123 : memref<1x8x1x8x128xf32, #tpu.memory_space<hbm>> -> memref<8x8x128xf32, #tpu.memory_space<hbm>>
    %dma_wait3A_125 = tpu.memref_slice %arg9[%dma_wait3A_114] : memref<5x!tpu.dma_semaphore, #tpu.memory_space<semaphore_mem>> -> memref<1x!tpu.dma_semaphore, #tpu.memory_space<semaphore_mem>>
    %dma_wait3A_126 = tpu.memref_squeeze %dma_wait3A_125 : memref<1x!tpu.dma_semaphore, #tpu.memory_space<semaphore_mem>> -> memref<!tpu.dma_semaphore, #tpu.memory_space<semaphore_mem>>
    %dma_wait3A_127 = arith.constant 0 : i32
    %dma_wait3A_128 = arith.constant 0 : i32
    %dma_wait3A_129 = arith.constant 0 : i32
    %dma_wait3A_130 = tpu.memref_slice %arg4[%select_n3A, %dma_wait3A_127, %select_n3A_113, %dma_wait3A_128, %dma_wait3A_129] : memref<50x8x128x8x128xf32, #tpu.memory_space<hbm>> -> memref<1x8x1x8x128xf32, #tpu.memory_space<hbm>>
    %dma_wait3A_131 = tpu.memref_squeeze %dma_wait3A_130 : memref<1x8x1x8x128xf32, #tpu.memory_space<hbm>> -> memref<8x8x128xf32, #tpu.memory_space<hbm>>
    %dma_wait3A_132 = arith.constant 0 : i32
    %dma_wait3A_133 = arith.constant 0 : i32
    %dma_wait3A_134 = arith.constant 0 : i32
    %dma_wait3A_135 = tpu.memref_slice %arg7[%dma_wait3A, %dma_wait3A_132, %dma_wait3A_133, %dma_wait3A_134] : memref<5x8x8x129xf32, #tpu.memory_space<vmem>> -> memref<1x8x8x128xf32, #tpu.memory_space<vmem>>
    %dma_wait3A_136 = tpu.memref_squeeze %dma_wait3A_135 : memref<1x8x8x128xf32, #tpu.memory_space<vmem>> -> memref<8x8x128xf32, #tpu.memory_space<vmem>>
    tpu.wait_dma2 semaphore(%dma_wait3A_126 : memref<!tpu.dma_semaphore, #tpu.memory_space<semaphore_mem>>) src(%dma_wait3A_136 : memref<8x8x128xf32, #tpu.memory_space<vmem>>) dst(%dma_wait3A_131 : memref<8x8x128xf32, #tpu.memory_space<hbm>>)
    %add3A_137 = arith.constant 196 : i32
    %add3A_138 = arith.addi %mul3A_2, %add3A_137 : i32
    %jit3A_139 = arith.constant 128 : i32
    %div3A_140 = arith.divsi %add3A_138, %jit3A_139 : i32
    %sign3A_141 = arith.constant 0 : i32
    %sign3A_142 = arith.cmpi sgt, %add3A_138, %sign3A_141 : i32
    %sign3A_143 = arith.extui %sign3A_142 : i1 to i32
    %sign3A_144 = arith.constant 0 : i32
    %sign3A_145 = arith.cmpi slt, %add3A_138, %sign3A_144 : i32
    %sign3A_146 = arith.extui %sign3A_145 : i1 to i32
    %sign3A_147 = arith.subi %sign3A_143, %sign3A_146 : i32
    %sign3A_148 = arith.constant 0 : i32
    %sign3A_149 = arith.cmpi sgt, %jit3A_139, %sign3A_148 : i32
    %sign3A_150 = arith.extui %sign3A_149 : i1 to i32
    %sign3A_151 = arith.constant 0 : i32
    %sign3A_152 = arith.cmpi slt, %jit3A_139, %sign3A_151 : i32
    %sign3A_153 = arith.extui %sign3A_152 : i1 to i32
    %sign3A_154 = arith.subi %sign3A_150, %sign3A_153 : i32
    %ne3A_155 = arith.cmpi ne, %sign3A_147, %sign3A_154 : i32
    %rem3A_156 = arith.remsi %add3A_138, %jit3A_139 : i32
    %ne3A_157 = arith.constant 0 : i32
    %ne3A_158 = arith.cmpi ne, %rem3A_156, %ne3A_157 : i32
    %and3A_159 = arith.andi %ne3A_155, %ne3A_158 : i1
    %sub3A_160 = arith.constant 1 : i32
    %sub3A_161 = arith.subi %div3A_140, %sub3A_160 : i32
    %select_n3A_162 = arith.select %and3A_159, %sub3A_161, %div3A_140 : i32
    %jit3A_163 = arith.constant 128 : i32
    %eq3A_164 = arith.constant 0 : i32
    %eq3A_165 = arith.cmpi eq, %jit3A_163, %eq3A_164 : i32
    %jit3A_166 = arith.constant 1 : i32
    %select_n3A_167 = arith.select %eq3A_165, %jit3A_166, %jit3A_163 : i32
    %rem3A_168 = arith.remsi %add3A_138, %select_n3A_167 : i32
    %ne3A_169 = arith.constant 0 : i32
    %ne3A_170 = arith.cmpi ne, %rem3A_168, %ne3A_169 : i32
    %lt3A_171 = arith.constant 0 : i32
    %lt3A_172 = arith.cmpi slt, %rem3A_168, %lt3A_171 : i32
    %lt3A_173 = arith.constant 0 : i32
    %lt3A_174 = arith.cmpi slt, %select_n3A_167, %lt3A_173 : i32
    %ne3A_175 = arith.xori %lt3A_172, %lt3A_174 : i1
    %and3A_176 = arith.andi %ne3A_175, %ne3A_170 : i1
    %add3A_177 = arith.addi %rem3A_168, %select_n3A_167 : i32
    %select_n3A_178 = arith.select %and3A_176, %add3A_177, %rem3A_168 : i32
    %dma_wait3A_179 = arith.constant 1 : i32
    %dma_wait3A_180 = arith.constant 1 : i32
    %dma_wait3A_181 = arith.constant 0 : i32
    %dma_wait3A_182 = arith.constant 0 : i32
    %dma_wait3A_183 = arith.constant 0 : i32
    %dma_wait3A_184 = tpu.memref_slice %arg7[%dma_wait3A_179, %dma_wait3A_181, %dma_wait3A_182, %dma_wait3A_183] : memref<5x8x8x129xf32, #tpu.memory_space<vmem>> -> memref<1x8x8x128xf32, #tpu.memory_space<vmem>>
    %dma_wait3A_185 = tpu.memref_squeeze %dma_wait3A_184 : memref<1x8x8x128xf32, #tpu.memory_space<vmem>> -> memref<8x8x128xf32, #tpu.memory_space<vmem>>
    %dma_wait3A_186 = arith.constant 0 : i32
    %dma_wait3A_187 = arith.constant 0 : i32
    %dma_wait3A_188 = arith.constant 0 : i32
    %dma_wait3A_189 = tpu.memref_slice %arg4[%select_n3A_162, %dma_wait3A_186, %select_n3A_178, %dma_wait3A_187, %dma_wait3A_188] : memref<50x8x128x8x128xf32, #tpu.memory_space<hbm>> -> memref<1x8x1x8x128xf32, #tpu.memory_space<hbm>>
    %dma_wait3A_190 = tpu.memref_squeeze %dma_wait3A_189 : memref<1x8x1x8x128xf32, #tpu.memory_space<hbm>> -> memref<8x8x128xf32, #tpu.memory_space<hbm>>
    %dma_wait3A_191 = tpu.memref_slice %arg9[%dma_wait3A_180] : memref<5x!tpu.dma_semaphore, #tpu.memory_space<semaphore_mem>> -> memref<1x!tpu.dma_semaphore, #tpu.memory_space<semaphore_mem>>
    %dma_wait3A_192 = tpu.memref_squeeze %dma_wait3A_191 : memref<1x!tpu.dma_semaphore, #tpu.memory_space<semaphore_mem>> -> memref<!tpu.dma_semaphore, #tpu.memory_space<semaphore_mem>>
    %dma_wait3A_193 = arith.constant 0 : i32
    %dma_wait3A_194 = arith.constant 0 : i32
    %dma_wait3A_195 = arith.constant 0 : i32
    %dma_wait3A_196 = tpu.memref_slice %arg4[%select_n3A_162, %dma_wait3A_193, %select_n3A_178, %dma_wait3A_194, %dma_wait3A_195] : memref<50x8x128x8x128xf32, #tpu.memory_space<hbm>> -> memref<1x8x1x8x128xf32, #tpu.memory_space<hbm>>
    %dma_wait3A_197 = tpu.memref_squeeze %dma_wait3A_196 : memref<1x8x1x8x128xf32, #tpu.memory_space<hbm>> -> memref<8x8x128xf32, #tpu.memory_space<hbm>>
    %dma_wait3A_198 = arith.constant 0 : i32
    %dma_wait3A_199 = arith.constant 0 : i32
    %dma_wait3A_200 = arith.constant 0 : i32
    %dma_wait3A_201 = tpu.memref_slice %arg7[%dma_wait3A_179, %dma_wait3A_198, %dma_wait3A_199, %dma_wait3A_200] : memref<5x8x8x129xf32, #tpu.memory_space<vmem>> -> memref<1x8x8x128xf32, #tpu.memory_space<vmem>>
    %dma_wait3A_202 = tpu.memref_squeeze %dma_wait3A_201 : memref<1x8x8x128xf32, #tpu.memory_space<vmem>> -> memref<8x8x128xf32, #tpu.memory_space<vmem>>
    tpu.wait_dma2 semaphore(%dma_wait3A_192 : memref<!tpu.dma_semaphore, #tpu.memory_space<semaphore_mem>>) src(%dma_wait3A_202 : memref<8x8x128xf32, #tpu.memory_space<vmem>>) dst(%dma_wait3A_197 : memref<8x8x128xf32, #tpu.memory_space<hbm>>)
    %add3A_203 = arith.constant 197 : i32
    %add3A_204 = arith.addi %mul3A_2, %add3A_203 : i32
    %jit3A_205 = arith.constant 128 : i32
    %div3A_206 = arith.divsi %add3A_204, %jit3A_205 : i32
    %sign3A_207 = arith.constant 0 : i32
    %sign3A_208 = arith.cmpi sgt, %add3A_204, %sign3A_207 : i32
    %sign3A_209 = arith.extui %sign3A_208 : i1 to i32
    %sign3A_210 = arith.constant 0 : i32
    %sign3A_211 = arith.cmpi slt, %add3A_204, %sign3A_210 : i32
    %sign3A_212 = arith.extui %sign3A_211 : i1 to i32
    %sign3A_213 = arith.subi %sign3A_209, %sign3A_212 : i32
    %sign3A_214 = arith.constant 0 : i32
    %sign3A_215 = arith.cmpi sgt, %jit3A_205, %sign3A_214 : i32
    %sign3A_216 = arith.extui %sign3A_215 : i1 to i32
    %sign3A_217 = arith.constant 0 : i32
    %sign3A_218 = arith.cmpi slt, %jit3A_205, %sign3A_217 : i32
    %sign3A_219 = arith.extui %sign3A_218 : i1 to i32
    %sign3A_220 = arith.subi %sign3A_216, %sign3A_219 : i32
    %ne3A_221 = arith.cmpi ne, %sign3A_213, %sign3A_220 : i32
    %rem3A_222 = arith.remsi %add3A_204, %jit3A_205 : i32
    %ne3A_223 = arith.constant 0 : i32
    %ne3A_224 = arith.cmpi ne, %rem3A_222, %ne3A_223 : i32
    %and3A_225 = arith.andi %ne3A_221, %ne3A_224 : i1
    %sub3A_226 = arith.constant 1 : i32
    %sub3A_227 = arith.subi %div3A_206, %sub3A_226 : i32
    %select_n3A_228 = arith.select %and3A_225, %sub3A_227, %div3A_206 : i32
    %jit3A_229 = arith.constant 128 : i32
    %eq3A_230 = arith.constant 0 : i32
    %eq3A_231 = arith.cmpi eq, %jit3A_229, %eq3A_230 : i32
    %jit3A_232 = arith.constant 1 : i32
    %select_n3A_233 = arith.select %eq3A_231, %jit3A_232, %jit3A_229 : i32
    %rem3A_234 = arith.remsi %add3A_204, %select_n3A_233 : i32
    %ne3A_235 = arith.constant 0 : i32
    %ne3A_236 = arith.cmpi ne, %rem3A_234, %ne3A_235 : i32
    %lt3A_237 = arith.constant 0 : i32
    %lt3A_238 = arith.cmpi slt, %rem3A_234, %lt3A_237 : i32
    %lt3A_239 = arith.constant 0 : i32
    %lt3A_240 = arith.cmpi slt, %select_n3A_233, %lt3A_239 : i32
    %ne3A_241 = arith.xori %lt3A_238, %lt3A_240 : i1
    %and3A_242 = arith.andi %ne3A_241, %ne3A_236 : i1
    %add3A_243 = arith.addi %rem3A_234, %select_n3A_233 : i32
    %select_n3A_244 = arith.select %and3A_242, %add3A_243, %rem3A_234 : i32
    %dma_wait3A_245 = arith.constant 2 : i32
    %dma_wait3A_246 = arith.constant 2 : i32
    %dma_wait3A_247 = arith.constant 0 : i32
    %dma_wait3A_248 = arith.constant 0 : i32
    %dma_wait3A_249 = arith.constant 0 : i32
    %dma_wait3A_250 = tpu.memref_slice %arg7[%dma_wait3A_245, %dma_wait3A_247, %dma_wait3A_248, %dma_wait3A_249] : memref<5x8x8x129xf32, #tpu.memory_space<vmem>> -> memref<1x8x8x128xf32, #tpu.memory_space<vmem>>
    %dma_wait3A_251 = tpu.memref_squeeze %dma_wait3A_250 : memref<1x8x8x128xf32, #tpu.memory_space<vmem>> -> memref<8x8x128xf32, #tpu.memory_space<vmem>>
    %dma_wait3A_252 = arith.constant 0 : i32
    %dma_wait3A_253 = arith.constant 0 : i32
    %dma_wait3A_254 = arith.constant 0 : i32
    %dma_wait3A_255 = tpu.memref_slice %arg4[%select_n3A_228, %dma_wait3A_252, %select_n3A_244, %dma_wait3A_253, %dma_wait3A_254] : memref<50x8x128x8x128xf32, #tpu.memory_space<hbm>> -> memref<1x8x1x8x128xf32, #tpu.memory_space<hbm>>
    %dma_wait3A_256 = tpu.memref_squeeze %dma_wait3A_255 : memref<1x8x1x8x128xf32, #tpu.memory_space<hbm>> -> memref<8x8x128xf32, #tpu.memory_space<hbm>>
    %dma_wait3A_257 = tpu.memref_slice %arg9[%dma_wait3A_246] : memref<5x!tpu.dma_semaphore, #tpu.memory_space<semaphore_mem>> -> memref<1x!tpu.dma_semaphore, #tpu.memory_space<semaphore_mem>>
    %dma_wait3A_258 = tpu.memref_squeeze %dma_wait3A_257 : memref<1x!tpu.dma_semaphore, #tpu.memory_space<semaphore_mem>> -> memref<!tpu.dma_semaphore, #tpu.memory_space<semaphore_mem>>
    %dma_wait3A_259 = arith.constant 0 : i32
    %dma_wait3A_260 = arith.constant 0 : i32
    %dma_wait3A_261 = arith.constant 0 : i32
    %dma_wait3A_262 = tpu.memref_slice %arg4[%select_n3A_228, %dma_wait3A_259, %select_n3A_244, %dma_wait3A_260, %dma_wait3A_261] : memref<50x8x128x8x128xf32, #tpu.memory_space<hbm>> -> memref<1x8x1x8x128xf32, #tpu.memory_space<hbm>>
    %dma_wait3A_263 = tpu.memref_squeeze %dma_wait3A_262 : memref<1x8x1x8x128xf32, #tpu.memory_space<hbm>> -> memref<8x8x128xf32, #tpu.memory_space<hbm>>
    %dma_wait3A_264 = arith.constant 0 : i32
    %dma_wait3A_265 = arith.constant 0 : i32
    %dma_wait3A_266 = arith.constant 0 : i32
    %dma_wait3A_267 = tpu.memref_slice %arg7[%dma_wait3A_245, %dma_wait3A_264, %dma_wait3A_265, %dma_wait3A_266] : memref<5x8x8x129xf32, #tpu.memory_space<vmem>> -> memref<1x8x8x128xf32, #tpu.memory_space<vmem>>
    %dma_wait3A_268 = tpu.memref_squeeze %dma_wait3A_267 : memref<1x8x8x128xf32, #tpu.memory_space<vmem>> -> memref<8x8x128xf32, #tpu.memory_space<vmem>>
    tpu.wait_dma2 semaphore(%dma_wait3A_258 : memref<!tpu.dma_semaphore, #tpu.memory_space<semaphore_mem>>) src(%dma_wait3A_268 : memref<8x8x128xf32, #tpu.memory_space<vmem>>) dst(%dma_wait3A_263 : memref<8x8x128xf32, #tpu.memory_space<hbm>>)
    %add3A_269 = arith.constant 198 : i32
    %add3A_270 = arith.addi %mul3A_2, %add3A_269 : i32
    %jit3A_271 = arith.constant 128 : i32
    %div3A_272 = arith.divsi %add3A_270, %jit3A_271 : i32
    %sign3A_273 = arith.constant 0 : i32
    %sign3A_274 = arith.cmpi sgt, %add3A_270, %sign3A_273 : i32
    %sign3A_275 = arith.extui %sign3A_274 : i1 to i32
    %sign3A_276 = arith.constant 0 : i32
    %sign3A_277 = arith.cmpi slt, %add3A_270, %sign3A_276 : i32
    %sign3A_278 = arith.extui %sign3A_277 : i1 to i32
    %sign3A_279 = arith.subi %sign3A_275, %sign3A_278 : i32
    %sign3A_280 = arith.constant 0 : i32
    %sign3A_281 = arith.cmpi sgt, %jit3A_271, %sign3A_280 : i32
    %sign3A_282 = arith.extui %sign3A_281 : i1 to i32
    %sign3A_283 = arith.constant 0 : i32
    %sign3A_284 = arith.cmpi slt, %jit3A_271, %sign3A_283 : i32
    %sign3A_285 = arith.extui %sign3A_284 : i1 to i32
    %sign3A_286 = arith.subi %sign3A_282, %sign3A_285 : i32
    %ne3A_287 = arith.cmpi ne, %sign3A_279, %sign3A_286 : i32
    %rem3A_288 = arith.remsi %add3A_270, %jit3A_271 : i32
    %ne3A_289 = arith.constant 0 : i32
    %ne3A_290 = arith.cmpi ne, %rem3A_288, %ne3A_289 : i32
    %and3A_291 = arith.andi %ne3A_287, %ne3A_290 : i1
    %sub3A_292 = arith.constant 1 : i32
    %sub3A_293 = arith.subi %div3A_272, %sub3A_292 : i32
    %select_n3A_294 = arith.select %and3A_291, %sub3A_293, %div3A_272 : i32
    %jit3A_295 = arith.constant 128 : i32
    %eq3A_296 = arith.constant 0 : i32
    %eq3A_297 = arith.cmpi eq, %jit3A_295, %eq3A_296 : i32
    %jit3A_298 = arith.constant 1 : i32
    %select_n3A_299 = arith.select %eq3A_297, %jit3A_298, %jit3A_295 : i32
    %rem3A_300 = arith.remsi %add3A_270, %select_n3A_299 : i32
    %ne3A_301 = arith.constant 0 : i32
    %ne3A_302 = arith.cmpi ne, %rem3A_300, %ne3A_301 : i32
    %lt3A_303 = arith.constant 0 : i32
    %lt3A_304 = arith.cmpi slt, %rem3A_300, %lt3A_303 : i32
    %lt3A_305 = arith.constant 0 : i32
    %lt3A_306 = arith.cmpi slt, %select_n3A_299, %lt3A_305 : i32
    %ne3A_307 = arith.xori %lt3A_304, %lt3A_306 : i1
    %and3A_308 = arith.andi %ne3A_307, %ne3A_302 : i1
    %add3A_309 = arith.addi %rem3A_300, %select_n3A_299 : i32
    %select_n3A_310 = arith.select %and3A_308, %add3A_309, %rem3A_300 : i32
    %dma_wait3A_311 = arith.constant 3 : i32
    %dma_wait3A_312 = arith.constant 3 : i32
    %dma_wait3A_313 = arith.constant 0 : i32
    %dma_wait3A_314 = arith.constant 0 : i32
    %dma_wait3A_315 = arith.constant 0 : i32
    %dma_wait3A_316 = tpu.memref_slice %arg7[%dma_wait3A_311, %dma_wait3A_313, %dma_wait3A_314, %dma_wait3A_315] : memref<5x8x8x129xf32, #tpu.memory_space<vmem>> -> memref<1x8x8x128xf32, #tpu.memory_space<vmem>>
    %dma_wait3A_317 = tpu.memref_squeeze %dma_wait3A_316 : memref<1x8x8x128xf32, #tpu.memory_space<vmem>> -> memref<8x8x128xf32, #tpu.memory_space<vmem>>
    %dma_wait3A_318 = arith.constant 0 : i32
    %dma_wait3A_319 = arith.constant 0 : i32
    %dma_wait3A_320 = arith.constant 0 : i32
    %dma_wait3A_321 = tpu.memref_slice %arg4[%select_n3A_294, %dma_wait3A_318, %select_n3A_310, %dma_wait3A_319, %dma_wait3A_320] : memref<50x8x128x8x128xf32, #tpu.memory_space<hbm>> -> memref<1x8x1x8x128xf32, #tpu.memory_space<hbm>>
    %dma_wait3A_322 = tpu.memref_squeeze %dma_wait3A_321 : memref<1x8x1x8x128xf32, #tpu.memory_space<hbm>> -> memref<8x8x128xf32, #tpu.memory_space<hbm>>
    %dma_wait3A_323 = tpu.memref_slice %arg9[%dma_wait3A_312] : memref<5x!tpu.dma_semaphore, #tpu.memory_space<semaphore_mem>> -> memref<1x!tpu.dma_semaphore, #tpu.memory_space<semaphore_mem>>
    %dma_wait3A_324 = tpu.memref_squeeze %dma_wait3A_323 : memref<1x!tpu.dma_semaphore, #tpu.memory_space<semaphore_mem>> -> memref<!tpu.dma_semaphore, #tpu.memory_space<semaphore_mem>>
    %dma_wait3A_325 = arith.constant 0 : i32
    %dma_wait3A_326 = arith.constant 0 : i32
    %dma_wait3A_327 = arith.constant 0 : i32
    %dma_wait3A_328 = tpu.memref_slice %arg4[%select_n3A_294, %dma_wait3A_325, %select_n3A_310, %dma_wait3A_326, %dma_wait3A_327] : memref<50x8x128x8x128xf32, #tpu.memory_space<hbm>> -> memref<1x8x1x8x128xf32, #tpu.memory_space<hbm>>
    %dma_wait3A_329 = tpu.memref_squeeze %dma_wait3A_328 : memref<1x8x1x8x128xf32, #tpu.memory_space<hbm>> -> memref<8x8x128xf32, #tpu.memory_space<hbm>>
    %dma_wait3A_330 = arith.constant 0 : i32
    %dma_wait3A_331 = arith.constant 0 : i32
    %dma_wait3A_332 = arith.constant 0 : i32
    %dma_wait3A_333 = tpu.memref_slice %arg7[%dma_wait3A_311, %dma_wait3A_330, %dma_wait3A_331, %dma_wait3A_332] : memref<5x8x8x129xf32, #tpu.memory_space<vmem>> -> memref<1x8x8x128xf32, #tpu.memory_space<vmem>>
    %dma_wait3A_334 = tpu.memref_squeeze %dma_wait3A_333 : memref<1x8x8x128xf32, #tpu.memory_space<vmem>> -> memref<8x8x128xf32, #tpu.memory_space<vmem>>
    tpu.wait_dma2 semaphore(%dma_wait3A_324 : memref<!tpu.dma_semaphore, #tpu.memory_space<semaphore_mem>>) src(%dma_wait3A_334 : memref<8x8x128xf32, #tpu.memory_space<vmem>>) dst(%dma_wait3A_329 : memref<8x8x128xf32, #tpu.memory_space<hbm>>)
    %add3A_335 = arith.constant 199 : i32
    %add3A_336 = arith.addi %mul3A_2, %add3A_335 : i32
    %jit3A_337 = arith.constant 128 : i32
    %div3A_338 = arith.divsi %add3A_336, %jit3A_337 : i32
    %sign3A_339 = arith.constant 0 : i32
    %sign3A_340 = arith.cmpi sgt, %add3A_336, %sign3A_339 : i32
    %sign3A_341 = arith.extui %sign3A_340 : i1 to i32
    %sign3A_342 = arith.constant 0 : i32
    %sign3A_343 = arith.cmpi slt, %add3A_336, %sign3A_342 : i32
    %sign3A_344 = arith.extui %sign3A_343 : i1 to i32
    %sign3A_345 = arith.subi %sign3A_341, %sign3A_344 : i32
    %sign3A_346 = arith.constant 0 : i32
    %sign3A_347 = arith.cmpi sgt, %jit3A_337, %sign3A_346 : i32
    %sign3A_348 = arith.extui %sign3A_347 : i1 to i32
    %sign3A_349 = arith.constant 0 : i32
    %sign3A_350 = arith.cmpi slt, %jit3A_337, %sign3A_349 : i32
    %sign3A_351 = arith.extui %sign3A_350 : i1 to i32
    %sign3A_352 = arith.subi %sign3A_348, %sign3A_351 : i32
    %ne3A_353 = arith.cmpi ne, %sign3A_345, %sign3A_352 : i32
    %rem3A_354 = arith.remsi %add3A_336, %jit3A_337 : i32
    %ne3A_355 = arith.constant 0 : i32
    %ne3A_356 = arith.cmpi ne, %rem3A_354, %ne3A_355 : i32
    %and3A_357 = arith.andi %ne3A_353, %ne3A_356 : i1
    %sub3A_358 = arith.constant 1 : i32
    %sub3A_359 = arith.subi %div3A_338, %sub3A_358 : i32
    %select_n3A_360 = arith.select %and3A_357, %sub3A_359, %div3A_338 : i32
    %jit3A_361 = arith.constant 128 : i32
    %eq3A_362 = arith.constant 0 : i32
    %eq3A_363 = arith.cmpi eq, %jit3A_361, %eq3A_362 : i32
    %jit3A_364 = arith.constant 1 : i32
    %select_n3A_365 = arith.select %eq3A_363, %jit3A_364, %jit3A_361 : i32
    %rem3A_366 = arith.remsi %add3A_336, %select_n3A_365 : i32
    %ne3A_367 = arith.constant 0 : i32
    %ne3A_368 = arith.cmpi ne, %rem3A_366, %ne3A_367 : i32
    %lt3A_369 = arith.constant 0 : i32
    %lt3A_370 = arith.cmpi slt, %rem3A_366, %lt3A_369 : i32
    %lt3A_371 = arith.constant 0 : i32
    %lt3A_372 = arith.cmpi slt, %select_n3A_365, %lt3A_371 : i32
    %ne3A_373 = arith.xori %lt3A_370, %lt3A_372 : i1
    %and3A_374 = arith.andi %ne3A_373, %ne3A_368 : i1
    %add3A_375 = arith.addi %rem3A_366, %select_n3A_365 : i32
    %select_n3A_376 = arith.select %and3A_374, %add3A_375, %rem3A_366 : i32
    %dma_wait3A_377 = arith.constant 4 : i32
    %dma_wait3A_378 = arith.constant 4 : i32
    %dma_wait3A_379 = arith.constant 0 : i32
    %dma_wait3A_380 = arith.constant 0 : i32
    %dma_wait3A_381 = arith.constant 0 : i32
    %dma_wait3A_382 = tpu.memref_slice %arg7[%dma_wait3A_377, %dma_wait3A_379, %dma_wait3A_380, %dma_wait3A_381] : memref<5x8x8x129xf32, #tpu.memory_space<vmem>> -> memref<1x8x8x128xf32, #tpu.memory_space<vmem>>
    %dma_wait3A_383 = tpu.memref_squeeze %dma_wait3A_382 : memref<1x8x8x128xf32, #tpu.memory_space<vmem>> -> memref<8x8x128xf32, #tpu.memory_space<vmem>>
    %dma_wait3A_384 = arith.constant 0 : i32
    %dma_wait3A_385 = arith.constant 0 : i32
    %dma_wait3A_386 = arith.constant 0 : i32
    %dma_wait3A_387 = tpu.memref_slice %arg4[%select_n3A_360, %dma_wait3A_384, %select_n3A_376, %dma_wait3A_385, %dma_wait3A_386] : memref<50x8x128x8x128xf32, #tpu.memory_space<hbm>> -> memref<1x8x1x8x128xf32, #tpu.memory_space<hbm>>
    %dma_wait3A_388 = tpu.memref_squeeze %dma_wait3A_387 : memref<1x8x1x8x128xf32, #tpu.memory_space<hbm>> -> memref<8x8x128xf32, #tpu.memory_space<hbm>>
    %dma_wait3A_389 = tpu.memref_slice %arg9[%dma_wait3A_378] : memref<5x!tpu.dma_semaphore, #tpu.memory_space<semaphore_mem>> -> memref<1x!tpu.dma_semaphore, #tpu.memory_space<semaphore_mem>>
    %dma_wait3A_390 = tpu.memref_squeeze %dma_wait3A_389 : memref<1x!tpu.dma_semaphore, #tpu.memory_space<semaphore_mem>> -> memref<!tpu.dma_semaphore, #tpu.memory_space<semaphore_mem>>
    %dma_wait3A_391 = arith.constant 0 : i32
    %dma_wait3A_392 = arith.constant 0 : i32
    %dma_wait3A_393 = arith.constant 0 : i32
    %dma_wait3A_394 = tpu.memref_slice %arg4[%select_n3A_360, %dma_wait3A_391, %select_n3A_376, %dma_wait3A_392, %dma_wait3A_393] : memref<50x8x128x8x128xf32, #tpu.memory_space<hbm>> -> memref<1x8x1x8x128xf32, #tpu.memory_space<hbm>>
    %dma_wait3A_395 = tpu.memref_squeeze %dma_wait3A_394 : memref<1x8x1x8x128xf32, #tpu.memory_space<hbm>> -> memref<8x8x128xf32, #tpu.memory_space<hbm>>
    %dma_wait3A_396 = arith.constant 0 : i32
    %dma_wait3A_397 = arith.constant 0 : i32
    %dma_wait3A_398 = arith.constant 0 : i32
    %dma_wait3A_399 = tpu.memref_slice %arg7[%dma_wait3A_377, %dma_wait3A_396, %dma_wait3A_397, %dma_wait3A_398] : memref<5x8x8x129xf32, #tpu.memory_space<vmem>> -> memref<1x8x8x128xf32, #tpu.memory_space<vmem>>
    %dma_wait3A_400 = tpu.memref_squeeze %dma_wait3A_399 : memref<1x8x8x128xf32, #tpu.memory_space<vmem>> -> memref<8x8x128xf32, #tpu.memory_space<vmem>>
    tpu.wait_dma2 semaphore(%dma_wait3A_390 : memref<!tpu.dma_semaphore, #tpu.memory_space<semaphore_mem>>) src(%dma_wait3A_400 : memref<8x8x128xf32, #tpu.memory_space<vmem>>) dst(%dma_wait3A_395 : memref<8x8x128xf32, #tpu.memory_space<hbm>>)
    return
  }
}

</mosaic_0001>

<sc_bundles>
// kernel: kernel.3.cloned.1.call-start
scs
__scs_entry_jumppad:
0x0: {  	(pc) =	sbr.rel $0x88, $3  }
0x1: {  	(tag) =	ssettag $0x0;
	lr =	simm.s32 $0x1  }
0x2: {  	[smem:$0x3F9F] =	sst lr;
	_ =	strace $0xD0000000  }
0x3: {  	_ = 	snop  }
0x4: {  	_ = 	snop  }
0x5: {  	_ = 	snop  }
0x6: {  	_ = 	snop  }
0x7: {  	_ = 	snop  }
__scs_overlays_trampoline_lowered:
0x8: {  	[smem:$0x3FAE] =	sst s0  }
0x9: {  	[smem:$0x3FAF] =	sst s1  }
0xa: {  	[smem:$0x3FB0] =	sst s2  }
0xb: {  	[smem:$0x3FB1] =	sst s3  }
0xc: {  	[smem:$0x3FB2] =	sst s4  }
0xd: {  	[smem:$0x3FB3] =	sst s5  }
0xe: {  	[smem:$0x3FB4] =	sst s6  }
0xf: {  	[smem:$0x3FB5] =	sst s7  }
0x10: {  	[smem:$0x3FB6] =	sst s8  }
0x11: {  	[smem:$0x3FB7] =	sst s9;
	s0 =	simm.s32 @!p0 $0x0  }
0x12: {  	s1 =	sld [smem:$0x3F9D];
	s0 =	simm.s32 @p0 $0x1  }
0x13: {  	[smem:$0x3FB8] =	sst s0;
	s0 =	simm.s32 @!p1 $0x0  }
0x14: {  	s2 =	sld [smem:$0x3F9C];
	s0 =	simm.s32 @p1 $0x1  }
0x15: {  	[smem:$0x3FB9] =	sst s0;
	s0 =	simm.s32 @!p2 $0x0  }
0x16: {  	s3 =	sld [smem:$0x3FDB];
	s0 =	simm.s32 @p2 $0x1  }
0x17: {  	s4 =	simm.s32 $0x1BF5;
	[smem:$0x3FBB] =	sst s0  }
0x18: {  	s0 =	sld [smem:$0x3F9E];
	_ =	swait.ge [sflag:s4], $0x0  }
0x19: {  	s7 =	sld [smem:$0x3F9F]  }
0x1a: {  	s8 =	sadd.s32 $0xFFFFE003, lr  }
0x1b: {  	s9 =	sadd.s32 $0xFFFFFEF7, lr;
	s5 =	simm.s32 $0xFFFFFFFF;
	p2 =	slt.u32 s8, $0xFFFFF086  }
0x1c: {  	p1 =	slt.u32 s9, $0xF7A;
	s5 =	simm.s32 @!p2 $0x0  }
0x1d: {  	s5 =	simm.s32 @p1 $0x1;
	p0 =	seq.s32 s7, s2  }
0x1e: {  	s7 =	smul.u32 @!p0 $0xF7A, s2;
	p2 =	seq.s32 @!p0 s5, $0x0  }
0x1f: {  	s9 =	smul.u32 $0xF7A, s1;
	s8 =	simm.s32 @!p0 $0x1BF5;
	p2 =	por !p2, p0  }
0x20: {  	[sflag:s8] =	ssyncset.s32 @!p0 $0xFFFFF086;
	s6 =	sadd.s32 @!p0 s3, s7;
	s7 =	simm.s32 @!p0 $0x108  }
0x21: {  	s3 =	sadd.s32 s3, s9;
	s6 =	sadd.s32 @!p0 $0x88, s6;
	s7 =	simm.s32 @p2 $0x1082  }
0x22: {  	[simem:s7], [sflag:s8] =	dma.local @!p0 [hbm:s6], $0xF7A  }
0x23: {  	s9 =	sor.u32 $0xD0000000, s2;
	s6 =	simm.s32 $0x108;
	_ =	swait.ge @!p0 [sflag:s8], $0x0  }
0x24: {  	s3 =	sadd.s32 $0x88, s3;
	s6 =	simm.s32 @!p1 $0x1082;
	[sflag:s4] =	ssyncset.s32 $0xFFFFF086  }
0x25: {  	[simem:s6], [sflag:s4] =	dma.local [hbm:s3], $0xF7A  }
0x26: {  	[smem:$0x3F9F] =	sst s1;
	(tag) =	ssettag s2;
	_ =	strace s9  }
0x27: {  	s1 =	sld [smem:$0x3FAF]  }
0x28: {  	s2 =	sld [smem:$0x3FB0]  }
0x29: {  	s4 =	sld [smem:$0x3FB2]  }
0x2a: {  	p0 =	seq.s32 s5, $0x0;
	s5 =	sld [smem:$0x3FB3]  }
0x2b: {  	s6 =	sld [smem:$0x3FB4]  }
0x2c: {  	s7 =	sld [smem:$0x3FB5]  }
0x2d: {  	s3 =	simm.s32 $0x108;
	s8 =	sld [smem:$0x3FB6]  }
0x2e: {  	s3 =	simm.s32 @!p0 $0x1082;
	s9 =	sld [smem:$0x3FB7]  }
0x2f: {  	lr =	sadd.s32 s0, s3;
	s0 =	sld [smem:$0x3FAE]  }
0x30: {  	s3 =	sld [smem:$0x3FB1]  }
0x31: {  	[smem:$0x3FBA] =	sst s10  }
0x32: {  	s10 =	sld [smem:$0x3FB8];
	_ =	sdelay $0x3  }
0x33: {  	p0 =	seq.s32 s10, $0x1;
	s10 =	sld [smem:$0x3FBA];
	_ =	sdelay $0x3  }
0x34: {  	[smem:$0x3FBA] =	sst s10  }
0x35: {  	s10 =	sld [smem:$0x3FB9];
	_ =	sdelay $0x3  }
0x36: {  	p1 =	seq.s32 s10, $0x1;
	s10 =	sld [smem:$0x3FBA];
	_ =	sdelay $0x3  }
0x37: {  	[smem:$0x3FBA] =	sst s10  }
0x38: {  	s10 =	sld [smem:$0x3FBB]  }
0x39: {  	_ = 	snop;
	(pc) =	sbr.ind lr, $3  }
0x3a: {  	_ = 	snop  }
0x3b: {  	_ = 	snop  }
0x3c: {  	p2 =	seq.s32 s10, $0x1;
	s10 =	sld [smem:$0x3FBA]  }
0x3d: {  	_ =	shalt  }
0x3e: {  	_ =	shalt  }
0x3f: {  	_ =	shalt  }
0x40: {  	_ =	shalt  }
0x41: {  	_ =	shalt  }
0x42: {  	_ =	shalt  }
0x43: {  	_ =	shalt  }
0x44: {  	_ =	shalt  }
0x45: {  	_ =	shalt  }
0x46: {  	_ =	shalt  }
0x47: {  	_ =	shalt  }
0x48: {  	_ =	shalt  }
0x49: {  	_ =	shalt  }
0x4a: {  	_ =	shalt  }
0x4b: {  	_ =	shalt  }
0x4c: {  	_ =	shalt  }
0x4d: {  	_ =	shalt  }
0x4e: {  	_ =	shalt  }
0x4f: {  	_ =	shalt  }
0x50: {  	_ =	shalt  }
0x51: {  	_ =	shalt  }
0x52: {  	_ =	shalt  }
0x53: {  	_ =	shalt  }
0x54: {  	_ =	shalt  }
0x55: {  	_ =	shalt  }
0x56: {  	_ =	shalt  }
0x57: {  	_ =	shalt  }
0x58: {  	_ =	shalt  }
0x59: {  	_ =	shalt  }
0x5a: {  	_ =	shalt  }
0x5b: {  	_ =	shalt  }
0x5c: {  	_ =	shalt  }
0x5d: {  	_ =	shalt  }
0x5e: {  	_ =	shalt  }
0x5f: {  	_ =	shalt  }
0x60: {  	_ =	shalt  }
0x61: {  	_ =	shalt  }
0x62: {  	_ =	shalt  }
0x63: {  	_ =	shalt  }
0x64: {  	_ =	shalt  }
0x65: {  	_ =	shalt  }
0x66: {  	_ =	shalt  }
0x67: {  	_ =	shalt  }
0x68: {  	_ =	shalt  }
0x69: {  	_ =	shalt  }
0x6a: {  	_ =	shalt  }
0x6b: {  	_ =	shalt  }
0x6c: {  	_ =	shalt  }
0x6d: {  	_ =	shalt  }
0x6e: {  	_ =	shalt  }
0x6f: {  	_ =	shalt  }
0x70: {  	_ =	shalt  }
0x71: {  	_ =	shalt  }
0x72: {  	_ =	shalt  }
0x73: {  	_ =	shalt  }
0x74: {  	_ =	shalt  }
0x75: {  	_ =	shalt  }
0x76: {  	_ =	shalt  }
0x77: {  	_ =	shalt  }
0x78: {  	_ =	shalt  }
0x79: {  	_ =	shalt  }
0x7a: {  	_ =	shalt  }
0x7b: {  	_ =	shalt  }
0x7c: {  	_ =	shalt  }
0x7d: {  	_ =	shalt  }
0x7e: {  	_ =	shalt  }
0x7f: {  	_ =	shalt  }
0x80: {  	_ =	shalt  }
0x81: {  	_ =	shalt  }
0x82: {  	_ =	shalt  }
0x83: {  	_ =	shalt  }
0x84: {  	_ =	shalt  }
0x85: {  	_ =	shalt  }
0x86: {  	_ =	shalt  }
0x87: {  	_ =	shalt  }
.Lfunc_end0:
.L_simem_size_0:
called_computation_lowered:
.L_overlay_start_0:
0x88: {  	s2 =	sld [smem:$0x3FD9]  }
0x89: {  	s3 =	sld [smem:$0x3FFE];
	_ =	sdelay $0x1  }
0x8a: {  	s1 =	srdreg.scid  }
0x8b: {  	s0 =	sand.u32 $0x1, s1  }
0x8c: {  	s17 =	sshll.u32 s0, $0xA;
	s2 =	sadd.s32 s3, s2  }
0x8d: {  	s2 =	sadd.s32 s2, s17  }
0x8e: {  	[smem:$0x3FC6] =	sst s2  }
0x8f: {  	_ = 	snop  }
0x90: {  	s2 =	sld [smem:$0x3FD0];
	(tm) =	ssettm $0x1  }
0x91: {  	s18 =	sld [smem:$0x3FFB];
	_ =	sdelay $0x3  }
0x92: {  	_ =	strace s18  }
0x93: {  	s3 =	sld [smem:$0x3FFC];
	_ =	sdelay $0x3  }
0x94: {  	_ =	strace s3  }
0x95: {  	s3 =	sld [smem:$0x3FFD];
	_ =	sdelay $0x3  }
0x96: {  	_ =	strace s3  }
0x97: {  	_ =	strace $0x8FFFFFFF  }
0x98: {  	s19 =	sld [smem:$0x3FDB];
	_ =	sdelay $0x1  }
0x99: {  	s4 =	simm.s32 $_scs_section_size  }
0x9a: {  	s5 =	simm.s32 $_size__tile_overlayer_lowered;
	s6 =	simm.s32 $_tile_overlayer_lowered  }
0x9b: {  	s22 =	simm.s32 $0x1BFF;
	s21 =	sshll.u32 s6, $0x1;
	s3 =	sadd.s32 s4, s19  }
0x9c: {  	s7 =	simm.s32 $0x0;
	s20 =	sshll.u32 s5, $0x1;
	s5 =	sadd.s32 s21, s3  }
0x9d: {  	[timem:s7], [sflag:s22] =	dma.local [hbm:s5], s20  }
0x9e: {  	_ =	swait.ge [sflag:s22], s20  }
0x9f: {  	s4 =	ssub.s32 $0x0, s20;
	[sflag:s22] =	ssyncset.done $0x0  }
0xa0: {  	[sflag:s22] =	ssyncadd.s32 s4;
	_ =	sdelay $0x1  }
0xa1: {  	s23 =	simm.s32 $0x1B8B  }
0xa2: {  	_ =	swait.ge [sflag:s23], $0x1  }
0xa3: {  	[sflag:s23] =	ssyncset.done $0x0  }
0xa4: {  	s25 =	simm.s32 $0x1B8E;
	s24 =	sld [smem:$0x3FFE];
	[sflag:s23] =	ssyncadd.s32 $0xFFFFFFFF  }
0xa5: {  	s26 =	simm.s32 $execute0_lowered;
	[smem:$0x3FD2] =	sst s25  }
0xa6: {  	s5 =	sshll.u32 s26, $0x1;
	_ =	strace $0x80000046;
	[dreg:$0x1] =	wrdreg $0xFFFFFFFF  }
0xa7: {  	s28 =	simm.s32 $_size_execute0_lowered;
	s3 =	sadd.s32 s3, s5;
	[dreg:$0x0] =	wrdreg $0x0  }
0xa8: {  	s5 =	sshll.u32 s28, $0x1;
	[dreg:$0x2] =	wrdreg s3  }
0xa9: {  	[dreg:$0x3] =	wrdreg s5  }
0xaa: {  	[dreg:$0x4] =	wrdreg $0xC0  }
0xab: {  	_ =	task [dreg:s7], $0x5FFFF  }
0xac: {  	[dreg:$0x1] =	wrdreg $0xFFFFFFFF  }
0xad: {  	[dreg:$0x0] =	wrdreg $0x60  }
0xae: {  	[dreg:$0x2] =	wrdreg s24  }
0xaf: {  	[dreg:$0x3] =	wrdreg s2  }
0xb0: {  	[dreg:$0x4] =	wrdreg $0x9  }
0xb1: {  	_ =	task.clear_ibuf [dreg:s7], $0x5FFFF;
	_ =	strace $0x90000046  }
0xb2: {  	s29 =	simm.s32 $0x9;
	_ =	strace $0x80000048  }
0xb3: {  	_ =	swait.ge [sflag:s29], $0x1  }
0xb4: {  	[sflag:s29] =	ssyncadd.s32 $0xFFFFFFFF  }
0xb5: {  	_ =	strace $0x90000048  }
0xb6: {  	_ =	sfence  }
0xb7: {  	s30 =	sld [smem:$0x0];
	_ =	sdelay $0x2  }
0xb8: {  	s31 =	sshll.u32 s1, $0xD;
	s1 =	sshrl.u32 s1, $0x2  }
0xb9: {  	s3 =	sand.u32 $0x4000, s31;
	s1 =	sadd.s32 s1, s30  }
0xba: {  	s0 =	sor.u32 s3, s0;
	s1 =	sshll.u32 s1, $0x11  }
0xbb: {  	s0 =	sor.u32 s1, s0  }
0xbc: {  	s0 =	sadd.s32 $0x8F2B, s0  }
0xbd: {  	[sflag:s0] =	ssyncadd.remote.s32 $0x1  }
0xbe: {  	_ =	sfence.sel $0xFFFF  }
0xbf: {  	[dreg:$0x0] =	wrdreg $0xFFFFFFFF;
	(pc) =	sbr.abs _section_cstart, $3  }
0xc0: {  	[dreg:$0x1] =	wrdreg $0xFFFFFFFF  }
0xc1: {  	_ =	task.clear_ibuf [dreg:s7], $0x2FFFF;
	_ =	strace $0x9FFFFFFF  }
0xc2: {  	(tm) =	ssettm $0x7FFFFFFF  }
0xc3: {  	_ =	shalt  }
tec
execute0_lowered:
.L_overlay_start_1:
0x0: {  	(tag) =	ssettag $0x1  }
0x1: {  	s0 =	rddreg [dreg:$0x0]  }
0x2: {  	s1 =	srdreg.scid;
	s3 =	stileid.u32  }
0x3: {  	s2 =	rddreg [dreg:$0x1];
	s13 =	simm.s32 $0x80;
	s22 =	simm.s32 $0x1  }
0x4: {  	s23 =	simm.s32 $0x10400;
	s24 =	simm.s32 $0x2;
	s28 =	simm.s32 $0x14800  }
0x5: {  	s29 =	simm.s32 $0x4;
	s30 =	simm.s32 $0x16A00;
	s31 =	simm.s32 $0x5  }
0x6: {  	s16 =	simm.s32 $0x9;
	s1 =	sand.u32 $0x1, s1;
	s4 =	sshll.u32 s3, $0x1  }
0x7: {  	s17 =	simm.s32 $0xA;
	s3 =	simm.s32 $0x0;
	s4 =	sor.u32 s1, s4  }
0x8: {  	s18 =	simm.s32 $0x0;
	[smem:$0x7FF] =	sst s3;
	s5 =	smul.u32 $0xC80, s4  }
0x9: {  	s1 =	ssub.s32 $0x2, s1;
	_ =	strace $0x80000047;
	s4 =	smul.u32 $0xC8, s4  }
0xa: {  	s25 =	sshrl.u32 s1, $0x1;
	s6 =	sadd.s32 s5, s0;
	s5 =	sadd.s32 $0xF42A00, s0  }
0xb: {  	v0 =	vlaneseq.u32;
	s0 =	ssub.s32 s1, s25;
	s7 =	sor.u32 $0x1, s4;
	s8 =	sor.u32 $0x2, s4  }
0xc: {  	v0 =	vmul.u32 $0x88, v0;
	s9 =	sor.u32 $0x3, s4;
	s10 =	sor.u32 $0x4, s4;
	s26 =	sadd.s32 $0x600, s6  }
0xd: {  	s25 =	simm.s32 $0x12600;
	s0 =	smax.u32 s0, $0x1;
	[dreg:$0x3] =	wrdreg s26  }
0xe: {  	v1 =	vadd.s32 $0x880, v0;
	v2 =	vadd.s32 $0x1100, v0;
	v3 =	vadd.s32 $0x1980, v0;
	s1 =	simm.s32 $0x18C00;
	[dreg:$0x4] =	wrdreg s0;
	s26 =	simm.s32 $0x3  }
.LBB2_1:
0xf: {  	s0 =	rddreg [dreg:$0x3];
	s6 =	simm.s32 $0xB  }
0x10: {  	[tilespmem:s3], [sflag:$0xB] =	stream.linear.gather [hbm4b:s0+s3], $0x6400, $0x38;
	[tilespmem:$0x1AE00] =	vst v63  }
0x11: {  	_ =	swait.ge [sflag:s6], $0x6400  }
0x12: {  	[sflag:s6] =	ssyncset.done $0x0  }
0x13: {  	s11 =	simm.s32 $0x6400;
	[sflag:s6] =	ssyncadd.s32 $0xFFFF9C00  }
0x14: {  	[tilespmem:s11], [sflag:$0x1] =	stream.indirect.gather [hbm4b:s5+s13], $0x40, s3, s13, $0xb8;
	[tilespmem:$0x1AE00] =	vst v63  }
0x15: {  	s12 =	simm.s32 $0x8400  }
0x16: {  	[tilespmem:s12], [sflag:$0x2] =	stream.indirect.gather [hbm4b:s5+s13], $0x40, s13, s13, $0xb8;
	[tilespmem:$0x1AE00] =	vst v63  }
0x17: {  	s14 =	simm.s32 $0x100;
	s6 =	simm.s32 $0xA400  }
0x18: {  	[tilespmem:s6], [sflag:$0x3] =	stream.indirect.gather [hbm4b:s5+s13], $0x40, s14, s13, $0xb8;
	[tilespmem:$0x1AE00] =	vst v63  }
0x19: {  	s15 =	simm.s32 $0x180;
	s19 =	simm.s32 $0xC400  }
0x1a: {  	[tilespmem:s19], [sflag:$0x4] =	stream.indirect.gather [hbm4b:s5+s13], $0x40, s15, s13, $0xb8;
	[tilespmem:$0x1AE00] =	vst v63  }
0x1b: {  	s20 =	simm.s32 $0x200;
	s21 =	simm.s32 $0xE400;
	s19 =	simm.s32 $0x0  }
0x1c: {  	[tilespmem:s21], [sflag:$0x5] =	stream.indirect.gather [hbm4b:s5+s13], $0x40, s20, s13, $0xb8;
	[tilespmem:$0x1AE00] =	vst v63  }
.LBB2_2:
0x1d: {  	_ =	swait.ge [sflag:s22], $0x2000  }
0x1e: {  	p0 =	seq.s32 s19, $0x0;
	[sflag:s22] =	ssyncset.done $0x0  }
0x1f: {  	s0 =	simm.s32 @!p0 $0x6;
	[sflag:s22] =	ssyncadd.s32 $0xFFFFE000  }
0x20: {  	s6 =	simm.s32 $0x3;
	_ =	swait.ge @!p0 [sflag:s0], $0x2000  }
0x21: {  	s21 =	simm.s32 $0x0;
	v4 =	vmov s6;
	[sflag:s0] =	ssyncset.done @!p0 $0x0  }
0x22: {  	s11 =	simm.s32 $0x1;
	s6 =	simm.s32 $0x6480;
	v5 =	vand.u32 $0x7F, v4;
	v4 =	vmov s21;
	[sflag:s0] =	ssyncadd.s32 @!p0 $0xFFFFE000  }
0x23: {  	v8 =	vadd.s32 v0, v5;
	v6 =	vand.u32 $0x7C, v4;
	v4 =	vmov s11;
	v7 =	vld [tilespmem:s6+$0x40]  }
0x24: {  	v10 =	vadd.s32 v0, v6;
	v11 =	vand.u32 $0x7D, v4;
	v9 =	vld [tilespmem:s6+$0xFFFFFF80]  }
0x25: {  	s12 =	simm.s32 $0x2;
	v12 =	vadd.s32 v0, v11;
	v4 =	vld [tilespmem:s6+$0xFFFFFFC0]  }
0x26: {  	v13 =	vmov s12  }
0x27: {  	v13 =	vand.u32 $0x7E, v13  }
0x28: {  	v15 =	vadd.s32 v0, v13;
	v14 =	vld [tilespmem:s6+$0x0];
	[tilespmem:v8+s23+$0x0] =	vst.idx.msk $0xffff, v7  }
0x29: {  	v8 =	vadd.s32 v1, v5;
	[tilespmem:v10+s23+$0x0] =	vst.idx.msk $0xffff, v9;
	v7 =	vld [tilespmem:s6+$0x50]  }
0x2a: {  	v10 =	vadd.s32 v1, v6;
	[tilespmem:v12+s23+$0x0] =	vst.idx.msk $0xffff, v4;
	v9 =	vld [tilespmem:s6+$0xFFFFFF90]  }
0x2b: {  	v12 =	vadd.s32 v1, v11;
	v4 =	vld [tilespmem:s6+$0xFFFFFFD0];
	_ =	sdelay $0x1  }
0x2c: {  	[tilespmem:v15+s23+$0x0] =	vst.idx.msk $0xffff, v14  }
0x2d: {  	v16 =	vadd.s32 v1, v13;
	v15 =	vld [tilespmem:s6+$0x10];
	[tilespmem:v8+s23+$0x0] =	vst.idx.msk $0xffff, v7  }
0x2e: {  	s14 =	simm.s32 $0x7;
	v14 =	vadd.s32 v2, v5;
	[tilespmem:v10+s23+$0x0] =	vst.idx.msk $0xffff, v9;
	v7 =	vld [tilespmem:s6+$0x60]  }
0x2f: {  	v10 =	vadd.s32 v2, v6;
	v8 =	vmov s14;
	[tilespmem:v12+s23+$0x0] =	vst.idx.msk $0xffff, v4;
	v9 =	vld [tilespmem:s6+$0xFFFFFFA0]  }
0x30: {  	s21 =	simm.s32 $0x6580;
	v17 =	vadd.s32 v2, v11;
	v8 =	vand.u32 $0x7F, v8;
	v12 =	vld [tilespmem:s6+$0xFFFFFFE0]  }
0x31: {  	s11 =	simm.s32 $0x4;
	v18 =	vld [tilespmem:s21+$0x40];
	v19 =	vadd.s32 v0, v8  }
0x32: {  	s15 =	simm.s32 $0x5;
	v4 =	vmov s11;
	[tilespmem:v16+s23+$0x0] =	vst.idx.msk $0xffff, v15  }
0x33: {  	v22 =	vmov s15;
	v4 =	vand.u32 $0x7C, v4;
	[tilespmem:v14+s23+$0x0] =	vst.idx.msk $0xffff, v7  }
0x34: {  	s20 =	simm.s32 $0x6;
	v20 =	vld [tilespmem:s21+$0xFFFFFF80];
	v21 =	vadd.s32 v0, v4;
	v7 =	vand.u32 $0x7D, v22;
	[tilespmem:v10+s23+$0x0] =	vst.idx.msk $0xffff, v9  }
0x35: {  	v14 =	vmov s20;
	v9 =	vld [tilespmem:s21+$0xFFFFFFC0];
	[tilespmem:v17+s23+$0x0] =	vst.idx.msk $0xffff, v12;
	v10 =	vadd.s32 v0, v7  }
0x36: {  	v16 =	vadd.s32 v3, v5;
	v12 =	vld [tilespmem:s6+$0x20];
	v5 =	vand.u32 $0x7E, v14;
	[tilespmem:v19+s23+$0x0] =	vst.idx.msk $0xffff, v18;
	v18 =	vadd.s32 v2, v13  }
0x37: {  	v14 =	vld [tilespmem:s21+$0x0];
	v63 =	vadd.s32 v0, v5  }
0x38: {  	v15 =	vld [tilespmem:s6+$0x70]  }
0x39: {  	[tilespmem:v21+s23+$0x0] =	vst.idx.msk $0xffff, v20;
	v20 =	vadd.s32 v1, v8;
	v19 =	vld [tilespmem:s21+$0x50]  }
0x3a: {  	v23 =	vadd.s32 v1, v4;
	v21 =	vld [tilespmem:s21+$0xFFFFFF90];
	[tilespmem:v10+s23+$0x0] =	vst.idx.msk $0xffff, v9  }
0x3b: {  	v25 =	vadd.s32 v3, v11;
	v24 =	vld [tilespmem:s6+$0xFFFFFFF0];
	[tilespmem:v18+s23+$0x0] =	vst.idx.msk $0xffff, v12  }
0x3c: {  	v18 =	vadd.s32 v1, v7;
	v17 =	vld [tilespmem:s21+$0xFFFFFFD0];
	[tilespmem:v63+s23+$0x0] =	vst.idx.msk $0xffff, v14  }
0x3d: {  	[tilespmem:v16+s23+$0x0] =	vst.idx.msk $0xffff, v15;
	v16 =	vadd.s32 v1, v5;
	v14 =	vld [tilespmem:s21+$0x10]  }
0x3e: {  	v15 =	vadd.s32 v3, v13;
	[tilespmem:v20+s23+$0x0] =	vst.idx.msk $0xffff, v19;
	v10 =	vld [tilespmem:s6+$0x30]  }
0x3f: {  	s12 =	simm.s32 $0xC;
	v12 =	vadd.s32 v2, v8;
	[tilespmem:v23+s23+$0x0] =	vst.idx.msk $0xffff, v21;
	v9 =	vld [tilespmem:s21+$0x60]  }
0x40: {  	s0 =	simm.s32 $0xB;
	s11 =	simm.s32 $0x8;
	s20 =	smul.u32 $0x5, s19;
	v13 =	vadd.s32 v2, v4;
	[tilespmem:v25+s23+$0x0] =	vst.idx.msk $0xffff, v24;
	v11 =	vld [tilespmem:s21+$0xFFFFFFA0]  }
.LBB2_3:
0x41: {  	p1 =	slt.u32 s12, $0x7C;
	v19 =	vmov s0;
	[tilespmem:v18+s23+$0x0] =	vst.idx.msk $0xffff, v17;
	v17 =	vld [tilespmem:s6+$0xFFFFFFB0];
	v18 =	vadd.s32 v3, v6;
	v6 =	vmov v4;
	s6 =	smov.u32 s21  }
0x42: {  	v4 =	vmov s11;
	v21 =	vadd.s32 v2, v7;
	s21 =	sadd.s32 $0x100, s21;
	v19 =	vand.u32 $0x7F, v19;
	v20 =	vld [tilespmem:s6+$0xFFFFFFE0];
	[tilespmem:v16+s23+$0x0] =	vst.idx.msk $0xffff, v14  }
0x43: {  	s0 =	sadd.s32 $0x1, s11;
	v4 =	vand.u32 $0x7C, v4;
	v14 =	vld [tilespmem:s21+$0x40];
	v16 =	vadd.s32 v0, v19;
	[tilespmem:v15+s23+$0x0] =	vst.idx.msk $0xffff, v10  }
0x44: {  	v22 =	vmov s0;
	s0 =	sadd.s32 $0x2, s11;
	s11 =	smov.u32 s12;
	v15 =	vadd.s32 v0, v4;
	v10 =	vld [tilespmem:s21+$0xFFFFFF80];
	[tilespmem:v12+s23+$0x0] =	vst.idx.msk $0xffff, v9  }
0x45: {  	v9 =	vand.u32 $0x7D, v22;
	v12 =	vmov s0;
	[tilespmem:v13+s23+$0x0] =	vst.idx.msk $0xffff, v11;
	v11 =	vld [tilespmem:s6+$0x70];
	v13 =	vadd.s32 v3, v8;
	v8 =	vmovc v19  }
0x46: {  	v22 =	vadd.s32 v0, v9;
	v12 =	vand.u32 $0x7E, v12;
	v19 =	vld [tilespmem:s21+$0xFFFFFFC0];
	[tilespmem:v18+s23+$0x0] =	vst.idx.msk $0xffff, v17  }
0x47: {  	v24 =	vadd.s32 v0, v12;
	v23 =	vld [tilespmem:s21+$0x0];
	[tilespmem:v21+s23+$0x0] =	vst.idx.msk $0xffff, v20  }
0x48: {  	v21 =	vadd.s32 v2, v5;
	[tilespmem:v16+s23+$0x0] =	vst.idx.msk $0xffff, v14;
	v20 =	vld [tilespmem:s6+$0x20]  }
0x49: {  	[tilespmem:v15+s23+$0x0] =	vst.idx.msk $0xffff, v10;
	v10 =	vld [tilespmem:s21+$0x50];
	v15 =	vadd.s32 v1, v8  }
0x4a: {  	v26 =	vadd.s32 v1, v4;
	v25 =	vld [tilespmem:s21+$0xFFFFFF90];
	[tilespmem:v13+s23+$0x0] =	vst.idx.msk $0xffff, v11  }
0x4b: {  	[tilespmem:v22+s23+$0x0] =	vst.idx.msk $0xffff, v19;
	v19 =	vld [tilespmem:s6+$0xFFFFFFF0];
	v22 =	vadd.s32 v3, v7;
	v7 =	vmov v9  }
.Ltmp0:
0x4c: {  	v17 =	vld [tilespmem:s21+$0xFFFFFFD0];
	v18 =	vadd.s32 v1, v7;
	[tilespmem:v24+s23+$0x0] =	vst.idx.msk $0xffff, v23;
	(pc) =	sbr.rel @p1 .LBB2_3-.Ltmp0, $4  }
0x4d: {  	v16 =	vadd.s32 v1, v12;
	v14 =	vld [tilespmem:s21+$0x10];
	[tilespmem:v21+s23+$0x0] =	vst.idx.msk $0xffff, v20  }
0x4e: {  	[tilespmem:v15+s23+$0x0] =	vst.idx.msk $0xffff, v10;
	v10 =	vld [tilespmem:s6+$0x30];
	v15 =	vadd.s32 v3, v5;
	v5 =	vmov v12  }
0x4f: {  	v12 =	vadd.s32 v2, v8;
	[tilespmem:v26+s23+$0x0] =	vst.idx.msk $0xffff, v25;
	v9 =	vld [tilespmem:s21+$0x60]  }
0x50: {  	s12 =	sadd.s32 $0x4, s12;
	s0 =	sadd.s32 $0x3, s11;
	v13 =	vadd.s32 v2, v4;
	v11 =	vld [tilespmem:s21+$0xFFFFFFA0];
	[tilespmem:v22+s23+$0x0] =	vst.idx.msk $0xffff, v19  }
0x51: {  	_ =	sdelay $0x2  }
0x52: {  	v19 =	vmov s0  }
0x53: {  	s12 =	sadd.s32 $0x1, s11;
	[tilespmem:v18+s23+$0x0] =	vst.idx.msk $0xffff, v17;
	v30 =	vld [tilespmem:s6+$0xFFFFFFB0];
	v6 =	vadd.s32 v3, v6;
	s14 =	sadd.s32 $0x100, s21;
	v21 =	vmov s11;
	v31 =	vand.u32 $0x7F, v19  }
0x54: {  	s15 =	sadd.s32 $0x2, s11;
	v32 =	vmov s12;
	[tilespmem:v16+s23+$0x0] =	vst.idx.msk $0xffff, v14;
	v33 =	vld [tilespmem:s14+$0x40];
	v21 =	vand.u32 $0x7C, v21;
	v34 =	vadd.s32 v0, v31  }
0x55: {  	v20 =	vmov s15;
	v22 =	vld [tilespmem:s14+$0xFFFFFF80];
	v19 =	vand.u32 $0x7D, v32;
	[tilespmem:v15+s23+$0x0] =	vst.idx.msk $0xffff, v10;
	v39 =	vadd.s32 v0, v21  }
0x56: {  	v35 =	vld [tilespmem:s14+$0xFFFFFFC0];
	v20 =	vand.u32 $0x7E, v20;
	v36 =	vadd.s32 v0, v19;
	[tilespmem:v12+s23+$0x0] =	vst.idx.msk $0xffff, v9  }
0x57: {  	v37 =	vld [tilespmem:s14+$0x0];
	v38 =	vadd.s32 v0, v20;
	[tilespmem:v13+s23+$0x0] =	vst.idx.msk $0xffff, v11  }
0x58: {  	v41 =	vadd.s32 v2, v7;
	v40 =	vld [tilespmem:s21+$0xFFFFFFE0];
	[tilespmem:v6+s23+$0x0] =	vst.idx.msk $0xffff, v30  }
0x59: {  	v49 =	vadd.s32 v2, v5;
	v48 =	vld [tilespmem:s21+$0x20];
	[tilespmem:v34+s23+$0x0] =	vst.idx.msk $0xffff, v33  }
0x5a: {  	v43 =	vadd.s32 v1, v31;
	[tilespmem:v39+s23+$0x0] =	vst.idx.msk $0xffff, v22;
	v14 =	vld [tilespmem:s14+$0x50]  }
0x5b: {  	v47 =	vadd.s32 v1, v21;
	[tilespmem:v36+s23+$0x0] =	vst.idx.msk $0xffff, v35;
	v46 =	vld [tilespmem:s14+$0xFFFFFF90]  }
0x5c: {  	v44 =	vadd.s32 v1, v19;
	[tilespmem:v38+s23+$0x0] =	vst.idx.msk $0xffff, v37;
	v10 =	vld [tilespmem:s14+$0xFFFFFFD0]  }
0x5d: {  	v45 =	vadd.s32 v1, v20;
	[tilespmem:v41+s23+$0x0] =	vst.idx.msk $0xffff, v40;
	v9 =	vld [tilespmem:s14+$0x10]  }
0x5e: {  	v8 =	vadd.s32 v3, v8;
	v42 =	vld [tilespmem:s21+$0x70];
	[tilespmem:v49+s23+$0x0] =	vst.idx.msk $0xffff, v48  }
0x5f: {  	v5 =	vadd.s32 v3, v5;
	v13 =	vld [tilespmem:s21+$0x30];
	[tilespmem:v43+s23+$0x0] =	vst.idx.msk $0xffff, v14  }
0x60: {  	v52 =	vadd.s32 v2, v31;
	[tilespmem:v47+s23+$0x0] =	vst.idx.msk $0xffff, v46;
	v14 =	vld [tilespmem:s14+$0x60]  }
0x61: {  	v57 =	vadd.s32 v2, v21;
	[tilespmem:v44+s23+$0x0] =	vst.idx.msk $0xffff, v10;
	v56 =	vld [tilespmem:s14+$0xFFFFFFA0]  }
0x62: {  	v53 =	vadd.s32 v2, v19;
	[tilespmem:v45+s23+$0x0] =	vst.idx.msk $0xffff, v9;
	v10 =	vld [tilespmem:s14+$0xFFFFFFE0]  }
0x63: {  	v55 =	vadd.s32 v2, v20;
	[tilespmem:v8+s23+$0x0] =	vst.idx.msk $0xffff, v42;
	v54 =	vld [tilespmem:s14+$0x20]  }
0x64: {  	v4 =	vadd.s32 v3, v4;
	v58 =	vld [tilespmem:s21+$0xFFFFFFB0];
	[tilespmem:v5+s23+$0x0] =	vst.idx.msk $0xffff, v13  }
0x65: {  	v51 =	vadd.s32 v3, v7;
	v50 =	vld [tilespmem:s21+$0xFFFFFFF0];
	[tilespmem:v52+s23+$0x0] =	vst.idx.msk $0xffff, v14  }
0x66: {  	v60 =	vadd.s32 v3, v31;
	[tilespmem:v57+s23+$0x0] =	vst.idx.msk $0xffff, v56;
	v59 =	vld [tilespmem:s14+$0x70]  }
0x67: {  	v63 =	vadd.s32 v3, v21;
	[tilespmem:v53+s23+$0x0] =	vst.idx.msk $0xffff, v10;
	v5 =	vld [tilespmem:s14+$0xFFFFFFB0]  }
0x68: {  	v61 =	vadd.s32 v3, v19;
	[tilespmem:v55+s23+$0x0] =	vst.idx.msk $0xffff, v54;
	v10 =	vld [tilespmem:s14+$0xFFFFFFF0]  }
0x69: {  	v62 =	vadd.s32 v3, v20;
	[tilespmem:v4+s23+$0x0] =	vst.idx.msk $0xffff, v58;
	v6 =	vld [tilespmem:s14+$0x30]  }
0x6a: {  	p1 =	seq.s32 s19, $0x27;
	[tilespmem:v51+s23+$0x0] =	vst.idx.msk $0xffff, v50  }
0x6b: {  	s0 =	smul.u32 @!p1 $0xA00, s19;
	[tilespmem:v60+s23+$0x0] =	vst.idx.msk $0xffff, v59  }
0x6c: {  	[tilespmem:v63+s23+$0x0] =	vst.idx.msk $0xffff, v5  }
0x6d: {  	s6 =	simm.s32 @!p1 $0x80;
	s12 =	sadd.s32 s4, s20;
	s21 =	sshra.s32 @!p1 s0, $0x2;
	[tilespmem:v61+s23+$0x0] =	vst.idx.msk $0xffff, v10  }
0x6e: {  	s11 =	simm.s32 @!p1 $0x6400;
	s0 =	sadd.s32 @!p1 $0x280, s21;
	s14 =	sshll.u32 s12, $0x7;
	[tilespmem:v62+s23+$0x0] =	vst.idx.msk $0xffff, v6  }
0x6f: {  	[tilespmem:s11], [sflag:$0x1] =	stream.indirect.gather @!p1 [hbm4b:s5+s6], $0x40, s0, s6, $0xb8;
	[tilespmem:$0x1AE00] =	vst v63  }
0x70: {  	s0 =	sshll.u32 s12, $0xA;
	s6 =	sand.u32 $0x3F80, s14  }
0x71: {  	s0 =	sand.u32 $0xFFE0000, s0;
	s6 =	sadd.s32 s2, s6  }
0x72: {  	s15 =	simm.s32 $0x10400;
	s6 =	sadd.s32 s0, s6  }
0x73: {  	[hbm4b:s6+s3] =	stream.linear.scatter [tilespmem:s15], [sflag:$0x6], $0x80, $0x38;
	[tilespmem:$0x1AE00] =	vst v63  }
0x74: {  	s11 =	simm.s32 $0x10488;
	s12 =	sadd.s32 $0x10, s6  }
0x75: {  	[hbm4b:s12+s3] =	stream.linear.scatter [tilespmem:s11], [sflag:$0x6], $0x80, $0x38;
	[tilespmem:$0x1AE00] =	vst v63  }
0x76: {  	s14 =	simm.s32 $0x10510;
	s15 =	sadd.s32 $0x20, s6  }
0x77: {  	[hbm4b:s15+s3] =	stream.linear.scatter [tilespmem:s14], [sflag:$0x6], $0x80, $0x38;
	[tilespmem:$0x1AE00] =	vst v63  }
0x78: {  	s11 =	simm.s32 $0x10598;
	s12 =	sadd.s32 $0x30, s6  }
0x79: {  	[hbm4b:s12+s3] =	stream.linear.scatter [tilespmem:s11], [sflag:$0x6], $0x80, $0x38;
	[tilespmem:$0x1AE00] =	vst v63  }
0x7a: {  	s14 =	simm.s32 $0x10620;
	s15 =	sadd.s32 $0x40, s6  }
0x7b: {  	[hbm4b:s15+s3] =	stream.linear.scatter [tilespmem:s14], [sflag:$0x6], $0x80, $0x38;
	[tilespmem:$0x1AE00] =	vst v63  }
0x7c: {  	s0 =	simm.s32 $0x440;
	s11 =	simm.s32 $0x106A8;
	s12 =	sadd.s32 $0x50, s6  }
0x7d: {  	[hbm4b:s12+s3] =	stream.linear.scatter [tilespmem:s11], [sflag:$0x6], $0x80, $0x38;
	[tilespmem:$0x1AE00] =	vst v63  }
0x7e: {  	s14 =	simm.s32 $0x10730;
	s15 =	sadd.s32 $0x60, s6;
	s11 =	simm.s32 $0x2200  }
0x7f: {  	[hbm4b:s15+s3] =	stream.linear.scatter [tilespmem:s14], [sflag:$0x6], $0x80, $0x38;
	[tilespmem:$0x1AE00] =	vst v63  }
0x80: {  	s12 =	simm.s32 $0x107B8;
	s14 =	sadd.s32 $0x70, s6;
	s6 =	sadd.s32 $0x4000, s6  }
.LBB2_5:
0x81: {  	[hbm4b:s14+s3] =	stream.linear.scatter [tilespmem:s12], [sflag:$0x6], $0x80, $0x38;
	[tilespmem:$0x1AE00] =	vst v63  }
0x82: {  	s12 =	smov.u32 s0;
	s0 =	smov.u32 s11  }
0x83: {  	s15 =	sadd.s32 $0x1100, s11;
	s0 =	sshra.s32 s0, $0x2;
	s14 =	sadd.s32 $0x10400, s12  }
0x84: {  	[hbm4b:s6+s3] =	stream.linear.scatter [tilespmem:s14], [sflag:$0x6], $0x80, $0x38;
	[tilespmem:$0x1AE00] =	vst v63  }
0x85: {  	p2 =	sne.s32 s11, $0x7700;
	s11 =	sadd.s32 $0x10488, s12;
	s14 =	sadd.s32 $0x10, s6  }
0x86: {  	[hbm4b:s14+s3] =	stream.linear.scatter [tilespmem:s11], [sflag:$0x6], $0x80, $0x38;
	[tilespmem:$0x1AE00] =	vst v63  }
0x87: {  	s11 =	sadd.s32 $0x10510, s12;
	s14 =	sadd.s32 $0x20, s6  }
0x88: {  	[hbm4b:s14+s3] =	stream.linear.scatter [tilespmem:s11], [sflag:$0x6], $0x80, $0x38;
	[tilespmem:$0x1AE00] =	vst v63  }
0x89: {  	s11 =	sadd.s32 $0x10598, s12;
	s14 =	sadd.s32 $0x30, s6  }
0x8a: {  	[hbm4b:s14+s3] =	stream.linear.scatter [tilespmem:s11], [sflag:$0x6], $0x80, $0x38;
	[tilespmem:$0x1AE00] =	vst v63  }
0x8b: {  	s11 =	sadd.s32 $0x10620, s12;
	s14 =	sadd.s32 $0x40, s6  }
0x8c: {  	[hbm4b:s14+s3] =	stream.linear.scatter [tilespmem:s11], [sflag:$0x6], $0x80, $0x38;
	[tilespmem:$0x1AE00] =	vst v63  }
.Ltmp1:
0x8d: {  	s11 =	sadd.s32 $0x106A8, s12;
	s14 =	sadd.s32 $0x50, s6;
	(pc) =	sbr.rel @p2 .LBB2_5-.Ltmp1, $4  }
0x8e: {  	[hbm4b:s14+s3] =	stream.linear.scatter [tilespmem:s11], [sflag:$0x6], $0x80, $0x38;
	[tilespmem:$0x1AE00] =	vst v63  }
0x8f: {  	s11 =	sadd.s32 $0x10730, s12;
	s14 =	sadd.s32 $0x60, s6;
	s12 =	sadd.s32 $0x107B8, s12  }
0x90: {  	[hbm4b:s14+s3] =	stream.linear.scatter [tilespmem:s11], [sflag:$0x6], $0x80, $0x38;
	[tilespmem:$0x1AE00] =	vst v63  }
0x91: {  	s14 =	sadd.s32 $0x70, s6;
	s6 =	sadd.s32 $0x4000, s6;
	s11 =	smov.u32 s15  }
0x92: {  	[hbm4b:s14+s3] =	stream.linear.scatter [tilespmem:s12], [sflag:$0x6], $0x80, $0x38;
	[tilespmem:$0x1AE00] =	vst v63  }
0x93: {  	s11 =	sadd.s32 $0x10400, s0  }
0x94: {  	[hbm4b:s6+s3] =	stream.linear.scatter [tilespmem:s11], [sflag:$0x6], $0x80, $0x38;
	[tilespmem:$0x1AE00] =	vst v63  }
0x95: {  	s14 =	sadd.s32 $0x10488, s0;
	s15 =	sadd.s32 $0x10, s6  }
0x96: {  	[hbm4b:s15+s3] =	stream.linear.scatter [tilespmem:s14], [sflag:$0x6], $0x80, $0x38;
	[tilespmem:$0x1AE00] =	vst v63  }
0x97: {  	s14 =	sadd.s32 $0x10510, s0;
	s15 =	sadd.s32 $0x20, s6  }
0x98: {  	[hbm4b:s15+s3] =	stream.linear.scatter [tilespmem:s14], [sflag:$0x6], $0x80, $0x38;
	[tilespmem:$0x1AE00] =	vst v63  }
0x99: {  	s14 =	sadd.s32 $0x10598, s0;
	s15 =	sadd.s32 $0x30, s6  }
0x9a: {  	[hbm4b:s15+s3] =	stream.linear.scatter [tilespmem:s14], [sflag:$0x6], $0x80, $0x38;
	[tilespmem:$0x1AE00] =	vst v63  }
0x9b: {  	s14 =	sadd.s32 $0x10620, s0;
	s15 =	sadd.s32 $0x40, s6  }
0x9c: {  	[hbm4b:s15+s3] =	stream.linear.scatter [tilespmem:s14], [sflag:$0x6], $0x80, $0x38;
	[tilespmem:$0x1AE00] =	vst v63  }
0x9d: {  	s14 =	sadd.s32 $0x106A8, s0;
	s15 =	sadd.s32 $0x50, s6  }
0x9e: {  	[hbm4b:s15+s3] =	stream.linear.scatter [tilespmem:s14], [sflag:$0x6], $0x80, $0x38;
	[tilespmem:$0x1AE00] =	vst v63  }
0x9f: {  	s14 =	sadd.s32 $0x10730, s0;
	s15 =	sadd.s32 $0x60, s6  }
0xa0: {  	[hbm4b:s15+s3] =	stream.linear.scatter [tilespmem:s14], [sflag:$0x6], $0x80, $0x38;
	[tilespmem:$0x1AE00] =	vst v63  }
0xa1: {  	s14 =	sadd.s32 $0x107B8, s0;
	s15 =	sadd.s32 $0x70, s6  }
0xa2: {  	[hbm4b:s15+s3] =	stream.linear.scatter [tilespmem:s14], [sflag:$0x6], $0x80, $0x38;
	[tilespmem:$0x1AE00] =	vst v63  }
0xa3: {  	_ =	swait.ge [sflag:s24], $0x2000  }
0xa4: {  	[sflag:s24] =	ssyncset.done $0x0  }
0xa5: {  	s0 =	simm.s32 @!p0 $0x7;
	[sflag:s24] =	ssyncadd.s32 $0xFFFFE000  }
0xa6: {  	s11 =	simm.s32 $0x3;
	_ =	swait.ge @!p0 [sflag:s0], $0x2000  }
0xa7: {  	s12 =	simm.s32 $0x0;
	v4 =	vmov s11;
	[sflag:s0] =	ssyncset.done @!p0 $0x0  }
0xa8: {  	s11 =	simm.s32 $0x84F0;
	v5 =	vand.u32 $0x7F, v4;
	v4 =	vmov s12;
	s14 =	simm.s32 $0x1;
	[sflag:s0] =	ssyncadd.s32 @!p0 $0xFFFFE000  }
0xa9: {  	v8 =	vadd.s32 v0, v5;
	v6 =	vand.u32 $0x7C, v4;
	v4 =	vmov s14;
	v7 =	vld [tilespmem:s11+$0xFFFFFFD0]  }
0xaa: {  	v10 =	vadd.s32 v0, v6;
	v11 =	vand.u32 $0x7D, v4;
	v9 =	vld [tilespmem:s11+$0xFFFFFF10]  }
0xab: {  	s15 =	simm.s32 $0x2;
	v12 =	vadd.s32 v0, v11;
	v4 =	vld [tilespmem:s11+$0xFFFFFF50]  }
0xac: {  	v13 =	vmov s15  }
0xad: {  	v13 =	vand.u32 $0x7E, v13  }
0xae: {  	v15 =	vadd.s32 v0, v13;
	v14 =	vld [tilespmem:s11+$0xFFFFFF90];
	[tilespmem:v8+s25+$0x0] =	vst.idx.msk $0xffff, v7  }
0xaf: {  	v8 =	vadd.s32 v1, v5;
	[tilespmem:v10+s25+$0x0] =	vst.idx.msk $0xffff, v9;
	v7 =	vld [tilespmem:s11+$0xFFFFFFE0]  }
0xb0: {  	v10 =	vadd.s32 v1, v6;
	[tilespmem:v12+s25+$0x0] =	vst.idx.msk $0xffff, v4;
	v9 =	vld [tilespmem:s11+$0xFFFFFF20]  }
0xb1: {  	v12 =	vadd.s32 v1, v11;
	v4 =	vld [tilespmem:s11+$0xFFFFFF60];
	_ =	sdelay $0x1  }
0xb2: {  	[tilespmem:v15+s25+$0x0] =	vst.idx.msk $0xffff, v14  }
0xb3: {  	v16 =	vadd.s32 v1, v13;
	v15 =	vld [tilespmem:s11+$0xFFFFFFA0];
	[tilespmem:v8+s25+$0x0] =	vst.idx.msk $0xffff, v7  }
0xb4: {  	s6 =	simm.s32 $0x7;
	v14 =	vadd.s32 v2, v5;
	[tilespmem:v10+s25+$0x0] =	vst.idx.msk $0xffff, v9;
	v7 =	vld [tilespmem:s11+$0xFFFFFFF0]  }
0xb5: {  	v10 =	vadd.s32 v2, v6;
	v8 =	vmov s6;
	[tilespmem:v12+s25+$0x0] =	vst.idx.msk $0xffff, v4;
	v9 =	vld [tilespmem:s11+$0xFFFFFF30]  }
0xb6: {  	v17 =	vadd.s32 v2, v11;
	s6 =	simm.s32 $0x85F0;
	v8 =	vand.u32 $0x7F, v8;
	v12 =	vld [tilespmem:s11+$0xFFFFFF70]  }
0xb7: {  	s12 =	simm.s32 $0x4;
	v18 =	vld [tilespmem:s6+$0xFFFFFFD0];
	v19 =	vadd.s32 v0, v8  }
0xb8: {  	s14 =	simm.s32 $0x5;
	v4 =	vmov s12;
	[tilespmem:v16+s25+$0x0] =	vst.idx.msk $0xffff, v15  }
0xb9: {  	v22 =	vmov s14;
	v4 =	vand.u32 $0x7C, v4;
	[tilespmem:v14+s25+$0x0] =	vst.idx.msk $0xffff, v7  }
0xba: {  	s15 =	simm.s32 $0x6;
	v20 =	vld [tilespmem:s6+$0xFFFFFF10];
	v21 =	vadd.s32 v0, v4;
	v7 =	vand.u32 $0x7D, v22;
	[tilespmem:v10+s25+$0x0] =	vst.idx.msk $0xffff, v9  }
0xbb: {  	v14 =	vmov s15;
	v9 =	vld [tilespmem:s6+$0xFFFFFF50];
	[tilespmem:v17+s25+$0x0] =	vst.idx.msk $0xffff, v12;
	v10 =	vadd.s32 v0, v7  }
0xbc: {  	v16 =	vadd.s32 v3, v5;
	v12 =	vld [tilespmem:s11+$0xFFFFFFB0];
	v5 =	vand.u32 $0x7E, v14;
	[tilespmem:v19+s25+$0x0] =	vst.idx.msk $0xffff, v18;
	v18 =	vadd.s32 v2, v13  }
0xbd: {  	v14 =	vld [tilespmem:s6+$0xFFFFFF90];
	v63 =	vadd.s32 v0, v5  }
0xbe: {  	v15 =	vld [tilespmem:s11+$0x0]  }
0xbf: {  	[tilespmem:v21+s25+$0x0] =	vst.idx.msk $0xffff, v20;
	v20 =	vadd.s32 v1, v8;
	v19 =	vld [tilespmem:s6+$0xFFFFFFE0]  }
0xc0: {  	v23 =	vadd.s32 v1, v4;
	v21 =	vld [tilespmem:s6+$0xFFFFFF20];
	[tilespmem:v10+s25+$0x0] =	vst.idx.msk $0xffff, v9  }
0xc1: {  	v25 =	vadd.s32 v3, v11;
	v24 =	vld [tilespmem:s11+$0xFFFFFF80];
	[tilespmem:v18+s25+$0x0] =	vst.idx.msk $0xffff, v12  }
0xc2: {  	v18 =	vadd.s32 v1, v7;
	v17 =	vld [tilespmem:s6+$0xFFFFFF60];
	[tilespmem:v63+s25+$0x0] =	vst.idx.msk $0xffff, v14  }
0xc3: {  	[tilespmem:v16+s25+$0x0] =	vst.idx.msk $0xffff, v15;
	v16 =	vadd.s32 v1, v5;
	v15 =	vld [tilespmem:s6+$0xFFFFFFA0]  }
0xc4: {  	[tilespmem:v20+s25+$0x0] =	vst.idx.msk $0xffff, v19;
	v11 =	vld [tilespmem:s11+$0xFFFFFFC0];
	v14 =	vadd.s32 v3, v13  }
0xc5: {  	v12 =	vadd.s32 v2, v8;
	[tilespmem:v23+s25+$0x0] =	vst.idx.msk $0xffff, v21;
	v9 =	vld [tilespmem:s6+$0xFFFFFFF0]  }
0xc6: {  	s14 =	simm.s32 $0xB;
	s0 =	simm.s32 $0xC;
	s12 =	simm.s32 $0x8;
	[tilespmem:v25+s25+$0x0] =	vst.idx.msk $0xffff, v24;
	v13 =	vadd.s32 v2, v4;
	v10 =	vld [tilespmem:s6+$0xFFFFFF30]  }
.LBB2_7:
0xc7: {  	p2 =	slt.u32 s0, $0x7C;
	v19 =	vmov s14;
	[tilespmem:v18+s25+$0x0] =	vst.idx.msk $0xffff, v17;
	v17 =	vld [tilespmem:s11+$0xFFFFFF40];
	v18 =	vadd.s32 v3, v6;
	v6 =	vmov v4;
	s11 =	smov.u32 s6  }
0xc8: {  	v4 =	vmov s12;
	v21 =	vadd.s32 v2, v7;
	s6 =	sadd.s32 $0x100, s6;
	v19 =	vand.u32 $0x7F, v19;
	v20 =	vld [tilespmem:s11+$0xFFFFFF70];
	[tilespmem:v16+s25+$0x0] =	vst.idx.msk $0xffff, v15  }
0xc9: {  	s14 =	sadd.s32 $0x1, s12;
	v4 =	vand.u32 $0x7C, v4;
	v15 =	vld [tilespmem:s6+$0xFFFFFFD0];
	v16 =	vadd.s32 v0, v19;
	[tilespmem:v14+s25+$0x0] =	vst.idx.msk $0xffff, v11  }
0xca: {  	v22 =	vmov s14;
	s14 =	sadd.s32 $0x2, s12;
	s12 =	smov.u32 s0;
	v14 =	vadd.s32 v0, v4;
	v11 =	vld [tilespmem:s6+$0xFFFFFF10];
	[tilespmem:v12+s25+$0x0] =	vst.idx.msk $0xffff, v9  }
0xcb: {  	v9 =	vand.u32 $0x7D, v22;
	v12 =	vmov s14;
	[tilespmem:v13+s25+$0x0] =	vst.idx.msk $0xffff, v10;
	v10 =	vld [tilespmem:s11+$0x0];
	v13 =	vadd.s32 v3, v8;
	v8 =	vmovc v19  }
0xcc: {  	v22 =	vadd.s32 v0, v9;
	v12 =	vand.u32 $0x7E, v12;
	v19 =	vld [tilespmem:s6+$0xFFFFFF50];
	[tilespmem:v18+s25+$0x0] =	vst.idx.msk $0xffff, v17  }
0xcd: {  	v24 =	vadd.s32 v0, v12;
	v23 =	vld [tilespmem:s6+$0xFFFFFF90];
	[tilespmem:v21+s25+$0x0] =	vst.idx.msk $0xffff, v20  }
0xce: {  	v21 =	vadd.s32 v2, v5;
	[tilespmem:v16+s25+$0x0] =	vst.idx.msk $0xffff, v15;
	v20 =	vld [tilespmem:s11+$0xFFFFFFB0]  }
0xcf: {  	[tilespmem:v14+s25+$0x0] =	vst.idx.msk $0xffff, v11;
	v11 =	vld [tilespmem:s6+$0xFFFFFFE0];
	v14 =	vadd.s32 v1, v8  }
0xd0: {  	v26 =	vadd.s32 v1, v4;
	v25 =	vld [tilespmem:s6+$0xFFFFFF20];
	[tilespmem:v13+s25+$0x0] =	vst.idx.msk $0xffff, v10  }
0xd1: {  	[tilespmem:v22+s25+$0x0] =	vst.idx.msk $0xffff, v19;
	v19 =	vld [tilespmem:s11+$0xFFFFFF80];
	v22 =	vadd.s32 v3, v7;
	v7 =	vmov v9  }
.Ltmp2:
0xd2: {  	v17 =	vld [tilespmem:s6+$0xFFFFFF60];
	v18 =	vadd.s32 v1, v7;
	[tilespmem:v24+s25+$0x0] =	vst.idx.msk $0xffff, v23;
	(pc) =	sbr.rel @p2 .LBB2_7-.Ltmp2, $4  }
0xd3: {  	v16 =	vadd.s32 v1, v12;
	v15 =	vld [tilespmem:s6+$0xFFFFFFA0];
	[tilespmem:v21+s25+$0x0] =	vst.idx.msk $0xffff, v20  }
0xd4: {  	[tilespmem:v14+s25+$0x0] =	vst.idx.msk $0xffff, v11;
	v11 =	vld [tilespmem:s11+$0xFFFFFFC0];
	v14 =	vadd.s32 v3, v5;
	v5 =	vmov v12  }
0xd5: {  	v12 =	vadd.s32 v2, v8;
	[tilespmem:v26+s25+$0x0] =	vst.idx.msk $0xffff, v25;
	v9 =	vld [tilespmem:s6+$0xFFFFFFF0]  }
0xd6: {  	s0 =	sadd.s32 $0x4, s0;
	s14 =	sadd.s32 $0x3, s12;
	v13 =	vadd.s32 v2, v4;
	v10 =	vld [tilespmem:s6+$0xFFFFFF30];
	[tilespmem:v22+s25+$0x0] =	vst.idx.msk $0xffff, v19  }
0xd7: {  	_ =	sdelay $0x2  }
0xd8: {  	v19 =	vmov s14  }
0xd9: {  	s15 =	sadd.s32 $0x1, s12;
	[tilespmem:v18+s25+$0x0] =	vst.idx.msk $0xffff, v17;
	v30 =	vld [tilespmem:s11+$0xFFFFFF40];
	v6 =	vadd.s32 v3, v6;
	s0 =	sadd.s32 $0x100, s6;
	v21 =	vmov s12;
	v31 =	vand.u32 $0x7F, v19  }
0xda: {  	v32 =	vmov s15;
	s15 =	sadd.s32 $0x2, s12;
	[tilespmem:v16+s25+$0x0] =	vst.idx.msk $0xffff, v15;
	v33 =	vld [tilespmem:s0+$0xFFFFFFD0];
	v21 =	vand.u32 $0x7C, v21;
	v34 =	vadd.s32 v0, v31  }
0xdb: {  	v22 =	vld [tilespmem:s0+$0xFFFFFF10];
	v19 =	vand.u32 $0x7D, v32;
	v20 =	vmov s15;
	[tilespmem:v14+s25+$0x0] =	vst.idx.msk $0xffff, v11;
	v39 =	vadd.s32 v0, v21  }
0xdc: {  	v35 =	vld [tilespmem:s0+$0xFFFFFF50];
	v36 =	vadd.s32 v0, v19;
	v20 =	vand.u32 $0x7E, v20;
	[tilespmem:v12+s25+$0x0] =	vst.idx.msk $0xffff, v9  }
0xdd: {  	v37 =	vld [tilespmem:s0+$0xFFFFFF90];
	v38 =	vadd.s32 v0, v20;
	[tilespmem:v13+s25+$0x0] =	vst.idx.msk $0xffff, v10  }
0xde: {  	v41 =	vadd.s32 v2, v7;
	v40 =	vld [tilespmem:s6+$0xFFFFFF70];
	[tilespmem:v6+s25+$0x0] =	vst.idx.msk $0xffff, v30  }
0xdf: {  	v49 =	vadd.s32 v2, v5;
	v48 =	vld [tilespmem:s6+$0xFFFFFFB0];
	[tilespmem:v34+s25+$0x0] =	vst.idx.msk $0xffff, v33  }
0xe0: {  	v43 =	vadd.s32 v1, v31;
	[tilespmem:v39+s25+$0x0] =	vst.idx.msk $0xffff, v22;
	v15 =	vld [tilespmem:s0+$0xFFFFFFE0]  }
0xe1: {  	v47 =	vadd.s32 v1, v21;
	[tilespmem:v36+s25+$0x0] =	vst.idx.msk $0xffff, v35;
	v46 =	vld [tilespmem:s0+$0xFFFFFF20]  }
0xe2: {  	v44 =	vadd.s32 v1, v19;
	v11 =	vld [tilespmem:s0+$0xFFFFFF60];
	[tilespmem:v38+s25+$0x0] =	vst.idx.msk $0xffff, v37  }
0xe3: {  	v45 =	vadd.s32 v1, v20;
	[tilespmem:v41+s25+$0x0] =	vst.idx.msk $0xffff, v40;
	v9 =	vld [tilespmem:s0+$0xFFFFFFA0]  }
0xe4: {  	v8 =	vadd.s32 v3, v8;
	v42 =	vld [tilespmem:s6+$0x0];
	[tilespmem:v49+s25+$0x0] =	vst.idx.msk $0xffff, v48  }
0xe5: {  	v5 =	vadd.s32 v3, v5;
	v13 =	vld [tilespmem:s6+$0xFFFFFFC0];
	[tilespmem:v43+s25+$0x0] =	vst.idx.msk $0xffff, v15  }
0xe6: {  	v52 =	vadd.s32 v2, v31;
	[tilespmem:v47+s25+$0x0] =	vst.idx.msk $0xffff, v46;
	v15 =	vld [tilespmem:s0+$0xFFFFFFF0]  }
0xe7: {  	v57 =	vadd.s32 v2, v21;
	[tilespmem:v44+s25+$0x0] =	vst.idx.msk $0xffff, v11;
	v56 =	vld [tilespmem:s0+$0xFFFFFF30]  }
0xe8: {  	v53 =	vadd.s32 v2, v19;
	v11 =	vld [tilespmem:s0+$0xFFFFFF70];
	[tilespmem:v45+s25+$0x0] =	vst.idx.msk $0xffff, v9  }
0xe9: {  	v55 =	vadd.s32 v2, v20;
	[tilespmem:v8+s25+$0x0] =	vst.idx.msk $0xffff, v42;
	v54 =	vld [tilespmem:s0+$0xFFFFFFB0]  }
0xea: {  	v4 =	vadd.s32 v3, v4;
	v58 =	vld [tilespmem:s6+$0xFFFFFF40];
	[tilespmem:v5+s25+$0x0] =	vst.idx.msk $0xffff, v13  }
0xeb: {  	v51 =	vadd.s32 v3, v7;
	v50 =	vld [tilespmem:s6+$0xFFFFFF80];
	[tilespmem:v52+s25+$0x0] =	vst.idx.msk $0xffff, v15  }
0xec: {  	v60 =	vadd.s32 v3, v31;
	[tilespmem:v57+s25+$0x0] =	vst.idx.msk $0xffff, v56;
	v59 =	vld [tilespmem:s0+$0x0]  }
0xed: {  	v63 =	vadd.s32 v3, v21;
	[tilespmem:v53+s25+$0x0] =	vst.idx.msk $0xffff, v11;
	v5 =	vld [tilespmem:s0+$0xFFFFFF40]  }
0xee: {  	v61 =	vadd.s32 v3, v19;
	v11 =	vld [tilespmem:s0+$0xFFFFFF80];
	[tilespmem:v55+s25+$0x0] =	vst.idx.msk $0xffff, v54  }
0xef: {  	v62 =	vadd.s32 v3, v20;
	[tilespmem:v4+s25+$0x0] =	vst.idx.msk $0xffff, v58;
	v6 =	vld [tilespmem:s0+$0xFFFFFFC0]  }
0xf0: {  	[tilespmem:v51+s25+$0x0] =	vst.idx.msk $0xffff, v50  }
0xf1: {  	[tilespmem:v60+s25+$0x0] =	vst.idx.msk $0xffff, v59  }
0xf2: {  	[tilespmem:v63+s25+$0x0] =	vst.idx.msk $0xffff, v5  }
0xf3: {  	s11 =	simm.s32 @!p1 $0x8400;
	s12 =	sadd.s32 s20, s7;
	[tilespmem:v61+s25+$0x0] =	vst.idx.msk $0xffff, v11  }
0xf4: {  	s14 =	sshll.u32 s12, $0x7;
	s6 =	simm.s32 @!p1 $0x80;
	s0 =	sadd.s32 @!p1 $0x300, s21;
	[tilespmem:v62+s25+$0x0] =	vst.idx.msk $0xffff, v6  }
0xf5: {  	[tilespmem:s11], [sflag:$0x2] =	stream.indirect.gather @!p1 [hbm4b:s5+s6], $0x40, s0, s6, $0xb8;
	[tilespmem:$0x1AE00] =	vst v63  }
0xf6: {  	s0 =	sshll.u32 s12, $0xA;
	s6 =	sand.u32 $0x3F80, s14  }
0xf7: {  	s0 =	sand.u32 $0xFFE0000, s0;
	s6 =	sadd.s32 s2, s6  }
0xf8: {  	s15 =	simm.s32 $0x12600;
	s6 =	sadd.s32 s0, s6  }
0xf9: {  	[hbm4b:s6+s3] =	stream.linear.scatter [tilespmem:s15], [sflag:$0x7], $0x80, $0x38;
	[tilespmem:$0x1AE00] =	vst v63  }
0xfa: {  	s11 =	simm.s32 $0x12688;
	s12 =	sadd.s32 $0x10, s6  }
0xfb: {  	[hbm4b:s12+s3] =	stream.linear.scatter [tilespmem:s11], [sflag:$0x7], $0x80, $0x38;
	[tilespmem:$0x1AE00] =	vst v63  }
0xfc: {  	s14 =	simm.s32 $0x12710;
	s15 =	sadd.s32 $0x20, s6  }
0xfd: {  	[hbm4b:s15+s3] =	stream.linear.scatter [tilespmem:s14], [sflag:$0x7], $0x80, $0x38;
	[tilespmem:$0x1AE00] =	vst v63  }
0xfe: {  	s11 =	simm.s32 $0x12798;
	s12 =	sadd.s32 $0x30, s6  }
0xff: {  	[hbm4b:s12+s3] =	stream.linear.scatter [tilespmem:s11], [sflag:$0x7], $0x80, $0x38;
	[tilespmem:$0x1AE00] =	vst v63  }
0x100: {  	s14 =	simm.s32 $0x12820;
	s15 =	sadd.s32 $0x40, s6  }
0x101: {  	[hbm4b:s15+s3] =	stream.linear.scatter [tilespmem:s14], [sflag:$0x7], $0x80, $0x38;
	[tilespmem:$0x1AE00] =	vst v63  }
0x102: {  	s0 =	simm.s32 $0x440;
	s11 =	simm.s32 $0x128A8;
	s12 =	sadd.s32 $0x50, s6  }
0x103: {  	[hbm4b:s12+s3] =	stream.linear.scatter [tilespmem:s11], [sflag:$0x7], $0x80, $0x38;
	[tilespmem:$0x1AE00] =	vst v63  }
0x104: {  	s14 =	simm.s32 $0x12930;
	s15 =	sadd.s32 $0x60, s6;
	s11 =	simm.s32 $0x2200  }
0x105: {  	[hbm4b:s15+s3] =	stream.linear.scatter [tilespmem:s14], [sflag:$0x7], $0x80, $0x38;
	[tilespmem:$0x1AE00] =	vst v63  }
0x106: {  	s12 =	simm.s32 $0x129B8;
	s14 =	sadd.s32 $0x70, s6;
	s6 =	sadd.s32 $0x4000, s6  }
.LBB2_9:
0x107: {  	[hbm4b:s14+s3] =	stream.linear.scatter [tilespmem:s12], [sflag:$0x7], $0x80, $0x38;
	[tilespmem:$0x1AE00] =	vst v63  }
0x108: {  	s12 =	smov.u32 s0;
	s0 =	smov.u32 s11  }
0x109: {  	s15 =	sadd.s32 $0x1100, s11;
	s0 =	sshra.s32 s0, $0x2;
	s14 =	sadd.s32 $0x12600, s12  }
0x10a: {  	[hbm4b:s6+s3] =	stream.linear.scatter [tilespmem:s14], [sflag:$0x7], $0x80, $0x38;
	[tilespmem:$0x1AE00] =	vst v63  }
0x10b: {  	p2 =	sne.s32 s11, $0x7700;
	s11 =	sadd.s32 $0x12688, s12;
	s14 =	sadd.s32 $0x10, s6  }
0x10c: {  	[hbm4b:s14+s3] =	stream.linear.scatter [tilespmem:s11], [sflag:$0x7], $0x80, $0x38;
	[tilespmem:$0x1AE00] =	vst v63  }
0x10d: {  	s11 =	sadd.s32 $0x12710, s12;
	s14 =	sadd.s32 $0x20, s6  }
0x10e: {  	[hbm4b:s14+s3] =	stream.linear.scatter [tilespmem:s11], [sflag:$0x7], $0x80, $0x38;
	[tilespmem:$0x1AE00] =	vst v63  }
0x10f: {  	s11 =	sadd.s32 $0x12798, s12;
	s14 =	sadd.s32 $0x30, s6  }
0x110: {  	[hbm4b:s14+s3] =	stream.linear.scatter [tilespmem:s11], [sflag:$0x7], $0x80, $0x38;
	[tilespmem:$0x1AE00] =	vst v63  }
0x111: {  	s11 =	sadd.s32 $0x12820, s12;
	s14 =	sadd.s32 $0x40, s6  }
0x112: {  	[hbm4b:s14+s3] =	stream.linear.scatter [tilespmem:s11], [sflag:$0x7], $0x80, $0x38;
	[tilespmem:$0x1AE00] =	vst v63  }
.Ltmp3:
0x113: {  	s11 =	sadd.s32 $0x128A8, s12;
	s14 =	sadd.s32 $0x50, s6;
	(pc) =	sbr.rel @p2 .LBB2_9-.Ltmp3, $4  }
0x114: {  	[hbm4b:s14+s3] =	stream.linear.scatter [tilespmem:s11], [sflag:$0x7], $0x80, $0x38;
	[tilespmem:$0x1AE00] =	vst v63  }
0x115: {  	s11 =	sadd.s32 $0x12930, s12;
	s14 =	sadd.s32 $0x60, s6;
	s12 =	sadd.s32 $0x129B8, s12  }
0x116: {  	[hbm4b:s14+s3] =	stream.linear.scatter [tilespmem:s11], [sflag:$0x7], $0x80, $0x38;
	[tilespmem:$0x1AE00] =	vst v63  }
0x117: {  	s14 =	sadd.s32 $0x70, s6;
	s6 =	sadd.s32 $0x4000, s6;
	s11 =	smov.u32 s15  }
0x118: {  	[hbm4b:s14+s3] =	stream.linear.scatter [tilespmem:s12], [sflag:$0x7], $0x80, $0x38;
	[tilespmem:$0x1AE00] =	vst v63  }
0x119: {  	s11 =	sadd.s32 $0x12600, s0  }
0x11a: {  	[hbm4b:s6+s3] =	stream.linear.scatter [tilespmem:s11], [sflag:$0x7], $0x80, $0x38;
	[tilespmem:$0x1AE00] =	vst v63  }
0x11b: {  	s14 =	sadd.s32 $0x12688, s0;
	s15 =	sadd.s32 $0x10, s6  }
0x11c: {  	[hbm4b:s15+s3] =	stream.linear.scatter [tilespmem:s14], [sflag:$0x7], $0x80, $0x38;
	[tilespmem:$0x1AE00] =	vst v63  }
0x11d: {  	s14 =	sadd.s32 $0x12710, s0;
	s15 =	sadd.s32 $0x20, s6  }
0x11e: {  	[hbm4b:s15+s3] =	stream.linear.scatter [tilespmem:s14], [sflag:$0x7], $0x80, $0x38;
	[tilespmem:$0x1AE00] =	vst v63  }
0x11f: {  	s14 =	sadd.s32 $0x12798, s0;
	s15 =	sadd.s32 $0x30, s6  }
0x120: {  	[hbm4b:s15+s3] =	stream.linear.scatter [tilespmem:s14], [sflag:$0x7], $0x80, $0x38;
	[tilespmem:$0x1AE00] =	vst v63  }
0x121: {  	s14 =	sadd.s32 $0x12820, s0;
	s15 =	sadd.s32 $0x40, s6  }
0x122: {  	[hbm4b:s15+s3] =	stream.linear.scatter [tilespmem:s14], [sflag:$0x7], $0x80, $0x38;
	[tilespmem:$0x1AE00] =	vst v63  }
0x123: {  	s14 =	sadd.s32 $0x128A8, s0;
	s15 =	sadd.s32 $0x50, s6  }
0x124: {  	[hbm4b:s15+s3] =	stream.linear.scatter [tilespmem:s14], [sflag:$0x7], $0x80, $0x38;
	[tilespmem:$0x1AE00] =	vst v63  }
0x125: {  	s14 =	sadd.s32 $0x12930, s0;
	s15 =	sadd.s32 $0x60, s6  }
0x126: {  	[hbm4b:s15+s3] =	stream.linear.scatter [tilespmem:s14], [sflag:$0x7], $0x80, $0x38;
	[tilespmem:$0x1AE00] =	vst v63  }
0x127: {  	s14 =	sadd.s32 $0x129B8, s0;
	s15 =	sadd.s32 $0x70, s6  }
0x128: {  	[hbm4b:s15+s3] =	stream.linear.scatter [tilespmem:s14], [sflag:$0x7], $0x80, $0x38;
	[tilespmem:$0x1AE00] =	vst v63  }
0x129: {  	_ =	swait.ge [sflag:s26], $0x2000  }
0x12a: {  	[sflag:s26] =	ssyncset.done $0x0  }
0x12b: {  	s0 =	simm.s32 @!p0 $0x8;
	[sflag:s26] =	ssyncadd.s32 $0xFFFFE000  }
0x12c: {  	s11 =	simm.s32 $0x3;
	_ =	swait.ge @!p0 [sflag:s0], $0x2000  }
0x12d: {  	s12 =	simm.s32 $0x0;
	v4 =	vmov s11;
	[sflag:s0] =	ssyncset.done @!p0 $0x0  }
0x12e: {  	s11 =	simm.s32 $0xA4F0;
	v5 =	vand.u32 $0x7F, v4;
	v4 =	vmov s12;
	s14 =	simm.s32 $0x1;
	[sflag:s0] =	ssyncadd.s32 @!p0 $0xFFFFE000  }
0x12f: {  	v8 =	vadd.s32 v0, v5;
	v6 =	vand.u32 $0x7C, v4;
	v4 =	vmov s14;
	v7 =	vld [tilespmem:s11+$0xFFFFFFD0]  }
0x130: {  	v10 =	vadd.s32 v0, v6;
	v11 =	vand.u32 $0x7D, v4;
	v9 =	vld [tilespmem:s11+$0xFFFFFF10]  }
0x131: {  	s15 =	simm.s32 $0x2;
	v12 =	vadd.s32 v0, v11;
	v4 =	vld [tilespmem:s11+$0xFFFFFF50]  }
0x132: {  	v13 =	vmov s15  }
0x133: {  	v13 =	vand.u32 $0x7E, v13  }
0x134: {  	v15 =	vadd.s32 v0, v13;
	v14 =	vld [tilespmem:s11+$0xFFFFFF90];
	[tilespmem:v8+s28+$0x0] =	vst.idx.msk $0xffff, v7  }
0x135: {  	v8 =	vadd.s32 v1, v5;
	[tilespmem:v10+s28+$0x0] =	vst.idx.msk $0xffff, v9;
	v7 =	vld [tilespmem:s11+$0xFFFFFFE0]  }
0x136: {  	v10 =	vadd.s32 v1, v6;
	[tilespmem:v12+s28+$0x0] =	vst.idx.msk $0xffff, v4;
	v9 =	vld [tilespmem:s11+$0xFFFFFF20]  }
0x137: {  	v12 =	vadd.s32 v1, v11;
	v4 =	vld [tilespmem:s11+$0xFFFFFF60];
	_ =	sdelay $0x1  }
0x138: {  	[tilespmem:v15+s28+$0x0] =	vst.idx.msk $0xffff, v14  }
0x139: {  	v16 =	vadd.s32 v1, v13;
	v15 =	vld [tilespmem:s11+$0xFFFFFFA0];
	[tilespmem:v8+s28+$0x0] =	vst.idx.msk $0xffff, v7  }
0x13a: {  	s6 =	simm.s32 $0x7;
	v14 =	vadd.s32 v2, v5;
	[tilespmem:v10+s28+$0x0] =	vst.idx.msk $0xffff, v9;
	v7 =	vld [tilespmem:s11+$0xFFFFFFF0]  }
0x13b: {  	v10 =	vadd.s32 v2, v6;
	v8 =	vmov s6;
	[tilespmem:v12+s28+$0x0] =	vst.idx.msk $0xffff, v4;
	v9 =	vld [tilespmem:s11+$0xFFFFFF30]  }
0x13c: {  	v17 =	vadd.s32 v2, v11;
	s6 =	simm.s32 $0xA5F0;
	v8 =	vand.u32 $0x7F, v8;
	v12 =	vld [tilespmem:s11+$0xFFFFFF70]  }
0x13d: {  	s12 =	simm.s32 $0x4;
	v18 =	vld [tilespmem:s6+$0xFFFFFFD0];
	v19 =	vadd.s32 v0, v8  }
0x13e: {  	s14 =	simm.s32 $0x5;
	v4 =	vmov s12;
	[tilespmem:v16+s28+$0x0] =	vst.idx.msk $0xffff, v15  }
0x13f: {  	v22 =	vmov s14;
	v4 =	vand.u32 $0x7C, v4;
	[tilespmem:v14+s28+$0x0] =	vst.idx.msk $0xffff, v7  }
0x140: {  	s15 =	simm.s32 $0x6;
	v20 =	vld [tilespmem:s6+$0xFFFFFF10];
	v21 =	vadd.s32 v0, v4;
	v7 =	vand.u32 $0x7D, v22;
	[tilespmem:v10+s28+$0x0] =	vst.idx.msk $0xffff, v9  }
0x141: {  	v14 =	vmov s15;
	v9 =	vld [tilespmem:s6+$0xFFFFFF50];
	[tilespmem:v17+s28+$0x0] =	vst.idx.msk $0xffff, v12;
	v10 =	vadd.s32 v0, v7  }
0x142: {  	v16 =	vadd.s32 v3, v5;
	v12 =	vld [tilespmem:s11+$0xFFFFFFB0];
	v5 =	vand.u32 $0x7E, v14;
	[tilespmem:v19+s28+$0x0] =	vst.idx.msk $0xffff, v18;
	v18 =	vadd.s32 v2, v13  }
0x143: {  	v14 =	vld [tilespmem:s6+$0xFFFFFF90];
	v63 =	vadd.s32 v0, v5  }
0x144: {  	v15 =	vld [tilespmem:s11+$0x0]  }
0x145: {  	[tilespmem:v21+s28+$0x0] =	vst.idx.msk $0xffff, v20;
	v20 =	vadd.s32 v1, v8;
	v19 =	vld [tilespmem:s6+$0xFFFFFFE0]  }
0x146: {  	v23 =	vadd.s32 v1, v4;
	v21 =	vld [tilespmem:s6+$0xFFFFFF20];
	[tilespmem:v10+s28+$0x0] =	vst.idx.msk $0xffff, v9  }
0x147: {  	v25 =	vadd.s32 v3, v11;
	v24 =	vld [tilespmem:s11+$0xFFFFFF80];
	[tilespmem:v18+s28+$0x0] =	vst.idx.msk $0xffff, v12  }
0x148: {  	v18 =	vadd.s32 v1, v7;
	v17 =	vld [tilespmem:s6+$0xFFFFFF60];
	[tilespmem:v63+s28+$0x0] =	vst.idx.msk $0xffff, v14  }
0x149: {  	[tilespmem:v16+s28+$0x0] =	vst.idx.msk $0xffff, v15;
	v16 =	vadd.s32 v1, v5;
	v15 =	vld [tilespmem:s6+$0xFFFFFFA0]  }
0x14a: {  	[tilespmem:v20+s28+$0x0] =	vst.idx.msk $0xffff, v19;
	v11 =	vld [tilespmem:s11+$0xFFFFFFC0];
	v14 =	vadd.s32 v3, v13  }
0x14b: {  	v12 =	vadd.s32 v2, v8;
	[tilespmem:v23+s28+$0x0] =	vst.idx.msk $0xffff, v21;
	v9 =	vld [tilespmem:s6+$0xFFFFFFF0]  }
0x14c: {  	s14 =	simm.s32 $0xB;
	s0 =	simm.s32 $0xC;
	s12 =	simm.s32 $0x8;
	[tilespmem:v25+s28+$0x0] =	vst.idx.msk $0xffff, v24;
	v13 =	vadd.s32 v2, v4;
	v10 =	vld [tilespmem:s6+$0xFFFFFF30]  }
.LBB2_11:
0x14d: {  	p2 =	slt.u32 s0, $0x7C;
	v19 =	vmov s14;
	[tilespmem:v18+s28+$0x0] =	vst.idx.msk $0xffff, v17;
	v17 =	vld [tilespmem:s11+$0xFFFFFF40];
	v18 =	vadd.s32 v3, v6;
	v6 =	vmov v4;
	s11 =	smov.u32 s6  }
0x14e: {  	v4 =	vmov s12;
	v21 =	vadd.s32 v2, v7;
	s6 =	sadd.s32 $0x100, s6;
	v19 =	vand.u32 $0x7F, v19;
	v20 =	vld [tilespmem:s11+$0xFFFFFF70];
	[tilespmem:v16+s28+$0x0] =	vst.idx.msk $0xffff, v15  }
0x14f: {  	s14 =	sadd.s32 $0x1, s12;
	v4 =	vand.u32 $0x7C, v4;
	v15 =	vld [tilespmem:s6+$0xFFFFFFD0];
	v16 =	vadd.s32 v0, v19;
	[tilespmem:v14+s28+$0x0] =	vst.idx.msk $0xffff, v11  }
0x150: {  	v22 =	vmov s14;
	s14 =	sadd.s32 $0x2, s12;
	s12 =	smov.u32 s0;
	v14 =	vadd.s32 v0, v4;
	v11 =	vld [tilespmem:s6+$0xFFFFFF10];
	[tilespmem:v12+s28+$0x0] =	vst.idx.msk $0xffff, v9  }
0x151: {  	v9 =	vand.u32 $0x7D, v22;
	v12 =	vmov s14;
	[tilespmem:v13+s28+$0x0] =	vst.idx.msk $0xffff, v10;
	v10 =	vld [tilespmem:s11+$0x0];
	v13 =	vadd.s32 v3, v8;
	v8 =	vmovc v19  }
0x152: {  	v22 =	vadd.s32 v0, v9;
	v12 =	vand.u32 $0x7E, v12;
	v19 =	vld [tilespmem:s6+$0xFFFFFF50];
	[tilespmem:v18+s28+$0x0] =	vst.idx.msk $0xffff, v17  }
0x153: {  	v24 =	vadd.s32 v0, v12;
	v23 =	vld [tilespmem:s6+$0xFFFFFF90];
	[tilespmem:v21+s28+$0x0] =	vst.idx.msk $0xffff, v20  }
0x154: {  	v21 =	vadd.s32 v2, v5;
	[tilespmem:v16+s28+$0x0] =	vst.idx.msk $0xffff, v15;
	v20 =	vld [tilespmem:s11+$0xFFFFFFB0]  }
0x155: {  	[tilespmem:v14+s28+$0x0] =	vst.idx.msk $0xffff, v11;
	v11 =	vld [tilespmem:s6+$0xFFFFFFE0];
	v14 =	vadd.s32 v1, v8  }
0x156: {  	v26 =	vadd.s32 v1, v4;
	v25 =	vld [tilespmem:s6+$0xFFFFFF20];
	[tilespmem:v13+s28+$0x0] =	vst.idx.msk $0xffff, v10  }
0x157: {  	[tilespmem:v22+s28+$0x0] =	vst.idx.msk $0xffff, v19;
	v19 =	vld [tilespmem:s11+$0xFFFFFF80];
	v22 =	vadd.s32 v3, v7;
	v7 =	vmov v9  }
.Ltmp4:
0x158: {  	v17 =	vld [tilespmem:s6+$0xFFFFFF60];
	v18 =	vadd.s32 v1, v7;
	[tilespmem:v24+s28+$0x0] =	vst.idx.msk $0xffff, v23;
	(pc) =	sbr.rel @p2 .LBB2_11-.Ltmp4, $4  }
0x159: {  	v16 =	vadd.s32 v1, v12;
	v15 =	vld [tilespmem:s6+$0xFFFFFFA0];
	[tilespmem:v21+s28+$0x0] =	vst.idx.msk $0xffff, v20  }
0x15a: {  	[tilespmem:v14+s28+$0x0] =	vst.idx.msk $0xffff, v11;
	v11 =	vld [tilespmem:s11+$0xFFFFFFC0];
	v14 =	vadd.s32 v3, v5;
	v5 =	vmov v12  }
0x15b: {  	v12 =	vadd.s32 v2, v8;
	[tilespmem:v26+s28+$0x0] =	vst.idx.msk $0xffff, v25;
	v9 =	vld [tilespmem:s6+$0xFFFFFFF0]  }
0x15c: {  	s0 =	sadd.s32 $0x4, s0;
	s14 =	sadd.s32 $0x3, s12;
	v13 =	vadd.s32 v2, v4;
	v10 =	vld [tilespmem:s6+$0xFFFFFF30];
	[tilespmem:v22+s28+$0x0] =	vst.idx.msk $0xffff, v19  }
0x15d: {  	_ =	sdelay $0x2  }
0x15e: {  	v19 =	vmov s14  }
0x15f: {  	s15 =	sadd.s32 $0x1, s12;
	[tilespmem:v18+s28+$0x0] =	vst.idx.msk $0xffff, v17;
	v30 =	vld [tilespmem:s11+$0xFFFFFF40];
	v6 =	vadd.s32 v3, v6;
	s0 =	sadd.s32 $0x100, s6;
	v21 =	vmov s12;
	v31 =	vand.u32 $0x7F, v19  }
0x160: {  	v32 =	vmov s15;
	s15 =	sadd.s32 $0x2, s12;
	[tilespmem:v16+s28+$0x0] =	vst.idx.msk $0xffff, v15;
	v33 =	vld [tilespmem:s0+$0xFFFFFFD0];
	v21 =	vand.u32 $0x7C, v21;
	v34 =	vadd.s32 v0, v31  }
0x161: {  	v22 =	vld [tilespmem:s0+$0xFFFFFF10];
	v19 =	vand.u32 $0x7D, v32;
	v20 =	vmov s15;
	[tilespmem:v14+s28+$0x0] =	vst.idx.msk $0xffff, v11;
	v39 =	vadd.s32 v0, v21  }
0x162: {  	v35 =	vld [tilespmem:s0+$0xFFFFFF50];
	v36 =	vadd.s32 v0, v19;
	v20 =	vand.u32 $0x7E, v20;
	[tilespmem:v12+s28+$0x0] =	vst.idx.msk $0xffff, v9  }
0x163: {  	v37 =	vld [tilespmem:s0+$0xFFFFFF90];
	v38 =	vadd.s32 v0, v20;
	[tilespmem:v13+s28+$0x0] =	vst.idx.msk $0xffff, v10  }
0x164: {  	v41 =	vadd.s32 v2, v7;
	v40 =	vld [tilespmem:s6+$0xFFFFFF70];
	[tilespmem:v6+s28+$0x0] =	vst.idx.msk $0xffff, v30  }
0x165: {  	v49 =	vadd.s32 v2, v5;
	v48 =	vld [tilespmem:s6+$0xFFFFFFB0];
	[tilespmem:v34+s28+$0x0] =	vst.idx.msk $0xffff, v33  }
0x166: {  	v43 =	vadd.s32 v1, v31;
	[tilespmem:v39+s28+$0x0] =	vst.idx.msk $0xffff, v22;
	v15 =	vld [tilespmem:s0+$0xFFFFFFE0]  }
0x167: {  	v47 =	vadd.s32 v1, v21;
	[tilespmem:v36+s28+$0x0] =	vst.idx.msk $0xffff, v35;
	v46 =	vld [tilespmem:s0+$0xFFFFFF20]  }
0x168: {  	v44 =	vadd.s32 v1, v19;
	v11 =	vld [tilespmem:s0+$0xFFFFFF60];
	[tilespmem:v38+s28+$0x0] =	vst.idx.msk $0xffff, v37  }
0x169: {  	v45 =	vadd.s32 v1, v20;
	[tilespmem:v41+s28+$0x0] =	vst.idx.msk $0xffff, v40;
	v9 =	vld [tilespmem:s0+$0xFFFFFFA0]  }
0x16a: {  	v8 =	vadd.s32 v3, v8;
	v42 =	vld [tilespmem:s6+$0x0];
	[tilespmem:v49+s28+$0x0] =	vst.idx.msk $0xffff, v48  }
0x16b: {  	v5 =	vadd.s32 v3, v5;
	v13 =	vld [tilespmem:s6+$0xFFFFFFC0];
	[tilespmem:v43+s28+$0x0] =	vst.idx.msk $0xffff, v15  }
0x16c: {  	v52 =	vadd.s32 v2, v31;
	[tilespmem:v47+s28+$0x0] =	vst.idx.msk $0xffff, v46;
	v15 =	vld [tilespmem:s0+$0xFFFFFFF0]  }
0x16d: {  	v57 =	vadd.s32 v2, v21;
	[tilespmem:v44+s28+$0x0] =	vst.idx.msk $0xffff, v11;
	v56 =	vld [tilespmem:s0+$0xFFFFFF30]  }
0x16e: {  	v53 =	vadd.s32 v2, v19;
	v11 =	vld [tilespmem:s0+$0xFFFFFF70];
	[tilespmem:v45+s28+$0x0] =	vst.idx.msk $0xffff, v9  }
0x16f: {  	v55 =	vadd.s32 v2, v20;
	[tilespmem:v8+s28+$0x0] =	vst.idx.msk $0xffff, v42;
	v54 =	vld [tilespmem:s0+$0xFFFFFFB0]  }
0x170: {  	v4 =	vadd.s32 v3, v4;
	v58 =	vld [tilespmem:s6+$0xFFFFFF40];
	[tilespmem:v5+s28+$0x0] =	vst.idx.msk $0xffff, v13  }
0x171: {  	v51 =	vadd.s32 v3, v7;
	v50 =	vld [tilespmem:s6+$0xFFFFFF80];
	[tilespmem:v52+s28+$0x0] =	vst.idx.msk $0xffff, v15  }
0x172: {  	v60 =	vadd.s32 v3, v31;
	[tilespmem:v57+s28+$0x0] =	vst.idx.msk $0xffff, v56;
	v59 =	vld [tilespmem:s0+$0x0]  }
0x173: {  	v63 =	vadd.s32 v3, v21;
	[tilespmem:v53+s28+$0x0] =	vst.idx.msk $0xffff, v11;
	v5 =	vld [tilespmem:s0+$0xFFFFFF40]  }
0x174: {  	v61 =	vadd.s32 v3, v19;
	v11 =	vld [tilespmem:s0+$0xFFFFFF80];
	[tilespmem:v55+s28+$0x0] =	vst.idx.msk $0xffff, v54  }
0x175: {  	v62 =	vadd.s32 v3, v20;
	[tilespmem:v4+s28+$0x0] =	vst.idx.msk $0xffff, v58;
	v6 =	vld [tilespmem:s0+$0xFFFFFFC0]  }
0x176: {  	[tilespmem:v51+s28+$0x0] =	vst.idx.msk $0xffff, v50  }
0x177: {  	[tilespmem:v60+s28+$0x0] =	vst.idx.msk $0xffff, v59  }
0x178: {  	[tilespmem:v63+s28+$0x0] =	vst.idx.msk $0xffff, v5  }
0x179: {  	s11 =	simm.s32 @!p1 $0xA400;
	s12 =	sadd.s32 s20, s8;
	[tilespmem:v61+s28+$0x0] =	vst.idx.msk $0xffff, v11  }
0x17a: {  	s14 =	sshll.u32 s12, $0x7;
	s6 =	simm.s32 @!p1 $0x80;
	s0 =	sadd.s32 @!p1 $0x380, s21;
	[tilespmem:v62+s28+$0x0] =	vst.idx.msk $0xffff, v6  }
0x17b: {  	[tilespmem:s11], [sflag:$0x3] =	stream.indirect.gather @!p1 [hbm4b:s5+s6], $0x40, s0, s6, $0xb8;
	[tilespmem:$0x1AE00] =	vst v63  }
0x17c: {  	s0 =	sshll.u32 s12, $0xA;
	s6 =	sand.u32 $0x3F80, s14  }
0x17d: {  	s0 =	sand.u32 $0xFFE0000, s0;
	s6 =	sadd.s32 s2, s6  }
0x17e: {  	s15 =	simm.s32 $0x14800;
	s6 =	sadd.s32 s0, s6  }
0x17f: {  	[hbm4b:s6+s3] =	stream.linear.scatter [tilespmem:s15], [sflag:$0x8], $0x80, $0x38;
	[tilespmem:$0x1AE00] =	vst v63  }
0x180: {  	s11 =	simm.s32 $0x14888;
	s12 =	sadd.s32 $0x10, s6  }
0x181: {  	[hbm4b:s12+s3] =	stream.linear.scatter [tilespmem:s11], [sflag:$0x8], $0x80, $0x38;
	[tilespmem:$0x1AE00] =	vst v63  }
0x182: {  	s14 =	simm.s32 $0x14910;
	s15 =	sadd.s32 $0x20, s6  }
0x183: {  	[hbm4b:s15+s3] =	stream.linear.scatter [tilespmem:s14], [sflag:$0x8], $0x80, $0x38;
	[tilespmem:$0x1AE00] =	vst v63  }
0x184: {  	s11 =	simm.s32 $0x14998;
	s12 =	sadd.s32 $0x30, s6  }
0x185: {  	[hbm4b:s12+s3] =	stream.linear.scatter [tilespmem:s11], [sflag:$0x8], $0x80, $0x38;
	[tilespmem:$0x1AE00] =	vst v63  }
0x186: {  	s14 =	simm.s32 $0x14A20;
	s15 =	sadd.s32 $0x40, s6  }
0x187: {  	[hbm4b:s15+s3] =	stream.linear.scatter [tilespmem:s14], [sflag:$0x8], $0x80, $0x38;
	[tilespmem:$0x1AE00] =	vst v63  }
0x188: {  	s0 =	simm.s32 $0x440;
	s11 =	simm.s32 $0x14AA8;
	s12 =	sadd.s32 $0x50, s6  }
0x189: {  	[hbm4b:s12+s3] =	stream.linear.scatter [tilespmem:s11], [sflag:$0x8], $0x80, $0x38;
	[tilespmem:$0x1AE00] =	vst v63  }
0x18a: {  	s14 =	simm.s32 $0x14B30;
	s15 =	sadd.s32 $0x60, s6;
	s11 =	simm.s32 $0x2200  }
0x18b: {  	[hbm4b:s15+s3] =	stream.linear.scatter [tilespmem:s14], [sflag:$0x8], $0x80, $0x38;
	[tilespmem:$0x1AE00] =	vst v63  }
0x18c: {  	s12 =	simm.s32 $0x14BB8;
	s14 =	sadd.s32 $0x70, s6;
	s6 =	sadd.s32 $0x4000, s6  }
.LBB2_13:
0x18d: {  	[hbm4b:s14+s3] =	stream.linear.scatter [tilespmem:s12], [sflag:$0x8], $0x80, $0x38;
	[tilespmem:$0x1AE00] =	vst v63  }
0x18e: {  	s12 =	smov.u32 s0;
	s0 =	smov.u32 s11  }
0x18f: {  	s15 =	sadd.s32 $0x1100, s11;
	s0 =	sshra.s32 s0, $0x2;
	s14 =	sadd.s32 $0x14800, s12  }
0x190: {  	[hbm4b:s6+s3] =	stream.linear.scatter [tilespmem:s14], [sflag:$0x8], $0x80, $0x38;
	[tilespmem:$0x1AE00] =	vst v63  }
0x191: {  	p2 =	sne.s32 s11, $0x7700;
	s11 =	sadd.s32 $0x14888, s12;
	s14 =	sadd.s32 $0x10, s6  }
0x192: {  	[hbm4b:s14+s3] =	stream.linear.scatter [tilespmem:s11], [sflag:$0x8], $0x80, $0x38;
	[tilespmem:$0x1AE00] =	vst v63  }
0x193: {  	s11 =	sadd.s32 $0x14910, s12;
	s14 =	sadd.s32 $0x20, s6  }
0x194: {  	[hbm4b:s14+s3] =	stream.linear.scatter [tilespmem:s11], [sflag:$0x8], $0x80, $0x38;
	[tilespmem:$0x1AE00] =	vst v63  }
0x195: {  	s11 =	sadd.s32 $0x14998, s12;
	s14 =	sadd.s32 $0x30, s6  }
0x196: {  	[hbm4b:s14+s3] =	stream.linear.scatter [tilespmem:s11], [sflag:$0x8], $0x80, $0x38;
	[tilespmem:$0x1AE00] =	vst v63  }
0x197: {  	s11 =	sadd.s32 $0x14A20, s12;
	s14 =	sadd.s32 $0x40, s6  }
0x198: {  	[hbm4b:s14+s3] =	stream.linear.scatter [tilespmem:s11], [sflag:$0x8], $0x80, $0x38;
	[tilespmem:$0x1AE00] =	vst v63  }
.Ltmp5:
0x199: {  	s11 =	sadd.s32 $0x14AA8, s12;
	s14 =	sadd.s32 $0x50, s6;
	(pc) =	sbr.rel @p2 .LBB2_13-.Ltmp5, $4  }
0x19a: {  	[hbm4b:s14+s3] =	stream.linear.scatter [tilespmem:s11], [sflag:$0x8], $0x80, $0x38;
	[tilespmem:$0x1AE00] =	vst v63  }
0x19b: {  	s11 =	sadd.s32 $0x14B30, s12;
	s14 =	sadd.s32 $0x60, s6;
	s12 =	sadd.s32 $0x14BB8, s12  }
0x19c: {  	[hbm4b:s14+s3] =	stream.linear.scatter [tilespmem:s11], [sflag:$0x8], $0x80, $0x38;
	[tilespmem:$0x1AE00] =	vst v63  }
0x19d: {  	s14 =	sadd.s32 $0x70, s6;
	s6 =	sadd.s32 $0x4000, s6;
	s11 =	smov.u32 s15  }
0x19e: {  	[hbm4b:s14+s3] =	stream.linear.scatter [tilespmem:s12], [sflag:$0x8], $0x80, $0x38;
	[tilespmem:$0x1AE00] =	vst v63  }
0x19f: {  	s11 =	sadd.s32 $0x14800, s0  }
0x1a0: {  	[hbm4b:s6+s3] =	stream.linear.scatter [tilespmem:s11], [sflag:$0x8], $0x80, $0x38;
	[tilespmem:$0x1AE00] =	vst v63  }
0x1a1: {  	s14 =	sadd.s32 $0x14888, s0;
	s15 =	sadd.s32 $0x10, s6  }
0x1a2: {  	[hbm4b:s15+s3] =	stream.linear.scatter [tilespmem:s14], [sflag:$0x8], $0x80, $0x38;
	[tilespmem:$0x1AE00] =	vst v63  }
0x1a3: {  	s14 =	sadd.s32 $0x14910, s0;
	s15 =	sadd.s32 $0x20, s6  }
0x1a4: {  	[hbm4b:s15+s3] =	stream.linear.scatter [tilespmem:s14], [sflag:$0x8], $0x80, $0x38;
	[tilespmem:$0x1AE00] =	vst v63  }
0x1a5: {  	s14 =	sadd.s32 $0x14998, s0;
	s15 =	sadd.s32 $0x30, s6  }
0x1a6: {  	[hbm4b:s15+s3] =	stream.linear.scatter [tilespmem:s14], [sflag:$0x8], $0x80, $0x38;
	[tilespmem:$0x1AE00] =	vst v63  }
0x1a7: {  	s14 =	sadd.s32 $0x14A20, s0;
	s15 =	sadd.s32 $0x40, s6  }
0x1a8: {  	[hbm4b:s15+s3] =	stream.linear.scatter [tilespmem:s14], [sflag:$0x8], $0x80, $0x38;
	[tilespmem:$0x1AE00] =	vst v63  }
0x1a9: {  	s14 =	sadd.s32 $0x14AA8, s0;
	s15 =	sadd.s32 $0x50, s6  }
0x1aa: {  	[hbm4b:s15+s3] =	stream.linear.scatter [tilespmem:s14], [sflag:$0x8], $0x80, $0x38;
	[tilespmem:$0x1AE00] =	vst v63  }
0x1ab: {  	s14 =	sadd.s32 $0x14B30, s0;
	s15 =	sadd.s32 $0x60, s6  }
0x1ac: {  	[hbm4b:s15+s3] =	stream.linear.scatter [tilespmem:s14], [sflag:$0x8], $0x80, $0x38;
	[tilespmem:$0x1AE00] =	vst v63  }
0x1ad: {  	s14 =	sadd.s32 $0x14BB8, s0;
	s15 =	sadd.s32 $0x70, s6  }
0x1ae: {  	[hbm4b:s15+s3] =	stream.linear.scatter [tilespmem:s14], [sflag:$0x8], $0x80, $0x38;
	[tilespmem:$0x1AE00] =	vst v63  }
0x1af: {  	_ =	swait.ge [sflag:s29], $0x2000  }
0x1b0: {  	[sflag:s29] =	ssyncset.done $0x0  }
0x1b1: {  	s0 =	simm.s32 @!p0 $0x9;
	[sflag:s29] =	ssyncadd.s32 $0xFFFFE000  }
0x1b2: {  	s11 =	simm.s32 $0x3;
	_ =	swait.ge @!p0 [sflag:s0], $0x2000  }
0x1b3: {  	s12 =	simm.s32 $0x0;
	v4 =	vmov s11;
	[sflag:s0] =	ssyncset.done @!p0 $0x0  }
0x1b4: {  	s11 =	simm.s32 $0xC4F0;
	v5 =	vand.u32 $0x7F, v4;
	v4 =	vmov s12;
	s14 =	simm.s32 $0x1;
	[sflag:s0] =	ssyncadd.s32 @!p0 $0xFFFFE000  }
0x1b5: {  	v8 =	vadd.s32 v0, v5;
	v6 =	vand.u32 $0x7C, v4;
	v4 =	vmov s14;
	v7 =	vld [tilespmem:s11+$0xFFFFFFD0]  }
0x1b6: {  	v10 =	vadd.s32 v0, v6;
	v11 =	vand.u32 $0x7D, v4;
	v9 =	vld [tilespmem:s11+$0xFFFFFF10]  }
0x1b7: {  	s15 =	simm.s32 $0x2;
	v12 =	vadd.s32 v0, v11;
	v4 =	vld [tilespmem:s11+$0xFFFFFF50]  }
0x1b8: {  	v13 =	vmov s15  }
0x1b9: {  	v13 =	vand.u32 $0x7E, v13  }
0x1ba: {  	v15 =	vadd.s32 v0, v13;
	v14 =	vld [tilespmem:s11+$0xFFFFFF90];
	[tilespmem:v8+s30+$0x0] =	vst.idx.msk $0xffff, v7  }
0x1bb: {  	v8 =	vadd.s32 v1, v5;
	[tilespmem:v10+s30+$0x0] =	vst.idx.msk $0xffff, v9;
	v7 =	vld [tilespmem:s11+$0xFFFFFFE0]  }
0x1bc: {  	v10 =	vadd.s32 v1, v6;
	[tilespmem:v12+s30+$0x0] =	vst.idx.msk $0xffff, v4;
	v9 =	vld [tilespmem:s11+$0xFFFFFF20]  }
0x1bd: {  	v12 =	vadd.s32 v1, v11;
	v4 =	vld [tilespmem:s11+$0xFFFFFF60];
	_ =	sdelay $0x1  }
0x1be: {  	[tilespmem:v15+s30+$0x0] =	vst.idx.msk $0xffff, v14  }
0x1bf: {  	v16 =	vadd.s32 v1, v13;
	v15 =	vld [tilespmem:s11+$0xFFFFFFA0];
	[tilespmem:v8+s30+$0x0] =	vst.idx.msk $0xffff, v7  }
0x1c0: {  	s6 =	simm.s32 $0x7;
	v14 =	vadd.s32 v2, v5;
	[tilespmem:v10+s30+$0x0] =	vst.idx.msk $0xffff, v9;
	v7 =	vld [tilespmem:s11+$0xFFFFFFF0]  }
0x1c1: {  	v10 =	vadd.s32 v2, v6;
	v8 =	vmov s6;
	[tilespmem:v12+s30+$0x0] =	vst.idx.msk $0xffff, v4;
	v9 =	vld [tilespmem:s11+$0xFFFFFF30]  }
0x1c2: {  	v17 =	vadd.s32 v2, v11;
	s6 =	simm.s32 $0xC5F0;
	v8 =	vand.u32 $0x7F, v8;
	v12 =	vld [tilespmem:s11+$0xFFFFFF70]  }
0x1c3: {  	s12 =	simm.s32 $0x4;
	v18 =	vld [tilespmem:s6+$0xFFFFFFD0];
	v19 =	vadd.s32 v0, v8  }
0x1c4: {  	s14 =	simm.s32 $0x5;
	v4 =	vmov s12;
	[tilespmem:v16+s30+$0x0] =	vst.idx.msk $0xffff, v15  }
0x1c5: {  	v22 =	vmov s14;
	v4 =	vand.u32 $0x7C, v4;
	[tilespmem:v14+s30+$0x0] =	vst.idx.msk $0xffff, v7  }
0x1c6: {  	s15 =	simm.s32 $0x6;
	v20 =	vld [tilespmem:s6+$0xFFFFFF10];
	v21 =	vadd.s32 v0, v4;
	v7 =	vand.u32 $0x7D, v22;
	[tilespmem:v10+s30+$0x0] =	vst.idx.msk $0xffff, v9  }
0x1c7: {  	v14 =	vmov s15;
	v9 =	vld [tilespmem:s6+$0xFFFFFF50];
	[tilespmem:v17+s30+$0x0] =	vst.idx.msk $0xffff, v12;
	v10 =	vadd.s32 v0, v7  }
0x1c8: {  	v16 =	vadd.s32 v3, v5;
	v12 =	vld [tilespmem:s11+$0xFFFFFFB0];
	v5 =	vand.u32 $0x7E, v14;
	[tilespmem:v19+s30+$0x0] =	vst.idx.msk $0xffff, v18;
	v18 =	vadd.s32 v2, v13  }
0x1c9: {  	v14 =	vld [tilespmem:s6+$0xFFFFFF90];
	v63 =	vadd.s32 v0, v5  }
0x1ca: {  	v15 =	vld [tilespmem:s11+$0x0]  }
0x1cb: {  	[tilespmem:v21+s30+$0x0] =	vst.idx.msk $0xffff, v20;
	v20 =	vadd.s32 v1, v8;
	v19 =	vld [tilespmem:s6+$0xFFFFFFE0]  }
0x1cc: {  	v23 =	vadd.s32 v1, v4;
	v21 =	vld [tilespmem:s6+$0xFFFFFF20];
	[tilespmem:v10+s30+$0x0] =	vst.idx.msk $0xffff, v9  }
0x1cd: {  	v25 =	vadd.s32 v3, v11;
	v24 =	vld [tilespmem:s11+$0xFFFFFF80];
	[tilespmem:v18+s30+$0x0] =	vst.idx.msk $0xffff, v12  }
0x1ce: {  	v18 =	vadd.s32 v1, v7;
	v17 =	vld [tilespmem:s6+$0xFFFFFF60];
	[tilespmem:v63+s30+$0x0] =	vst.idx.msk $0xffff, v14  }
0x1cf: {  	[tilespmem:v16+s30+$0x0] =	vst.idx.msk $0xffff, v15;
	v16 =	vadd.s32 v1, v5;
	v15 =	vld [tilespmem:s6+$0xFFFFFFA0]  }
0x1d0: {  	[tilespmem:v20+s30+$0x0] =	vst.idx.msk $0xffff, v19;
	v11 =	vld [tilespmem:s11+$0xFFFFFFC0];
	v14 =	vadd.s32 v3, v13  }
0x1d1: {  	v12 =	vadd.s32 v2, v8;
	[tilespmem:v23+s30+$0x0] =	vst.idx.msk $0xffff, v21;
	v9 =	vld [tilespmem:s6+$0xFFFFFFF0]  }
0x1d2: {  	s14 =	simm.s32 $0xB;
	s0 =	simm.s32 $0xC;
	s12 =	simm.s32 $0x8;
	[tilespmem:v25+s30+$0x0] =	vst.idx.msk $0xffff, v24;
	v13 =	vadd.s32 v2, v4;
	v10 =	vld [tilespmem:s6+$0xFFFFFF30]  }
.LBB2_15:
0x1d3: {  	p2 =	slt.u32 s0, $0x7C;
	v19 =	vmov s14;
	[tilespmem:v18+s30+$0x0] =	vst.idx.msk $0xffff, v17;
	v17 =	vld [tilespmem:s11+$0xFFFFFF40];
	v18 =	vadd.s32 v3, v6;
	v6 =	vmov v4;
	s11 =	smov.u32 s6  }
0x1d4: {  	v4 =	vmov s12;
	v21 =	vadd.s32 v2, v7;
	s6 =	sadd.s32 $0x100, s6;
	v19 =	vand.u32 $0x7F, v19;
	v20 =	vld [tilespmem:s11+$0xFFFFFF70];
	[tilespmem:v16+s30+$0x0] =	vst.idx.msk $0xffff, v15  }
0x1d5: {  	s14 =	sadd.s32 $0x1, s12;
	v4 =	vand.u32 $0x7C, v4;
	v15 =	vld [tilespmem:s6+$0xFFFFFFD0];
	v16 =	vadd.s32 v0, v19;
	[tilespmem:v14+s30+$0x0] =	vst.idx.msk $0xffff, v11  }
0x1d6: {  	v22 =	vmov s14;
	s14 =	sadd.s32 $0x2, s12;
	s12 =	smov.u32 s0;
	v14 =	vadd.s32 v0, v4;
	v11 =	vld [tilespmem:s6+$0xFFFFFF10];
	[tilespmem:v12+s30+$0x0] =	vst.idx.msk $0xffff, v9  }
0x1d7: {  	v9 =	vand.u32 $0x7D, v22;
	v12 =	vmov s14;
	[tilespmem:v13+s30+$0x0] =	vst.idx.msk $0xffff, v10;
	v10 =	vld [tilespmem:s11+$0x0];
	v13 =	vadd.s32 v3, v8;
	v8 =	vmovc v19  }
0x1d8: {  	v22 =	vadd.s32 v0, v9;
	v12 =	vand.u32 $0x7E, v12;
	v19 =	vld [tilespmem:s6+$0xFFFFFF50];
	[tilespmem:v18+s30+$0x0] =	vst.idx.msk $0xffff, v17  }
0x1d9: {  	v24 =	vadd.s32 v0, v12;
	v23 =	vld [tilespmem:s6+$0xFFFFFF90];
	[tilespmem:v21+s30+$0x0] =	vst.idx.msk $0xffff, v20  }
0x1da: {  	v21 =	vadd.s32 v2, v5;
	[tilespmem:v16+s30+$0x0] =	vst.idx.msk $0xffff, v15;
	v20 =	vld [tilespmem:s11+$0xFFFFFFB0]  }
0x1db: {  	[tilespmem:v14+s30+$0x0] =	vst.idx.msk $0xffff, v11;
	v11 =	vld [tilespmem:s6+$0xFFFFFFE0];
	v14 =	vadd.s32 v1, v8  }
0x1dc: {  	v26 =	vadd.s32 v1, v4;
	v25 =	vld [tilespmem:s6+$0xFFFFFF20];
	[tilespmem:v13+s30+$0x0] =	vst.idx.msk $0xffff, v10  }
0x1dd: {  	[tilespmem:v22+s30+$0x0] =	vst.idx.msk $0xffff, v19;
	v19 =	vld [tilespmem:s11+$0xFFFFFF80];
	v22 =	vadd.s32 v3, v7;
	v7 =	vmov v9  }
.Ltmp6:
0x1de: {  	v17 =	vld [tilespmem:s6+$0xFFFFFF60];
	v18 =	vadd.s32 v1, v7;
	[tilespmem:v24+s30+$0x0] =	vst.idx.msk $0xffff, v23;
	(pc) =	sbr.rel @p2 .LBB2_15-.Ltmp6, $4  }
0x1df: {  	v16 =	vadd.s32 v1, v12;
	v15 =	vld [tilespmem:s6+$0xFFFFFFA0];
	[tilespmem:v21+s30+$0x0] =	vst.idx.msk $0xffff, v20  }
0x1e0: {  	[tilespmem:v14+s30+$0x0] =	vst.idx.msk $0xffff, v11;
	v11 =	vld [tilespmem:s11+$0xFFFFFFC0];
	v14 =	vadd.s32 v3, v5;
	v5 =	vmov v12  }
0x1e1: {  	v12 =	vadd.s32 v2, v8;
	[tilespmem:v26+s30+$0x0] =	vst.idx.msk $0xffff, v25;
	v9 =	vld [tilespmem:s6+$0xFFFFFFF0]  }
0x1e2: {  	s0 =	sadd.s32 $0x4, s0;
	s14 =	sadd.s32 $0x3, s12;
	v13 =	vadd.s32 v2, v4;
	v10 =	vld [tilespmem:s6+$0xFFFFFF30];
	[tilespmem:v22+s30+$0x0] =	vst.idx.msk $0xffff, v19  }
0x1e3: {  	_ =	sdelay $0x2  }
0x1e4: {  	v19 =	vmov s14  }
0x1e5: {  	s15 =	sadd.s32 $0x1, s12;
	[tilespmem:v18+s30+$0x0] =	vst.idx.msk $0xffff, v17;
	v30 =	vld [tilespmem:s11+$0xFFFFFF40];
	v6 =	vadd.s32 v3, v6;
	s0 =	sadd.s32 $0x100, s6;
	v21 =	vmov s12;
	v31 =	vand.u32 $0x7F, v19  }
0x1e6: {  	v32 =	vmov s15;
	s15 =	sadd.s32 $0x2, s12;
	[tilespmem:v16+s30+$0x0] =	vst.idx.msk $0xffff, v15;
	v33 =	vld [tilespmem:s0+$0xFFFFFFD0];
	v21 =	vand.u32 $0x7C, v21;
	v34 =	vadd.s32 v0, v31  }
0x1e7: {  	v22 =	vld [tilespmem:s0+$0xFFFFFF10];
	v19 =	vand.u32 $0x7D, v32;
	v20 =	vmov s15;
	[tilespmem:v14+s30+$0x0] =	vst.idx.msk $0xffff, v11;
	v39 =	vadd.s32 v0, v21  }
0x1e8: {  	v35 =	vld [tilespmem:s0+$0xFFFFFF50];
	v36 =	vadd.s32 v0, v19;
	v20 =	vand.u32 $0x7E, v20;
	[tilespmem:v12+s30+$0x0] =	vst.idx.msk $0xffff, v9  }
0x1e9: {  	v37 =	vld [tilespmem:s0+$0xFFFFFF90];
	v38 =	vadd.s32 v0, v20;
	[tilespmem:v13+s30+$0x0] =	vst.idx.msk $0xffff, v10  }
0x1ea: {  	v41 =	vadd.s32 v2, v7;
	v40 =	vld [tilespmem:s6+$0xFFFFFF70];
	[tilespmem:v6+s30+$0x0] =	vst.idx.msk $0xffff, v30  }
0x1eb: {  	v49 =	vadd.s32 v2, v5;
	v48 =	vld [tilespmem:s6+$0xFFFFFFB0];
	[tilespmem:v34+s30+$0x0] =	vst.idx.msk $0xffff, v33  }
0x1ec: {  	v43 =	vadd.s32 v1, v31;
	[tilespmem:v39+s30+$0x0] =	vst.idx.msk $0xffff, v22;
	v15 =	vld [tilespmem:s0+$0xFFFFFFE0]  }
0x1ed: {  	v47 =	vadd.s32 v1, v21;
	[tilespmem:v36+s30+$0x0] =	vst.idx.msk $0xffff, v35;
	v46 =	vld [tilespmem:s0+$0xFFFFFF20]  }
0x1ee: {  	v44 =	vadd.s32 v1, v19;
	v11 =	vld [tilespmem:s0+$0xFFFFFF60];
	[tilespmem:v38+s30+$0x0] =	vst.idx.msk $0xffff, v37  }
0x1ef: {  	v45 =	vadd.s32 v1, v20;
	[tilespmem:v41+s30+$0x0] =	vst.idx.msk $0xffff, v40;
	v9 =	vld [tilespmem:s0+$0xFFFFFFA0]  }
0x1f0: {  	v8 =	vadd.s32 v3, v8;
	v42 =	vld [tilespmem:s6+$0x0];
	[tilespmem:v49+s30+$0x0] =	vst.idx.msk $0xffff, v48  }
0x1f1: {  	v5 =	vadd.s32 v3, v5;
	v13 =	vld [tilespmem:s6+$0xFFFFFFC0];
	[tilespmem:v43+s30+$0x0] =	vst.idx.msk $0xffff, v15  }
0x1f2: {  	v52 =	vadd.s32 v2, v31;
	[tilespmem:v47+s30+$0x0] =	vst.idx.msk $0xffff, v46;
	v15 =	vld [tilespmem:s0+$0xFFFFFFF0]  }
0x1f3: {  	v57 =	vadd.s32 v2, v21;
	[tilespmem:v44+s30+$0x0] =	vst.idx.msk $0xffff, v11;
	v56 =	vld [tilespmem:s0+$0xFFFFFF30]  }
0x1f4: {  	v53 =	vadd.s32 v2, v19;
	v11 =	vld [tilespmem:s0+$0xFFFFFF70];
	[tilespmem:v45+s30+$0x0] =	vst.idx.msk $0xffff, v9  }
0x1f5: {  	v55 =	vadd.s32 v2, v20;
	[tilespmem:v8+s30+$0x0] =	vst.idx.msk $0xffff, v42;
	v54 =	vld [tilespmem:s0+$0xFFFFFFB0]  }
0x1f6: {  	v4 =	vadd.s32 v3, v4;
	v58 =	vld [tilespmem:s6+$0xFFFFFF40];
	[tilespmem:v5+s30+$0x0] =	vst.idx.msk $0xffff, v13  }
0x1f7: {  	v51 =	vadd.s32 v3, v7;
	v50 =	vld [tilespmem:s6+$0xFFFFFF80];
	[tilespmem:v52+s30+$0x0] =	vst.idx.msk $0xffff, v15  }
0x1f8: {  	v60 =	vadd.s32 v3, v31;
	[tilespmem:v57+s30+$0x0] =	vst.idx.msk $0xffff, v56;
	v59 =	vld [tilespmem:s0+$0x0]  }
0x1f9: {  	v63 =	vadd.s32 v3, v21;
	[tilespmem:v53+s30+$0x0] =	vst.idx.msk $0xffff, v11;
	v5 =	vld [tilespmem:s0+$0xFFFFFF40]  }
0x1fa: {  	v61 =	vadd.s32 v3, v19;
	v11 =	vld [tilespmem:s0+$0xFFFFFF80];
	[tilespmem:v55+s30+$0x0] =	vst.idx.msk $0xffff, v54  }
0x1fb: {  	v62 =	vadd.s32 v3, v20;
	[tilespmem:v4+s30+$0x0] =	vst.idx.msk $0xffff, v58;
	v6 =	vld [tilespmem:s0+$0xFFFFFFC0]  }
0x1fc: {  	[tilespmem:v51+s30+$0x0] =	vst.idx.msk $0xffff, v50  }
0x1fd: {  	[tilespmem:v60+s30+$0x0] =	vst.idx.msk $0xffff, v59  }
0x1fe: {  	[tilespmem:v63+s30+$0x0] =	vst.idx.msk $0xffff, v5  }
0x1ff: {  	s11 =	simm.s32 @!p1 $0xC400;
	s12 =	sadd.s32 s20, s9;
	[tilespmem:v61+s30+$0x0] =	vst.idx.msk $0xffff, v11  }
0x200: {  	s14 =	sshll.u32 s12, $0x7;
	s6 =	simm.s32 @!p1 $0x80;
	s0 =	sadd.s32 @!p1 $0x400, s21;
	[tilespmem:v62+s30+$0x0] =	vst.idx.msk $0xffff, v6  }
0x201: {  	[tilespmem:s11], [sflag:$0x4] =	stream.indirect.gather @!p1 [hbm4b:s5+s6], $0x40, s0, s6, $0xb8;
	[tilespmem:$0x1AE00] =	vst v63  }
0x202: {  	s0 =	sshll.u32 s12, $0xA;
	s6 =	sand.u32 $0x3F80, s14  }
0x203: {  	s0 =	sand.u32 $0xFFE0000, s0;
	s6 =	sadd.s32 s2, s6  }
0x204: {  	s15 =	simm.s32 $0x16A00;
	s6 =	sadd.s32 s0, s6  }
0x205: {  	[hbm4b:s6+s3] =	stream.linear.scatter [tilespmem:s15], [sflag:$0x9], $0x80, $0x38;
	[tilespmem:$0x1AE00] =	vst v63  }
0x206: {  	s11 =	simm.s32 $0x16A88;
	s12 =	sadd.s32 $0x10, s6  }
0x207: {  	[hbm4b:s12+s3] =	stream.linear.scatter [tilespmem:s11], [sflag:$0x9], $0x80, $0x38;
	[tilespmem:$0x1AE00] =	vst v63  }
0x208: {  	s14 =	simm.s32 $0x16B10;
	s15 =	sadd.s32 $0x20, s6  }
0x209: {  	[hbm4b:s15+s3] =	stream.linear.scatter [tilespmem:s14], [sflag:$0x9], $0x80, $0x38;
	[tilespmem:$0x1AE00] =	vst v63  }
0x20a: {  	s11 =	simm.s32 $0x16B98;
	s12 =	sadd.s32 $0x30, s6  }
0x20b: {  	[hbm4b:s12+s3] =	stream.linear.scatter [tilespmem:s11], [sflag:$0x9], $0x80, $0x38;
	[tilespmem:$0x1AE00] =	vst v63  }
0x20c: {  	s14 =	simm.s32 $0x16C20;
	s15 =	sadd.s32 $0x40, s6  }
0x20d: {  	[hbm4b:s15+s3] =	stream.linear.scatter [tilespmem:s14], [sflag:$0x9], $0x80, $0x38;
	[tilespmem:$0x1AE00] =	vst v63  }
0x20e: {  	s0 =	simm.s32 $0x440;
	s11 =	simm.s32 $0x16CA8;
	s12 =	sadd.s32 $0x50, s6  }
0x20f: {  	[hbm4b:s12+s3] =	stream.linear.scatter [tilespmem:s11], [sflag:$0x9], $0x80, $0x38;
	[tilespmem:$0x1AE00] =	vst v63  }
0x210: {  	s14 =	simm.s32 $0x16D30;
	s15 =	sadd.s32 $0x60, s6;
	s11 =	simm.s32 $0x2200  }
0x211: {  	[hbm4b:s15+s3] =	stream.linear.scatter [tilespmem:s14], [sflag:$0x9], $0x80, $0x38;
	[tilespmem:$0x1AE00] =	vst v63  }
0x212: {  	s12 =	simm.s32 $0x16DB8;
	s14 =	sadd.s32 $0x70, s6;
	s6 =	sadd.s32 $0x4000, s6  }
.LBB2_17:
0x213: {  	[hbm4b:s14+s3] =	stream.linear.scatter [tilespmem:s12], [sflag:$0x9], $0x80, $0x38;
	[tilespmem:$0x1AE00] =	vst v63  }
0x214: {  	s12 =	smov.u32 s0;
	s0 =	smov.u32 s11  }
0x215: {  	s15 =	sadd.s32 $0x1100, s11;
	s0 =	sshra.s32 s0, $0x2;
	s14 =	sadd.s32 $0x16A00, s12  }
0x216: {  	[hbm4b:s6+s3] =	stream.linear.scatter [tilespmem:s14], [sflag:$0x9], $0x80, $0x38;
	[tilespmem:$0x1AE00] =	vst v63  }
0x217: {  	p2 =	sne.s32 s11, $0x7700;
	s11 =	sadd.s32 $0x16A88, s12;
	s14 =	sadd.s32 $0x10, s6  }
0x218: {  	[hbm4b:s14+s3] =	stream.linear.scatter [tilespmem:s11], [sflag:$0x9], $0x80, $0x38;
	[tilespmem:$0x1AE00] =	vst v63  }
0x219: {  	s11 =	sadd.s32 $0x16B10, s12;
	s14 =	sadd.s32 $0x20, s6  }
0x21a: {  	[hbm4b:s14+s3] =	stream.linear.scatter [tilespmem:s11], [sflag:$0x9], $0x80, $0x38;
	[tilespmem:$0x1AE00] =	vst v63  }
0x21b: {  	s11 =	sadd.s32 $0x16B98, s12;
	s14 =	sadd.s32 $0x30, s6  }
0x21c: {  	[hbm4b:s14+s3] =	stream.linear.scatter [tilespmem:s11], [sflag:$0x9], $0x80, $0x38;
	[tilespmem:$0x1AE00] =	vst v63  }
0x21d: {  	s11 =	sadd.s32 $0x16C20, s12;
	s14 =	sadd.s32 $0x40, s6  }
0x21e: {  	[hbm4b:s14+s3] =	stream.linear.scatter [tilespmem:s11], [sflag:$0x9], $0x80, $0x38;
	[tilespmem:$0x1AE00] =	vst v63  }
.Ltmp7:
0x21f: {  	s11 =	sadd.s32 $0x16CA8, s12;
	s14 =	sadd.s32 $0x50, s6;
	(pc) =	sbr.rel @p2 .LBB2_17-.Ltmp7, $4  }
0x220: {  	[hbm4b:s14+s3] =	stream.linear.scatter [tilespmem:s11], [sflag:$0x9], $0x80, $0x38;
	[tilespmem:$0x1AE00] =	vst v63  }
0x221: {  	s11 =	sadd.s32 $0x16D30, s12;
	s14 =	sadd.s32 $0x60, s6;
	s12 =	sadd.s32 $0x16DB8, s12  }
0x222: {  	[hbm4b:s14+s3] =	stream.linear.scatter [tilespmem:s11], [sflag:$0x9], $0x80, $0x38;
	[tilespmem:$0x1AE00] =	vst v63  }
0x223: {  	s14 =	sadd.s32 $0x70, s6;
	s6 =	sadd.s32 $0x4000, s6;
	s11 =	smov.u32 s15  }
0x224: {  	[hbm4b:s14+s3] =	stream.linear.scatter [tilespmem:s12], [sflag:$0x9], $0x80, $0x38;
	[tilespmem:$0x1AE00] =	vst v63  }
0x225: {  	s11 =	sadd.s32 $0x16A00, s0  }
0x226: {  	[hbm4b:s6+s3] =	stream.linear.scatter [tilespmem:s11], [sflag:$0x9], $0x80, $0x38;
	[tilespmem:$0x1AE00] =	vst v63  }
0x227: {  	s14 =	sadd.s32 $0x16A88, s0;
	s15 =	sadd.s32 $0x10, s6  }
0x228: {  	[hbm4b:s15+s3] =	stream.linear.scatter [tilespmem:s14], [sflag:$0x9], $0x80, $0x38;
	[tilespmem:$0x1AE00] =	vst v63  }
0x229: {  	s14 =	sadd.s32 $0x16B10, s0;
	s15 =	sadd.s32 $0x20, s6  }
0x22a: {  	[hbm4b:s15+s3] =	stream.linear.scatter [tilespmem:s14], [sflag:$0x9], $0x80, $0x38;
	[tilespmem:$0x1AE00] =	vst v63  }
0x22b: {  	s14 =	sadd.s32 $0x16B98, s0;
	s15 =	sadd.s32 $0x30, s6  }
0x22c: {  	[hbm4b:s15+s3] =	stream.linear.scatter [tilespmem:s14], [sflag:$0x9], $0x80, $0x38;
	[tilespmem:$0x1AE00] =	vst v63  }
0x22d: {  	s14 =	sadd.s32 $0x16C20, s0;
	s15 =	sadd.s32 $0x40, s6  }
0x22e: {  	[hbm4b:s15+s3] =	stream.linear.scatter [tilespmem:s14], [sflag:$0x9], $0x80, $0x38;
	[tilespmem:$0x1AE00] =	vst v63  }
0x22f: {  	s14 =	sadd.s32 $0x16CA8, s0;
	s15 =	sadd.s32 $0x50, s6  }
0x230: {  	[hbm4b:s15+s3] =	stream.linear.scatter [tilespmem:s14], [sflag:$0x9], $0x80, $0x38;
	[tilespmem:$0x1AE00] =	vst v63  }
0x231: {  	s14 =	sadd.s32 $0x16D30, s0;
	s15 =	sadd.s32 $0x60, s6  }
0x232: {  	[hbm4b:s15+s3] =	stream.linear.scatter [tilespmem:s14], [sflag:$0x9], $0x80, $0x38;
	[tilespmem:$0x1AE00] =	vst v63  }
0x233: {  	s14 =	sadd.s32 $0x16DB8, s0;
	s15 =	sadd.s32 $0x70, s6  }
0x234: {  	[hbm4b:s15+s3] =	stream.linear.scatter [tilespmem:s14], [sflag:$0x9], $0x80, $0x38;
	[tilespmem:$0x1AE00] =	vst v63  }
0x235: {  	_ =	swait.ge [sflag:s31], $0x2000  }
0x236: {  	[sflag:s31] =	ssyncset.done $0x0  }
0x237: {  	s0 =	simm.s32 @!p0 $0xA;
	[sflag:s31] =	ssyncadd.s32 $0xFFFFE000  }
0x238: {  	s11 =	simm.s32 $0x3;
	_ =	swait.ge @!p0 [sflag:s0], $0x2000  }
0x239: {  	s12 =	simm.s32 $0x0;
	v4 =	vmov s11;
	[sflag:s0] =	ssyncset.done @!p0 $0x0  }
0x23a: {  	s11 =	simm.s32 $0xE4F0;
	v5 =	vand.u32 $0x7F, v4;
	v4 =	vmov s12;
	s14 =	simm.s32 $0x1;
	[sflag:s0] =	ssyncadd.s32 @!p0 $0xFFFFE000  }
0x23b: {  	v8 =	vadd.s32 v0, v5;
	v6 =	vand.u32 $0x7C, v4;
	v4 =	vmov s14;
	v7 =	vld [tilespmem:s11+$0xFFFFFFD0]  }
0x23c: {  	v10 =	vadd.s32 v0, v6;
	v11 =	vand.u32 $0x7D, v4;
	v9 =	vld [tilespmem:s11+$0xFFFFFF10]  }
0x23d: {  	s15 =	simm.s32 $0x2;
	v12 =	vadd.s32 v0, v11;
	v4 =	vld [tilespmem:s11+$0xFFFFFF50]  }
0x23e: {  	v13 =	vmov s15  }
0x23f: {  	v13 =	vand.u32 $0x7E, v13  }
0x240: {  	v15 =	vadd.s32 v0, v13;
	v14 =	vld [tilespmem:s11+$0xFFFFFF90];
	[tilespmem:v8+s1+$0x0] =	vst.idx.msk $0xffff, v7  }
0x241: {  	v8 =	vadd.s32 v1, v5;
	[tilespmem:v10+s1+$0x0] =	vst.idx.msk $0xffff, v9;
	v7 =	vld [tilespmem:s11+$0xFFFFFFE0]  }
0x242: {  	v10 =	vadd.s32 v1, v6;
	[tilespmem:v12+s1+$0x0] =	vst.idx.msk $0xffff, v4;
	v9 =	vld [tilespmem:s11+$0xFFFFFF20]  }
0x243: {  	v12 =	vadd.s32 v1, v11;
	v4 =	vld [tilespmem:s11+$0xFFFFFF60];
	_ =	sdelay $0x1  }
0x244: {  	[tilespmem:v15+s1+$0x0] =	vst.idx.msk $0xffff, v14  }
0x245: {  	v16 =	vadd.s32 v1, v13;
	v15 =	vld [tilespmem:s11+$0xFFFFFFA0];
	[tilespmem:v8+s1+$0x0] =	vst.idx.msk $0xffff, v7  }
0x246: {  	s6 =	simm.s32 $0x7;
	v14 =	vadd.s32 v2, v5;
	[tilespmem:v10+s1+$0x0] =	vst.idx.msk $0xffff, v9;
	v7 =	vld [tilespmem:s11+$0xFFFFFFF0]  }
0x247: {  	v10 =	vadd.s32 v2, v6;
	v8 =	vmov s6;
	[tilespmem:v12+s1+$0x0] =	vst.idx.msk $0xffff, v4;
	v9 =	vld [tilespmem:s11+$0xFFFFFF30]  }
0x248: {  	v17 =	vadd.s32 v2, v11;
	s6 =	simm.s32 $0xE5F0;
	v8 =	vand.u32 $0x7F, v8;
	v12 =	vld [tilespmem:s11+$0xFFFFFF70]  }
0x249: {  	s12 =	simm.s32 $0x4;
	v18 =	vld [tilespmem:s6+$0xFFFFFFD0];
	v19 =	vadd.s32 v0, v8  }
0x24a: {  	s14 =	simm.s32 $0x5;
	v4 =	vmov s12;
	[tilespmem:v16+s1+$0x0] =	vst.idx.msk $0xffff, v15  }
0x24b: {  	v22 =	vmov s14;
	v4 =	vand.u32 $0x7C, v4;
	[tilespmem:v14+s1+$0x0] =	vst.idx.msk $0xffff, v7  }
0x24c: {  	s15 =	simm.s32 $0x6;
	v20 =	vld [tilespmem:s6+$0xFFFFFF10];
	v21 =	vadd.s32 v0, v4;
	v7 =	vand.u32 $0x7D, v22;
	[tilespmem:v10+s1+$0x0] =	vst.idx.msk $0xffff, v9  }
0x24d: {  	v14 =	vmov s15;
	v9 =	vld [tilespmem:s6+$0xFFFFFF50];
	[tilespmem:v17+s1+$0x0] =	vst.idx.msk $0xffff, v12;
	v10 =	vadd.s32 v0, v7  }
0x24e: {  	v16 =	vadd.s32 v3, v5;
	v12 =	vld [tilespmem:s11+$0xFFFFFFB0];
	v5 =	vand.u32 $0x7E, v14;
	[tilespmem:v19+s1+$0x0] =	vst.idx.msk $0xffff, v18;
	v18 =	vadd.s32 v2, v13  }
0x24f: {  	v14 =	vld [tilespmem:s6+$0xFFFFFF90];
	v63 =	vadd.s32 v0, v5  }
0x250: {  	v15 =	vld [tilespmem:s11+$0x0]  }
0x251: {  	[tilespmem:v21+s1+$0x0] =	vst.idx.msk $0xffff, v20;
	v20 =	vadd.s32 v1, v8;
	v19 =	vld [tilespmem:s6+$0xFFFFFFE0]  }
0x252: {  	v23 =	vadd.s32 v1, v4;
	v21 =	vld [tilespmem:s6+$0xFFFFFF20];
	[tilespmem:v10+s1+$0x0] =	vst.idx.msk $0xffff, v9  }
0x253: {  	v25 =	vadd.s32 v3, v11;
	v24 =	vld [tilespmem:s11+$0xFFFFFF80];
	[tilespmem:v18+s1+$0x0] =	vst.idx.msk $0xffff, v12  }
0x254: {  	v18 =	vadd.s32 v1, v7;
	v17 =	vld [tilespmem:s6+$0xFFFFFF60];
	[tilespmem:v63+s1+$0x0] =	vst.idx.msk $0xffff, v14  }
0x255: {  	[tilespmem:v16+s1+$0x0] =	vst.idx.msk $0xffff, v15;
	v16 =	vadd.s32 v1, v5;
	v15 =	vld [tilespmem:s6+$0xFFFFFFA0]  }
0x256: {  	[tilespmem:v20+s1+$0x0] =	vst.idx.msk $0xffff, v19;
	v11 =	vld [tilespmem:s11+$0xFFFFFFC0];
	v14 =	vadd.s32 v3, v13  }
0x257: {  	v12 =	vadd.s32 v2, v8;
	[tilespmem:v23+s1+$0x0] =	vst.idx.msk $0xffff, v21;
	v9 =	vld [tilespmem:s6+$0xFFFFFFF0]  }
0x258: {  	s14 =	simm.s32 $0xB;
	s0 =	simm.s32 $0xC;
	s12 =	simm.s32 $0x8;
	[tilespmem:v25+s1+$0x0] =	vst.idx.msk $0xffff, v24;
	v13 =	vadd.s32 v2, v4;
	v10 =	vld [tilespmem:s6+$0xFFFFFF30]  }
.LBB2_19:
0x259: {  	p0 =	slt.u32 s0, $0x7C;
	v19 =	vmov s14;
	[tilespmem:v18+s1+$0x0] =	vst.idx.msk $0xffff, v17;
	v17 =	vld [tilespmem:s11+$0xFFFFFF40];
	v18 =	vadd.s32 v3, v6;
	v6 =	vmov v4;
	s11 =	smov.u32 s6  }
0x25a: {  	v4 =	vmov s12;
	v21 =	vadd.s32 v2, v7;
	s6 =	sadd.s32 $0x100, s6;
	v19 =	vand.u32 $0x7F, v19;
	v20 =	vld [tilespmem:s11+$0xFFFFFF70];
	[tilespmem:v16+s1+$0x0] =	vst.idx.msk $0xffff, v15  }
0x25b: {  	s14 =	sadd.s32 $0x1, s12;
	v4 =	vand.u32 $0x7C, v4;
	v15 =	vld [tilespmem:s6+$0xFFFFFFD0];
	v16 =	vadd.s32 v0, v19;
	[tilespmem:v14+s1+$0x0] =	vst.idx.msk $0xffff, v11  }
0x25c: {  	v22 =	vmov s14;
	s14 =	sadd.s32 $0x2, s12;
	s12 =	smov.u32 s0;
	v14 =	vadd.s32 v0, v4;
	v11 =	vld [tilespmem:s6+$0xFFFFFF10];
	[tilespmem:v12+s1+$0x0] =	vst.idx.msk $0xffff, v9  }
0x25d: {  	v9 =	vand.u32 $0x7D, v22;
	v12 =	vmov s14;
	[tilespmem:v13+s1+$0x0] =	vst.idx.msk $0xffff, v10;
	v10 =	vld [tilespmem:s11+$0x0];
	v13 =	vadd.s32 v3, v8;
	v8 =	vmovc v19  }
0x25e: {  	v22 =	vadd.s32 v0, v9;
	v12 =	vand.u32 $0x7E, v12;
	v19 =	vld [tilespmem:s6+$0xFFFFFF50];
	[tilespmem:v18+s1+$0x0] =	vst.idx.msk $0xffff, v17  }
0x25f: {  	v24 =	vadd.s32 v0, v12;
	v23 =	vld [tilespmem:s6+$0xFFFFFF90];
	[tilespmem:v21+s1+$0x0] =	vst.idx.msk $0xffff, v20  }
0x260: {  	v21 =	vadd.s32 v2, v5;
	[tilespmem:v16+s1+$0x0] =	vst.idx.msk $0xffff, v15;
	v20 =	vld [tilespmem:s11+$0xFFFFFFB0]  }
0x261: {  	[tilespmem:v14+s1+$0x0] =	vst.idx.msk $0xffff, v11;
	v11 =	vld [tilespmem:s6+$0xFFFFFFE0];
	v14 =	vadd.s32 v1, v8  }
0x262: {  	v26 =	vadd.s32 v1, v4;
	v25 =	vld [tilespmem:s6+$0xFFFFFF20];
	[tilespmem:v13+s1+$0x0] =	vst.idx.msk $0xffff, v10  }
0x263: {  	[tilespmem:v22+s1+$0x0] =	vst.idx.msk $0xffff, v19;
	v19 =	vld [tilespmem:s11+$0xFFFFFF80];
	v22 =	vadd.s32 v3, v7;
	v7 =	vmov v9  }
.Ltmp8:
0x264: {  	v17 =	vld [tilespmem:s6+$0xFFFFFF60];
	v18 =	vadd.s32 v1, v7;
	[tilespmem:v24+s1+$0x0] =	vst.idx.msk $0xffff, v23;
	(pc) =	sbr.rel @p0 .LBB2_19-.Ltmp8, $4  }
0x265: {  	v16 =	vadd.s32 v1, v12;
	v15 =	vld [tilespmem:s6+$0xFFFFFFA0];
	[tilespmem:v21+s1+$0x0] =	vst.idx.msk $0xffff, v20  }
0x266: {  	[tilespmem:v14+s1+$0x0] =	vst.idx.msk $0xffff, v11;
	v11 =	vld [tilespmem:s11+$0xFFFFFFC0];
	v14 =	vadd.s32 v3, v5;
	v5 =	vmov v12  }
0x267: {  	v12 =	vadd.s32 v2, v8;
	[tilespmem:v26+s1+$0x0] =	vst.idx.msk $0xffff, v25;
	v9 =	vld [tilespmem:s6+$0xFFFFFFF0]  }
0x268: {  	s0 =	sadd.s32 $0x4, s0;
	s14 =	sadd.s32 $0x3, s12;
	v13 =	vadd.s32 v2, v4;
	v10 =	vld [tilespmem:s6+$0xFFFFFF30];
	[tilespmem:v22+s1+$0x0] =	vst.idx.msk $0xffff, v19  }
0x269: {  	_ =	sdelay $0x2  }
0x26a: {  	v19 =	vmov s14  }
0x26b: {  	s15 =	sadd.s32 $0x1, s12;
	[tilespmem:v18+s1+$0x0] =	vst.idx.msk $0xffff, v17;
	v30 =	vld [tilespmem:s11+$0xFFFFFF40];
	v6 =	vadd.s32 v3, v6;
	s0 =	sadd.s32 $0x100, s6;
	v21 =	vmov s12;
	v31 =	vand.u32 $0x7F, v19  }
0x26c: {  	s14 =	sadd.s32 $0x2, s12;
	v32 =	vmov s15;
	[tilespmem:v16+s1+$0x0] =	vst.idx.msk $0xffff, v15;
	v33 =	vld [tilespmem:s0+$0xFFFFFFD0];
	v21 =	vand.u32 $0x7C, v21;
	v34 =	vadd.s32 v0, v31  }
0x26d: {  	v20 =	vmov s14;
	v22 =	vld [tilespmem:s0+$0xFFFFFF10];
	v19 =	vand.u32 $0x7D, v32;
	[tilespmem:v14+s1+$0x0] =	vst.idx.msk $0xffff, v11;
	v39 =	vadd.s32 v0, v21  }
0x26e: {  	v35 =	vld [tilespmem:s0+$0xFFFFFF50];
	v20 =	vand.u32 $0x7E, v20;
	v36 =	vadd.s32 v0, v19;
	[tilespmem:v12+s1+$0x0] =	vst.idx.msk $0xffff, v9  }
0x26f: {  	v37 =	vld [tilespmem:s0+$0xFFFFFF90];
	v38 =	vadd.s32 v0, v20;
	[tilespmem:v13+s1+$0x0] =	vst.idx.msk $0xffff, v10  }
0x270: {  	v41 =	vadd.s32 v2, v7;
	v40 =	vld [tilespmem:s6+$0xFFFFFF70];
	[tilespmem:v6+s1+$0x0] =	vst.idx.msk $0xffff, v30  }
0x271: {  	v49 =	vadd.s32 v2, v5;
	v48 =	vld [tilespmem:s6+$0xFFFFFFB0];
	[tilespmem:v34+s1+$0x0] =	vst.idx.msk $0xffff, v33  }
0x272: {  	v43 =	vadd.s32 v1, v31;
	[tilespmem:v39+s1+$0x0] =	vst.idx.msk $0xffff, v22;
	v15 =	vld [tilespmem:s0+$0xFFFFFFE0]  }
0x273: {  	v47 =	vadd.s32 v1, v21;
	[tilespmem:v36+s1+$0x0] =	vst.idx.msk $0xffff, v35;
	v46 =	vld [tilespmem:s0+$0xFFFFFF20]  }
0x274: {  	v44 =	vadd.s32 v1, v19;
	[tilespmem:v38+s1+$0x0] =	vst.idx.msk $0xffff, v37;
	v11 =	vld [tilespmem:s0+$0xFFFFFF60]  }
0x275: {  	v45 =	vadd.s32 v1, v20;
	[tilespmem:v41+s1+$0x0] =	vst.idx.msk $0xffff, v40;
	v9 =	vld [tilespmem:s0+$0xFFFFFFA0]  }
0x276: {  	v8 =	vadd.s32 v3, v8;
	v42 =	vld [tilespmem:s6+$0x0];
	[tilespmem:v49+s1+$0x0] =	vst.idx.msk $0xffff, v48  }
0x277: {  	v5 =	vadd.s32 v3, v5;
	v13 =	vld [tilespmem:s6+$0xFFFFFFC0];
	[tilespmem:v43+s1+$0x0] =	vst.idx.msk $0xffff, v15  }
0x278: {  	v52 =	vadd.s32 v2, v31;
	[tilespmem:v47+s1+$0x0] =	vst.idx.msk $0xffff, v46;
	v15 =	vld [tilespmem:s0+$0xFFFFFFF0]  }
0x279: {  	v57 =	vadd.s32 v2, v21;
	[tilespmem:v44+s1+$0x0] =	vst.idx.msk $0xffff, v11;
	v56 =	vld [tilespmem:s0+$0xFFFFFF30]  }
0x27a: {  	v53 =	vadd.s32 v2, v19;
	[tilespmem:v45+s1+$0x0] =	vst.idx.msk $0xffff, v9;
	v11 =	vld [tilespmem:s0+$0xFFFFFF70]  }
0x27b: {  	v55 =	vadd.s32 v2, v20;
	[tilespmem:v8+s1+$0x0] =	vst.idx.msk $0xffff, v42;
	v54 =	vld [tilespmem:s0+$0xFFFFFFB0]  }
0x27c: {  	v4 =	vadd.s32 v3, v4;
	v58 =	vld [tilespmem:s6+$0xFFFFFF40];
	[tilespmem:v5+s1+$0x0] =	vst.idx.msk $0xffff, v13  }
0x27d: {  	v51 =	vadd.s32 v3, v7;
	v50 =	vld [tilespmem:s6+$0xFFFFFF80];
	[tilespmem:v52+s1+$0x0] =	vst.idx.msk $0xffff, v15  }
0x27e: {  	v60 =	vadd.s32 v3, v31;
	[tilespmem:v57+s1+$0x0] =	vst.idx.msk $0xffff, v56;
	v59 =	vld [tilespmem:s0+$0x0]  }
0x27f: {  	v63 =	vadd.s32 v3, v21;
	[tilespmem:v53+s1+$0x0] =	vst.idx.msk $0xffff, v11;
	v5 =	vld [tilespmem:s0+$0xFFFFFF40]  }
0x280: {  	v61 =	vadd.s32 v3, v19;
	[tilespmem:v55+s1+$0x0] =	vst.idx.msk $0xffff, v54;
	v11 =	vld [tilespmem:s0+$0xFFFFFF80]  }
0x281: {  	v62 =	vadd.s32 v3, v20;
	[tilespmem:v4+s1+$0x0] =	vst.idx.msk $0xffff, v58;
	v6 =	vld [tilespmem:s0+$0xFFFFFFC0]  }
0x282: {  	[tilespmem:v51+s1+$0x0] =	vst.idx.msk $0xffff, v50  }
0x283: {  	[tilespmem:v60+s1+$0x0] =	vst.idx.msk $0xffff, v59  }
0x284: {  	[tilespmem:v63+s1+$0x0] =	vst.idx.msk $0xffff, v5  }
0x285: {  	s11 =	simm.s32 @!p1 $0xE400;
	s15 =	sadd.s32 s20, s10;
	[tilespmem:v61+s1+$0x0] =	vst.idx.msk $0xffff, v11  }
0x286: {  	s20 =	sshll.u32 s15, $0x7;
	s6 =	simm.s32 @!p1 $0x80;
	s0 =	sadd.s32 @!p1 $0x480, s21;
	[tilespmem:v62+s1+$0x0] =	vst.idx.msk $0xffff, v6  }
0x287: {  	[tilespmem:s11], [sflag:$0x5] =	stream.indirect.gather @!p1 [hbm4b:s5+s6], $0x40, s0, s6, $0xb8;
	[tilespmem:$0x1AE00] =	vst v63  }
0x288: {  	s0 =	sshll.u32 s15, $0xA;
	s6 =	sand.u32 $0x3F80, s20  }
0x289: {  	s0 =	sand.u32 $0xFFE0000, s0;
	s6 =	sadd.s32 s2, s6  }
0x28a: {  	s21 =	simm.s32 $0x18C00;
	s6 =	sadd.s32 s0, s6  }
0x28b: {  	[hbm4b:s6+s3] =	stream.linear.scatter [tilespmem:s21], [sflag:$0xA], $0x80, $0x38;
	[tilespmem:$0x1AE00] =	vst v63  }
0x28c: {  	s11 =	simm.s32 $0x18C88;
	s12 =	sadd.s32 $0x10, s6  }
0x28d: {  	[hbm4b:s12+s3] =	stream.linear.scatter [tilespmem:s11], [sflag:$0xA], $0x80, $0x38;
	[tilespmem:$0x1AE00] =	vst v63  }
0x28e: {  	s14 =	simm.s32 $0x18D10;
	s20 =	simm.s32 $0x18D98;
	s15 =	sadd.s32 $0x20, s6  }
0x28f: {  	[hbm4b:s15+s3] =	stream.linear.scatter [tilespmem:s14], [sflag:$0xA], $0x80, $0x38;
	[tilespmem:$0x1AE00] =	vst v63  }
0x290: {  	s0 =	simm.s32 $0x440;
	s21 =	sadd.s32 $0x30, s6;
	s11 =	simm.s32 $0x18E20  }
0x291: {  	[hbm4b:s21+s3] =	stream.linear.scatter [tilespmem:s20], [sflag:$0xA], $0x80, $0x38;
	[tilespmem:$0x1AE00] =	vst v63  }
0x292: {  	s12 =	sadd.s32 $0x40, s6;
	s14 =	simm.s32 $0x18EA8;
	s15 =	sadd.s32 $0x50, s6  }
0x293: {  	[hbm4b:s12+s3] =	stream.linear.scatter [tilespmem:s11], [sflag:$0xA], $0x80, $0x38;
	[tilespmem:$0x1AE00] =	vst v63  }
0x294: {  	s20 =	simm.s32 $0x18F30;
	s21 =	sadd.s32 $0x60, s6;
	s11 =	simm.s32 $0x2200  }
0x295: {  	[hbm4b:s15+s3] =	stream.linear.scatter [tilespmem:s14], [sflag:$0xA], $0x80, $0x38;
	[tilespmem:$0x1AE00] =	vst v63  }
0x296: {  	s12 =	simm.s32 $0x18FB8;
	s14 =	sadd.s32 $0x70, s6;
	s6 =	sadd.s32 $0x4000, s6  }
0x297: {  	[hbm4b:s21+s3] =	stream.linear.scatter [tilespmem:s20], [sflag:$0xA], $0x80, $0x38;
	[tilespmem:$0x1AE00] =	vst v63  }
.LBB2_21:
0x298: {  	[hbm4b:s14+s3] =	stream.linear.scatter [tilespmem:s12], [sflag:$0xA], $0x80, $0x38;
	[tilespmem:$0x1AE00] =	vst v63  }
0x299: {  	s12 =	smov.u32 s0;
	s0 =	smov.u32 s11  }
0x29a: {  	s15 =	sadd.s32 $0x1100, s11;
	s0 =	sshra.s32 s0, $0x2;
	s14 =	sadd.s32 $0x18C00, s12  }
0x29b: {  	[hbm4b:s6+s3] =	stream.linear.scatter [tilespmem:s14], [sflag:$0xA], $0x80, $0x38;
	[tilespmem:$0x1AE00] =	vst v63  }
0x29c: {  	p0 =	sne.s32 s11, $0x7700;
	s11 =	sadd.s32 $0x18C88, s12;
	s14 =	sadd.s32 $0x10, s6  }
0x29d: {  	[hbm4b:s14+s3] =	stream.linear.scatter [tilespmem:s11], [sflag:$0xA], $0x80, $0x38;
	[tilespmem:$0x1AE00] =	vst v63  }
0x29e: {  	s11 =	sadd.s32 $0x18D10, s12;
	s14 =	sadd.s32 $0x20, s6  }
0x29f: {  	[hbm4b:s14+s3] =	stream.linear.scatter [tilespmem:s11], [sflag:$0xA], $0x80, $0x38;
	[tilespmem:$0x1AE00] =	vst v63  }
0x2a0: {  	s11 =	sadd.s32 $0x18D98, s12;
	s14 =	sadd.s32 $0x30, s6  }
0x2a1: {  	[hbm4b:s14+s3] =	stream.linear.scatter [tilespmem:s11], [sflag:$0xA], $0x80, $0x38;
	[tilespmem:$0x1AE00] =	vst v63  }
0x2a2: {  	s11 =	sadd.s32 $0x18E20, s12;
	s14 =	sadd.s32 $0x40, s6  }
0x2a3: {  	[hbm4b:s14+s3] =	stream.linear.scatter [tilespmem:s11], [sflag:$0xA], $0x80, $0x38;
	[tilespmem:$0x1AE00] =	vst v63  }
.Ltmp9:
0x2a4: {  	s11 =	sadd.s32 $0x18EA8, s12;
	s14 =	sadd.s32 $0x50, s6;
	(pc) =	sbr.rel @p0 .LBB2_21-.Ltmp9, $4  }
0x2a5: {  	[hbm4b:s14+s3] =	stream.linear.scatter [tilespmem:s11], [sflag:$0xA], $0x80, $0x38;
	[tilespmem:$0x1AE00] =	vst v63  }
0x2a6: {  	s11 =	sadd.s32 $0x18F30, s12;
	s14 =	sadd.s32 $0x60, s6;
	s12 =	sadd.s32 $0x18FB8, s12  }
0x2a7: {  	[hbm4b:s14+s3] =	stream.linear.scatter [tilespmem:s11], [sflag:$0xA], $0x80, $0x38;
	[tilespmem:$0x1AE00] =	vst v63  }
0x2a8: {  	s14 =	sadd.s32 $0x70, s6;
	s6 =	sadd.s32 $0x4000, s6;
	s11 =	smov.u32 s15  }
0x2a9: {  	[hbm4b:s14+s3] =	stream.linear.scatter [tilespmem:s12], [sflag:$0xA], $0x80, $0x38;
	[tilespmem:$0x1AE00] =	vst v63  }
0x2aa: {  	s11 =	sadd.s32 $0x18C00, s0  }
0x2ab: {  	[hbm4b:s6+s3] =	stream.linear.scatter [tilespmem:s11], [sflag:$0xA], $0x80, $0x38;
	[tilespmem:$0x1AE00] =	vst v63  }
0x2ac: {  	s20 =	sadd.s32 $0x18C88, s0;
	s21 =	sadd.s32 $0x10, s6  }
0x2ad: {  	[hbm4b:s21+s3] =	stream.linear.scatter [tilespmem:s20], [sflag:$0xA], $0x80, $0x38;
	[tilespmem:$0x1AE00] =	vst v63  }
0x2ae: {  	s14 =	sadd.s32 $0x18D10, s0;
	s15 =	sadd.s32 $0x20, s6  }
0x2af: {  	[hbm4b:s15+s3] =	stream.linear.scatter [tilespmem:s14], [sflag:$0xA], $0x80, $0x38;
	[tilespmem:$0x1AE00] =	vst v63  }
0x2b0: {  	s20 =	sadd.s32 $0x18D98, s0;
	s21 =	sadd.s32 $0x30, s6  }
0x2b1: {  	[hbm4b:s21+s3] =	stream.linear.scatter [tilespmem:s20], [sflag:$0xA], $0x80, $0x38;
	[tilespmem:$0x1AE00] =	vst v63  }
0x2b2: {  	s19 =	sadd.s32 $0x1, s19;
	s14 =	sadd.s32 $0x18E20, s0;
	s15 =	sadd.s32 $0x40, s6  }
0x2b3: {  	[hbm4b:s15+s3] =	stream.linear.scatter [tilespmem:s14], [sflag:$0xA], $0x80, $0x38;
	[tilespmem:$0x1AE00] =	vst v63  }
0x2b4: {  	p0 =	sne.s32 s19, $0x28;
	s20 =	sadd.s32 $0x18EA8, s0;
	s21 =	sadd.s32 $0x50, s6  }
0x2b5: {  	[hbm4b:s21+s3] =	stream.linear.scatter [tilespmem:s20], [sflag:$0xA], $0x80, $0x38;
	[tilespmem:$0x1AE00] =	vst v63  }
.Ltmp10:
0x2b6: {  	_ = 	snop;
	(pc) =	sbr.rel @p0 .LBB2_2-.Ltmp10, $4  }
0x2b7: {  	s14 =	sadd.s32 $0x18F30, s0;
	s15 =	sadd.s32 $0x60, s6  }
0x2b8: {  	[hbm4b:s15+s3] =	stream.linear.scatter [tilespmem:s14], [sflag:$0xA], $0x80, $0x38;
	[tilespmem:$0x1AE00] =	vst v63  }
0x2b9: {  	s20 =	sadd.s32 $0x18FB8, s0;
	s21 =	sadd.s32 $0x70, s6  }
0x2ba: {  	[hbm4b:s21+s3] =	stream.linear.scatter [tilespmem:s20], [sflag:$0xA], $0x80, $0x38;
	[tilespmem:$0x1AE00] =	vst v63  }
0x2bb: {  	s0 =	simm.s32 $0x6  }
0x2bc: {  	_ =	swait.ge [sflag:s0], $0x2000  }
0x2bd: {  	[sflag:s0] =	ssyncset.done $0x0  }
0x2be: {  	s19 =	simm.s32 $0x7;
	[sflag:s0] =	ssyncadd.s32 $0xFFFFE000  }
0x2bf: {  	_ =	swait.ge [sflag:s19], $0x2000  }
0x2c0: {  	[sflag:s19] =	ssyncset.done $0x0  }
0x2c1: {  	s20 =	simm.s32 $0x8;
	[sflag:s19] =	ssyncadd.s32 $0xFFFFE000  }
0x2c2: {  	_ =	swait.ge [sflag:s20], $0x2000  }
0x2c3: {  	[sflag:s20] =	ssyncset.done $0x0  }
0x2c4: {  	[sflag:s20] =	ssyncadd.s32 $0xFFFFE000  }
0x2c5: {  	_ =	swait.ge [sflag:s16], $0x2000  }
0x2c6: {  	[sflag:s16] =	ssyncset.done $0x0  }
0x2c7: {  	[sflag:s16] =	ssyncadd.s32 $0xFFFFE000  }
0x2c8: {  	_ =	swait.ge [sflag:s17], $0x2000  }
0x2c9: {  	s18 =	sadd.s32 $0x1, s18;
	s21 =	rddreg [dreg:$0x4]  }
0x2ca: {  	p0 =	sne.s32 s18, s21  }
.Ltmp11:
0x2cb: {  	_ = 	snop;
	(pc) =	sbr.rel @p0 .LBB2_1-.Ltmp11, $3  }
0x2cc: {  	_ =	sdelay $0x1  }
0x2cd: {  	[sflag:s17] =	ssyncset.done $0x0  }
0x2ce: {  	[sflag:s17] =	ssyncadd.s32 $0xFFFFE000  }
0x2cf: {  	_ =	sfence.sel $0x180000  }
0x2d0: {  	[bflag:$0x0] =	sbarrier.arrive $0xFFFF  }
0x2d1: {  	_ =	strace $0x90000047  }
0x2d2: {  	s0 =	stileid.u32;
	[bflag:$0x2] =	sbarrier.arrive $0xFFFF  }
0x2d3: {  	p0 =	sne.s32 s0, $0x0;
	s0 =	rddreg [dreg:$0x2]  }
0x2d4: {  	s0 =	sadd.s32 @!p0 $0x100000, s0  }
0x2d5: {  	[sflag:s0] =	ssyncadd.tile.s32 @!p0 $0x1;
	_ =	shalt  }
.Lfunc_end2:
_tile_overlayer_lowered:
.L_overlay_start_2:
0x2d6: {  	(tag) =	ssettag $0x2  }
0x2d7: {  	s0 =	rddreg [dreg:$0x0];
	s2 =	stileid.u32  }
0x2d8: {  	s1 =	rddreg [dreg:$0x1];
	p0 =	sne.s32 s2, $0x0  }
0x2d9: {  	s3 =	rddreg [dreg:$0x2];
	[bflag:$0x3] =	sbarrier.arrive $0xFFFF;
	s2 =	simm.s32 @!p0 $0x1C0B  }
0x2da: {  	[timem:s3], [sflag:s2] =	dma.local @!p0 [hbm:s0], s1  }
0x2db: {  	s0 =	simm.s32 @!p0 $0xB  }
0x2dc: {  	_ =	swait.ge @!p0 [sflag:s0], s1  }
0x2dd: {  	s1 =	ssub.s32 @!p0 $0x0, s1;
	[sflag:s0] =	ssyncset.done @!p0 $0x0  }
0x2de: {  	[sflag:s0] =	ssyncadd.s32 @!p0 s1  }
0x2df: {  	[bflag:$0x3] =	sbarrier.arrive $0xFFFF  }
0x2e0: {  	_ =	shalt  }

</sc_bundles>
